<compile_context>
chip_gen: v7x
topology: tpu7x:2x2x1
jax: 0.10.2.dev20260603
libtpu: 0.0.44.dev20260713+nightly
codegen_flags: <defaults>
</compile_context>

<pallas_src>
import functools

import jax
import jax.numpy as jnp
import numpy as np
from jax import lax
from jax.experimental import pallas as pl
from jax.experimental.pallas import tpu as pltpu
from jax.experimental.pallas import tpu_sc as plsc

_RES = 512
_FEAT = 16
_MASK = _RES * _RES - 1
_PRIME1 = np.int32(np.uint32(2654435761).astype(np.int64) - (1 << 32))

_B = 1048576
_L = 16
_NC, _NS = 2, 16
_NW = _NC * _NS
_P = 512
_PW = _B // _NW
_NCHUNK = _PW // _P
_GSUB = 128

_PLANES = ((0, 1), (0, 2), (1, 2))


def _tri_embed_body(x0_hbm, x1_hbm, x2_hbm, t0_hbm, t1_hbm, t2_hbm, out_hbm,
                    x_v, w_v, i_v, r_v, out_v, sems, sem_x, sem_o):
    wid = lax.axis_index("s") * _NC + lax.axis_index("c")
    base = wid * _PW
    tables = (t0_hbm, t1_hbm, t2_hbm)

    def prefetch_x(c, ci):
        p0 = base + c * _P
        for k, xh in enumerate((x0_hbm, x1_hbm, x2_hbm)):
            pltpu.async_copy(xh.at[pl.ds(p0, _P)], x_v[ci][k], sem_x[ci])

    def hash_chunk(ci):
        for k in range(3):
            pltpu.make_async_copy(x0_hbm.at[pl.ds(0, _P)], x_v[ci][k],
                                  sem_x[ci]).wait()

        @plsc.parallel_loop(0, _P // _L, unroll=2)
        def hash_body(g):
            s = pl.ds(g * _L, _L)
            cell = []
            for k in range(3):
                f = x_v[ci][k][s] * float(_RES)
                i = f.astype(jnp.int32)
                i = jnp.minimum(jnp.maximum(i, 0), _RES - 1)
                w_v[ci][k][s] = f - i.astype(jnp.float32)
                cell.append(i)
            for p_i, (a, b) in enumerate(_PLANES):
                ia, ib = cell[a], cell[b]
                t0 = ib * _PRIME1
                t1 = t0 + _PRIME1
                i_v[ci][p_i][0][s] = (ia ^ t0) & _MASK
                i_v[ci][p_i][1][s] = (ia ^ t1) & _MASK
                ia1 = ia + 1
                i_v[ci][p_i][2][s] = (ia1 ^ t0) & _MASK
                i_v[ci][p_i][3][s] = (ia1 ^ t1) & _MASK

    def issue(ci, p_i, b):
        table = tables[p_i]
        for j in range(_P // _GSUB):
            js = pl.ds(j * _GSUB, _GSUB)
            for k in range(4):
                pltpu.async_copy(table.at[i_v[ci][p_i][k].at[js]],
                                 r_v[b][k].at[js], sems[b])

    def drain(b):
        for k in range(4):
            pltpu.make_async_copy(t0_hbm.at[pl.ds(0, _P)], r_v[b][k],
                                  sems[b]).wait()

    def interp(ci, p_i, b):
        a, bb = _PLANES[p_i]

        @plsc.parallel_loop(0, _P // _L)
        def interp_body(g):
            s = pl.ds(g * _L, _L)
            wa16 = w_v[ci][a][s]
            wb16 = w_v[ci][bb][s]
            for k in range(_L):
                p = g * _L + k
                wa = jnp.zeros((_L,), jnp.float32) + wa16[k]
                wb = jnp.zeros((_L,), jnp.float32) + wb16[k]
                e00 = r_v[b][0][p]
                e01 = r_v[b][1][p]
                e10 = r_v[b][2][p]
                e11 = r_v[b][3][p]
                lo = e00 + wa * (e10 - e00)
                hi = e01 + wa * (e11 - e01)
                out_v[p, pl.ds(p_i * _FEAT, _FEAT)] = lo + wb * (hi - lo)

    def drain_out():
        pltpu.make_async_copy(out_hbm.at[pl.ds(0, _P)], out_v, sem_o).wait()

    def unit(g, j, last=False):
        c = 2 * g + (j // 3)
        p_i = j % 3
        b = j % 2
        ci = j // 3
        if not last:
            jn = j + 1
            cn = 2 * g + (jn // 3)
            if jn % 3 == 2:
                cx = 2 * g + ((jn + 1) // 3)
                prefetch_x(jnp.minimum(cx, _NCHUNK - 1), ((jn + 1) // 3) % 2)
            if jn % 3 == 0:
                hash_chunk((jn // 3) % 2)
            issue((jn // 3) % 2, jn % 3, jn % 2)
        drain(b)
        if p_i == 0:
            drain_out()
        if p_i == 2:
            pltpu.async_copy(out_v, out_hbm.at[pl.ds(base + c * _P, _P)],
                             sem_o)

    prefetch_x(0, 0)
    hash_chunk(0)
    issue(0, 0, 0)
    pltpu.async_copy(out_v, out_hbm.at[pl.ds(base, _P)], sem_o)

    def group(g, carry):
        for j in range(6):
            unit(g, j)
        return carry

    lax.fori_loop(0, _NCHUNK // 2, group, 0)
    drain(0)
    drain_out()


@jax.jit
def kernel(x, table_xy, table_xz, table_yz):
    x0 = x[:, 0]
    x1 = x[:, 1]
    x2 = x[:, 2]
    scratch = dict(
        x_v=[[pltpu.VMEM((_P,), jnp.float32) for _ in range(3)]
             for _ in range(2)],
        w_v=[[pltpu.VMEM((_P,), jnp.float32) for _ in range(3)]
             for _ in range(2)],
        i_v=[[[pltpu.VMEM((_P,), jnp.int32) for _ in range(4)]
              for _ in range(3)] for _ in range(2)],
        r_v=[[pltpu.VMEM((_P, _FEAT), jnp.float32) for _ in range(4)]
             for _ in range(2)],
        out_v=pltpu.VMEM((_P, 3 * _FEAT), jnp.float32),
        sems=[pltpu.SemaphoreType.DMA for _ in range(2)],
        sem_x=[pltpu.SemaphoreType.DMA for _ in range(2)],
        sem_o=pltpu.SemaphoreType.DMA,
    )
    run = pl.kernel(
        _tri_embed_body,
        out_type=jax.ShapeDtypeStruct((_B, 3 * _FEAT), jnp.float32),
        mesh=plsc.VectorSubcoreMesh(core_axis_name="c", subcore_axis_name="s",
                                    num_cores=_NC, num_subcores=_NS),
        scratch_types=scratch,
        compiler_params=pltpu.CompilerParams(use_tc_tiling_on_sc=False),
    )
    return run(x0, x1, x2, table_xy, table_xz, table_yz)

# --- scband reference (transcript-rebuilt; emitter-appended) ---
"""Pipeline reference for scband-tri-embedder-85830626443281 (READ-ONLY COPY).

The authoritative reference and input builder live on the scoring server;
editing this copy changes nothing except your own understanding.
"""

import jax, jax.numpy as jnp
import numpy as np

RES = 512
FEAT = 16
TABLE_SIZE = RES * RES
BOX_MIN = np.array([0.0, 0.0, 0.0], dtype=np.float32)
BOX_MAX = np.array([1.0, 1.0, 1.0], dtype=np.float32)
PLANES = [(0, 1), (0, 2), (1, 2)]
OFFSETS = np.array([[0, 0], [0, 1], [1, 0], [1, 1]], dtype=np.int32)
PRIME0 = np.uint32(1)
PRIME1 = np.uint32(2654435761)


def _plane_embed(x2, bmin, bmax, table):
    # x2: [B,2] coords in this plane; table: [TABLE_SIZE, FEAT]
    grid = (bmax - bmin) / RES
    f = (x2 - bmin) / grid
    idx0 = jnp.clip(jnp.floor(f), 0.0, RES - 1)
    voxel_min_vertex = idx0 * grid + bmin
    voxel_max_vertex = voxel_min_vertex + grid
    corners = idx0.astype(jnp.int32)[:, None, :] + OFFSETS[None, :, :]  # [B,4,2]
    cu = corners.astype(jnp.uint32)
    h = jnp.bitwise_xor(cu[..., 0] * PRIME0, cu[..., 1] * PRIME1) % jnp.uint32(TABLE_SIZE)
    voxel_embedds = jnp.take(table, h.astype(jnp.int32), axis=0)  # [B,4,FEAT]
    # bilinear interpolation (matches TriEmbedder.bilinear_interp corner ordering)
    weights = (x2 - voxel_min_vertex) / (voxel_max_vertex - voxel_min_vertex)
    w0 = weights[:, 0][:, None]
    w1 = weights[:, 1][:, None]
    c0 = voxel_embedds[:, 0] * (1 - w0) + voxel_embedds[:, 2] * w0
    c1 = voxel_embedds[:, 1] * (1 - w0) + voxel_embedds[:, 3] * w0
    return c0 * (1 - w1) + c1 * w1


def setup_inputs(seed: int = 0):
    key = jax.random.key(seed)
    k1, k2, k3, k4 = jax.random.split(key, 4)
    x = jax.random.uniform(k1, (1048576, 3), dtype=jnp.float32)
    table_xy = jax.random.uniform(k2, (TABLE_SIZE, FEAT), dtype=jnp.float32, minval=-1e-4, maxval=1e-4)
    table_xz = jax.random.uniform(k3, (TABLE_SIZE, FEAT), dtype=jnp.float32, minval=-1e-4, maxval=1e-4)
    table_yz = jax.random.uniform(k4, (TABLE_SIZE, FEAT), dtype=jnp.float32, minval=-1e-4, maxval=1e-4)
    return {"x": x, "table_xy": table_xy, "table_xz": table_xz, "table_yz": table_yz}


def reference(x, table_xy, table_xz, table_yz):
    tables = [table_xy, table_xz, table_yz]
    outs = []
    for (a, b), table in zip(PLANES, tables):
        x2 = jnp.stack([x[:, a], x[:, b]], axis=-1)
        bmin = jnp.asarray(BOX_MIN[[a, b]])
        bmax = jnp.asarray(BOX_MAX[[a, b]])
        outs.append(_plane_embed(x2, bmin, bmax, table))
    return jnp.concatenate(outs, axis=-1)

if __name__ == "__main__":
    import jax
    _d = setup_inputs()
    print(jax.jit(kernel)(*tuple(_d.values())))

</pallas_src>

<mosaic_0001>
#map = affine_map<(d0, d1) -> (0)>
#map1 = affine_map<(d0, d1) -> (0, 0)>
module attributes {stable_mosaic.version = 14 : i64} {
  func.func @_tri_embed_body(%arg0: i32, %arg1: i32, %arg2: memref<1048576xf32, #tpu.memory_space<hbm>>, %arg3: memref<1048576xf32, #tpu.memory_space<hbm>>, %arg4: memref<1048576xf32, #tpu.memory_space<hbm>>, %arg5: memref<262144x16xf32, #tpu.memory_space<hbm>>, %arg6: memref<262144x16xf32, #tpu.memory_space<hbm>>, %arg7: memref<262144x16xf32, #tpu.memory_space<hbm>>, %arg8: memref<1048576x48xf32, #tpu.memory_space<hbm>>, %arg9: memref<512xi32, #tpu.memory_space<vmem>>, %arg10: memref<512xi32, #tpu.memory_space<vmem>>, %arg11: memref<512xi32, #tpu.memory_space<vmem>>, %arg12: memref<512xi32, #tpu.memory_space<vmem>>, %arg13: memref<512xi32, #tpu.memory_space<vmem>>, %arg14: memref<512xi32, #tpu.memory_space<vmem>>, %arg15: memref<512xi32, #tpu.memory_space<vmem>>, %arg16: memref<512xi32, #tpu.memory_space<vmem>>, %arg17: memref<512xi32, #tpu.memory_space<vmem>>, %arg18: memref<512xi32, #tpu.memory_space<vmem>>, %arg19: memref<512xi32, #tpu.memory_space<vmem>>, %arg20: memref<512xi32, #tpu.memory_space<vmem>>, %arg21: memref<512xi32, #tpu.memory_space<vmem>>, %arg22: memref<512xi32, #tpu.memory_space<vmem>>, %arg23: memref<512xi32, #tpu.memory_space<vmem>>, %arg24: memref<512xi32, #tpu.memory_space<vmem>>, %arg25: memref<512xi32, #tpu.memory_space<vmem>>, %arg26: memref<512xi32, #tpu.memory_space<vmem>>, %arg27: memref<512xi32, #tpu.memory_space<vmem>>, %arg28: memref<512xi32, #tpu.memory_space<vmem>>, %arg29: memref<512xi32, #tpu.memory_space<vmem>>, %arg30: memref<512xi32, #tpu.memory_space<vmem>>, %arg31: memref<512xi32, #tpu.memory_space<vmem>>, %arg32: memref<512xi32, #tpu.memory_space<vmem>>, %arg33: memref<512x48xf32, #tpu.memory_space<vmem>>, %arg34: memref<512x16xf32, #tpu.memory_space<vmem>>, %arg35: memref<512x16xf32, #tpu.memory_space<vmem>>, %arg36: memref<512x16xf32, #tpu.memory_space<vmem>>, %arg37: memref<512x16xf32, #tpu.memory_space<vmem>>, %arg38: memref<512x16xf32, #tpu.memory_space<vmem>>, %arg39: memref<512x16xf32, #tpu.memory_space<vmem>>, %arg40: memref<512x16xf32, #tpu.memory_space<vmem>>, %arg41: memref<512x16xf32, #tpu.memory_space<vmem>>, %arg42: memref<!tpu.dma_semaphore, #tpu.memory_space<semaphore_mem>>, %arg43: memref<!tpu.dma_semaphore, #tpu.memory_space<semaphore_mem>>, %arg44: memref<!tpu.dma_semaphore, #tpu.memory_space<semaphore_mem>>, %arg45: memref<!tpu.dma_semaphore, #tpu.memory_space<semaphore_mem>>, %arg46: memref<!tpu.dma_semaphore, #tpu.memory_space<semaphore_mem>>, %arg47: memref<512xf32, #tpu.memory_space<vmem>>, %arg48: memref<512xf32, #tpu.memory_space<vmem>>, %arg49: memref<512xf32, #tpu.memory_space<vmem>>, %arg50: memref<512xf32, #tpu.memory_space<vmem>>, %arg51: memref<512xf32, #tpu.memory_space<vmem>>, %arg52: memref<512xf32, #tpu.memory_space<vmem>>, %arg53: memref<512xf32, #tpu.memory_space<vmem>>, %arg54: memref<512xf32, #tpu.memory_space<vmem>>, %arg55: memref<512xf32, #tpu.memory_space<vmem>>, %arg56: memref<512xf32, #tpu.memory_space<vmem>>, %arg57: memref<512xf32, #tpu.memory_space<vmem>>, %arg58: memref<512xf32, #tpu.memory_space<vmem>>) attributes {dimension_semantics = [#tpu.dimension_semantics<core_parallel>, #tpu.dimension_semantics<subcore_parallel>], iteration_bounds = array<i64: 2, 16>, scalar_prefetch = 0 : i64, scratch_operands = 50 : i64, tpu.core_type = #tpu.core_type<sc_vector_subcore>, window_params = [{transform_indices = #map}, {transform_indices = #map}, {transform_indices = #map}, {transform_indices = #map1}, {transform_indices = #map1}, {transform_indices = #map1}, {transform_indices = #map1}]} {
    %mul3A = arith.constant 2 : i32
    %mul3A_0 = arith.muli %arg1, %mul3A : i32
    %add3A = arith.addi %mul3A_0, %arg0 : i32
    %mul3A_1 = arith.constant 32768 : i32
    %mul3A_2 = arith.muli %add3A, %mul3A_1 : i32
    %add3A_3 = arith.constant 0 : i32
    %add3A_4 = arith.addi %mul3A_2, %add3A_3 : i32
    %dma_start3A = tpu.memref_slice %arg2[%add3A_4] : memref<1048576xf32, #tpu.memory_space<hbm>> -> memref<512xf32, #tpu.memory_space<hbm>>
    %dma_start3A_5 = tpu.memref_slice %arg2[%add3A_4] : memref<1048576xf32, #tpu.memory_space<hbm>> -> memref<512xf32, #tpu.memory_space<hbm>>
    tpu.enqueue_dma source(%dma_start3A_5 : memref<512xf32, #tpu.memory_space<hbm>>) target(%arg53 : memref<512xf32, #tpu.memory_space<vmem>>) target_semaphore(%arg43 : memref<!tpu.dma_semaphore, #tpu.memory_space<semaphore_mem>>)
    %dma_start3A_6 = tpu.memref_slice %arg3[%add3A_4] : memref<1048576xf32, #tpu.memory_space<hbm>> -> memref<512xf32, #tpu.memory_space<hbm>>
    %dma_start3A_7 = tpu.memref_slice %arg3[%add3A_4] : memref<1048576xf32, #tpu.memory_space<hbm>> -> memref<512xf32, #tpu.memory_space<hbm>>
    tpu.enqueue_dma source(%dma_start3A_7 : memref<512xf32, #tpu.memory_space<hbm>>) target(%arg54 : memref<512xf32, #tpu.memory_space<vmem>>) target_semaphore(%arg43 : memref<!tpu.dma_semaphore, #tpu.memory_space<semaphore_mem>>)
    %dma_start3A_8 = tpu.memref_slice %arg4[%add3A_4] : memref<1048576xf32, #tpu.memory_space<hbm>> -> memref<512xf32, #tpu.memory_space<hbm>>
    %dma_start3A_9 = tpu.memref_slice %arg4[%add3A_4] : memref<1048576xf32, #tpu.memory_space<hbm>> -> memref<512xf32, #tpu.memory_space<hbm>>
    tpu.enqueue_dma source(%dma_start3A_9 : memref<512xf32, #tpu.memory_space<hbm>>) target(%arg55 : memref<512xf32, #tpu.memory_space<vmem>>) target_semaphore(%arg43 : memref<!tpu.dma_semaphore, #tpu.memory_space<semaphore_mem>>)
    %dma_wait3A = arith.constant 0 : i32
    %dma_wait3A_10 = tpu.memref_slice %arg2[%dma_wait3A] : memref<1048576xf32, #tpu.memory_space<hbm>> -> memref<512xf32, #tpu.memory_space<hbm>>
    %dma_wait3A_11 = arith.constant 0 : i32
    %dma_wait3A_12 = tpu.memref_slice %arg2[%dma_wait3A_11] : memref<1048576xf32, #tpu.memory_space<hbm>> -> memref<512xf32, #tpu.memory_space<hbm>>
    tpu.wait_dma2 semaphore(%arg43 : memref<!tpu.dma_semaphore, #tpu.memory_space<semaphore_mem>>) src(%dma_wait3A_12 : memref<512xf32, #tpu.memory_space<hbm>>) dst(%arg53 : memref<512xf32, #tpu.memory_space<vmem>>)
    %dma_wait3A_13 = arith.constant 0 : i32
    %dma_wait3A_14 = tpu.memref_slice %arg2[%dma_wait3A_13] : memref<1048576xf32, #tpu.memory_space<hbm>> -> memref<512xf32, #tpu.memory_space<hbm>>
    %dma_wait3A_15 = arith.constant 0 : i32
    %dma_wait3A_16 = tpu.memref_slice %arg2[%dma_wait3A_15] : memref<1048576xf32, #tpu.memory_space<hbm>> -> memref<512xf32, #tpu.memory_space<hbm>>
    tpu.wait_dma2 semaphore(%arg43 : memref<!tpu.dma_semaphore, #tpu.memory_space<semaphore_mem>>) src(%dma_wait3A_16 : memref<512xf32, #tpu.memory_space<hbm>>) dst(%arg54 : memref<512xf32, #tpu.memory_space<vmem>>)
    %dma_wait3A_17 = arith.constant 0 : i32
    %dma_wait3A_18 = tpu.memref_slice %arg2[%dma_wait3A_17] : memref<1048576xf32, #tpu.memory_space<hbm>> -> memref<512xf32, #tpu.memory_space<hbm>>
    %dma_wait3A_19 = arith.constant 0 : i32
    %dma_wait3A_20 = tpu.memref_slice %arg2[%dma_wait3A_19] : memref<1048576xf32, #tpu.memory_space<hbm>> -> memref<512xf32, #tpu.memory_space<hbm>>
    tpu.wait_dma2 semaphore(%arg43 : memref<!tpu.dma_semaphore, #tpu.memory_space<semaphore_mem>>) src(%dma_wait3A_20 : memref<512xf32, #tpu.memory_space<hbm>>) dst(%arg55 : memref<512xf32, #tpu.memory_space<vmem>>)
    %parallel_loop3A = arith.constant 0 : i32
    %parallel_loop3A_21 = arith.constant 32 : i32
    %parallel_loop3A_22 = arith.constant 1 : i32
    scf.for %parallel_loop3A_190 = %parallel_loop3A to %parallel_loop3A_21 step %parallel_loop3A_22  : i32 {
      %parallel_loop3A_191 = arith.constant 16 : i32
      %parallel_loop3A_192 = arith.muli %parallel_loop3A_190, %parallel_loop3A_191 : i32
      %parallel_loop3A_193 = arith.index_cast %parallel_loop3A_192 : i32 to index
      %parallel_loop3A_194 = tpu.vector_load %arg53[%parallel_loop3A_193] {strides = array<i32>} : memref<512xf32, #tpu.memory_space<vmem>>, vector<16xf32>,
      %parallel_loop3A_195 = vector.shape_cast %parallel_loop3A_194 : vector<16xf32> to vector<16xf32>
      %parallel_loop3A_196 = arith.constant 5.120000e+02 : f32
      %parallel_loop3A_197 = vector.broadcast %parallel_loop3A_196 : f32 to vector<16xf32>
      %parallel_loop3A_198 = arith.mulf %parallel_loop3A_195, %parallel_loop3A_197 : vector<16xf32>
      %parallel_loop3A_199 = arith.fptosi %parallel_loop3A_198 : vector<16xf32> to vector<16xi32>
      %parallel_loop3A_200 = arith.constant 0 : i32
      %parallel_loop3A_201 = vector.broadcast %parallel_loop3A_200 : i32 to vector<16xi32>
      %parallel_loop3A_202 = arith.maxsi %parallel_loop3A_199, %parallel_loop3A_201 : vector<16xi32>
      %parallel_loop3A_203 = arith.constant 511 : i32
      %parallel_loop3A_204 = vector.broadcast %parallel_loop3A_203 : i32 to vector<16xi32>
      %parallel_loop3A_205 = arith.minsi %parallel_loop3A_202, %parallel_loop3A_204 : vector<16xi32>
      %parallel_loop3A_206 = arith.sitofp %parallel_loop3A_205 : vector<16xi32> to vector<16xf32>
      %parallel_loop3A_207 = arith.subf %parallel_loop3A_198, %parallel_loop3A_206 : vector<16xf32>
      %parallel_loop3A_208 = arith.index_cast %parallel_loop3A_192 : i32 to index
      %parallel_loop3A_209 = tpu.vector_load %arg47[%parallel_loop3A_208] {strides = array<i32>} : memref<512xf32, #tpu.memory_space<vmem>>, vector<16xf32>,
      %parallel_loop3A_210 = vector.shape_cast %parallel_loop3A_209 : vector<16xf32> to vector<16xf32>
      %parallel_loop3A_211 = vector.shape_cast %parallel_loop3A_207 : vector<16xf32> to vector<16xf32>
      tpu.vector_store %arg47[%parallel_loop3A_208], %parallel_loop3A_211 {strides = array<i32>} : memref<512xf32, #tpu.memory_space<vmem>>, vector<16xf32>,
      %parallel_loop3A_212 = arith.index_cast %parallel_loop3A_192 : i32 to index
      %parallel_loop3A_213 = tpu.vector_load %arg54[%parallel_loop3A_212] {strides = array<i32>} : memref<512xf32, #tpu.memory_space<vmem>>, vector<16xf32>,
      %parallel_loop3A_214 = vector.shape_cast %parallel_loop3A_213 : vector<16xf32> to vector<16xf32>
      %parallel_loop3A_215 = arith.constant 5.120000e+02 : f32
      %parallel_loop3A_216 = vector.broadcast %parallel_loop3A_215 : f32 to vector<16xf32>
      %parallel_loop3A_217 = arith.mulf %parallel_loop3A_214, %parallel_loop3A_216 : vector<16xf32>
      %parallel_loop3A_218 = arith.fptosi %parallel_loop3A_217 : vector<16xf32> to vector<16xi32>
      %parallel_loop3A_219 = arith.constant 0 : i32
      %parallel_loop3A_220 = vector.broadcast %parallel_loop3A_219 : i32 to vector<16xi32>
      %parallel_loop3A_221 = arith.maxsi %parallel_loop3A_218, %parallel_loop3A_220 : vector<16xi32>
      %parallel_loop3A_222 = arith.constant 511 : i32
      %parallel_loop3A_223 = vector.broadcast %parallel_loop3A_222 : i32 to vector<16xi32>
      %parallel_loop3A_224 = arith.minsi %parallel_loop3A_221, %parallel_loop3A_223 : vector<16xi32>
      %parallel_loop3A_225 = arith.sitofp %parallel_loop3A_224 : vector<16xi32> to vector<16xf32>
      %parallel_loop3A_226 = arith.subf %parallel_loop3A_217, %parallel_loop3A_225 : vector<16xf32>
      %parallel_loop3A_227 = arith.index_cast %parallel_loop3A_192 : i32 to index
      %parallel_loop3A_228 = tpu.vector_load %arg48[%parallel_loop3A_227] {strides = array<i32>} : memref<512xf32, #tpu.memory_space<vmem>>, vector<16xf32>,
      %parallel_loop3A_229 = vector.shape_cast %parallel_loop3A_228 : vector<16xf32> to vector<16xf32>
      %parallel_loop3A_230 = vector.shape_cast %parallel_loop3A_226 : vector<16xf32> to vector<16xf32>
      tpu.vector_store %arg48[%parallel_loop3A_227], %parallel_loop3A_230 {strides = array<i32>} : memref<512xf32, #tpu.memory_space<vmem>>, vector<16xf32>,
      %parallel_loop3A_231 = arith.index_cast %parallel_loop3A_192 : i32 to index
      %parallel_loop3A_232 = tpu.vector_load %arg55[%parallel_loop3A_231] {strides = array<i32>} : memref<512xf32, #tpu.memory_space<vmem>>, vector<16xf32>,
      %parallel_loop3A_233 = vector.shape_cast %parallel_loop3A_232 : vector<16xf32> to vector<16xf32>
      %parallel_loop3A_234 = arith.constant 5.120000e+02 : f32
      %parallel_loop3A_235 = vector.broadcast %parallel_loop3A_234 : f32 to vector<16xf32>
      %parallel_loop3A_236 = arith.mulf %parallel_loop3A_233, %parallel_loop3A_235 : vector<16xf32>
      %parallel_loop3A_237 = arith.fptosi %parallel_loop3A_236 : vector<16xf32> to vector<16xi32>
      %parallel_loop3A_238 = arith.constant 0 : i32
      %parallel_loop3A_239 = vector.broadcast %parallel_loop3A_238 : i32 to vector<16xi32>
      %parallel_loop3A_240 = arith.maxsi %parallel_loop3A_237, %parallel_loop3A_239 : vector<16xi32>
      %parallel_loop3A_241 = arith.constant 511 : i32
      %parallel_loop3A_242 = vector.broadcast %parallel_loop3A_241 : i32 to vector<16xi32>
      %parallel_loop3A_243 = arith.minsi %parallel_loop3A_240, %parallel_loop3A_242 : vector<16xi32>
      %parallel_loop3A_244 = arith.sitofp %parallel_loop3A_243 : vector<16xi32> to vector<16xf32>
      %parallel_loop3A_245 = arith.subf %parallel_loop3A_236, %parallel_loop3A_244 : vector<16xf32>
      %parallel_loop3A_246 = arith.index_cast %parallel_loop3A_192 : i32 to index
      %parallel_loop3A_247 = tpu.vector_load %arg49[%parallel_loop3A_246] {strides = array<i32>} : memref<512xf32, #tpu.memory_space<vmem>>, vector<16xf32>,
      %parallel_loop3A_248 = vector.shape_cast %parallel_loop3A_247 : vector<16xf32> to vector<16xf32>
      %parallel_loop3A_249 = vector.shape_cast %parallel_loop3A_245 : vector<16xf32> to vector<16xf32>
      tpu.vector_store %arg49[%parallel_loop3A_246], %parallel_loop3A_249 {strides = array<i32>} : memref<512xf32, #tpu.memory_space<vmem>>, vector<16xf32>,
      %parallel_loop3A_250 = arith.constant -1640531535 : i32
      %parallel_loop3A_251 = vector.broadcast %parallel_loop3A_250 : i32 to vector<16xi32>
      %parallel_loop3A_252 = arith.muli %parallel_loop3A_224, %parallel_loop3A_251 : vector<16xi32>
      %parallel_loop3A_253 = arith.constant -1640531535 : i32
      %parallel_loop3A_254 = vector.broadcast %parallel_loop3A_253 : i32 to vector<16xi32>
      %parallel_loop3A_255 = arith.addi %parallel_loop3A_252, %parallel_loop3A_254 : vector<16xi32>
      %parallel_loop3A_256 = arith.xori %parallel_loop3A_205, %parallel_loop3A_252 : vector<16xi32>
      %parallel_loop3A_257 = arith.constant 262143 : i32
      %parallel_loop3A_258 = vector.broadcast %parallel_loop3A_257 : i32 to vector<16xi32>
      %parallel_loop3A_259 = arith.andi %parallel_loop3A_256, %parallel_loop3A_258 : vector<16xi32>
      %parallel_loop3A_260 = arith.index_cast %parallel_loop3A_192 : i32 to index
      %parallel_loop3A_261 = tpu.vector_load %arg9[%parallel_loop3A_260] {strides = array<i32>} : memref<512xi32, #tpu.memory_space<vmem>>, vector<16xi32>,
      %parallel_loop3A_262 = vector.shape_cast %parallel_loop3A_261 : vector<16xi32> to vector<16xi32>
      %parallel_loop3A_263 = vector.shape_cast %parallel_loop3A_259 : vector<16xi32> to vector<16xi32>
      tpu.vector_store %arg9[%parallel_loop3A_260], %parallel_loop3A_263 {strides = array<i32>} : memref<512xi32, #tpu.memory_space<vmem>>, vector<16xi32>,
      %parallel_loop3A_264 = arith.xori %parallel_loop3A_205, %parallel_loop3A_255 : vector<16xi32>
      %parallel_loop3A_265 = arith.constant 262143 : i32
      %parallel_loop3A_266 = vector.broadcast %parallel_loop3A_265 : i32 to vector<16xi32>
      %parallel_loop3A_267 = arith.andi %parallel_loop3A_264, %parallel_loop3A_266 : vector<16xi32>
      %parallel_loop3A_268 = arith.index_cast %parallel_loop3A_192 : i32 to index
      %parallel_loop3A_269 = tpu.vector_load %arg10[%parallel_loop3A_268] {strides = array<i32>} : memref<512xi32, #tpu.memory_space<vmem>>, vector<16xi32>,
      %parallel_loop3A_270 = vector.shape_cast %parallel_loop3A_269 : vector<16xi32> to vector<16xi32>
      %parallel_loop3A_271 = vector.shape_cast %parallel_loop3A_267 : vector<16xi32> to vector<16xi32>
      tpu.vector_store %arg10[%parallel_loop3A_268], %parallel_loop3A_271 {strides = array<i32>} : memref<512xi32, #tpu.memory_space<vmem>>, vector<16xi32>,
      %parallel_loop3A_272 = arith.constant 1 : i32
      %parallel_loop3A_273 = vector.broadcast %parallel_loop3A_272 : i32 to vector<16xi32>
      %parallel_loop3A_274 = arith.addi %parallel_loop3A_205, %parallel_loop3A_273 : vector<16xi32>
      %parallel_loop3A_275 = arith.xori %parallel_loop3A_274, %parallel_loop3A_252 : vector<16xi32>
      %parallel_loop3A_276 = arith.constant 262143 : i32
      %parallel_loop3A_277 = vector.broadcast %parallel_loop3A_276 : i32 to vector<16xi32>
      %parallel_loop3A_278 = arith.andi %parallel_loop3A_275, %parallel_loop3A_277 : vector<16xi32>
      %parallel_loop3A_279 = arith.index_cast %parallel_loop3A_192 : i32 to index
      %parallel_loop3A_280 = tpu.vector_load %arg11[%parallel_loop3A_279] {strides = array<i32>} : memref<512xi32, #tpu.memory_space<vmem>>, vector<16xi32>,
      %parallel_loop3A_281 = vector.shape_cast %parallel_loop3A_280 : vector<16xi32> to vector<16xi32>
      %parallel_loop3A_282 = vector.shape_cast %parallel_loop3A_278 : vector<16xi32> to vector<16xi32>
      tpu.vector_store %arg11[%parallel_loop3A_279], %parallel_loop3A_282 {strides = array<i32>} : memref<512xi32, #tpu.memory_space<vmem>>, vector<16xi32>,
      %parallel_loop3A_283 = arith.xori %parallel_loop3A_274, %parallel_loop3A_255 : vector<16xi32>
      %parallel_loop3A_284 = arith.constant 262143 : i32
      %parallel_loop3A_285 = vector.broadcast %parallel_loop3A_284 : i32 to vector<16xi32>
      %parallel_loop3A_286 = arith.andi %parallel_loop3A_283, %parallel_loop3A_285 : vector<16xi32>
      %parallel_loop3A_287 = arith.index_cast %parallel_loop3A_192 : i32 to index
      %parallel_loop3A_288 = tpu.vector_load %arg12[%parallel_loop3A_287] {strides = array<i32>} : memref<512xi32, #tpu.memory_space<vmem>>, vector<16xi32>,
      %parallel_loop3A_289 = vector.shape_cast %parallel_loop3A_288 : vector<16xi32> to vector<16xi32>
      %parallel_loop3A_290 = vector.shape_cast %parallel_loop3A_286 : vector<16xi32> to vector<16xi32>
      tpu.vector_store %arg12[%parallel_loop3A_287], %parallel_loop3A_290 {strides = array<i32>} : memref<512xi32, #tpu.memory_space<vmem>>, vector<16xi32>,
      %parallel_loop3A_291 = arith.constant -1640531535 : i32
      %parallel_loop3A_292 = vector.broadcast %parallel_loop3A_291 : i32 to vector<16xi32>
      %parallel_loop3A_293 = arith.muli %parallel_loop3A_243, %parallel_loop3A_292 : vector<16xi32>
      %parallel_loop3A_294 = arith.constant -1640531535 : i32
      %parallel_loop3A_295 = vector.broadcast %parallel_loop3A_294 : i32 to vector<16xi32>
      %parallel_loop3A_296 = arith.addi %parallel_loop3A_293, %parallel_loop3A_295 : vector<16xi32>
      %parallel_loop3A_297 = arith.xori %parallel_loop3A_205, %parallel_loop3A_293 : vector<16xi32>
      %parallel_loop3A_298 = arith.constant 262143 : i32
      %parallel_loop3A_299 = vector.broadcast %parallel_loop3A_298 : i32 to vector<16xi32>
      %parallel_loop3A_300 = arith.andi %parallel_loop3A_297, %parallel_loop3A_299 : vector<16xi32>
      %parallel_loop3A_301 = arith.index_cast %parallel_loop3A_192 : i32 to index
      %parallel_loop3A_302 = tpu.vector_load %arg13[%parallel_loop3A_301] {strides = array<i32>} : memref<512xi32, #tpu.memory_space<vmem>>, vector<16xi32>,
      %parallel_loop3A_303 = vector.shape_cast %parallel_loop3A_302 : vector<16xi32> to vector<16xi32>
      %parallel_loop3A_304 = vector.shape_cast %parallel_loop3A_300 : vector<16xi32> to vector<16xi32>
      tpu.vector_store %arg13[%parallel_loop3A_301], %parallel_loop3A_304 {strides = array<i32>} : memref<512xi32, #tpu.memory_space<vmem>>, vector<16xi32>,
      %parallel_loop3A_305 = arith.xori %parallel_loop3A_205, %parallel_loop3A_296 : vector<16xi32>
      %parallel_loop3A_306 = arith.constant 262143 : i32
      %parallel_loop3A_307 = vector.broadcast %parallel_loop3A_306 : i32 to vector<16xi32>
      %parallel_loop3A_308 = arith.andi %parallel_loop3A_305, %parallel_loop3A_307 : vector<16xi32>
      %parallel_loop3A_309 = arith.index_cast %parallel_loop3A_192 : i32 to index
      %parallel_loop3A_310 = tpu.vector_load %arg14[%parallel_loop3A_309] {strides = array<i32>} : memref<512xi32, #tpu.memory_space<vmem>>, vector<16xi32>,
      %parallel_loop3A_311 = vector.shape_cast %parallel_loop3A_310 : vector<16xi32> to vector<16xi32>
      %parallel_loop3A_312 = vector.shape_cast %parallel_loop3A_308 : vector<16xi32> to vector<16xi32>
      tpu.vector_store %arg14[%parallel_loop3A_309], %parallel_loop3A_312 {strides = array<i32>} : memref<512xi32, #tpu.memory_space<vmem>>, vector<16xi32>,
      %parallel_loop3A_313 = arith.constant 1 : i32
      %parallel_loop3A_314 = vector.broadcast %parallel_loop3A_313 : i32 to vector<16xi32>
      %parallel_loop3A_315 = arith.addi %parallel_loop3A_205, %parallel_loop3A_314 : vector<16xi32>
      %parallel_loop3A_316 = arith.xori %parallel_loop3A_315, %parallel_loop3A_293 : vector<16xi32>
      %parallel_loop3A_317 = arith.constant 262143 : i32
      %parallel_loop3A_318 = vector.broadcast %parallel_loop3A_317 : i32 to vector<16xi32>
      %parallel_loop3A_319 = arith.andi %parallel_loop3A_316, %parallel_loop3A_318 : vector<16xi32>
      %parallel_loop3A_320 = arith.index_cast %parallel_loop3A_192 : i32 to index
      %parallel_loop3A_321 = tpu.vector_load %arg15[%parallel_loop3A_320] {strides = array<i32>} : memref<512xi32, #tpu.memory_space<vmem>>, vector<16xi32>,
      %parallel_loop3A_322 = vector.shape_cast %parallel_loop3A_321 : vector<16xi32> to vector<16xi32>
      %parallel_loop3A_323 = vector.shape_cast %parallel_loop3A_319 : vector<16xi32> to vector<16xi32>
      tpu.vector_store %arg15[%parallel_loop3A_320], %parallel_loop3A_323 {strides = array<i32>} : memref<512xi32, #tpu.memory_space<vmem>>, vector<16xi32>,
      %parallel_loop3A_324 = arith.xori %parallel_loop3A_315, %parallel_loop3A_296 : vector<16xi32>
      %parallel_loop3A_325 = arith.constant 262143 : i32
      %parallel_loop3A_326 = vector.broadcast %parallel_loop3A_325 : i32 to vector<16xi32>
      %parallel_loop3A_327 = arith.andi %parallel_loop3A_324, %parallel_loop3A_326 : vector<16xi32>
      %parallel_loop3A_328 = arith.index_cast %parallel_loop3A_192 : i32 to index
      %parallel_loop3A_329 = tpu.vector_load %arg16[%parallel_loop3A_328] {strides = array<i32>} : memref<512xi32, #tpu.memory_space<vmem>>, vector<16xi32>,
      %parallel_loop3A_330 = vector.shape_cast %parallel_loop3A_329 : vector<16xi32> to vector<16xi32>
      %parallel_loop3A_331 = vector.shape_cast %parallel_loop3A_327 : vector<16xi32> to vector<16xi32>
      tpu.vector_store %arg16[%parallel_loop3A_328], %parallel_loop3A_331 {strides = array<i32>} : memref<512xi32, #tpu.memory_space<vmem>>, vector<16xi32>,
      %parallel_loop3A_332 = arith.constant -1640531535 : i32
      %parallel_loop3A_333 = vector.broadcast %parallel_loop3A_332 : i32 to vector<16xi32>
      %parallel_loop3A_334 = arith.muli %parallel_loop3A_243, %parallel_loop3A_333 : vector<16xi32>
      %parallel_loop3A_335 = arith.constant -1640531535 : i32
      %parallel_loop3A_336 = vector.broadcast %parallel_loop3A_335 : i32 to vector<16xi32>
      %parallel_loop3A_337 = arith.addi %parallel_loop3A_334, %parallel_loop3A_336 : vector<16xi32>
      %parallel_loop3A_338 = arith.xori %parallel_loop3A_224, %parallel_loop3A_334 : vector<16xi32>
      %parallel_loop3A_339 = arith.constant 262143 : i32
      %parallel_loop3A_340 = vector.broadcast %parallel_loop3A_339 : i32 to vector<16xi32>
      %parallel_loop3A_341 = arith.andi %parallel_loop3A_338, %parallel_loop3A_340 : vector<16xi32>
      %parallel_loop3A_342 = arith.index_cast %parallel_loop3A_192 : i32 to index
      %parallel_loop3A_343 = tpu.vector_load %arg17[%parallel_loop3A_342] {strides = array<i32>} : memref<512xi32, #tpu.memory_space<vmem>>, vector<16xi32>,
      %parallel_loop3A_344 = vector.shape_cast %parallel_loop3A_343 : vector<16xi32> to vector<16xi32>
      %parallel_loop3A_345 = vector.shape_cast %parallel_loop3A_341 : vector<16xi32> to vector<16xi32>
      tpu.vector_store %arg17[%parallel_loop3A_342], %parallel_loop3A_345 {strides = array<i32>} : memref<512xi32, #tpu.memory_space<vmem>>, vector<16xi32>,
      %parallel_loop3A_346 = arith.xori %parallel_loop3A_224, %parallel_loop3A_337 : vector<16xi32>
      %parallel_loop3A_347 = arith.constant 262143 : i32
      %parallel_loop3A_348 = vector.broadcast %parallel_loop3A_347 : i32 to vector<16xi32>
      %parallel_loop3A_349 = arith.andi %parallel_loop3A_346, %parallel_loop3A_348 : vector<16xi32>
      %parallel_loop3A_350 = arith.index_cast %parallel_loop3A_192 : i32 to index
      %parallel_loop3A_351 = tpu.vector_load %arg18[%parallel_loop3A_350] {strides = array<i32>} : memref<512xi32, #tpu.memory_space<vmem>>, vector<16xi32>,
      %parallel_loop3A_352 = vector.shape_cast %parallel_loop3A_351 : vector<16xi32> to vector<16xi32>
      %parallel_loop3A_353 = vector.shape_cast %parallel_loop3A_349 : vector<16xi32> to vector<16xi32>
      tpu.vector_store %arg18[%parallel_loop3A_350], %parallel_loop3A_353 {strides = array<i32>} : memref<512xi32, #tpu.memory_space<vmem>>, vector<16xi32>,
      %parallel_loop3A_354 = arith.constant 1 : i32
      %parallel_loop3A_355 = vector.broadcast %parallel_loop3A_354 : i32 to vector<16xi32>
      %parallel_loop3A_356 = arith.addi %parallel_loop3A_224, %parallel_loop3A_355 : vector<16xi32>
      %parallel_loop3A_357 = arith.xori %parallel_loop3A_356, %parallel_loop3A_334 : vector<16xi32>
      %parallel_loop3A_358 = arith.constant 262143 : i32
      %parallel_loop3A_359 = vector.broadcast %parallel_loop3A_358 : i32 to vector<16xi32>
      %parallel_loop3A_360 = arith.andi %parallel_loop3A_357, %parallel_loop3A_359 : vector<16xi32>
      %parallel_loop3A_361 = arith.index_cast %parallel_loop3A_192 : i32 to index
      %parallel_loop3A_362 = tpu.vector_load %arg19[%parallel_loop3A_361] {strides = array<i32>} : memref<512xi32, #tpu.memory_space<vmem>>, vector<16xi32>,
      %parallel_loop3A_363 = vector.shape_cast %parallel_loop3A_362 : vector<16xi32> to vector<16xi32>
      %parallel_loop3A_364 = vector.shape_cast %parallel_loop3A_360 : vector<16xi32> to vector<16xi32>
      tpu.vector_store %arg19[%parallel_loop3A_361], %parallel_loop3A_364 {strides = array<i32>} : memref<512xi32, #tpu.memory_space<vmem>>, vector<16xi32>,
      %parallel_loop3A_365 = arith.xori %parallel_loop3A_356, %parallel_loop3A_337 : vector<16xi32>
      %parallel_loop3A_366 = arith.constant 262143 : i32
      %parallel_loop3A_367 = vector.broadcast %parallel_loop3A_366 : i32 to vector<16xi32>
      %parallel_loop3A_368 = arith.andi %parallel_loop3A_365, %parallel_loop3A_367 : vector<16xi32>
      %parallel_loop3A_369 = arith.index_cast %parallel_loop3A_192 : i32 to index
      %parallel_loop3A_370 = tpu.vector_load %arg20[%parallel_loop3A_369] {strides = array<i32>} : memref<512xi32, #tpu.memory_space<vmem>>, vector<16xi32>,
      %parallel_loop3A_371 = vector.shape_cast %parallel_loop3A_370 : vector<16xi32> to vector<16xi32>
      %parallel_loop3A_372 = vector.shape_cast %parallel_loop3A_368 : vector<16xi32> to vector<16xi32>
      tpu.vector_store %arg20[%parallel_loop3A_369], %parallel_loop3A_372 {strides = array<i32>} : memref<512xi32, #tpu.memory_space<vmem>>, vector<16xi32>,
    } {sc.loop_unroll_factor = 2 : i64, sc.parallel_access}
    %dma_start3A_23 = arith.constant 0 : i32
    %dma_start3A_24 = arith.constant 0 : i32
    %dma_start3A_25 = tpu.memref_slice %arg34[%dma_start3A_23, %dma_start3A_24] : memref<512x16xf32, #tpu.memory_space<vmem>> -> memref<128x16xf32, #tpu.memory_space<vmem>>
    %dma_start3A_26 = arith.constant 0 : i32
    %dma_start3A_27 = tpu.memref_slice %arg9[%dma_start3A_26] : memref<512xi32, #tpu.memory_space<vmem>> -> memref<128xi32, #tpu.memory_space<vmem>>
    %dma_start3A_28 = arith.constant 0 : i32
    %dma_start3A_29 = arith.constant 0 : i32
    %dma_start3A_30 = tpu.memref_slice %arg5[%dma_start3A_28, %dma_start3A_29] : memref<262144x16xf32, #tpu.memory_space<hbm>> -> memref<262144x16xf32, #tpu.memory_space<hbm>>
    tpu.enqueue_indirect_dma source(%dma_start3A_30 : memref<262144x16xf32, #tpu.memory_space<hbm>>) target(%dma_start3A_25 : memref<128x16xf32, #tpu.memory_space<vmem>>) offsets(%dma_start3A_27 : memref<128xi32, #tpu.memory_space<vmem>>) semaphore(%arg45 : memref<!tpu.dma_semaphore, #tpu.memory_space<semaphore_mem>>)
    %dma_start3A_31 = arith.constant 0 : i32
    %dma_start3A_32 = arith.constant 0 : i32
    %dma_start3A_33 = tpu.memref_slice %arg35[%dma_start3A_31, %dma_start3A_32] : memref<512x16xf32, #tpu.memory_space<vmem>> -> memref<128x16xf32, #tpu.memory_space<vmem>>
    %dma_start3A_34 = arith.constant 0 : i32
    %dma_start3A_35 = tpu.memref_slice %arg10[%dma_start3A_34] : memref<512xi32, #tpu.memory_space<vmem>> -> memref<128xi32, #tpu.memory_space<vmem>>
    %dma_start3A_36 = arith.constant 0 : i32
    %dma_start3A_37 = arith.constant 0 : i32
    %dma_start3A_38 = tpu.memref_slice %arg5[%dma_start3A_36, %dma_start3A_37] : memref<262144x16xf32, #tpu.memory_space<hbm>> -> memref<262144x16xf32, #tpu.memory_space<hbm>>
    tpu.enqueue_indirect_dma source(%dma_start3A_38 : memref<262144x16xf32, #tpu.memory_space<hbm>>) target(%dma_start3A_33 : memref<128x16xf32, #tpu.memory_space<vmem>>) offsets(%dma_start3A_35 : memref<128xi32, #tpu.memory_space<vmem>>) semaphore(%arg45 : memref<!tpu.dma_semaphore, #tpu.memory_space<semaphore_mem>>)
    %dma_start3A_39 = arith.constant 0 : i32
    %dma_start3A_40 = arith.constant 0 : i32
    %dma_start3A_41 = tpu.memref_slice %arg36[%dma_start3A_39, %dma_start3A_40] : memref<512x16xf32, #tpu.memory_space<vmem>> -> memref<128x16xf32, #tpu.memory_space<vmem>>
    %dma_start3A_42 = arith.constant 0 : i32
    %dma_start3A_43 = tpu.memref_slice %arg11[%dma_start3A_42] : memref<512xi32, #tpu.memory_space<vmem>> -> memref<128xi32, #tpu.memory_space<vmem>>
    %dma_start3A_44 = arith.constant 0 : i32
    %dma_start3A_45 = arith.constant 0 : i32
    %dma_start3A_46 = tpu.memref_slice %arg5[%dma_start3A_44, %dma_start3A_45] : memref<262144x16xf32, #tpu.memory_space<hbm>> -> memref<262144x16xf32, #tpu.memory_space<hbm>>
    tpu.enqueue_indirect_dma source(%dma_start3A_46 : memref<262144x16xf32, #tpu.memory_space<hbm>>) target(%dma_start3A_41 : memref<128x16xf32, #tpu.memory_space<vmem>>) offsets(%dma_start3A_43 : memref<128xi32, #tpu.memory_space<vmem>>) semaphore(%arg45 : memref<!tpu.dma_semaphore, #tpu.memory_space<semaphore_mem>>)
    %dma_start3A_47 = arith.constant 0 : i32
    %dma_start3A_48 = arith.constant 0 : i32
    %dma_start3A_49 = tpu.memref_slice %arg37[%dma_start3A_47, %dma_start3A_48] : memref<512x16xf32, #tpu.memory_space<vmem>> -> memref<128x16xf32, #tpu.memory_space<vmem>>
    %dma_start3A_50 = arith.constant 0 : i32
    %dma_start3A_51 = tpu.memref_slice %arg12[%dma_start3A_50] : memref<512xi32, #tpu.memory_space<vmem>> -> memref<128xi32, #tpu.memory_space<vmem>>
    %dma_start3A_52 = arith.constant 0 : i32
    %dma_start3A_53 = arith.constant 0 : i32
    %dma_start3A_54 = tpu.memref_slice %arg5[%dma_start3A_52, %dma_start3A_53] : memref<262144x16xf32, #tpu.memory_space<hbm>> -> memref<262144x16xf32, #tpu.memory_space<hbm>>
    tpu.enqueue_indirect_dma source(%dma_start3A_54 : memref<262144x16xf32, #tpu.memory_space<hbm>>) target(%dma_start3A_49 : memref<128x16xf32, #tpu.memory_space<vmem>>) offsets(%dma_start3A_51 : memref<128xi32, #tpu.memory_space<vmem>>) semaphore(%arg45 : memref<!tpu.dma_semaphore, #tpu.memory_space<semaphore_mem>>)
    %dma_start3A_55 = arith.constant 128 : i32
    %dma_start3A_56 = arith.constant 0 : i32
    %dma_start3A_57 = tpu.memref_slice %arg34[%dma_start3A_55, %dma_start3A_56] : memref<512x16xf32, #tpu.memory_space<vmem>> -> memref<128x16xf32, #tpu.memory_space<vmem>>
    %dma_start3A_58 = arith.constant 128 : i32
    %dma_start3A_59 = tpu.memref_slice %arg9[%dma_start3A_58] : memref<512xi32, #tpu.memory_space<vmem>> -> memref<128xi32, #tpu.memory_space<vmem>>
    %dma_start3A_60 = arith.constant 0 : i32
    %dma_start3A_61 = arith.constant 0 : i32
    %dma_start3A_62 = tpu.memref_slice %arg5[%dma_start3A_60, %dma_start3A_61] : memref<262144x16xf32, #tpu.memory_space<hbm>> -> memref<262144x16xf32, #tpu.memory_space<hbm>>
    tpu.enqueue_indirect_dma source(%dma_start3A_62 : memref<262144x16xf32, #tpu.memory_space<hbm>>) target(%dma_start3A_57 : memref<128x16xf32, #tpu.memory_space<vmem>>) offsets(%dma_start3A_59 : memref<128xi32, #tpu.memory_space<vmem>>) semaphore(%arg45 : memref<!tpu.dma_semaphore, #tpu.memory_space<semaphore_mem>>)
    %dma_start3A_63 = arith.constant 128 : i32
    %dma_start3A_64 = arith.constant 0 : i32
    %dma_start3A_65 = tpu.memref_slice %arg35[%dma_start3A_63, %dma_start3A_64] : memref<512x16xf32, #tpu.memory_space<vmem>> -> memref<128x16xf32, #tpu.memory_space<vmem>>
    %dma_start3A_66 = arith.constant 128 : i32
    %dma_start3A_67 = tpu.memref_slice %arg10[%dma_start3A_66] : memref<512xi32, #tpu.memory_space<vmem>> -> memref<128xi32, #tpu.memory_space<vmem>>
    %dma_start3A_68 = arith.constant 0 : i32
    %dma_start3A_69 = arith.constant 0 : i32
    %dma_start3A_70 = tpu.memref_slice %arg5[%dma_start3A_68, %dma_start3A_69] : memref<262144x16xf32, #tpu.memory_space<hbm>> -> memref<262144x16xf32, #tpu.memory_space<hbm>>
    tpu.enqueue_indirect_dma source(%dma_start3A_70 : memref<262144x16xf32, #tpu.memory_space<hbm>>) target(%dma_start3A_65 : memref<128x16xf32, #tpu.memory_space<vmem>>) offsets(%dma_start3A_67 : memref<128xi32, #tpu.memory_space<vmem>>) semaphore(%arg45 : memref<!tpu.dma_semaphore, #tpu.memory_space<semaphore_mem>>)
    %dma_start3A_71 = arith.constant 128 : i32
    %dma_start3A_72 = arith.constant 0 : i32
    %dma_start3A_73 = tpu.memref_slice %arg36[%dma_start3A_71, %dma_start3A_72] : memref<512x16xf32, #tpu.memory_space<vmem>> -> memref<128x16xf32, #tpu.memory_space<vmem>>
    %dma_start3A_74 = arith.constant 128 : i32
    %dma_start3A_75 = tpu.memref_slice %arg11[%dma_start3A_74] : memref<512xi32, #tpu.memory_space<vmem>> -> memref<128xi32, #tpu.memory_space<vmem>>
    %dma_start3A_76 = arith.constant 0 : i32
    %dma_start3A_77 = arith.constant 0 : i32
    %dma_start3A_78 = tpu.memref_slice %arg5[%dma_start3A_76, %dma_start3A_77] : memref<262144x16xf32, #tpu.memory_space<hbm>> -> memref<262144x16xf32, #tpu.memory_space<hbm>>
    tpu.enqueue_indirect_dma source(%dma_start3A_78 : memref<262144x16xf32, #tpu.memory_space<hbm>>) target(%dma_start3A_73 : memref<128x16xf32, #tpu.memory_space<vmem>>) offsets(%dma_start3A_75 : memref<128xi32, #tpu.memory_space<vmem>>) semaphore(%arg45 : memref<!tpu.dma_semaphore, #tpu.memory_space<semaphore_mem>>)
    %dma_start3A_79 = arith.constant 128 : i32
    %dma_start3A_80 = arith.constant 0 : i32
    %dma_start3A_81 = tpu.memref_slice %arg37[%dma_start3A_79, %dma_start3A_80] : memref<512x16xf32, #tpu.memory_space<vmem>> -> memref<128x16xf32, #tpu.memory_space<vmem>>
    %dma_start3A_82 = arith.constant 128 : i32
    %dma_start3A_83 = tpu.memref_slice %arg12[%dma_start3A_82] : memref<512xi32, #tpu.memory_space<vmem>> -> memref<128xi32, #tpu.memory_space<vmem>>
    %dma_start3A_84 = arith.constant 0 : i32
    %dma_start3A_85 = arith.constant 0 : i32
    %dma_start3A_86 = tpu.memref_slice %arg5[%dma_start3A_84, %dma_start3A_85] : memref<262144x16xf32, #tpu.memory_space<hbm>> -> memref<262144x16xf32, #tpu.memory_space<hbm>>
    tpu.enqueue_indirect_dma source(%dma_start3A_86 : memref<262144x16xf32, #tpu.memory_space<hbm>>) target(%dma_start3A_81 : memref<128x16xf32, #tpu.memory_space<vmem>>) offsets(%dma_start3A_83 : memref<128xi32, #tpu.memory_space<vmem>>) semaphore(%arg45 : memref<!tpu.dma_semaphore, #tpu.memory_space<semaphore_mem>>)
    %dma_start3A_87 = arith.constant 256 : i32
    %dma_start3A_88 = arith.constant 0 : i32
    %dma_start3A_89 = tpu.memref_slice %arg34[%dma_start3A_87, %dma_start3A_88] : memref<512x16xf32, #tpu.memory_space<vmem>> -> memref<128x16xf32, #tpu.memory_space<vmem>>
    %dma_start3A_90 = arith.constant 256 : i32
    %dma_start3A_91 = tpu.memref_slice %arg9[%dma_start3A_90] : memref<512xi32, #tpu.memory_space<vmem>> -> memref<128xi32, #tpu.memory_space<vmem>>
    %dma_start3A_92 = arith.constant 0 : i32
    %dma_start3A_93 = arith.constant 0 : i32
    %dma_start3A_94 = tpu.memref_slice %arg5[%dma_start3A_92, %dma_start3A_93] : memref<262144x16xf32, #tpu.memory_space<hbm>> -> memref<262144x16xf32, #tpu.memory_space<hbm>>
    tpu.enqueue_indirect_dma source(%dma_start3A_94 : memref<262144x16xf32, #tpu.memory_space<hbm>>) target(%dma_start3A_89 : memref<128x16xf32, #tpu.memory_space<vmem>>) offsets(%dma_start3A_91 : memref<128xi32, #tpu.memory_space<vmem>>) semaphore(%arg45 : memref<!tpu.dma_semaphore, #tpu.memory_space<semaphore_mem>>)
    %dma_start3A_95 = arith.constant 256 : i32
    %dma_start3A_96 = arith.constant 0 : i32
    %dma_start3A_97 = tpu.memref_slice %arg35[%dma_start3A_95, %dma_start3A_96] : memref<512x16xf32, #tpu.memory_space<vmem>> -> memref<128x16xf32, #tpu.memory_space<vmem>>
    %dma_start3A_98 = arith.constant 256 : i32
    %dma_start3A_99 = tpu.memref_slice %arg10[%dma_start3A_98] : memref<512xi32, #tpu.memory_space<vmem>> -> memref<128xi32, #tpu.memory_space<vmem>>
    %dma_start3A_100 = arith.constant 0 : i32
    %dma_start3A_101 = arith.constant 0 : i32
    %dma_start3A_102 = tpu.memref_slice %arg5[%dma_start3A_100, %dma_start3A_101] : memref<262144x16xf32, #tpu.memory_space<hbm>> -> memref<262144x16xf32, #tpu.memory_space<hbm>>
    tpu.enqueue_indirect_dma source(%dma_start3A_102 : memref<262144x16xf32, #tpu.memory_space<hbm>>) target(%dma_start3A_97 : memref<128x16xf32, #tpu.memory_space<vmem>>) offsets(%dma_start3A_99 : memref<128xi32, #tpu.memory_space<vmem>>) semaphore(%arg45 : memref<!tpu.dma_semaphore, #tpu.memory_space<semaphore_mem>>)
    %dma_start3A_103 = arith.constant 256 : i32
    %dma_start3A_104 = arith.constant 0 : i32
    %dma_start3A_105 = tpu.memref_slice %arg36[%dma_start3A_103, %dma_start3A_104] : memref<512x16xf32, #tpu.memory_space<vmem>> -> memref<128x16xf32, #tpu.memory_space<vmem>>
    %dma_start3A_106 = arith.constant 256 : i32
    %dma_start3A_107 = tpu.memref_slice %arg11[%dma_start3A_106] : memref<512xi32, #tpu.memory_space<vmem>> -> memref<128xi32, #tpu.memory_space<vmem>>
    %dma_start3A_108 = arith.constant 0 : i32
    %dma_start3A_109 = arith.constant 0 : i32
    %dma_start3A_110 = tpu.memref_slice %arg5[%dma_start3A_108, %dma_start3A_109] : memref<262144x16xf32, #tpu.memory_space<hbm>> -> memref<262144x16xf32, #tpu.memory_space<hbm>>
    tpu.enqueue_indirect_dma source(%dma_start3A_110 : memref<262144x16xf32, #tpu.memory_space<hbm>>) target(%dma_start3A_105 : memref<128x16xf32, #tpu.memory_space<vmem>>) offsets(%dma_start3A_107 : memref<128xi32, #tpu.memory_space<vmem>>) semaphore(%arg45 : memref<!tpu.dma_semaphore, #tpu.memory_space<semaphore_mem>>)
    %dma_start3A_111 = arith.constant 256 : i32
    %dma_start3A_112 = arith.constant 0 : i32
    %dma_start3A_113 = tpu.memref_slice %arg37[%dma_start3A_111, %dma_start3A_112] : memref<512x16xf32, #tpu.memory_space<vmem>> -> memref<128x16xf32, #tpu.memory_space<vmem>>
    %dma_start3A_114 = arith.constant 256 : i32
    %dma_start3A_115 = tpu.memref_slice %arg12[%dma_start3A_114] : memref<512xi32, #tpu.memory_space<vmem>> -> memref<128xi32, #tpu.memory_space<vmem>>
    %dma_start3A_116 = arith.constant 0 : i32
    %dma_start3A_117 = arith.constant 0 : i32
    %dma_start3A_118 = tpu.memref_slice %arg5[%dma_start3A_116, %dma_start3A_117] : memref<262144x16xf32, #tpu.memory_space<hbm>> -> memref<262144x16xf32, #tpu.memory_space<hbm>>
    tpu.enqueue_indirect_dma source(%dma_start3A_118 : memref<262144x16xf32, #tpu.memory_space<hbm>>) target(%dma_start3A_113 : memref<128x16xf32, #tpu.memory_space<vmem>>) offsets(%dma_start3A_115 : memref<128xi32, #tpu.memory_space<vmem>>) semaphore(%arg45 : memref<!tpu.dma_semaphore, #tpu.memory_space<semaphore_mem>>)
    %dma_start3A_119 = arith.constant 384 : i32
    %dma_start3A_120 = arith.constant 0 : i32
    %dma_start3A_121 = tpu.memref_slice %arg34[%dma_start3A_119, %dma_start3A_120] : memref<512x16xf32, #tpu.memory_space<vmem>> -> memref<128x16xf32, #tpu.memory_space<vmem>>
    %dma_start3A_122 = arith.constant 384 : i32
    %dma_start3A_123 = tpu.memref_slice %arg9[%dma_start3A_122] : memref<512xi32, #tpu.memory_space<vmem>> -> memref<128xi32, #tpu.memory_space<vmem>>
    %dma_start3A_124 = arith.constant 0 : i32
    %dma_start3A_125 = arith.constant 0 : i32
    %dma_start3A_126 = tpu.memref_slice %arg5[%dma_start3A_124, %dma_start3A_125] : memref<262144x16xf32, #tpu.memory_space<hbm>> -> memref<262144x16xf32, #tpu.memory_space<hbm>>
    tpu.enqueue_indirect_dma source(%dma_start3A_126 : memref<262144x16xf32, #tpu.memory_space<hbm>>) target(%dma_start3A_121 : memref<128x16xf32, #tpu.memory_space<vmem>>) offsets(%dma_start3A_123 : memref<128xi32, #tpu.memory_space<vmem>>) semaphore(%arg45 : memref<!tpu.dma_semaphore, #tpu.memory_space<semaphore_mem>>)
    %dma_start3A_127 = arith.constant 384 : i32
    %dma_start3A_128 = arith.constant 0 : i32
    %dma_start3A_129 = tpu.memref_slice %arg35[%dma_start3A_127, %dma_start3A_128] : memref<512x16xf32, #tpu.memory_space<vmem>> -> memref<128x16xf32, #tpu.memory_space<vmem>>
    %dma_start3A_130 = arith.constant 384 : i32
    %dma_start3A_131 = tpu.memref_slice %arg10[%dma_start3A_130] : memref<512xi32, #tpu.memory_space<vmem>> -> memref<128xi32, #tpu.memory_space<vmem>>
    %dma_start3A_132 = arith.constant 0 : i32
    %dma_start3A_133 = arith.constant 0 : i32
    %dma_start3A_134 = tpu.memref_slice %arg5[%dma_start3A_132, %dma_start3A_133] : memref<262144x16xf32, #tpu.memory_space<hbm>> -> memref<262144x16xf32, #tpu.memory_space<hbm>>
    tpu.enqueue_indirect_dma source(%dma_start3A_134 : memref<262144x16xf32, #tpu.memory_space<hbm>>) target(%dma_start3A_129 : memref<128x16xf32, #tpu.memory_space<vmem>>) offsets(%dma_start3A_131 : memref<128xi32, #tpu.memory_space<vmem>>) semaphore(%arg45 : memref<!tpu.dma_semaphore, #tpu.memory_space<semaphore_mem>>)
    %dma_start3A_135 = arith.constant 384 : i32
    %dma_start3A_136 = arith.constant 0 : i32
    %dma_start3A_137 = tpu.memref_slice %arg36[%dma_start3A_135, %dma_start3A_136] : memref<512x16xf32, #tpu.memory_space<vmem>> -> memref<128x16xf32, #tpu.memory_space<vmem>>
    %dma_start3A_138 = arith.constant 384 : i32
    %dma_start3A_139 = tpu.memref_slice %arg11[%dma_start3A_138] : memref<512xi32, #tpu.memory_space<vmem>> -> memref<128xi32, #tpu.memory_space<vmem>>
    %dma_start3A_140 = arith.constant 0 : i32
    %dma_start3A_141 = arith.constant 0 : i32
    %dma_start3A_142 = tpu.memref_slice %arg5[%dma_start3A_140, %dma_start3A_141] : memref<262144x16xf32, #tpu.memory_space<hbm>> -> memref<262144x16xf32, #tpu.memory_space<hbm>>
    tpu.enqueue_indirect_dma source(%dma_start3A_142 : memref<262144x16xf32, #tpu.memory_space<hbm>>) target(%dma_start3A_137 : memref<128x16xf32, #tpu.memory_space<vmem>>) offsets(%dma_start3A_139 : memref<128xi32, #tpu.memory_space<vmem>>) semaphore(%arg45 : memref<!tpu.dma_semaphore, #tpu.memory_space<semaphore_mem>>)
    %dma_start3A_143 = arith.constant 384 : i32
    %dma_start3A_144 = arith.constant 0 : i32
    %dma_start3A_145 = tpu.memref_slice %arg37[%dma_start3A_143, %dma_start3A_144] : memref<512x16xf32, #tpu.memory_space<vmem>> -> memref<128x16xf32, #tpu.memory_space<vmem>>
    %dma_start3A_146 = arith.constant 384 : i32
    %dma_start3A_147 = tpu.memref_slice %arg12[%dma_start3A_146] : memref<512xi32, #tpu.memory_space<vmem>> -> memref<128xi32, #tpu.memory_space<vmem>>
    %dma_start3A_148 = arith.constant 0 : i32
    %dma_start3A_149 = arith.constant 0 : i32
    %dma_start3A_150 = tpu.memref_slice %arg5[%dma_start3A_148, %dma_start3A_149] : memref<262144x16xf32, #tpu.memory_space<hbm>> -> memref<262144x16xf32, #tpu.memory_space<hbm>>
    tpu.enqueue_indirect_dma source(%dma_start3A_150 : memref<262144x16xf32, #tpu.memory_space<hbm>>) target(%dma_start3A_145 : memref<128x16xf32, #tpu.memory_space<vmem>>) offsets(%dma_start3A_147 : memref<128xi32, #tpu.memory_space<vmem>>) semaphore(%arg45 : memref<!tpu.dma_semaphore, #tpu.memory_space<semaphore_mem>>)
    %dma_start3A_151 = arith.constant 0 : i32
    %dma_start3A_152 = tpu.memref_slice %arg8[%mul3A_2, %dma_start3A_151] : memref<1048576x48xf32, #tpu.memory_space<hbm>> -> memref<512x48xf32, #tpu.memory_space<hbm>>
    %dma_start3A_153 = arith.constant 0 : i32
    %dma_start3A_154 = tpu.memref_slice %arg8[%mul3A_2, %dma_start3A_153] : memref<1048576x48xf32, #tpu.memory_space<hbm>> -> memref<512x48xf32, #tpu.memory_space<hbm>>
    tpu.enqueue_dma source(%arg33 : memref<512x48xf32, #tpu.memory_space<vmem>>) target(%dma_start3A_154 : memref<512x48xf32, #tpu.memory_space<hbm>>) target_semaphore(%arg42 : memref<!tpu.dma_semaphore, #tpu.memory_space<semaphore_mem>>)
    %scan3A = arith.constant 0 : i32
    %scan3A_155 = arith.constant 0 : i32
    %scan3A_156 = arith.constant 32 : i32
    %scan3A_157 = arith.addi %scan3A_155, %scan3A_156 : i32
    %scan3A_158 = arith.constant 1 : i32
    scf.for %scan3A_190 = %scan3A_155 to %scan3A_157 step %scan3A_158  : i32 {
      %mul3A_191 = arith.constant 2 : i32
      %mul3A_192 = arith.muli %mul3A_191, %scan3A_190 : i32
      %add3A_193 = arith.constant 0 : i32
      %add3A_194 = arith.addi %mul3A_192, %add3A_193 : i32
      %mul3A_195 = arith.constant 2 : i32
      %mul3A_196 = arith.muli %mul3A_195, %scan3A_190 : i32
      %add3A_197 = arith.constant 0 : i32
      %add3A_198 = arith.addi %mul3A_196, %add3A_197 : i32
      %dma_start3A_199 = arith.constant 0 : i32
      %dma_start3A_200 = arith.constant 0 : i32
      %dma_start3A_201 = tpu.memref_slice %arg38[%dma_start3A_199, %dma_start3A_200] : memref<512x16xf32, #tpu.memory_space<vmem>> -> memref<128x16xf32, #tpu.memory_space<vmem>>
      %dma_start3A_202 = arith.constant 0 : i32
      %dma_start3A_203 = tpu.memref_slice %arg13[%dma_start3A_202] : memref<512xi32, #tpu.memory_space<vmem>> -> memref<128xi32, #tpu.memory_space<vmem>>
      %dma_start3A_204 = arith.constant 0 : i32
      %dma_start3A_205 = arith.constant 0 : i32
      %dma_start3A_206 = tpu.memref_slice %arg6[%dma_start3A_204, %dma_start3A_205] : memref<262144x16xf32, #tpu.memory_space<hbm>> -> memref<262144x16xf32, #tpu.memory_space<hbm>>
      tpu.enqueue_indirect_dma source(%dma_start3A_206 : memref<262144x16xf32, #tpu.memory_space<hbm>>) target(%dma_start3A_201 : memref<128x16xf32, #tpu.memory_space<vmem>>) offsets(%dma_start3A_203 : memref<128xi32, #tpu.memory_space<vmem>>) semaphore(%arg46 : memref<!tpu.dma_semaphore, #tpu.memory_space<semaphore_mem>>)
      %dma_start3A_207 = arith.constant 0 : i32
      %dma_start3A_208 = arith.constant 0 : i32
      %dma_start3A_209 = tpu.memref_slice %arg39[%dma_start3A_207, %dma_start3A_208] : memref<512x16xf32, #tpu.memory_space<vmem>> -> memref<128x16xf32, #tpu.memory_space<vmem>>
      %dma_start3A_210 = arith.constant 0 : i32
      %dma_start3A_211 = tpu.memref_slice %arg14[%dma_start3A_210] : memref<512xi32, #tpu.memory_space<vmem>> -> memref<128xi32, #tpu.memory_space<vmem>>
      %dma_start3A_212 = arith.constant 0 : i32
      %dma_start3A_213 = arith.constant 0 : i32
      %dma_start3A_214 = tpu.memref_slice %arg6[%dma_start3A_212, %dma_start3A_213] : memref<262144x16xf32, #tpu.memory_space<hbm>> -> memref<262144x16xf32, #tpu.memory_space<hbm>>
      tpu.enqueue_indirect_dma source(%dma_start3A_214 : memref<262144x16xf32, #tpu.memory_space<hbm>>) target(%dma_start3A_209 : memref<128x16xf32, #tpu.memory_space<vmem>>) offsets(%dma_start3A_211 : memref<128xi32, #tpu.memory_space<vmem>>) semaphore(%arg46 : memref<!tpu.dma_semaphore, #tpu.memory_space<semaphore_mem>>)
      %dma_start3A_215 = arith.constant 0 : i32
      %dma_start3A_216 = arith.constant 0 : i32
      %dma_start3A_217 = tpu.memref_slice %arg40[%dma_start3A_215, %dma_start3A_216] : memref<512x16xf32, #tpu.memory_space<vmem>> -> memref<128x16xf32, #tpu.memory_space<vmem>>
      %dma_start3A_218 = arith.constant 0 : i32
      %dma_start3A_219 = tpu.memref_slice %arg15[%dma_start3A_218] : memref<512xi32, #tpu.memory_space<vmem>> -> memref<128xi32, #tpu.memory_space<vmem>>
      %dma_start3A_220 = arith.constant 0 : i32
      %dma_start3A_221 = arith.constant 0 : i32
      %dma_start3A_222 = tpu.memref_slice %arg6[%dma_start3A_220, %dma_start3A_221] : memref<262144x16xf32, #tpu.memory_space<hbm>> -> memref<262144x16xf32, #tpu.memory_space<hbm>>
      tpu.enqueue_indirect_dma source(%dma_start3A_222 : memref<262144x16xf32, #tpu.memory_space<hbm>>) target(%dma_start3A_217 : memref<128x16xf32, #tpu.memory_space<vmem>>) offsets(%dma_start3A_219 : memref<128xi32, #tpu.memory_space<vmem>>) semaphore(%arg46 : memref<!tpu.dma_semaphore, #tpu.memory_space<semaphore_mem>>)
      %dma_start3A_223 = arith.constant 0 : i32
      %dma_start3A_224 = arith.constant 0 : i32
      %dma_start3A_225 = tpu.memref_slice %arg41[%dma_start3A_223, %dma_start3A_224] : memref<512x16xf32, #tpu.memory_space<vmem>> -> memref<128x16xf32, #tpu.memory_space<vmem>>
      %dma_start3A_226 = arith.constant 0 : i32
      %dma_start3A_227 = tpu.memref_slice %arg16[%dma_start3A_226] : memref<512xi32, #tpu.memory_space<vmem>> -> memref<128xi32, #tpu.memory_space<vmem>>
      %dma_start3A_228 = arith.constant 0 : i32
      %dma_start3A_229 = arith.constant 0 : i32
      %dma_start3A_230 = tpu.memref_slice %arg6[%dma_start3A_228, %dma_start3A_229] : memref<262144x16xf32, #tpu.memory_space<hbm>> -> memref<262144x16xf32, #tpu.memory_space<hbm>>
      tpu.enqueue_indirect_dma source(%dma_start3A_230 : memref<262144x16xf32, #tpu.memory_space<hbm>>) target(%dma_start3A_225 : memref<128x16xf32, #tpu.memory_space<vmem>>) offsets(%dma_start3A_227 : memref<128xi32, #tpu.memory_space<vmem>>) semaphore(%arg46 : memref<!tpu.dma_semaphore, #tpu.memory_space<semaphore_mem>>)
      %dma_start3A_231 = arith.constant 128 : i32
      %dma_start3A_232 = arith.constant 0 : i32
      %dma_start3A_233 = tpu.memref_slice %arg38[%dma_start3A_231, %dma_start3A_232] : memref<512x16xf32, #tpu.memory_space<vmem>> -> memref<128x16xf32, #tpu.memory_space<vmem>>
      %dma_start3A_234 = arith.constant 128 : i32
      %dma_start3A_235 = tpu.memref_slice %arg13[%dma_start3A_234] : memref<512xi32, #tpu.memory_space<vmem>> -> memref<128xi32, #tpu.memory_space<vmem>>
      %dma_start3A_236 = arith.constant 0 : i32
      %dma_start3A_237 = arith.constant 0 : i32
      %dma_start3A_238 = tpu.memref_slice %arg6[%dma_start3A_236, %dma_start3A_237] : memref<262144x16xf32, #tpu.memory_space<hbm>> -> memref<262144x16xf32, #tpu.memory_space<hbm>>
      tpu.enqueue_indirect_dma source(%dma_start3A_238 : memref<262144x16xf32, #tpu.memory_space<hbm>>) target(%dma_start3A_233 : memref<128x16xf32, #tpu.memory_space<vmem>>) offsets(%dma_start3A_235 : memref<128xi32, #tpu.memory_space<vmem>>) semaphore(%arg46 : memref<!tpu.dma_semaphore, #tpu.memory_space<semaphore_mem>>)
      %dma_start3A_239 = arith.constant 128 : i32
      %dma_start3A_240 = arith.constant 0 : i32
      %dma_start3A_241 = tpu.memref_slice %arg39[%dma_start3A_239, %dma_start3A_240] : memref<512x16xf32, #tpu.memory_space<vmem>> -> memref<128x16xf32, #tpu.memory_space<vmem>>
      %dma_start3A_242 = arith.constant 128 : i32
      %dma_start3A_243 = tpu.memref_slice %arg14[%dma_start3A_242] : memref<512xi32, #tpu.memory_space<vmem>> -> memref<128xi32, #tpu.memory_space<vmem>>
      %dma_start3A_244 = arith.constant 0 : i32
      %dma_start3A_245 = arith.constant 0 : i32
      %dma_start3A_246 = tpu.memref_slice %arg6[%dma_start3A_244, %dma_start3A_245] : memref<262144x16xf32, #tpu.memory_space<hbm>> -> memref<262144x16xf32, #tpu.memory_space<hbm>>
      tpu.enqueue_indirect_dma source(%dma_start3A_246 : memref<262144x16xf32, #tpu.memory_space<hbm>>) target(%dma_start3A_241 : memref<128x16xf32, #tpu.memory_space<vmem>>) offsets(%dma_start3A_243 : memref<128xi32, #tpu.memory_space<vmem>>) semaphore(%arg46 : memref<!tpu.dma_semaphore, #tpu.memory_space<semaphore_mem>>)
      %dma_start3A_247 = arith.constant 128 : i32
      %dma_start3A_248 = arith.constant 0 : i32
      %dma_start3A_249 = tpu.memref_slice %arg40[%dma_start3A_247, %dma_start3A_248] : memref<512x16xf32, #tpu.memory_space<vmem>> -> memref<128x16xf32, #tpu.memory_space<vmem>>
      %dma_start3A_250 = arith.constant 128 : i32
      %dma_start3A_251 = tpu.memref_slice %arg15[%dma_start3A_250] : memref<512xi32, #tpu.memory_space<vmem>> -> memref<128xi32, #tpu.memory_space<vmem>>
      %dma_start3A_252 = arith.constant 0 : i32
      %dma_start3A_253 = arith.constant 0 : i32
      %dma_start3A_254 = tpu.memref_slice %arg6[%dma_start3A_252, %dma_start3A_253] : memref<262144x16xf32, #tpu.memory_space<hbm>> -> memref<262144x16xf32, #tpu.memory_space<hbm>>
      tpu.enqueue_indirect_dma source(%dma_start3A_254 : memref<262144x16xf32, #tpu.memory_space<hbm>>) target(%dma_start3A_249 : memref<128x16xf32, #tpu.memory_space<vmem>>) offsets(%dma_start3A_251 : memref<128xi32, #tpu.memory_space<vmem>>) semaphore(%arg46 : memref<!tpu.dma_semaphore, #tpu.memory_space<semaphore_mem>>)
      %dma_start3A_255 = arith.constant 128 : i32
      %dma_start3A_256 = arith.constant 0 : i32
      %dma_start3A_257 = tpu.memref_slice %arg41[%dma_start3A_255, %dma_start3A_256] : memref<512x16xf32, #tpu.memory_space<vmem>> -> memref<128x16xf32, #tpu.memory_space<vmem>>
      %dma_start3A_258 = arith.constant 128 : i32
      %dma_start3A_259 = tpu.memref_slice %arg16[%dma_start3A_258] : memref<512xi32, #tpu.memory_space<vmem>> -> memref<128xi32, #tpu.memory_space<vmem>>
      %dma_start3A_260 = arith.constant 0 : i32
      %dma_start3A_261 = arith.constant 0 : i32
      %dma_start3A_262 = tpu.memref_slice %arg6[%dma_start3A_260, %dma_start3A_261] : memref<262144x16xf32, #tpu.memory_space<hbm>> -> memref<262144x16xf32, #tpu.memory_space<hbm>>
      tpu.enqueue_indirect_dma source(%dma_start3A_262 : memref<262144x16xf32, #tpu.memory_space<hbm>>) target(%dma_start3A_257 : memref<128x16xf32, #tpu.memory_space<vmem>>) offsets(%dma_start3A_259 : memref<128xi32, #tpu.memory_space<vmem>>) semaphore(%arg46 : memref<!tpu.dma_semaphore, #tpu.memory_space<semaphore_mem>>)
      %dma_start3A_263 = arith.constant 256 : i32
      %dma_start3A_264 = arith.constant 0 : i32
      %dma_start3A_265 = tpu.memref_slice %arg38[%dma_start3A_263, %dma_start3A_264] : memref<512x16xf32, #tpu.memory_space<vmem>> -> memref<128x16xf32, #tpu.memory_space<vmem>>
      %dma_start3A_266 = arith.constant 256 : i32
      %dma_start3A_267 = tpu.memref_slice %arg13[%dma_start3A_266] : memref<512xi32, #tpu.memory_space<vmem>> -> memref<128xi32, #tpu.memory_space<vmem>>
      %dma_start3A_268 = arith.constant 0 : i32
      %dma_start3A_269 = arith.constant 0 : i32
      %dma_start3A_270 = tpu.memref_slice %arg6[%dma_start3A_268, %dma_start3A_269] : memref<262144x16xf32, #tpu.memory_space<hbm>> -> memref<262144x16xf32, #tpu.memory_space<hbm>>
      tpu.enqueue_indirect_dma source(%dma_start3A_270 : memref<262144x16xf32, #tpu.memory_space<hbm>>) target(%dma_start3A_265 : memref<128x16xf32, #tpu.memory_space<vmem>>) offsets(%dma_start3A_267 : memref<128xi32, #tpu.memory_space<vmem>>) semaphore(%arg46 : memref<!tpu.dma_semaphore, #tpu.memory_space<semaphore_mem>>)
      %dma_start3A_271 = arith.constant 256 : i32
      %dma_start3A_272 = arith.constant 0 : i32
      %dma_start3A_273 = tpu.memref_slice %arg39[%dma_start3A_271, %dma_start3A_272] : memref<512x16xf32, #tpu.memory_space<vmem>> -> memref<128x16xf32, #tpu.memory_space<vmem>>
      %dma_start3A_274 = arith.constant 256 : i32
      %dma_start3A_275 = tpu.memref_slice %arg14[%dma_start3A_274] : memref<512xi32, #tpu.memory_space<vmem>> -> memref<128xi32, #tpu.memory_space<vmem>>
      %dma_start3A_276 = arith.constant 0 : i32
      %dma_start3A_277 = arith.constant 0 : i32
      %dma_start3A_278 = tpu.memref_slice %arg6[%dma_start3A_276, %dma_start3A_277] : memref<262144x16xf32, #tpu.memory_space<hbm>> -> memref<262144x16xf32, #tpu.memory_space<hbm>>
      tpu.enqueue_indirect_dma source(%dma_start3A_278 : memref<262144x16xf32, #tpu.memory_space<hbm>>) target(%dma_start3A_273 : memref<128x16xf32, #tpu.memory_space<vmem>>) offsets(%dma_start3A_275 : memref<128xi32, #tpu.memory_space<vmem>>) semaphore(%arg46 : memref<!tpu.dma_semaphore, #tpu.memory_space<semaphore_mem>>)
      %dma_start3A_279 = arith.constant 256 : i32
      %dma_start3A_280 = arith.constant 0 : i32
      %dma_start3A_281 = tpu.memref_slice %arg40[%dma_start3A_279, %dma_start3A_280] : memref<512x16xf32, #tpu.memory_space<vmem>> -> memref<128x16xf32, #tpu.memory_space<vmem>>
      %dma_start3A_282 = arith.constant 256 : i32
      %dma_start3A_283 = tpu.memref_slice %arg15[%dma_start3A_282] : memref<512xi32, #tpu.memory_space<vmem>> -> memref<128xi32, #tpu.memory_space<vmem>>
      %dma_start3A_284 = arith.constant 0 : i32
      %dma_start3A_285 = arith.constant 0 : i32
      %dma_start3A_286 = tpu.memref_slice %arg6[%dma_start3A_284, %dma_start3A_285] : memref<262144x16xf32, #tpu.memory_space<hbm>> -> memref<262144x16xf32, #tpu.memory_space<hbm>>
      tpu.enqueue_indirect_dma source(%dma_start3A_286 : memref<262144x16xf32, #tpu.memory_space<hbm>>) target(%dma_start3A_281 : memref<128x16xf32, #tpu.memory_space<vmem>>) offsets(%dma_start3A_283 : memref<128xi32, #tpu.memory_space<vmem>>) semaphore(%arg46 : memref<!tpu.dma_semaphore, #tpu.memory_space<semaphore_mem>>)
      %dma_start3A_287 = arith.constant 256 : i32
      %dma_start3A_288 = arith.constant 0 : i32
      %dma_start3A_289 = tpu.memref_slice %arg41[%dma_start3A_287, %dma_start3A_288] : memref<512x16xf32, #tpu.memory_space<vmem>> -> memref<128x16xf32, #tpu.memory_space<vmem>>
      %dma_start3A_290 = arith.constant 256 : i32
      %dma_start3A_291 = tpu.memref_slice %arg16[%dma_start3A_290] : memref<512xi32, #tpu.memory_space<vmem>> -> memref<128xi32, #tpu.memory_space<vmem>>
      %dma_start3A_292 = arith.constant 0 : i32
      %dma_start3A_293 = arith.constant 0 : i32
      %dma_start3A_294 = tpu.memref_slice %arg6[%dma_start3A_292, %dma_start3A_293] : memref<262144x16xf32, #tpu.memory_space<hbm>> -> memref<262144x16xf32, #tpu.memory_space<hbm>>
      tpu.enqueue_indirect_dma source(%dma_start3A_294 : memref<262144x16xf32, #tpu.memory_space<hbm>>) target(%dma_start3A_289 : memref<128x16xf32, #tpu.memory_space<vmem>>) offsets(%dma_start3A_291 : memref<128xi32, #tpu.memory_space<vmem>>) semaphore(%arg46 : memref<!tpu.dma_semaphore, #tpu.memory_space<semaphore_mem>>)
      %dma_start3A_295 = arith.constant 384 : i32
      %dma_start3A_296 = arith.constant 0 : i32
      %dma_start3A_297 = tpu.memref_slice %arg38[%dma_start3A_295, %dma_start3A_296] : memref<512x16xf32, #tpu.memory_space<vmem>> -> memref<128x16xf32, #tpu.memory_space<vmem>>
      %dma_start3A_298 = arith.constant 384 : i32
      %dma_start3A_299 = tpu.memref_slice %arg13[%dma_start3A_298] : memref<512xi32, #tpu.memory_space<vmem>> -> memref<128xi32, #tpu.memory_space<vmem>>
      %dma_start3A_300 = arith.constant 0 : i32
      %dma_start3A_301 = arith.constant 0 : i32
      %dma_start3A_302 = tpu.memref_slice %arg6[%dma_start3A_300, %dma_start3A_301] : memref<262144x16xf32, #tpu.memory_space<hbm>> -> memref<262144x16xf32, #tpu.memory_space<hbm>>
      tpu.enqueue_indirect_dma source(%dma_start3A_302 : memref<262144x16xf32, #tpu.memory_space<hbm>>) target(%dma_start3A_297 : memref<128x16xf32, #tpu.memory_space<vmem>>) offsets(%dma_start3A_299 : memref<128xi32, #tpu.memory_space<vmem>>) semaphore(%arg46 : memref<!tpu.dma_semaphore, #tpu.memory_space<semaphore_mem>>)
      %dma_start3A_303 = arith.constant 384 : i32
      %dma_start3A_304 = arith.constant 0 : i32
      %dma_start3A_305 = tpu.memref_slice %arg39[%dma_start3A_303, %dma_start3A_304] : memref<512x16xf32, #tpu.memory_space<vmem>> -> memref<128x16xf32, #tpu.memory_space<vmem>>
      %dma_start3A_306 = arith.constant 384 : i32
      %dma_start3A_307 = tpu.memref_slice %arg14[%dma_start3A_306] : memref<512xi32, #tpu.memory_space<vmem>> -> memref<128xi32, #tpu.memory_space<vmem>>
      %dma_start3A_308 = arith.constant 0 : i32
      %dma_start3A_309 = arith.constant 0 : i32
      %dma_start3A_310 = tpu.memref_slice %arg6[%dma_start3A_308, %dma_start3A_309] : memref<262144x16xf32, #tpu.memory_space<hbm>> -> memref<262144x16xf32, #tpu.memory_space<hbm>>
      tpu.enqueue_indirect_dma source(%dma_start3A_310 : memref<262144x16xf32, #tpu.memory_space<hbm>>) target(%dma_start3A_305 : memref<128x16xf32, #tpu.memory_space<vmem>>) offsets(%dma_start3A_307 : memref<128xi32, #tpu.memory_space<vmem>>) semaphore(%arg46 : memref<!tpu.dma_semaphore, #tpu.memory_space<semaphore_mem>>)
      %dma_start3A_311 = arith.constant 384 : i32
      %dma_start3A_312 = arith.constant 0 : i32
      %dma_start3A_313 = tpu.memref_slice %arg40[%dma_start3A_311, %dma_start3A_312] : memref<512x16xf32, #tpu.memory_space<vmem>> -> memref<128x16xf32, #tpu.memory_space<vmem>>
      %dma_start3A_314 = arith.constant 384 : i32
      %dma_start3A_315 = tpu.memref_slice %arg15[%dma_start3A_314] : memref<512xi32, #tpu.memory_space<vmem>> -> memref<128xi32, #tpu.memory_space<vmem>>
      %dma_start3A_316 = arith.constant 0 : i32
      %dma_start3A_317 = arith.constant 0 : i32
      %dma_start3A_318 = tpu.memref_slice %arg6[%dma_start3A_316, %dma_start3A_317] : memref<262144x16xf32, #tpu.memory_space<hbm>> -> memref<262144x16xf32, #tpu.memory_space<hbm>>
      tpu.enqueue_indirect_dma source(%dma_start3A_318 : memref<262144x16xf32, #tpu.memory_space<hbm>>) target(%dma_start3A_313 : memref<128x16xf32, #tpu.memory_space<vmem>>) offsets(%dma_start3A_315 : memref<128xi32, #tpu.memory_space<vmem>>) semaphore(%arg46 : memref<!tpu.dma_semaphore, #tpu.memory_space<semaphore_mem>>)
      %dma_start3A_319 = arith.constant 384 : i32
      %dma_start3A_320 = arith.constant 0 : i32
      %dma_start3A_321 = tpu.memref_slice %arg41[%dma_start3A_319, %dma_start3A_320] : memref<512x16xf32, #tpu.memory_space<vmem>> -> memref<128x16xf32, #tpu.memory_space<vmem>>
      %dma_start3A_322 = arith.constant 384 : i32
      %dma_start3A_323 = tpu.memref_slice %arg16[%dma_start3A_322] : memref<512xi32, #tpu.memory_space<vmem>> -> memref<128xi32, #tpu.memory_space<vmem>>
      %dma_start3A_324 = arith.constant 0 : i32
      %dma_start3A_325 = arith.constant 0 : i32
      %dma_start3A_326 = tpu.memref_slice %arg6[%dma_start3A_324, %dma_start3A_325] : memref<262144x16xf32, #tpu.memory_space<hbm>> -> memref<262144x16xf32, #tpu.memory_space<hbm>>
      tpu.enqueue_indirect_dma source(%dma_start3A_326 : memref<262144x16xf32, #tpu.memory_space<hbm>>) target(%dma_start3A_321 : memref<128x16xf32, #tpu.memory_space<vmem>>) offsets(%dma_start3A_323 : memref<128xi32, #tpu.memory_space<vmem>>) semaphore(%arg46 : memref<!tpu.dma_semaphore, #tpu.memory_space<semaphore_mem>>)
      %dma_wait3A_327 = arith.constant 0 : i32
      %dma_wait3A_328 = arith.constant 0 : i32
      %dma_wait3A_329 = tpu.memref_slice %arg5[%dma_wait3A_327, %dma_wait3A_328] : memref<262144x16xf32, #tpu.memory_space<hbm>> -> memref<512x16xf32, #tpu.memory_space<hbm>>
      %dma_wait3A_330 = arith.constant 0 : i32
      %dma_wait3A_331 = arith.constant 0 : i32
      %dma_wait3A_332 = tpu.memref_slice %arg5[%dma_wait3A_330, %dma_wait3A_331] : memref<262144x16xf32, #tpu.memory_space<hbm>> -> memref<512x16xf32, #tpu.memory_space<hbm>>
      tpu.wait_dma2 semaphore(%arg45 : memref<!tpu.dma_semaphore, #tpu.memory_space<semaphore_mem>>) src(%dma_wait3A_332 : memref<512x16xf32, #tpu.memory_space<hbm>>) dst(%arg34 : memref<512x16xf32, #tpu.memory_space<vmem>>)
      %dma_wait3A_333 = arith.constant 0 : i32
      %dma_wait3A_334 = arith.constant 0 : i32
      %dma_wait3A_335 = tpu.memref_slice %arg5[%dma_wait3A_333, %dma_wait3A_334] : memref<262144x16xf32, #tpu.memory_space<hbm>> -> memref<512x16xf32, #tpu.memory_space<hbm>>
      %dma_wait3A_336 = arith.constant 0 : i32
      %dma_wait3A_337 = arith.constant 0 : i32
      %dma_wait3A_338 = tpu.memref_slice %arg5[%dma_wait3A_336, %dma_wait3A_337] : memref<262144x16xf32, #tpu.memory_space<hbm>> -> memref<512x16xf32, #tpu.memory_space<hbm>>
      tpu.wait_dma2 semaphore(%arg45 : memref<!tpu.dma_semaphore, #tpu.memory_space<semaphore_mem>>) src(%dma_wait3A_338 : memref<512x16xf32, #tpu.memory_space<hbm>>) dst(%arg35 : memref<512x16xf32, #tpu.memory_space<vmem>>)
      %dma_wait3A_339 = arith.constant 0 : i32
      %dma_wait3A_340 = arith.constant 0 : i32
      %dma_wait3A_341 = tpu.memref_slice %arg5[%dma_wait3A_339, %dma_wait3A_340] : memref<262144x16xf32, #tpu.memory_space<hbm>> -> memref<512x16xf32, #tpu.memory_space<hbm>>
      %dma_wait3A_342 = arith.constant 0 : i32
      %dma_wait3A_343 = arith.constant 0 : i32
      %dma_wait3A_344 = tpu.memref_slice %arg5[%dma_wait3A_342, %dma_wait3A_343] : memref<262144x16xf32, #tpu.memory_space<hbm>> -> memref<512x16xf32, #tpu.memory_space<hbm>>
      tpu.wait_dma2 semaphore(%arg45 : memref<!tpu.dma_semaphore, #tpu.memory_space<semaphore_mem>>) src(%dma_wait3A_344 : memref<512x16xf32, #tpu.memory_space<hbm>>) dst(%arg36 : memref<512x16xf32, #tpu.memory_space<vmem>>)
      %dma_wait3A_345 = arith.constant 0 : i32
      %dma_wait3A_346 = arith.constant 0 : i32
      %dma_wait3A_347 = tpu.memref_slice %arg5[%dma_wait3A_345, %dma_wait3A_346] : memref<262144x16xf32, #tpu.memory_space<hbm>> -> memref<512x16xf32, #tpu.memory_space<hbm>>
      %dma_wait3A_348 = arith.constant 0 : i32
      %dma_wait3A_349 = arith.constant 0 : i32
      %dma_wait3A_350 = tpu.memref_slice %arg5[%dma_wait3A_348, %dma_wait3A_349] : memref<262144x16xf32, #tpu.memory_space<hbm>> -> memref<512x16xf32, #tpu.memory_space<hbm>>
      tpu.wait_dma2 semaphore(%arg45 : memref<!tpu.dma_semaphore, #tpu.memory_space<semaphore_mem>>) src(%dma_wait3A_350 : memref<512x16xf32, #tpu.memory_space<hbm>>) dst(%arg37 : memref<512x16xf32, #tpu.memory_space<vmem>>)
      %dma_wait3A_351 = arith.constant 0 : i32
      %dma_wait3A_352 = arith.constant 0 : i32
      %dma_wait3A_353 = tpu.memref_slice %arg8[%dma_wait3A_351, %dma_wait3A_352] : memref<1048576x48xf32, #tpu.memory_space<hbm>> -> memref<512x48xf32, #tpu.memory_space<hbm>>
      %dma_wait3A_354 = arith.constant 0 : i32
      %dma_wait3A_355 = arith.constant 0 : i32
      %dma_wait3A_356 = tpu.memref_slice %arg8[%dma_wait3A_354, %dma_wait3A_355] : memref<1048576x48xf32, #tpu.memory_space<hbm>> -> memref<512x48xf32, #tpu.memory_space<hbm>>
      tpu.wait_dma2 semaphore(%arg42 : memref<!tpu.dma_semaphore, #tpu.memory_space<semaphore_mem>>) src(%dma_wait3A_356 : memref<512x48xf32, #tpu.memory_space<hbm>>) dst(%arg33 : memref<512x48xf32, #tpu.memory_space<vmem>>)
      %mul3A_357 = arith.constant 2 : i32
      %mul3A_358 = arith.muli %mul3A_357, %scan3A_190 : i32
      %add3A_359 = arith.constant 0 : i32
      %add3A_360 = arith.addi %mul3A_358, %add3A_359 : i32
      %mul3A_361 = arith.constant 2 : i32
      %mul3A_362 = arith.muli %mul3A_361, %scan3A_190 : i32
      %add3A_363 = arith.constant 0 : i32
      %add3A_364 = arith.addi %mul3A_362, %add3A_363 : i32
      %mul3A_365 = arith.constant 2 : i32
      %mul3A_366 = arith.muli %mul3A_365, %scan3A_190 : i32
      %add3A_367 = arith.constant 1 : i32
      %add3A_368 = arith.addi %mul3A_366, %add3A_367 : i32
      %min3A = arith.constant 63 : i32
      %min3A_369 = arith.minsi %add3A_368, %min3A : i32
      %mul3A_370 = arith.constant 512 : i32
      %mul3A_371 = arith.muli %min3A_369, %mul3A_370 : i32
      %add3A_372 = arith.addi %mul3A_2, %mul3A_371 : i32
      %dma_start3A_373 = tpu.memref_slice %arg2[%add3A_372] : memref<1048576xf32, #tpu.memory_space<hbm>> -> memref<512xf32, #tpu.memory_space<hbm>>
      %dma_start3A_374 = tpu.memref_slice %arg2[%add3A_372] : memref<1048576xf32, #tpu.memory_space<hbm>> -> memref<512xf32, #tpu.memory_space<hbm>>
      tpu.enqueue_dma source(%dma_start3A_374 : memref<512xf32, #tpu.memory_space<hbm>>) target(%arg56 : memref<512xf32, #tpu.memory_space<vmem>>) target_semaphore(%arg44 : memref<!tpu.dma_semaphore, #tpu.memory_space<semaphore_mem>>)
      %dma_start3A_375 = tpu.memref_slice %arg3[%add3A_372] : memref<1048576xf32, #tpu.memory_space<hbm>> -> memref<512xf32, #tpu.memory_space<hbm>>
      %dma_start3A_376 = tpu.memref_slice %arg3[%add3A_372] : memref<1048576xf32, #tpu.memory_space<hbm>> -> memref<512xf32, #tpu.memory_space<hbm>>
      tpu.enqueue_dma source(%dma_start3A_376 : memref<512xf32, #tpu.memory_space<hbm>>) target(%arg57 : memref<512xf32, #tpu.memory_space<vmem>>) target_semaphore(%arg44 : memref<!tpu.dma_semaphore, #tpu.memory_space<semaphore_mem>>)
      %dma_start3A_377 = tpu.memref_slice %arg4[%add3A_372] : memref<1048576xf32, #tpu.memory_space<hbm>> -> memref<512xf32, #tpu.memory_space<hbm>>
      %dma_start3A_378 = tpu.memref_slice %arg4[%add3A_372] : memref<1048576xf32, #tpu.memory_space<hbm>> -> memref<512xf32, #tpu.memory_space<hbm>>
      tpu.enqueue_dma source(%dma_start3A_378 : memref<512xf32, #tpu.memory_space<hbm>>) target(%arg58 : memref<512xf32, #tpu.memory_space<vmem>>) target_semaphore(%arg44 : memref<!tpu.dma_semaphore, #tpu.memory_space<semaphore_mem>>)
      %dma_start3A_379 = arith.constant 0 : i32
      %dma_start3A_380 = arith.constant 0 : i32
      %dma_start3A_381 = tpu.memref_slice %arg34[%dma_start3A_379, %dma_start3A_380] : memref<512x16xf32, #tpu.memory_space<vmem>> -> memref<128x16xf32, #tpu.memory_space<vmem>>
      %dma_start3A_382 = arith.constant 0 : i32
      %dma_start3A_383 = tpu.memref_slice %arg17[%dma_start3A_382] : memref<512xi32, #tpu.memory_space<vmem>> -> memref<128xi32, #tpu.memory_space<vmem>>
      %dma_start3A_384 = arith.constant 0 : i32
      %dma_start3A_385 = arith.constant 0 : i32
      %dma_start3A_386 = tpu.memref_slice %arg7[%dma_start3A_384, %dma_start3A_385] : memref<262144x16xf32, #tpu.memory_space<hbm>> -> memref<262144x16xf32, #tpu.memory_space<hbm>>
      tpu.enqueue_indirect_dma source(%dma_start3A_386 : memref<262144x16xf32, #tpu.memory_space<hbm>>) target(%dma_start3A_381 : memref<128x16xf32, #tpu.memory_space<vmem>>) offsets(%dma_start3A_383 : memref<128xi32, #tpu.memory_space<vmem>>) semaphore(%arg45 : memref<!tpu.dma_semaphore, #tpu.memory_space<semaphore_mem>>)
      %dma_start3A_387 = arith.constant 0 : i32
      %dma_start3A_388 = arith.constant 0 : i32
      %dma_start3A_389 = tpu.memref_slice %arg35[%dma_start3A_387, %dma_start3A_388] : memref<512x16xf32, #tpu.memory_space<vmem>> -> memref<128x16xf32, #tpu.memory_space<vmem>>
      %dma_start3A_390 = arith.constant 0 : i32
      %dma_start3A_391 = tpu.memref_slice %arg18[%dma_start3A_390] : memref<512xi32, #tpu.memory_space<vmem>> -> memref<128xi32, #tpu.memory_space<vmem>>
      %dma_start3A_392 = arith.constant 0 : i32
      %dma_start3A_393 = arith.constant 0 : i32
      %dma_start3A_394 = tpu.memref_slice %arg7[%dma_start3A_392, %dma_start3A_393] : memref<262144x16xf32, #tpu.memory_space<hbm>> -> memref<262144x16xf32, #tpu.memory_space<hbm>>
      tpu.enqueue_indirect_dma source(%dma_start3A_394 : memref<262144x16xf32, #tpu.memory_space<hbm>>) target(%dma_start3A_389 : memref<128x16xf32, #tpu.memory_space<vmem>>) offsets(%dma_start3A_391 : memref<128xi32, #tpu.memory_space<vmem>>) semaphore(%arg45 : memref<!tpu.dma_semaphore, #tpu.memory_space<semaphore_mem>>)
      %dma_start3A_395 = arith.constant 0 : i32
      %dma_start3A_396 = arith.constant 0 : i32
      %dma_start3A_397 = tpu.memref_slice %arg36[%dma_start3A_395, %dma_start3A_396] : memref<512x16xf32, #tpu.memory_space<vmem>> -> memref<128x16xf32, #tpu.memory_space<vmem>>
      %dma_start3A_398 = arith.constant 0 : i32
      %dma_start3A_399 = tpu.memref_slice %arg19[%dma_start3A_398] : memref<512xi32, #tpu.memory_space<vmem>> -> memref<128xi32, #tpu.memory_space<vmem>>
      %dma_start3A_400 = arith.constant 0 : i32
      %dma_start3A_401 = arith.constant 0 : i32
      %dma_start3A_402 = tpu.memref_slice %arg7[%dma_start3A_400, %dma_start3A_401] : memref<262144x16xf32, #tpu.memory_space<hbm>> -> memref<262144x16xf32, #tpu.memory_space<hbm>>
      tpu.enqueue_indirect_dma source(%dma_start3A_402 : memref<262144x16xf32, #tpu.memory_space<hbm>>) target(%dma_start3A_397 : memref<128x16xf32, #tpu.memory_space<vmem>>) offsets(%dma_start3A_399 : memref<128xi32, #tpu.memory_space<vmem>>) semaphore(%arg45 : memref<!tpu.dma_semaphore, #tpu.memory_space<semaphore_mem>>)
      %dma_start3A_403 = arith.constant 0 : i32
      %dma_start3A_404 = arith.constant 0 : i32
      %dma_start3A_405 = tpu.memref_slice %arg37[%dma_start3A_403, %dma_start3A_404] : memref<512x16xf32, #tpu.memory_space<vmem>> -> memref<128x16xf32, #tpu.memory_space<vmem>>
      %dma_start3A_406 = arith.constant 0 : i32
      %dma_start3A_407 = tpu.memref_slice %arg20[%dma_start3A_406] : memref<512xi32, #tpu.memory_space<vmem>> -> memref<128xi32, #tpu.memory_space<vmem>>
      %dma_start3A_408 = arith.constant 0 : i32
      %dma_start3A_409 = arith.constant 0 : i32
      %dma_start3A_410 = tpu.memref_slice %arg7[%dma_start3A_408, %dma_start3A_409] : memref<262144x16xf32, #tpu.memory_space<hbm>> -> memref<262144x16xf32, #tpu.memory_space<hbm>>
      tpu.enqueue_indirect_dma source(%dma_start3A_410 : memref<262144x16xf32, #tpu.memory_space<hbm>>) target(%dma_start3A_405 : memref<128x16xf32, #tpu.memory_space<vmem>>) offsets(%dma_start3A_407 : memref<128xi32, #tpu.memory_space<vmem>>) semaphore(%arg45 : memref<!tpu.dma_semaphore, #tpu.memory_space<semaphore_mem>>)
      %dma_start3A_411 = arith.constant 128 : i32
      %dma_start3A_412 = arith.constant 0 : i32
      %dma_start3A_413 = tpu.memref_slice %arg34[%dma_start3A_411, %dma_start3A_412] : memref<512x16xf32, #tpu.memory_space<vmem>> -> memref<128x16xf32, #tpu.memory_space<vmem>>
      %dma_start3A_414 = arith.constant 128 : i32
      %dma_start3A_415 = tpu.memref_slice %arg17[%dma_start3A_414] : memref<512xi32, #tpu.memory_space<vmem>> -> memref<128xi32, #tpu.memory_space<vmem>>
      %dma_start3A_416 = arith.constant 0 : i32
      %dma_start3A_417 = arith.constant 0 : i32
      %dma_start3A_418 = tpu.memref_slice %arg7[%dma_start3A_416, %dma_start3A_417] : memref<262144x16xf32, #tpu.memory_space<hbm>> -> memref<262144x16xf32, #tpu.memory_space<hbm>>
      tpu.enqueue_indirect_dma source(%dma_start3A_418 : memref<262144x16xf32, #tpu.memory_space<hbm>>) target(%dma_start3A_413 : memref<128x16xf32, #tpu.memory_space<vmem>>) offsets(%dma_start3A_415 : memref<128xi32, #tpu.memory_space<vmem>>) semaphore(%arg45 : memref<!tpu.dma_semaphore, #tpu.memory_space<semaphore_mem>>)
      %dma_start3A_419 = arith.constant 128 : i32
      %dma_start3A_420 = arith.constant 0 : i32
      %dma_start3A_421 = tpu.memref_slice %arg35[%dma_start3A_419, %dma_start3A_420] : memref<512x16xf32, #tpu.memory_space<vmem>> -> memref<128x16xf32, #tpu.memory_space<vmem>>
      %dma_start3A_422 = arith.constant 128 : i32
      %dma_start3A_423 = tpu.memref_slice %arg18[%dma_start3A_422] : memref<512xi32, #tpu.memory_space<vmem>> -> memref<128xi32, #tpu.memory_space<vmem>>
      %dma_start3A_424 = arith.constant 0 : i32
      %dma_start3A_425 = arith.constant 0 : i32
      %dma_start3A_426 = tpu.memref_slice %arg7[%dma_start3A_424, %dma_start3A_425] : memref<262144x16xf32, #tpu.memory_space<hbm>> -> memref<262144x16xf32, #tpu.memory_space<hbm>>
      tpu.enqueue_indirect_dma source(%dma_start3A_426 : memref<262144x16xf32, #tpu.memory_space<hbm>>) target(%dma_start3A_421 : memref<128x16xf32, #tpu.memory_space<vmem>>) offsets(%dma_start3A_423 : memref<128xi32, #tpu.memory_space<vmem>>) semaphore(%arg45 : memref<!tpu.dma_semaphore, #tpu.memory_space<semaphore_mem>>)
      %dma_start3A_427 = arith.constant 128 : i32
      %dma_start3A_428 = arith.constant 0 : i32
      %dma_start3A_429 = tpu.memref_slice %arg36[%dma_start3A_427, %dma_start3A_428] : memref<512x16xf32, #tpu.memory_space<vmem>> -> memref<128x16xf32, #tpu.memory_space<vmem>>
      %dma_start3A_430 = arith.constant 128 : i32
      %dma_start3A_431 = tpu.memref_slice %arg19[%dma_start3A_430] : memref<512xi32, #tpu.memory_space<vmem>> -> memref<128xi32, #tpu.memory_space<vmem>>
      %dma_start3A_432 = arith.constant 0 : i32
      %dma_start3A_433 = arith.constant 0 : i32
      %dma_start3A_434 = tpu.memref_slice %arg7[%dma_start3A_432, %dma_start3A_433] : memref<262144x16xf32, #tpu.memory_space<hbm>> -> memref<262144x16xf32, #tpu.memory_space<hbm>>
      tpu.enqueue_indirect_dma source(%dma_start3A_434 : memref<262144x16xf32, #tpu.memory_space<hbm>>) target(%dma_start3A_429 : memref<128x16xf32, #tpu.memory_space<vmem>>) offsets(%dma_start3A_431 : memref<128xi32, #tpu.memory_space<vmem>>) semaphore(%arg45 : memref<!tpu.dma_semaphore, #tpu.memory_space<semaphore_mem>>)
      %dma_start3A_435 = arith.constant 128 : i32
      %dma_start3A_436 = arith.constant 0 : i32
      %dma_start3A_437 = tpu.memref_slice %arg37[%dma_start3A_435, %dma_start3A_436] : memref<512x16xf32, #tpu.memory_space<vmem>> -> memref<128x16xf32, #tpu.memory_space<vmem>>
      %dma_start3A_438 = arith.constant 128 : i32
      %dma_start3A_439 = tpu.memref_slice %arg20[%dma_start3A_438] : memref<512xi32, #tpu.memory_space<vmem>> -> memref<128xi32, #tpu.memory_space<vmem>>
      %dma_start3A_440 = arith.constant 0 : i32
      %dma_start3A_441 = arith.constant 0 : i32
      %dma_start3A_442 = tpu.memref_slice %arg7[%dma_start3A_440, %dma_start3A_441] : memref<262144x16xf32, #tpu.memory_space<hbm>> -> memref<262144x16xf32, #tpu.memory_space<hbm>>
      tpu.enqueue_indirect_dma source(%dma_start3A_442 : memref<262144x16xf32, #tpu.memory_space<hbm>>) target(%dma_start3A_437 : memref<128x16xf32, #tpu.memory_space<vmem>>) offsets(%dma_start3A_439 : memref<128xi32, #tpu.memory_space<vmem>>) semaphore(%arg45 : memref<!tpu.dma_semaphore, #tpu.memory_space<semaphore_mem>>)
      %dma_start3A_443 = arith.constant 256 : i32
      %dma_start3A_444 = arith.constant 0 : i32
      %dma_start3A_445 = tpu.memref_slice %arg34[%dma_start3A_443, %dma_start3A_444] : memref<512x16xf32, #tpu.memory_space<vmem>> -> memref<128x16xf32, #tpu.memory_space<vmem>>
      %dma_start3A_446 = arith.constant 256 : i32
      %dma_start3A_447 = tpu.memref_slice %arg17[%dma_start3A_446] : memref<512xi32, #tpu.memory_space<vmem>> -> memref<128xi32, #tpu.memory_space<vmem>>
      %dma_start3A_448 = arith.constant 0 : i32
      %dma_start3A_449 = arith.constant 0 : i32
      %dma_start3A_450 = tpu.memref_slice %arg7[%dma_start3A_448, %dma_start3A_449] : memref<262144x16xf32, #tpu.memory_space<hbm>> -> memref<262144x16xf32, #tpu.memory_space<hbm>>
      tpu.enqueue_indirect_dma source(%dma_start3A_450 : memref<262144x16xf32, #tpu.memory_space<hbm>>) target(%dma_start3A_445 : memref<128x16xf32, #tpu.memory_space<vmem>>) offsets(%dma_start3A_447 : memref<128xi32, #tpu.memory_space<vmem>>) semaphore(%arg45 : memref<!tpu.dma_semaphore, #tpu.memory_space<semaphore_mem>>)
      %dma_start3A_451 = arith.constant 256 : i32
      %dma_start3A_452 = arith.constant 0 : i32
      %dma_start3A_453 = tpu.memref_slice %arg35[%dma_start3A_451, %dma_start3A_452] : memref<512x16xf32, #tpu.memory_space<vmem>> -> memref<128x16xf32, #tpu.memory_space<vmem>>
      %dma_start3A_454 = arith.constant 256 : i32
      %dma_start3A_455 = tpu.memref_slice %arg18[%dma_start3A_454] : memref<512xi32, #tpu.memory_space<vmem>> -> memref<128xi32, #tpu.memory_space<vmem>>
      %dma_start3A_456 = arith.constant 0 : i32
      %dma_start3A_457 = arith.constant 0 : i32
      %dma_start3A_458 = tpu.memref_slice %arg7[%dma_start3A_456, %dma_start3A_457] : memref<262144x16xf32, #tpu.memory_space<hbm>> -> memref<262144x16xf32, #tpu.memory_space<hbm>>
      tpu.enqueue_indirect_dma source(%dma_start3A_458 : memref<262144x16xf32, #tpu.memory_space<hbm>>) target(%dma_start3A_453 : memref<128x16xf32, #tpu.memory_space<vmem>>) offsets(%dma_start3A_455 : memref<128xi32, #tpu.memory_space<vmem>>) semaphore(%arg45 : memref<!tpu.dma_semaphore, #tpu.memory_space<semaphore_mem>>)
      %dma_start3A_459 = arith.constant 256 : i32
      %dma_start3A_460 = arith.constant 0 : i32
      %dma_start3A_461 = tpu.memref_slice %arg36[%dma_start3A_459, %dma_start3A_460] : memref<512x16xf32, #tpu.memory_space<vmem>> -> memref<128x16xf32, #tpu.memory_space<vmem>>
      %dma_start3A_462 = arith.constant 256 : i32
      %dma_start3A_463 = tpu.memref_slice %arg19[%dma_start3A_462] : memref<512xi32, #tpu.memory_space<vmem>> -> memref<128xi32, #tpu.memory_space<vmem>>
      %dma_start3A_464 = arith.constant 0 : i32
      %dma_start3A_465 = arith.constant 0 : i32
      %dma_start3A_466 = tpu.memref_slice %arg7[%dma_start3A_464, %dma_start3A_465] : memref<262144x16xf32, #tpu.memory_space<hbm>> -> memref<262144x16xf32, #tpu.memory_space<hbm>>
      tpu.enqueue_indirect_dma source(%dma_start3A_466 : memref<262144x16xf32, #tpu.memory_space<hbm>>) target(%dma_start3A_461 : memref<128x16xf32, #tpu.memory_space<vmem>>) offsets(%dma_start3A_463 : memref<128xi32, #tpu.memory_space<vmem>>) semaphore(%arg45 : memref<!tpu.dma_semaphore, #tpu.memory_space<semaphore_mem>>)
      %dma_start3A_467 = arith.constant 256 : i32
      %dma_start3A_468 = arith.constant 0 : i32
      %dma_start3A_469 = tpu.memref_slice %arg37[%dma_start3A_467, %dma_start3A_468] : memref<512x16xf32, #tpu.memory_space<vmem>> -> memref<128x16xf32, #tpu.memory_space<vmem>>
      %dma_start3A_470 = arith.constant 256 : i32
      %dma_start3A_471 = tpu.memref_slice %arg20[%dma_start3A_470] : memref<512xi32, #tpu.memory_space<vmem>> -> memref<128xi32, #tpu.memory_space<vmem>>
      %dma_start3A_472 = arith.constant 0 : i32
      %dma_start3A_473 = arith.constant 0 : i32
      %dma_start3A_474 = tpu.memref_slice %arg7[%dma_start3A_472, %dma_start3A_473] : memref<262144x16xf32, #tpu.memory_space<hbm>> -> memref<262144x16xf32, #tpu.memory_space<hbm>>
      tpu.enqueue_indirect_dma source(%dma_start3A_474 : memref<262144x16xf32, #tpu.memory_space<hbm>>) target(%dma_start3A_469 : memref<128x16xf32, #tpu.memory_space<vmem>>) offsets(%dma_start3A_471 : memref<128xi32, #tpu.memory_space<vmem>>) semaphore(%arg45 : memref<!tpu.dma_semaphore, #tpu.memory_space<semaphore_mem>>)
      %dma_start3A_475 = arith.constant 384 : i32
      %dma_start3A_476 = arith.constant 0 : i32
      %dma_start3A_477 = tpu.memref_slice %arg34[%dma_start3A_475, %dma_start3A_476] : memref<512x16xf32, #tpu.memory_space<vmem>> -> memref<128x16xf32, #tpu.memory_space<vmem>>
      %dma_start3A_478 = arith.constant 384 : i32
      %dma_start3A_479 = tpu.memref_slice %arg17[%dma_start3A_478] : memref<512xi32, #tpu.memory_space<vmem>> -> memref<128xi32, #tpu.memory_space<vmem>>
      %dma_start3A_480 = arith.constant 0 : i32
      %dma_start3A_481 = arith.constant 0 : i32
      %dma_start3A_482 = tpu.memref_slice %arg7[%dma_start3A_480, %dma_start3A_481] : memref<262144x16xf32, #tpu.memory_space<hbm>> -> memref<262144x16xf32, #tpu.memory_space<hbm>>
      tpu.enqueue_indirect_dma source(%dma_start3A_482 : memref<262144x16xf32, #tpu.memory_space<hbm>>) target(%dma_start3A_477 : memref<128x16xf32, #tpu.memory_space<vmem>>) offsets(%dma_start3A_479 : memref<128xi32, #tpu.memory_space<vmem>>) semaphore(%arg45 : memref<!tpu.dma_semaphore, #tpu.memory_space<semaphore_mem>>)
      %dma_start3A_483 = arith.constant 384 : i32
      %dma_start3A_484 = arith.constant 0 : i32
      %dma_start3A_485 = tpu.memref_slice %arg35[%dma_start3A_483, %dma_start3A_484] : memref<512x16xf32, #tpu.memory_space<vmem>> -> memref<128x16xf32, #tpu.memory_space<vmem>>
      %dma_start3A_486 = arith.constant 384 : i32
      %dma_start3A_487 = tpu.memref_slice %arg18[%dma_start3A_486] : memref<512xi32, #tpu.memory_space<vmem>> -> memref<128xi32, #tpu.memory_space<vmem>>
      %dma_start3A_488 = arith.constant 0 : i32
      %dma_start3A_489 = arith.constant 0 : i32
      %dma_start3A_490 = tpu.memref_slice %arg7[%dma_start3A_488, %dma_start3A_489] : memref<262144x16xf32, #tpu.memory_space<hbm>> -> memref<262144x16xf32, #tpu.memory_space<hbm>>
      tpu.enqueue_indirect_dma source(%dma_start3A_490 : memref<262144x16xf32, #tpu.memory_space<hbm>>) target(%dma_start3A_485 : memref<128x16xf32, #tpu.memory_space<vmem>>) offsets(%dma_start3A_487 : memref<128xi32, #tpu.memory_space<vmem>>) semaphore(%arg45 : memref<!tpu.dma_semaphore, #tpu.memory_space<semaphore_mem>>)
      %dma_start3A_491 = arith.constant 384 : i32
      %dma_start3A_492 = arith.constant 0 : i32
      %dma_start3A_493 = tpu.memref_slice %arg36[%dma_start3A_491, %dma_start3A_492] : memref<512x16xf32, #tpu.memory_space<vmem>> -> memref<128x16xf32, #tpu.memory_space<vmem>>
      %dma_start3A_494 = arith.constant 384 : i32
      %dma_start3A_495 = tpu.memref_slice %arg19[%dma_start3A_494] : memref<512xi32, #tpu.memory_space<vmem>> -> memref<128xi32, #tpu.memory_space<vmem>>
      %dma_start3A_496 = arith.constant 0 : i32
      %dma_start3A_497 = arith.constant 0 : i32
      %dma_start3A_498 = tpu.memref_slice %arg7[%dma_start3A_496, %dma_start3A_497] : memref<262144x16xf32, #tpu.memory_space<hbm>> -> memref<262144x16xf32, #tpu.memory_space<hbm>>
      tpu.enqueue_indirect_dma source(%dma_start3A_498 : memref<262144x16xf32, #tpu.memory_space<hbm>>) target(%dma_start3A_493 : memref<128x16xf32, #tpu.memory_space<vmem>>) offsets(%dma_start3A_495 : memref<128xi32, #tpu.memory_space<vmem>>) semaphore(%arg45 : memref<!tpu.dma_semaphore, #tpu.memory_space<semaphore_mem>>)
      %dma_start3A_499 = arith.constant 384 : i32
      %dma_start3A_500 = arith.constant 0 : i32
      %dma_start3A_501 = tpu.memref_slice %arg37[%dma_start3A_499, %dma_start3A_500] : memref<512x16xf32, #tpu.memory_space<vmem>> -> memref<128x16xf32, #tpu.memory_space<vmem>>
      %dma_start3A_502 = arith.constant 384 : i32
      %dma_start3A_503 = tpu.memref_slice %arg20[%dma_start3A_502] : memref<512xi32, #tpu.memory_space<vmem>> -> memref<128xi32, #tpu.memory_space<vmem>>
      %dma_start3A_504 = arith.constant 0 : i32
      %dma_start3A_505 = arith.constant 0 : i32
      %dma_start3A_506 = tpu.memref_slice %arg7[%dma_start3A_504, %dma_start3A_505] : memref<262144x16xf32, #tpu.memory_space<hbm>> -> memref<262144x16xf32, #tpu.memory_space<hbm>>
      tpu.enqueue_indirect_dma source(%dma_start3A_506 : memref<262144x16xf32, #tpu.memory_space<hbm>>) target(%dma_start3A_501 : memref<128x16xf32, #tpu.memory_space<vmem>>) offsets(%dma_start3A_503 : memref<128xi32, #tpu.memory_space<vmem>>) semaphore(%arg45 : memref<!tpu.dma_semaphore, #tpu.memory_space<semaphore_mem>>)
      %dma_wait3A_507 = arith.constant 0 : i32
      %dma_wait3A_508 = arith.constant 0 : i32
      %dma_wait3A_509 = tpu.memref_slice %arg5[%dma_wait3A_507, %dma_wait3A_508] : memref<262144x16xf32, #tpu.memory_space<hbm>> -> memref<512x16xf32, #tpu.memory_space<hbm>>
      %dma_wait3A_510 = arith.constant 0 : i32
      %dma_wait3A_511 = arith.constant 0 : i32
      %dma_wait3A_512 = tpu.memref_slice %arg5[%dma_wait3A_510, %dma_wait3A_511] : memref<262144x16xf32, #tpu.memory_space<hbm>> -> memref<512x16xf32, #tpu.memory_space<hbm>>
      tpu.wait_dma2 semaphore(%arg46 : memref<!tpu.dma_semaphore, #tpu.memory_space<semaphore_mem>>) src(%dma_wait3A_512 : memref<512x16xf32, #tpu.memory_space<hbm>>) dst(%arg38 : memref<512x16xf32, #tpu.memory_space<vmem>>)
      %dma_wait3A_513 = arith.constant 0 : i32
      %dma_wait3A_514 = arith.constant 0 : i32
      %dma_wait3A_515 = tpu.memref_slice %arg5[%dma_wait3A_513, %dma_wait3A_514] : memref<262144x16xf32, #tpu.memory_space<hbm>> -> memref<512x16xf32, #tpu.memory_space<hbm>>
      %dma_wait3A_516 = arith.constant 0 : i32
      %dma_wait3A_517 = arith.constant 0 : i32
      %dma_wait3A_518 = tpu.memref_slice %arg5[%dma_wait3A_516, %dma_wait3A_517] : memref<262144x16xf32, #tpu.memory_space<hbm>> -> memref<512x16xf32, #tpu.memory_space<hbm>>
      tpu.wait_dma2 semaphore(%arg46 : memref<!tpu.dma_semaphore, #tpu.memory_space<semaphore_mem>>) src(%dma_wait3A_518 : memref<512x16xf32, #tpu.memory_space<hbm>>) dst(%arg39 : memref<512x16xf32, #tpu.memory_space<vmem>>)
      %dma_wait3A_519 = arith.constant 0 : i32
      %dma_wait3A_520 = arith.constant 0 : i32
      %dma_wait3A_521 = tpu.memref_slice %arg5[%dma_wait3A_519, %dma_wait3A_520] : memref<262144x16xf32, #tpu.memory_space<hbm>> -> memref<512x16xf32, #tpu.memory_space<hbm>>
      %dma_wait3A_522 = arith.constant 0 : i32
      %dma_wait3A_523 = arith.constant 0 : i32
      %dma_wait3A_524 = tpu.memref_slice %arg5[%dma_wait3A_522, %dma_wait3A_523] : memref<262144x16xf32, #tpu.memory_space<hbm>> -> memref<512x16xf32, #tpu.memory_space<hbm>>
      tpu.wait_dma2 semaphore(%arg46 : memref<!tpu.dma_semaphore, #tpu.memory_space<semaphore_mem>>) src(%dma_wait3A_524 : memref<512x16xf32, #tpu.memory_space<hbm>>) dst(%arg40 : memref<512x16xf32, #tpu.memory_space<vmem>>)
      %dma_wait3A_525 = arith.constant 0 : i32
      %dma_wait3A_526 = arith.constant 0 : i32
      %dma_wait3A_527 = tpu.memref_slice %arg5[%dma_wait3A_525, %dma_wait3A_526] : memref<262144x16xf32, #tpu.memory_space<hbm>> -> memref<512x16xf32, #tpu.memory_space<hbm>>
      %dma_wait3A_528 = arith.constant 0 : i32
      %dma_wait3A_529 = arith.constant 0 : i32
      %dma_wait3A_530 = tpu.memref_slice %arg5[%dma_wait3A_528, %dma_wait3A_529] : memref<262144x16xf32, #tpu.memory_space<hbm>> -> memref<512x16xf32, #tpu.memory_space<hbm>>
      tpu.wait_dma2 semaphore(%arg46 : memref<!tpu.dma_semaphore, #tpu.memory_space<semaphore_mem>>) src(%dma_wait3A_530 : memref<512x16xf32, #tpu.memory_space<hbm>>) dst(%arg41 : memref<512x16xf32, #tpu.memory_space<vmem>>)
      %mul3A_531 = arith.constant 2 : i32
      %mul3A_532 = arith.muli %mul3A_531, %scan3A_190 : i32
      %add3A_533 = arith.constant 0 : i32
      %add3A_534 = arith.addi %mul3A_532, %add3A_533 : i32
      %mul3A_535 = arith.constant 2 : i32
      %mul3A_536 = arith.muli %mul3A_535, %scan3A_190 : i32
      %add3A_537 = arith.constant 1 : i32
      %add3A_538 = arith.addi %mul3A_536, %add3A_537 : i32
      %dma_wait3A_539 = arith.constant 0 : i32
      %dma_wait3A_540 = tpu.memref_slice %arg2[%dma_wait3A_539] : memref<1048576xf32, #tpu.memory_space<hbm>> -> memref<512xf32, #tpu.memory_space<hbm>>
      %dma_wait3A_541 = arith.constant 0 : i32
      %dma_wait3A_542 = tpu.memref_slice %arg2[%dma_wait3A_541] : memref<1048576xf32, #tpu.memory_space<hbm>> -> memref<512xf32, #tpu.memory_space<hbm>>
      tpu.wait_dma2 semaphore(%arg44 : memref<!tpu.dma_semaphore, #tpu.memory_space<semaphore_mem>>) src(%dma_wait3A_542 : memref<512xf32, #tpu.memory_space<hbm>>) dst(%arg56 : memref<512xf32, #tpu.memory_space<vmem>>)
      %dma_wait3A_543 = arith.constant 0 : i32
      %dma_wait3A_544 = tpu.memref_slice %arg2[%dma_wait3A_543] : memref<1048576xf32, #tpu.memory_space<hbm>> -> memref<512xf32, #tpu.memory_space<hbm>>
      %dma_wait3A_545 = arith.constant 0 : i32
      %dma_wait3A_546 = tpu.memref_slice %arg2[%dma_wait3A_545] : memref<1048576xf32, #tpu.memory_space<hbm>> -> memref<512xf32, #tpu.memory_space<hbm>>
      tpu.wait_dma2 semaphore(%arg44 : memref<!tpu.dma_semaphore, #tpu.memory_space<semaphore_mem>>) src(%dma_wait3A_546 : memref<512xf32, #tpu.memory_space<hbm>>) dst(%arg57 : memref<512xf32, #tpu.memory_space<vmem>>)
      %dma_wait3A_547 = arith.constant 0 : i32
      %dma_wait3A_548 = tpu.memref_slice %arg2[%dma_wait3A_547] : memref<1048576xf32, #tpu.memory_space<hbm>> -> memref<512xf32, #tpu.memory_space<hbm>>
      %dma_wait3A_549 = arith.constant 0 : i32
      %dma_wait3A_550 = tpu.memref_slice %arg2[%dma_wait3A_549] : memref<1048576xf32, #tpu.memory_space<hbm>> -> memref<512xf32, #tpu.memory_space<hbm>>
      tpu.wait_dma2 semaphore(%arg44 : memref<!tpu.dma_semaphore, #tpu.memory_space<semaphore_mem>>) src(%dma_wait3A_550 : memref<512xf32, #tpu.memory_space<hbm>>) dst(%arg58 : memref<512xf32, #tpu.memory_space<vmem>>)
      %parallel_loop3A_551 = arith.constant 0 : i32
      %parallel_loop3A_552 = arith.constant 32 : i32
      %parallel_loop3A_553 = arith.constant 1 : i32
      scf.for %parallel_loop3A_1236 = %parallel_loop3A_551 to %parallel_loop3A_552 step %parallel_loop3A_553  : i32 {
        %parallel_loop3A_1237 = arith.constant 16 : i32
        %parallel_loop3A_1238 = arith.muli %parallel_loop3A_1236, %parallel_loop3A_1237 : i32
        %parallel_loop3A_1239 = arith.index_cast %parallel_loop3A_1238 : i32 to index
        %parallel_loop3A_1240 = tpu.vector_load %arg56[%parallel_loop3A_1239] {strides = array<i32>} : memref<512xf32, #tpu.memory_space<vmem>>, vector<16xf32>,
        %parallel_loop3A_1241 = vector.shape_cast %parallel_loop3A_1240 : vector<16xf32> to vector<16xf32>
        %parallel_loop3A_1242 = arith.constant 5.120000e+02 : f32
        %parallel_loop3A_1243 = vector.broadcast %parallel_loop3A_1242 : f32 to vector<16xf32>
        %parallel_loop3A_1244 = arith.mulf %parallel_loop3A_1241, %parallel_loop3A_1243 : vector<16xf32>
        %parallel_loop3A_1245 = arith.fptosi %parallel_loop3A_1244 : vector<16xf32> to vector<16xi32>
        %parallel_loop3A_1246 = arith.constant 0 : i32
        %parallel_loop3A_1247 = vector.broadcast %parallel_loop3A_1246 : i32 to vector<16xi32>
        %parallel_loop3A_1248 = arith.maxsi %parallel_loop3A_1245, %parallel_loop3A_1247 : vector<16xi32>
        %parallel_loop3A_1249 = arith.constant 511 : i32
        %parallel_loop3A_1250 = vector.broadcast %parallel_loop3A_1249 : i32 to vector<16xi32>
        %parallel_loop3A_1251 = arith.minsi %parallel_loop3A_1248, %parallel_loop3A_1250 : vector<16xi32>
        %parallel_loop3A_1252 = arith.sitofp %parallel_loop3A_1251 : vector<16xi32> to vector<16xf32>
        %parallel_loop3A_1253 = arith.subf %parallel_loop3A_1244, %parallel_loop3A_1252 : vector<16xf32>
        %parallel_loop3A_1254 = arith.index_cast %parallel_loop3A_1238 : i32 to index
        %parallel_loop3A_1255 = tpu.vector_load %arg50[%parallel_loop3A_1254] {strides = array<i32>} : memref<512xf32, #tpu.memory_space<vmem>>, vector<16xf32>,
        %parallel_loop3A_1256 = vector.shape_cast %parallel_loop3A_1255 : vector<16xf32> to vector<16xf32>
        %parallel_loop3A_1257 = vector.shape_cast %parallel_loop3A_1253 : vector<16xf32> to vector<16xf32>
        tpu.vector_store %arg50[%parallel_loop3A_1254], %parallel_loop3A_1257 {strides = array<i32>} : memref<512xf32, #tpu.memory_space<vmem>>, vector<16xf32>,
        %parallel_loop3A_1258 = arith.index_cast %parallel_loop3A_1238 : i32 to index
        %parallel_loop3A_1259 = tpu.vector_load %arg57[%parallel_loop3A_1258] {strides = array<i32>} : memref<512xf32, #tpu.memory_space<vmem>>, vector<16xf32>,
        %parallel_loop3A_1260 = vector.shape_cast %parallel_loop3A_1259 : vector<16xf32> to vector<16xf32>
        %parallel_loop3A_1261 = arith.constant 5.120000e+02 : f32
        %parallel_loop3A_1262 = vector.broadcast %parallel_loop3A_1261 : f32 to vector<16xf32>
        %parallel_loop3A_1263 = arith.mulf %parallel_loop3A_1260, %parallel_loop3A_1262 : vector<16xf32>
        %parallel_loop3A_1264 = arith.fptosi %parallel_loop3A_1263 : vector<16xf32> to vector<16xi32>
        %parallel_loop3A_1265 = arith.constant 0 : i32
        %parallel_loop3A_1266 = vector.broadcast %parallel_loop3A_1265 : i32 to vector<16xi32>
        %parallel_loop3A_1267 = arith.maxsi %parallel_loop3A_1264, %parallel_loop3A_1266 : vector<16xi32>
        %parallel_loop3A_1268 = arith.constant 511 : i32
        %parallel_loop3A_1269 = vector.broadcast %parallel_loop3A_1268 : i32 to vector<16xi32>
        %parallel_loop3A_1270 = arith.minsi %parallel_loop3A_1267, %parallel_loop3A_1269 : vector<16xi32>
        %parallel_loop3A_1271 = arith.sitofp %parallel_loop3A_1270 : vector<16xi32> to vector<16xf32>
        %parallel_loop3A_1272 = arith.subf %parallel_loop3A_1263, %parallel_loop3A_1271 : vector<16xf32>
        %parallel_loop3A_1273 = arith.index_cast %parallel_loop3A_1238 : i32 to index
        %parallel_loop3A_1274 = tpu.vector_load %arg51[%parallel_loop3A_1273] {strides = array<i32>} : memref<512xf32, #tpu.memory_space<vmem>>, vector<16xf32>,
        %parallel_loop3A_1275 = vector.shape_cast %parallel_loop3A_1274 : vector<16xf32> to vector<16xf32>
        %parallel_loop3A_1276 = vector.shape_cast %parallel_loop3A_1272 : vector<16xf32> to vector<16xf32>
        tpu.vector_store %arg51[%parallel_loop3A_1273], %parallel_loop3A_1276 {strides = array<i32>} : memref<512xf32, #tpu.memory_space<vmem>>, vector<16xf32>,
        %parallel_loop3A_1277 = arith.index_cast %parallel_loop3A_1238 : i32 to index
        %parallel_loop3A_1278 = tpu.vector_load %arg58[%parallel_loop3A_1277] {strides = array<i32>} : memref<512xf32, #tpu.memory_space<vmem>>, vector<16xf32>,
        %parallel_loop3A_1279 = vector.shape_cast %parallel_loop3A_1278 : vector<16xf32> to vector<16xf32>
        %parallel_loop3A_1280 = arith.constant 5.120000e+02 : f32
        %parallel_loop3A_1281 = vector.broadcast %parallel_loop3A_1280 : f32 to vector<16xf32>
        %parallel_loop3A_1282 = arith.mulf %parallel_loop3A_1279, %parallel_loop3A_1281 : vector<16xf32>
        %parallel_loop3A_1283 = arith.fptosi %parallel_loop3A_1282 : vector<16xf32> to vector<16xi32>
        %parallel_loop3A_1284 = arith.constant 0 : i32
        %parallel_loop3A_1285 = vector.broadcast %parallel_loop3A_1284 : i32 to vector<16xi32>
        %parallel_loop3A_1286 = arith.maxsi %parallel_loop3A_1283, %parallel_loop3A_1285 : vector<16xi32>
        %parallel_loop3A_1287 = arith.constant 511 : i32
        %parallel_loop3A_1288 = vector.broadcast %parallel_loop3A_1287 : i32 to vector<16xi32>
        %parallel_loop3A_1289 = arith.minsi %parallel_loop3A_1286, %parallel_loop3A_1288 : vector<16xi32>
        %parallel_loop3A_1290 = arith.sitofp %parallel_loop3A_1289 : vector<16xi32> to vector<16xf32>
        %parallel_loop3A_1291 = arith.subf %parallel_loop3A_1282, %parallel_loop3A_1290 : vector<16xf32>
        %parallel_loop3A_1292 = arith.index_cast %parallel_loop3A_1238 : i32 to index
        %parallel_loop3A_1293 = tpu.vector_load %arg52[%parallel_loop3A_1292] {strides = array<i32>} : memref<512xf32, #tpu.memory_space<vmem>>, vector<16xf32>,
        %parallel_loop3A_1294 = vector.shape_cast %parallel_loop3A_1293 : vector<16xf32> to vector<16xf32>
        %parallel_loop3A_1295 = vector.shape_cast %parallel_loop3A_1291 : vector<16xf32> to vector<16xf32>
        tpu.vector_store %arg52[%parallel_loop3A_1292], %parallel_loop3A_1295 {strides = array<i32>} : memref<512xf32, #tpu.memory_space<vmem>>, vector<16xf32>,
        %parallel_loop3A_1296 = arith.constant -1640531535 : i32
        %parallel_loop3A_1297 = vector.broadcast %parallel_loop3A_1296 : i32 to vector<16xi32>
        %parallel_loop3A_1298 = arith.muli %parallel_loop3A_1270, %parallel_loop3A_1297 : vector<16xi32>
        %parallel_loop3A_1299 = arith.constant -1640531535 : i32
        %parallel_loop3A_1300 = vector.broadcast %parallel_loop3A_1299 : i32 to vector<16xi32>
        %parallel_loop3A_1301 = arith.addi %parallel_loop3A_1298, %parallel_loop3A_1300 : vector<16xi32>
        %parallel_loop3A_1302 = arith.xori %parallel_loop3A_1251, %parallel_loop3A_1298 : vector<16xi32>
        %parallel_loop3A_1303 = arith.constant 262143 : i32
        %parallel_loop3A_1304 = vector.broadcast %parallel_loop3A_1303 : i32 to vector<16xi32>
        %parallel_loop3A_1305 = arith.andi %parallel_loop3A_1302, %parallel_loop3A_1304 : vector<16xi32>
        %parallel_loop3A_1306 = arith.index_cast %parallel_loop3A_1238 : i32 to index
        %parallel_loop3A_1307 = tpu.vector_load %arg21[%parallel_loop3A_1306] {strides = array<i32>} : memref<512xi32, #tpu.memory_space<vmem>>, vector<16xi32>,
        %parallel_loop3A_1308 = vector.shape_cast %parallel_loop3A_1307 : vector<16xi32> to vector<16xi32>
        %parallel_loop3A_1309 = vector.shape_cast %parallel_loop3A_1305 : vector<16xi32> to vector<16xi32>
        tpu.vector_store %arg21[%parallel_loop3A_1306], %parallel_loop3A_1309 {strides = array<i32>} : memref<512xi32, #tpu.memory_space<vmem>>, vector<16xi32>,
        %parallel_loop3A_1310 = arith.xori %parallel_loop3A_1251, %parallel_loop3A_1301 : vector<16xi32>
        %parallel_loop3A_1311 = arith.constant 262143 : i32
        %parallel_loop3A_1312 = vector.broadcast %parallel_loop3A_1311 : i32 to vector<16xi32>
        %parallel_loop3A_1313 = arith.andi %parallel_loop3A_1310, %parallel_loop3A_1312 : vector<16xi32>
        %parallel_loop3A_1314 = arith.index_cast %parallel_loop3A_1238 : i32 to index
        %parallel_loop3A_1315 = tpu.vector_load %arg22[%parallel_loop3A_1314] {strides = array<i32>} : memref<512xi32, #tpu.memory_space<vmem>>, vector<16xi32>,
        %parallel_loop3A_1316 = vector.shape_cast %parallel_loop3A_1315 : vector<16xi32> to vector<16xi32>
        %parallel_loop3A_1317 = vector.shape_cast %parallel_loop3A_1313 : vector<16xi32> to vector<16xi32>
        tpu.vector_store %arg22[%parallel_loop3A_1314], %parallel_loop3A_1317 {strides = array<i32>} : memref<512xi32, #tpu.memory_space<vmem>>, vector<16xi32>,
        %parallel_loop3A_1318 = arith.constant 1 : i32
        %parallel_loop3A_1319 = vector.broadcast %parallel_loop3A_1318 : i32 to vector<16xi32>
        %parallel_loop3A_1320 = arith.addi %parallel_loop3A_1251, %parallel_loop3A_1319 : vector<16xi32>
        %parallel_loop3A_1321 = arith.xori %parallel_loop3A_1320, %parallel_loop3A_1298 : vector<16xi32>
        %parallel_loop3A_1322 = arith.constant 262143 : i32
        %parallel_loop3A_1323 = vector.broadcast %parallel_loop3A_1322 : i32 to vector<16xi32>
        %parallel_loop3A_1324 = arith.andi %parallel_loop3A_1321, %parallel_loop3A_1323 : vector<16xi32>
        %parallel_loop3A_1325 = arith.index_cast %parallel_loop3A_1238 : i32 to index
        %parallel_loop3A_1326 = tpu.vector_load %arg23[%parallel_loop3A_1325] {strides = array<i32>} : memref<512xi32, #tpu.memory_space<vmem>>, vector<16xi32>,
        %parallel_loop3A_1327 = vector.shape_cast %parallel_loop3A_1326 : vector<16xi32> to vector<16xi32>
        %parallel_loop3A_1328 = vector.shape_cast %parallel_loop3A_1324 : vector<16xi32> to vector<16xi32>
        tpu.vector_store %arg23[%parallel_loop3A_1325], %parallel_loop3A_1328 {strides = array<i32>} : memref<512xi32, #tpu.memory_space<vmem>>, vector<16xi32>,
        %parallel_loop3A_1329 = arith.xori %parallel_loop3A_1320, %parallel_loop3A_1301 : vector<16xi32>
        %parallel_loop3A_1330 = arith.constant 262143 : i32
        %parallel_loop3A_1331 = vector.broadcast %parallel_loop3A_1330 : i32 to vector<16xi32>
        %parallel_loop3A_1332 = arith.andi %parallel_loop3A_1329, %parallel_loop3A_1331 : vector<16xi32>
        %parallel_loop3A_1333 = arith.index_cast %parallel_loop3A_1238 : i32 to index
        %parallel_loop3A_1334 = tpu.vector_load %arg24[%parallel_loop3A_1333] {strides = array<i32>} : memref<512xi32, #tpu.memory_space<vmem>>, vector<16xi32>,
        %parallel_loop3A_1335 = vector.shape_cast %parallel_loop3A_1334 : vector<16xi32> to vector<16xi32>
        %parallel_loop3A_1336 = vector.shape_cast %parallel_loop3A_1332 : vector<16xi32> to vector<16xi32>
        tpu.vector_store %arg24[%parallel_loop3A_1333], %parallel_loop3A_1336 {strides = array<i32>} : memref<512xi32, #tpu.memory_space<vmem>>, vector<16xi32>,
        %parallel_loop3A_1337 = arith.constant -1640531535 : i32
        %parallel_loop3A_1338 = vector.broadcast %parallel_loop3A_1337 : i32 to vector<16xi32>
        %parallel_loop3A_1339 = arith.muli %parallel_loop3A_1289, %parallel_loop3A_1338 : vector<16xi32>
        %parallel_loop3A_1340 = arith.constant -1640531535 : i32
        %parallel_loop3A_1341 = vector.broadcast %parallel_loop3A_1340 : i32 to vector<16xi32>
        %parallel_loop3A_1342 = arith.addi %parallel_loop3A_1339, %parallel_loop3A_1341 : vector<16xi32>
        %parallel_loop3A_1343 = arith.xori %parallel_loop3A_1251, %parallel_loop3A_1339 : vector<16xi32>
        %parallel_loop3A_1344 = arith.constant 262143 : i32
        %parallel_loop3A_1345 = vector.broadcast %parallel_loop3A_1344 : i32 to vector<16xi32>
        %parallel_loop3A_1346 = arith.andi %parallel_loop3A_1343, %parallel_loop3A_1345 : vector<16xi32>
        %parallel_loop3A_1347 = arith.index_cast %parallel_loop3A_1238 : i32 to index
        %parallel_loop3A_1348 = tpu.vector_load %arg25[%parallel_loop3A_1347] {strides = array<i32>} : memref<512xi32, #tpu.memory_space<vmem>>, vector<16xi32>,
        %parallel_loop3A_1349 = vector.shape_cast %parallel_loop3A_1348 : vector<16xi32> to vector<16xi32>
        %parallel_loop3A_1350 = vector.shape_cast %parallel_loop3A_1346 : vector<16xi32> to vector<16xi32>
        tpu.vector_store %arg25[%parallel_loop3A_1347], %parallel_loop3A_1350 {strides = array<i32>} : memref<512xi32, #tpu.memory_space<vmem>>, vector<16xi32>,
        %parallel_loop3A_1351 = arith.xori %parallel_loop3A_1251, %parallel_loop3A_1342 : vector<16xi32>
        %parallel_loop3A_1352 = arith.constant 262143 : i32
        %parallel_loop3A_1353 = vector.broadcast %parallel_loop3A_1352 : i32 to vector<16xi32>
        %parallel_loop3A_1354 = arith.andi %parallel_loop3A_1351, %parallel_loop3A_1353 : vector<16xi32>
        %parallel_loop3A_1355 = arith.index_cast %parallel_loop3A_1238 : i32 to index
        %parallel_loop3A_1356 = tpu.vector_load %arg26[%parallel_loop3A_1355] {strides = array<i32>} : memref<512xi32, #tpu.memory_space<vmem>>, vector<16xi32>,
        %parallel_loop3A_1357 = vector.shape_cast %parallel_loop3A_1356 : vector<16xi32> to vector<16xi32>
        %parallel_loop3A_1358 = vector.shape_cast %parallel_loop3A_1354 : vector<16xi32> to vector<16xi32>
        tpu.vector_store %arg26[%parallel_loop3A_1355], %parallel_loop3A_1358 {strides = array<i32>} : memref<512xi32, #tpu.memory_space<vmem>>, vector<16xi32>,
        %parallel_loop3A_1359 = arith.constant 1 : i32
        %parallel_loop3A_1360 = vector.broadcast %parallel_loop3A_1359 : i32 to vector<16xi32>
        %parallel_loop3A_1361 = arith.addi %parallel_loop3A_1251, %parallel_loop3A_1360 : vector<16xi32>
        %parallel_loop3A_1362 = arith.xori %parallel_loop3A_1361, %parallel_loop3A_1339 : vector<16xi32>
        %parallel_loop3A_1363 = arith.constant 262143 : i32
        %parallel_loop3A_1364 = vector.broadcast %parallel_loop3A_1363 : i32 to vector<16xi32>
        %parallel_loop3A_1365 = arith.andi %parallel_loop3A_1362, %parallel_loop3A_1364 : vector<16xi32>
        %parallel_loop3A_1366 = arith.index_cast %parallel_loop3A_1238 : i32 to index
        %parallel_loop3A_1367 = tpu.vector_load %arg27[%parallel_loop3A_1366] {strides = array<i32>} : memref<512xi32, #tpu.memory_space<vmem>>, vector<16xi32>,
        %parallel_loop3A_1368 = vector.shape_cast %parallel_loop3A_1367 : vector<16xi32> to vector<16xi32>
        %parallel_loop3A_1369 = vector.shape_cast %parallel_loop3A_1365 : vector<16xi32> to vector<16xi32>
        tpu.vector_store %arg27[%parallel_loop3A_1366], %parallel_loop3A_1369 {strides = array<i32>} : memref<512xi32, #tpu.memory_space<vmem>>, vector<16xi32>,
        %parallel_loop3A_1370 = arith.xori %parallel_loop3A_1361, %parallel_loop3A_1342 : vector<16xi32>
        %parallel_loop3A_1371 = arith.constant 262143 : i32
        %parallel_loop3A_1372 = vector.broadcast %parallel_loop3A_1371 : i32 to vector<16xi32>
        %parallel_loop3A_1373 = arith.andi %parallel_loop3A_1370, %parallel_loop3A_1372 : vector<16xi32>
        %parallel_loop3A_1374 = arith.index_cast %parallel_loop3A_1238 : i32 to index
        %parallel_loop3A_1375 = tpu.vector_load %arg28[%parallel_loop3A_1374] {strides = array<i32>} : memref<512xi32, #tpu.memory_space<vmem>>, vector<16xi32>,
        %parallel_loop3A_1376 = vector.shape_cast %parallel_loop3A_1375 : vector<16xi32> to vector<16xi32>
        %parallel_loop3A_1377 = vector.shape_cast %parallel_loop3A_1373 : vector<16xi32> to vector<16xi32>
        tpu.vector_store %arg28[%parallel_loop3A_1374], %parallel_loop3A_1377 {strides = array<i32>} : memref<512xi32, #tpu.memory_space<vmem>>, vector<16xi32>,
        %parallel_loop3A_1378 = arith.constant -1640531535 : i32
        %parallel_loop3A_1379 = vector.broadcast %parallel_loop3A_1378 : i32 to vector<16xi32>
        %parallel_loop3A_1380 = arith.muli %parallel_loop3A_1289, %parallel_loop3A_1379 : vector<16xi32>
        %parallel_loop3A_1381 = arith.constant -1640531535 : i32
        %parallel_loop3A_1382 = vector.broadcast %parallel_loop3A_1381 : i32 to vector<16xi32>
        %parallel_loop3A_1383 = arith.addi %parallel_loop3A_1380, %parallel_loop3A_1382 : vector<16xi32>
        %parallel_loop3A_1384 = arith.xori %parallel_loop3A_1270, %parallel_loop3A_1380 : vector<16xi32>
        %parallel_loop3A_1385 = arith.constant 262143 : i32
        %parallel_loop3A_1386 = vector.broadcast %parallel_loop3A_1385 : i32 to vector<16xi32>
        %parallel_loop3A_1387 = arith.andi %parallel_loop3A_1384, %parallel_loop3A_1386 : vector<16xi32>
        %parallel_loop3A_1388 = arith.index_cast %parallel_loop3A_1238 : i32 to index
        %parallel_loop3A_1389 = tpu.vector_load %arg29[%parallel_loop3A_1388] {strides = array<i32>} : memref<512xi32, #tpu.memory_space<vmem>>, vector<16xi32>,
        %parallel_loop3A_1390 = vector.shape_cast %parallel_loop3A_1389 : vector<16xi32> to vector<16xi32>
        %parallel_loop3A_1391 = vector.shape_cast %parallel_loop3A_1387 : vector<16xi32> to vector<16xi32>
        tpu.vector_store %arg29[%parallel_loop3A_1388], %parallel_loop3A_1391 {strides = array<i32>} : memref<512xi32, #tpu.memory_space<vmem>>, vector<16xi32>,
        %parallel_loop3A_1392 = arith.xori %parallel_loop3A_1270, %parallel_loop3A_1383 : vector<16xi32>
        %parallel_loop3A_1393 = arith.constant 262143 : i32
        %parallel_loop3A_1394 = vector.broadcast %parallel_loop3A_1393 : i32 to vector<16xi32>
        %parallel_loop3A_1395 = arith.andi %parallel_loop3A_1392, %parallel_loop3A_1394 : vector<16xi32>
        %parallel_loop3A_1396 = arith.index_cast %parallel_loop3A_1238 : i32 to index
        %parallel_loop3A_1397 = tpu.vector_load %arg30[%parallel_loop3A_1396] {strides = array<i32>} : memref<512xi32, #tpu.memory_space<vmem>>, vector<16xi32>,
        %parallel_loop3A_1398 = vector.shape_cast %parallel_loop3A_1397 : vector<16xi32> to vector<16xi32>
        %parallel_loop3A_1399 = vector.shape_cast %parallel_loop3A_1395 : vector<16xi32> to vector<16xi32>
        tpu.vector_store %arg30[%parallel_loop3A_1396], %parallel_loop3A_1399 {strides = array<i32>} : memref<512xi32, #tpu.memory_space<vmem>>, vector<16xi32>,
        %parallel_loop3A_1400 = arith.constant 1 : i32
        %parallel_loop3A_1401 = vector.broadcast %parallel_loop3A_1400 : i32 to vector<16xi32>
        %parallel_loop3A_1402 = arith.addi %parallel_loop3A_1270, %parallel_loop3A_1401 : vector<16xi32>
        %parallel_loop3A_1403 = arith.xori %parallel_loop3A_1402, %parallel_loop3A_1380 : vector<16xi32>
        %parallel_loop3A_1404 = arith.constant 262143 : i32
        %parallel_loop3A_1405 = vector.broadcast %parallel_loop3A_1404 : i32 to vector<16xi32>
        %parallel_loop3A_1406 = arith.andi %parallel_loop3A_1403, %parallel_loop3A_1405 : vector<16xi32>
        %parallel_loop3A_1407 = arith.index_cast %parallel_loop3A_1238 : i32 to index
        %parallel_loop3A_1408 = tpu.vector_load %arg31[%parallel_loop3A_1407] {strides = array<i32>} : memref<512xi32, #tpu.memory_space<vmem>>, vector<16xi32>,
        %parallel_loop3A_1409 = vector.shape_cast %parallel_loop3A_1408 : vector<16xi32> to vector<16xi32>
        %parallel_loop3A_1410 = vector.shape_cast %parallel_loop3A_1406 : vector<16xi32> to vector<16xi32>
        tpu.vector_store %arg31[%parallel_loop3A_1407], %parallel_loop3A_1410 {strides = array<i32>} : memref<512xi32, #tpu.memory_space<vmem>>, vector<16xi32>,
        %parallel_loop3A_1411 = arith.xori %parallel_loop3A_1402, %parallel_loop3A_1383 : vector<16xi32>
        %parallel_loop3A_1412 = arith.constant 262143 : i32
        %parallel_loop3A_1413 = vector.broadcast %parallel_loop3A_1412 : i32 to vector<16xi32>
        %parallel_loop3A_1414 = arith.andi %parallel_loop3A_1411, %parallel_loop3A_1413 : vector<16xi32>
        %parallel_loop3A_1415 = arith.index_cast %parallel_loop3A_1238 : i32 to index
        %parallel_loop3A_1416 = tpu.vector_load %arg32[%parallel_loop3A_1415] {strides = array<i32>} : memref<512xi32, #tpu.memory_space<vmem>>, vector<16xi32>,
        %parallel_loop3A_1417 = vector.shape_cast %parallel_loop3A_1416 : vector<16xi32> to vector<16xi32>
        %parallel_loop3A_1418 = vector.shape_cast %parallel_loop3A_1414 : vector<16xi32> to vector<16xi32>
        tpu.vector_store %arg32[%parallel_loop3A_1415], %parallel_loop3A_1418 {strides = array<i32>} : memref<512xi32, #tpu.memory_space<vmem>>, vector<16xi32>,
      } {sc.loop_unroll_factor = 2 : i64, sc.parallel_access}
      %dma_start3A_554 = arith.constant 0 : i32
      %dma_start3A_555 = arith.constant 0 : i32
      %dma_start3A_556 = tpu.memref_slice %arg38[%dma_start3A_554, %dma_start3A_555] : memref<512x16xf32, #tpu.memory_space<vmem>> -> memref<128x16xf32, #tpu.memory_space<vmem>>
      %dma_start3A_557 = arith.constant 0 : i32
      %dma_start3A_558 = tpu.memref_slice %arg21[%dma_start3A_557] : memref<512xi32, #tpu.memory_space<vmem>> -> memref<128xi32, #tpu.memory_space<vmem>>
      %dma_start3A_559 = arith.constant 0 : i32
      %dma_start3A_560 = arith.constant 0 : i32
      %dma_start3A_561 = tpu.memref_slice %arg5[%dma_start3A_559, %dma_start3A_560] : memref<262144x16xf32, #tpu.memory_space<hbm>> -> memref<262144x16xf32, #tpu.memory_space<hbm>>
      tpu.enqueue_indirect_dma source(%dma_start3A_561 : memref<262144x16xf32, #tpu.memory_space<hbm>>) target(%dma_start3A_556 : memref<128x16xf32, #tpu.memory_space<vmem>>) offsets(%dma_start3A_558 : memref<128xi32, #tpu.memory_space<vmem>>) semaphore(%arg46 : memref<!tpu.dma_semaphore, #tpu.memory_space<semaphore_mem>>)
      %dma_start3A_562 = arith.constant 0 : i32
      %dma_start3A_563 = arith.constant 0 : i32
      %dma_start3A_564 = tpu.memref_slice %arg39[%dma_start3A_562, %dma_start3A_563] : memref<512x16xf32, #tpu.memory_space<vmem>> -> memref<128x16xf32, #tpu.memory_space<vmem>>
      %dma_start3A_565 = arith.constant 0 : i32
      %dma_start3A_566 = tpu.memref_slice %arg22[%dma_start3A_565] : memref<512xi32, #tpu.memory_space<vmem>> -> memref<128xi32, #tpu.memory_space<vmem>>
      %dma_start3A_567 = arith.constant 0 : i32
      %dma_start3A_568 = arith.constant 0 : i32
      %dma_start3A_569 = tpu.memref_slice %arg5[%dma_start3A_567, %dma_start3A_568] : memref<262144x16xf32, #tpu.memory_space<hbm>> -> memref<262144x16xf32, #tpu.memory_space<hbm>>
      tpu.enqueue_indirect_dma source(%dma_start3A_569 : memref<262144x16xf32, #tpu.memory_space<hbm>>) target(%dma_start3A_564 : memref<128x16xf32, #tpu.memory_space<vmem>>) offsets(%dma_start3A_566 : memref<128xi32, #tpu.memory_space<vmem>>) semaphore(%arg46 : memref<!tpu.dma_semaphore, #tpu.memory_space<semaphore_mem>>)
      %dma_start3A_570 = arith.constant 0 : i32
      %dma_start3A_571 = arith.constant 0 : i32
      %dma_start3A_572 = tpu.memref_slice %arg40[%dma_start3A_570, %dma_start3A_571] : memref<512x16xf32, #tpu.memory_space<vmem>> -> memref<128x16xf32, #tpu.memory_space<vmem>>
      %dma_start3A_573 = arith.constant 0 : i32
      %dma_start3A_574 = tpu.memref_slice %arg23[%dma_start3A_573] : memref<512xi32, #tpu.memory_space<vmem>> -> memref<128xi32, #tpu.memory_space<vmem>>
      %dma_start3A_575 = arith.constant 0 : i32
      %dma_start3A_576 = arith.constant 0 : i32
      %dma_start3A_577 = tpu.memref_slice %arg5[%dma_start3A_575, %dma_start3A_576] : memref<262144x16xf32, #tpu.memory_space<hbm>> -> memref<262144x16xf32, #tpu.memory_space<hbm>>
      tpu.enqueue_indirect_dma source(%dma_start3A_577 : memref<262144x16xf32, #tpu.memory_space<hbm>>) target(%dma_start3A_572 : memref<128x16xf32, #tpu.memory_space<vmem>>) offsets(%dma_start3A_574 : memref<128xi32, #tpu.memory_space<vmem>>) semaphore(%arg46 : memref<!tpu.dma_semaphore, #tpu.memory_space<semaphore_mem>>)
      %dma_start3A_578 = arith.constant 0 : i32
      %dma_start3A_579 = arith.constant 0 : i32
      %dma_start3A_580 = tpu.memref_slice %arg41[%dma_start3A_578, %dma_start3A_579] : memref<512x16xf32, #tpu.memory_space<vmem>> -> memref<128x16xf32, #tpu.memory_space<vmem>>
      %dma_start3A_581 = arith.constant 0 : i32
      %dma_start3A_582 = tpu.memref_slice %arg24[%dma_start3A_581] : memref<512xi32, #tpu.memory_space<vmem>> -> memref<128xi32, #tpu.memory_space<vmem>>
      %dma_start3A_583 = arith.constant 0 : i32
      %dma_start3A_584 = arith.constant 0 : i32
      %dma_start3A_585 = tpu.memref_slice %arg5[%dma_start3A_583, %dma_start3A_584] : memref<262144x16xf32, #tpu.memory_space<hbm>> -> memref<262144x16xf32, #tpu.memory_space<hbm>>
      tpu.enqueue_indirect_dma source(%dma_start3A_585 : memref<262144x16xf32, #tpu.memory_space<hbm>>) target(%dma_start3A_580 : memref<128x16xf32, #tpu.memory_space<vmem>>) offsets(%dma_start3A_582 : memref<128xi32, #tpu.memory_space<vmem>>) semaphore(%arg46 : memref<!tpu.dma_semaphore, #tpu.memory_space<semaphore_mem>>)
      %dma_start3A_586 = arith.constant 128 : i32
      %dma_start3A_587 = arith.constant 0 : i32
      %dma_start3A_588 = tpu.memref_slice %arg38[%dma_start3A_586, %dma_start3A_587] : memref<512x16xf32, #tpu.memory_space<vmem>> -> memref<128x16xf32, #tpu.memory_space<vmem>>
      %dma_start3A_589 = arith.constant 128 : i32
      %dma_start3A_590 = tpu.memref_slice %arg21[%dma_start3A_589] : memref<512xi32, #tpu.memory_space<vmem>> -> memref<128xi32, #tpu.memory_space<vmem>>
      %dma_start3A_591 = arith.constant 0 : i32
      %dma_start3A_592 = arith.constant 0 : i32
      %dma_start3A_593 = tpu.memref_slice %arg5[%dma_start3A_591, %dma_start3A_592] : memref<262144x16xf32, #tpu.memory_space<hbm>> -> memref<262144x16xf32, #tpu.memory_space<hbm>>
      tpu.enqueue_indirect_dma source(%dma_start3A_593 : memref<262144x16xf32, #tpu.memory_space<hbm>>) target(%dma_start3A_588 : memref<128x16xf32, #tpu.memory_space<vmem>>) offsets(%dma_start3A_590 : memref<128xi32, #tpu.memory_space<vmem>>) semaphore(%arg46 : memref<!tpu.dma_semaphore, #tpu.memory_space<semaphore_mem>>)
      %dma_start3A_594 = arith.constant 128 : i32
      %dma_start3A_595 = arith.constant 0 : i32
      %dma_start3A_596 = tpu.memref_slice %arg39[%dma_start3A_594, %dma_start3A_595] : memref<512x16xf32, #tpu.memory_space<vmem>> -> memref<128x16xf32, #tpu.memory_space<vmem>>
      %dma_start3A_597 = arith.constant 128 : i32
      %dma_start3A_598 = tpu.memref_slice %arg22[%dma_start3A_597] : memref<512xi32, #tpu.memory_space<vmem>> -> memref<128xi32, #tpu.memory_space<vmem>>
      %dma_start3A_599 = arith.constant 0 : i32
      %dma_start3A_600 = arith.constant 0 : i32
      %dma_start3A_601 = tpu.memref_slice %arg5[%dma_start3A_599, %dma_start3A_600] : memref<262144x16xf32, #tpu.memory_space<hbm>> -> memref<262144x16xf32, #tpu.memory_space<hbm>>
      tpu.enqueue_indirect_dma source(%dma_start3A_601 : memref<262144x16xf32, #tpu.memory_space<hbm>>) target(%dma_start3A_596 : memref<128x16xf32, #tpu.memory_space<vmem>>) offsets(%dma_start3A_598 : memref<128xi32, #tpu.memory_space<vmem>>) semaphore(%arg46 : memref<!tpu.dma_semaphore, #tpu.memory_space<semaphore_mem>>)
      %dma_start3A_602 = arith.constant 128 : i32
      %dma_start3A_603 = arith.constant 0 : i32
      %dma_start3A_604 = tpu.memref_slice %arg40[%dma_start3A_602, %dma_start3A_603] : memref<512x16xf32, #tpu.memory_space<vmem>> -> memref<128x16xf32, #tpu.memory_space<vmem>>
      %dma_start3A_605 = arith.constant 128 : i32
      %dma_start3A_606 = tpu.memref_slice %arg23[%dma_start3A_605] : memref<512xi32, #tpu.memory_space<vmem>> -> memref<128xi32, #tpu.memory_space<vmem>>
      %dma_start3A_607 = arith.constant 0 : i32
      %dma_start3A_608 = arith.constant 0 : i32
      %dma_start3A_609 = tpu.memref_slice %arg5[%dma_start3A_607, %dma_start3A_608] : memref<262144x16xf32, #tpu.memory_space<hbm>> -> memref<262144x16xf32, #tpu.memory_space<hbm>>
      tpu.enqueue_indirect_dma source(%dma_start3A_609 : memref<262144x16xf32, #tpu.memory_space<hbm>>) target(%dma_start3A_604 : memref<128x16xf32, #tpu.memory_space<vmem>>) offsets(%dma_start3A_606 : memref<128xi32, #tpu.memory_space<vmem>>) semaphore(%arg46 : memref<!tpu.dma_semaphore, #tpu.memory_space<semaphore_mem>>)
      %dma_start3A_610 = arith.constant 128 : i32
      %dma_start3A_611 = arith.constant 0 : i32
      %dma_start3A_612 = tpu.memref_slice %arg41[%dma_start3A_610, %dma_start3A_611] : memref<512x16xf32, #tpu.memory_space<vmem>> -> memref<128x16xf32, #tpu.memory_space<vmem>>
      %dma_start3A_613 = arith.constant 128 : i32
      %dma_start3A_614 = tpu.memref_slice %arg24[%dma_start3A_613] : memref<512xi32, #tpu.memory_space<vmem>> -> memref<128xi32, #tpu.memory_space<vmem>>
      %dma_start3A_615 = arith.constant 0 : i32
      %dma_start3A_616 = arith.constant 0 : i32
      %dma_start3A_617 = tpu.memref_slice %arg5[%dma_start3A_615, %dma_start3A_616] : memref<262144x16xf32, #tpu.memory_space<hbm>> -> memref<262144x16xf32, #tpu.memory_space<hbm>>
      tpu.enqueue_indirect_dma source(%dma_start3A_617 : memref<262144x16xf32, #tpu.memory_space<hbm>>) target(%dma_start3A_612 : memref<128x16xf32, #tpu.memory_space<vmem>>) offsets(%dma_start3A_614 : memref<128xi32, #tpu.memory_space<vmem>>) semaphore(%arg46 : memref<!tpu.dma_semaphore, #tpu.memory_space<semaphore_mem>>)
      %dma_start3A_618 = arith.constant 256 : i32
      %dma_start3A_619 = arith.constant 0 : i32
      %dma_start3A_620 = tpu.memref_slice %arg38[%dma_start3A_618, %dma_start3A_619] : memref<512x16xf32, #tpu.memory_space<vmem>> -> memref<128x16xf32, #tpu.memory_space<vmem>>
      %dma_start3A_621 = arith.constant 256 : i32
      %dma_start3A_622 = tpu.memref_slice %arg21[%dma_start3A_621] : memref<512xi32, #tpu.memory_space<vmem>> -> memref<128xi32, #tpu.memory_space<vmem>>
      %dma_start3A_623 = arith.constant 0 : i32
      %dma_start3A_624 = arith.constant 0 : i32
      %dma_start3A_625 = tpu.memref_slice %arg5[%dma_start3A_623, %dma_start3A_624] : memref<262144x16xf32, #tpu.memory_space<hbm>> -> memref<262144x16xf32, #tpu.memory_space<hbm>>
      tpu.enqueue_indirect_dma source(%dma_start3A_625 : memref<262144x16xf32, #tpu.memory_space<hbm>>) target(%dma_start3A_620 : memref<128x16xf32, #tpu.memory_space<vmem>>) offsets(%dma_start3A_622 : memref<128xi32, #tpu.memory_space<vmem>>) semaphore(%arg46 : memref<!tpu.dma_semaphore, #tpu.memory_space<semaphore_mem>>)
      %dma_start3A_626 = arith.constant 256 : i32
      %dma_start3A_627 = arith.constant 0 : i32
      %dma_start3A_628 = tpu.memref_slice %arg39[%dma_start3A_626, %dma_start3A_627] : memref<512x16xf32, #tpu.memory_space<vmem>> -> memref<128x16xf32, #tpu.memory_space<vmem>>
      %dma_start3A_629 = arith.constant 256 : i32
      %dma_start3A_630 = tpu.memref_slice %arg22[%dma_start3A_629] : memref<512xi32, #tpu.memory_space<vmem>> -> memref<128xi32, #tpu.memory_space<vmem>>
      %dma_start3A_631 = arith.constant 0 : i32
      %dma_start3A_632 = arith.constant 0 : i32
      %dma_start3A_633 = tpu.memref_slice %arg5[%dma_start3A_631, %dma_start3A_632] : memref<262144x16xf32, #tpu.memory_space<hbm>> -> memref<262144x16xf32, #tpu.memory_space<hbm>>
      tpu.enqueue_indirect_dma source(%dma_start3A_633 : memref<262144x16xf32, #tpu.memory_space<hbm>>) target(%dma_start3A_628 : memref<128x16xf32, #tpu.memory_space<vmem>>) offsets(%dma_start3A_630 : memref<128xi32, #tpu.memory_space<vmem>>) semaphore(%arg46 : memref<!tpu.dma_semaphore, #tpu.memory_space<semaphore_mem>>)
      %dma_start3A_634 = arith.constant 256 : i32
      %dma_start3A_635 = arith.constant 0 : i32
      %dma_start3A_636 = tpu.memref_slice %arg40[%dma_start3A_634, %dma_start3A_635] : memref<512x16xf32, #tpu.memory_space<vmem>> -> memref<128x16xf32, #tpu.memory_space<vmem>>
      %dma_start3A_637 = arith.constant 256 : i32
      %dma_start3A_638 = tpu.memref_slice %arg23[%dma_start3A_637] : memref<512xi32, #tpu.memory_space<vmem>> -> memref<128xi32, #tpu.memory_space<vmem>>
      %dma_start3A_639 = arith.constant 0 : i32
      %dma_start3A_640 = arith.constant 0 : i32
      %dma_start3A_641 = tpu.memref_slice %arg5[%dma_start3A_639, %dma_start3A_640] : memref<262144x16xf32, #tpu.memory_space<hbm>> -> memref<262144x16xf32, #tpu.memory_space<hbm>>
      tpu.enqueue_indirect_dma source(%dma_start3A_641 : memref<262144x16xf32, #tpu.memory_space<hbm>>) target(%dma_start3A_636 : memref<128x16xf32, #tpu.memory_space<vmem>>) offsets(%dma_start3A_638 : memref<128xi32, #tpu.memory_space<vmem>>) semaphore(%arg46 : memref<!tpu.dma_semaphore, #tpu.memory_space<semaphore_mem>>)
      %dma_start3A_642 = arith.constant 256 : i32
      %dma_start3A_643 = arith.constant 0 : i32
      %dma_start3A_644 = tpu.memref_slice %arg41[%dma_start3A_642, %dma_start3A_643] : memref<512x16xf32, #tpu.memory_space<vmem>> -> memref<128x16xf32, #tpu.memory_space<vmem>>
      %dma_start3A_645 = arith.constant 256 : i32
      %dma_start3A_646 = tpu.memref_slice %arg24[%dma_start3A_645] : memref<512xi32, #tpu.memory_space<vmem>> -> memref<128xi32, #tpu.memory_space<vmem>>
      %dma_start3A_647 = arith.constant 0 : i32
      %dma_start3A_648 = arith.constant 0 : i32
      %dma_start3A_649 = tpu.memref_slice %arg5[%dma_start3A_647, %dma_start3A_648] : memref<262144x16xf32, #tpu.memory_space<hbm>> -> memref<262144x16xf32, #tpu.memory_space<hbm>>
      tpu.enqueue_indirect_dma source(%dma_start3A_649 : memref<262144x16xf32, #tpu.memory_space<hbm>>) target(%dma_start3A_644 : memref<128x16xf32, #tpu.memory_space<vmem>>) offsets(%dma_start3A_646 : memref<128xi32, #tpu.memory_space<vmem>>) semaphore(%arg46 : memref<!tpu.dma_semaphore, #tpu.memory_space<semaphore_mem>>)
      %dma_start3A_650 = arith.constant 384 : i32
      %dma_start3A_651 = arith.constant 0 : i32
      %dma_start3A_652 = tpu.memref_slice %arg38[%dma_start3A_650, %dma_start3A_651] : memref<512x16xf32, #tpu.memory_space<vmem>> -> memref<128x16xf32, #tpu.memory_space<vmem>>
      %dma_start3A_653 = arith.constant 384 : i32
      %dma_start3A_654 = tpu.memref_slice %arg21[%dma_start3A_653] : memref<512xi32, #tpu.memory_space<vmem>> -> memref<128xi32, #tpu.memory_space<vmem>>
      %dma_start3A_655 = arith.constant 0 : i32
      %dma_start3A_656 = arith.constant 0 : i32
      %dma_start3A_657 = tpu.memref_slice %arg5[%dma_start3A_655, %dma_start3A_656] : memref<262144x16xf32, #tpu.memory_space<hbm>> -> memref<262144x16xf32, #tpu.memory_space<hbm>>
      tpu.enqueue_indirect_dma source(%dma_start3A_657 : memref<262144x16xf32, #tpu.memory_space<hbm>>) target(%dma_start3A_652 : memref<128x16xf32, #tpu.memory_space<vmem>>) offsets(%dma_start3A_654 : memref<128xi32, #tpu.memory_space<vmem>>) semaphore(%arg46 : memref<!tpu.dma_semaphore, #tpu.memory_space<semaphore_mem>>)
      %dma_start3A_658 = arith.constant 384 : i32
      %dma_start3A_659 = arith.constant 0 : i32
      %dma_start3A_660 = tpu.memref_slice %arg39[%dma_start3A_658, %dma_start3A_659] : memref<512x16xf32, #tpu.memory_space<vmem>> -> memref<128x16xf32, #tpu.memory_space<vmem>>
      %dma_start3A_661 = arith.constant 384 : i32
      %dma_start3A_662 = tpu.memref_slice %arg22[%dma_start3A_661] : memref<512xi32, #tpu.memory_space<vmem>> -> memref<128xi32, #tpu.memory_space<vmem>>
      %dma_start3A_663 = arith.constant 0 : i32
      %dma_start3A_664 = arith.constant 0 : i32
      %dma_start3A_665 = tpu.memref_slice %arg5[%dma_start3A_663, %dma_start3A_664] : memref<262144x16xf32, #tpu.memory_space<hbm>> -> memref<262144x16xf32, #tpu.memory_space<hbm>>
      tpu.enqueue_indirect_dma source(%dma_start3A_665 : memref<262144x16xf32, #tpu.memory_space<hbm>>) target(%dma_start3A_660 : memref<128x16xf32, #tpu.memory_space<vmem>>) offsets(%dma_start3A_662 : memref<128xi32, #tpu.memory_space<vmem>>) semaphore(%arg46 : memref<!tpu.dma_semaphore, #tpu.memory_space<semaphore_mem>>)
      %dma_start3A_666 = arith.constant 384 : i32
      %dma_start3A_667 = arith.constant 0 : i32
      %dma_start3A_668 = tpu.memref_slice %arg40[%dma_start3A_666, %dma_start3A_667] : memref<512x16xf32, #tpu.memory_space<vmem>> -> memref<128x16xf32, #tpu.memory_space<vmem>>
      %dma_start3A_669 = arith.constant 384 : i32
      %dma_start3A_670 = tpu.memref_slice %arg23[%dma_start3A_669] : memref<512xi32, #tpu.memory_space<vmem>> -> memref<128xi32, #tpu.memory_space<vmem>>
      %dma_start3A_671 = arith.constant 0 : i32
      %dma_start3A_672 = arith.constant 0 : i32
      %dma_start3A_673 = tpu.memref_slice %arg5[%dma_start3A_671, %dma_start3A_672] : memref<262144x16xf32, #tpu.memory_space<hbm>> -> memref<262144x16xf32, #tpu.memory_space<hbm>>
      tpu.enqueue_indirect_dma source(%dma_start3A_673 : memref<262144x16xf32, #tpu.memory_space<hbm>>) target(%dma_start3A_668 : memref<128x16xf32, #tpu.memory_space<vmem>>) offsets(%dma_start3A_670 : memref<128xi32, #tpu.memory_space<vmem>>) semaphore(%arg46 : memref<!tpu.dma_semaphore, #tpu.memory_space<semaphore_mem>>)
      %dma_start3A_674 = arith.constant 384 : i32
      %dma_start3A_675 = arith.constant 0 : i32
      %dma_start3A_676 = tpu.memref_slice %arg41[%dma_start3A_674, %dma_start3A_675] : memref<512x16xf32, #tpu.memory_space<vmem>> -> memref<128x16xf32, #tpu.memory_space<vmem>>
      %dma_start3A_677 = arith.constant 384 : i32
      %dma_start3A_678 = tpu.memref_slice %arg24[%dma_start3A_677] : memref<512xi32, #tpu.memory_space<vmem>> -> memref<128xi32, #tpu.memory_space<vmem>>
      %dma_start3A_679 = arith.constant 0 : i32
      %dma_start3A_680 = arith.constant 0 : i32
      %dma_start3A_681 = tpu.memref_slice %arg5[%dma_start3A_679, %dma_start3A_680] : memref<262144x16xf32, #tpu.memory_space<hbm>> -> memref<262144x16xf32, #tpu.memory_space<hbm>>
      tpu.enqueue_indirect_dma source(%dma_start3A_681 : memref<262144x16xf32, #tpu.memory_space<hbm>>) target(%dma_start3A_676 : memref<128x16xf32, #tpu.memory_space<vmem>>) offsets(%dma_start3A_678 : memref<128xi32, #tpu.memory_space<vmem>>) semaphore(%arg46 : memref<!tpu.dma_semaphore, #tpu.memory_space<semaphore_mem>>)
      %dma_wait3A_682 = arith.constant 0 : i32
      %dma_wait3A_683 = arith.constant 0 : i32
      %dma_wait3A_684 = tpu.memref_slice %arg5[%dma_wait3A_682, %dma_wait3A_683] : memref<262144x16xf32, #tpu.memory_space<hbm>> -> memref<512x16xf32, #tpu.memory_space<hbm>>
      %dma_wait3A_685 = arith.constant 0 : i32
      %dma_wait3A_686 = arith.constant 0 : i32
      %dma_wait3A_687 = tpu.memref_slice %arg5[%dma_wait3A_685, %dma_wait3A_686] : memref<262144x16xf32, #tpu.memory_space<hbm>> -> memref<512x16xf32, #tpu.memory_space<hbm>>
      tpu.wait_dma2 semaphore(%arg45 : memref<!tpu.dma_semaphore, #tpu.memory_space<semaphore_mem>>) src(%dma_wait3A_687 : memref<512x16xf32, #tpu.memory_space<hbm>>) dst(%arg34 : memref<512x16xf32, #tpu.memory_space<vmem>>)
      %dma_wait3A_688 = arith.constant 0 : i32
      %dma_wait3A_689 = arith.constant 0 : i32
      %dma_wait3A_690 = tpu.memref_slice %arg5[%dma_wait3A_688, %dma_wait3A_689] : memref<262144x16xf32, #tpu.memory_space<hbm>> -> memref<512x16xf32, #tpu.memory_space<hbm>>
      %dma_wait3A_691 = arith.constant 0 : i32
      %dma_wait3A_692 = arith.constant 0 : i32
      %dma_wait3A_693 = tpu.memref_slice %arg5[%dma_wait3A_691, %dma_wait3A_692] : memref<262144x16xf32, #tpu.memory_space<hbm>> -> memref<512x16xf32, #tpu.memory_space<hbm>>
      tpu.wait_dma2 semaphore(%arg45 : memref<!tpu.dma_semaphore, #tpu.memory_space<semaphore_mem>>) src(%dma_wait3A_693 : memref<512x16xf32, #tpu.memory_space<hbm>>) dst(%arg35 : memref<512x16xf32, #tpu.memory_space<vmem>>)
      %dma_wait3A_694 = arith.constant 0 : i32
      %dma_wait3A_695 = arith.constant 0 : i32
      %dma_wait3A_696 = tpu.memref_slice %arg5[%dma_wait3A_694, %dma_wait3A_695] : memref<262144x16xf32, #tpu.memory_space<hbm>> -> memref<512x16xf32, #tpu.memory_space<hbm>>
      %dma_wait3A_697 = arith.constant 0 : i32
      %dma_wait3A_698 = arith.constant 0 : i32
      %dma_wait3A_699 = tpu.memref_slice %arg5[%dma_wait3A_697, %dma_wait3A_698] : memref<262144x16xf32, #tpu.memory_space<hbm>> -> memref<512x16xf32, #tpu.memory_space<hbm>>
      tpu.wait_dma2 semaphore(%arg45 : memref<!tpu.dma_semaphore, #tpu.memory_space<semaphore_mem>>) src(%dma_wait3A_699 : memref<512x16xf32, #tpu.memory_space<hbm>>) dst(%arg36 : memref<512x16xf32, #tpu.memory_space<vmem>>)
      %dma_wait3A_700 = arith.constant 0 : i32
      %dma_wait3A_701 = arith.constant 0 : i32
      %dma_wait3A_702 = tpu.memref_slice %arg5[%dma_wait3A_700, %dma_wait3A_701] : memref<262144x16xf32, #tpu.memory_space<hbm>> -> memref<512x16xf32, #tpu.memory_space<hbm>>
      %dma_wait3A_703 = arith.constant 0 : i32
      %dma_wait3A_704 = arith.constant 0 : i32
      %dma_wait3A_705 = tpu.memref_slice %arg5[%dma_wait3A_703, %dma_wait3A_704] : memref<262144x16xf32, #tpu.memory_space<hbm>> -> memref<512x16xf32, #tpu.memory_space<hbm>>
      tpu.wait_dma2 semaphore(%arg45 : memref<!tpu.dma_semaphore, #tpu.memory_space<semaphore_mem>>) src(%dma_wait3A_705 : memref<512x16xf32, #tpu.memory_space<hbm>>) dst(%arg37 : memref<512x16xf32, #tpu.memory_space<vmem>>)
      %mul3A_706 = arith.constant 512 : i32
      %mul3A_707 = arith.muli %add3A_534, %mul3A_706 : i32
      %add3A_708 = arith.addi %mul3A_2, %mul3A_707 : i32
      %dma_start3A_709 = arith.constant 0 : i32
      %dma_start3A_710 = tpu.memref_slice %arg8[%add3A_708, %dma_start3A_709] : memref<1048576x48xf32, #tpu.memory_space<hbm>> -> memref<512x48xf32, #tpu.memory_space<hbm>>
      %dma_start3A_711 = arith.constant 0 : i32
      %dma_start3A_712 = tpu.memref_slice %arg8[%add3A_708, %dma_start3A_711] : memref<1048576x48xf32, #tpu.memory_space<hbm>> -> memref<512x48xf32, #tpu.memory_space<hbm>>
      tpu.enqueue_dma source(%arg33 : memref<512x48xf32, #tpu.memory_space<vmem>>) target(%dma_start3A_712 : memref<512x48xf32, #tpu.memory_space<hbm>>) target_semaphore(%arg42 : memref<!tpu.dma_semaphore, #tpu.memory_space<semaphore_mem>>)
      %mul3A_713 = arith.constant 2 : i32
      %mul3A_714 = arith.muli %mul3A_713, %scan3A_190 : i32
      %add3A_715 = arith.constant 1 : i32
      %add3A_716 = arith.addi %mul3A_714, %add3A_715 : i32
      %mul3A_717 = arith.constant 2 : i32
      %mul3A_718 = arith.muli %mul3A_717, %scan3A_190 : i32
      %add3A_719 = arith.constant 1 : i32
      %add3A_720 = arith.addi %mul3A_718, %add3A_719 : i32
      %dma_start3A_721 = arith.constant 0 : i32
      %dma_start3A_722 = arith.constant 0 : i32
      %dma_start3A_723 = tpu.memref_slice %arg34[%dma_start3A_721, %dma_start3A_722] : memref<512x16xf32, #tpu.memory_space<vmem>> -> memref<128x16xf32, #tpu.memory_space<vmem>>
      %dma_start3A_724 = arith.constant 0 : i32
      %dma_start3A_725 = tpu.memref_slice %arg25[%dma_start3A_724] : memref<512xi32, #tpu.memory_space<vmem>> -> memref<128xi32, #tpu.memory_space<vmem>>
      %dma_start3A_726 = arith.constant 0 : i32
      %dma_start3A_727 = arith.constant 0 : i32
      %dma_start3A_728 = tpu.memref_slice %arg6[%dma_start3A_726, %dma_start3A_727] : memref<262144x16xf32, #tpu.memory_space<hbm>> -> memref<262144x16xf32, #tpu.memory_space<hbm>>
      tpu.enqueue_indirect_dma source(%dma_start3A_728 : memref<262144x16xf32, #tpu.memory_space<hbm>>) target(%dma_start3A_723 : memref<128x16xf32, #tpu.memory_space<vmem>>) offsets(%dma_start3A_725 : memref<128xi32, #tpu.memory_space<vmem>>) semaphore(%arg45 : memref<!tpu.dma_semaphore, #tpu.memory_space<semaphore_mem>>)
      %dma_start3A_729 = arith.constant 0 : i32
      %dma_start3A_730 = arith.constant 0 : i32
      %dma_start3A_731 = tpu.memref_slice %arg35[%dma_start3A_729, %dma_start3A_730] : memref<512x16xf32, #tpu.memory_space<vmem>> -> memref<128x16xf32, #tpu.memory_space<vmem>>
      %dma_start3A_732 = arith.constant 0 : i32
      %dma_start3A_733 = tpu.memref_slice %arg26[%dma_start3A_732] : memref<512xi32, #tpu.memory_space<vmem>> -> memref<128xi32, #tpu.memory_space<vmem>>
      %dma_start3A_734 = arith.constant 0 : i32
      %dma_start3A_735 = arith.constant 0 : i32
      %dma_start3A_736 = tpu.memref_slice %arg6[%dma_start3A_734, %dma_start3A_735] : memref<262144x16xf32, #tpu.memory_space<hbm>> -> memref<262144x16xf32, #tpu.memory_space<hbm>>
      tpu.enqueue_indirect_dma source(%dma_start3A_736 : memref<262144x16xf32, #tpu.memory_space<hbm>>) target(%dma_start3A_731 : memref<128x16xf32, #tpu.memory_space<vmem>>) offsets(%dma_start3A_733 : memref<128xi32, #tpu.memory_space<vmem>>) semaphore(%arg45 : memref<!tpu.dma_semaphore, #tpu.memory_space<semaphore_mem>>)
      %dma_start3A_737 = arith.constant 0 : i32
      %dma_start3A_738 = arith.constant 0 : i32
      %dma_start3A_739 = tpu.memref_slice %arg36[%dma_start3A_737, %dma_start3A_738] : memref<512x16xf32, #tpu.memory_space<vmem>> -> memref<128x16xf32, #tpu.memory_space<vmem>>
      %dma_start3A_740 = arith.constant 0 : i32
      %dma_start3A_741 = tpu.memref_slice %arg27[%dma_start3A_740] : memref<512xi32, #tpu.memory_space<vmem>> -> memref<128xi32, #tpu.memory_space<vmem>>
      %dma_start3A_742 = arith.constant 0 : i32
      %dma_start3A_743 = arith.constant 0 : i32
      %dma_start3A_744 = tpu.memref_slice %arg6[%dma_start3A_742, %dma_start3A_743] : memref<262144x16xf32, #tpu.memory_space<hbm>> -> memref<262144x16xf32, #tpu.memory_space<hbm>>
      tpu.enqueue_indirect_dma source(%dma_start3A_744 : memref<262144x16xf32, #tpu.memory_space<hbm>>) target(%dma_start3A_739 : memref<128x16xf32, #tpu.memory_space<vmem>>) offsets(%dma_start3A_741 : memref<128xi32, #tpu.memory_space<vmem>>) semaphore(%arg45 : memref<!tpu.dma_semaphore, #tpu.memory_space<semaphore_mem>>)
      %dma_start3A_745 = arith.constant 0 : i32
      %dma_start3A_746 = arith.constant 0 : i32
      %dma_start3A_747 = tpu.memref_slice %arg37[%dma_start3A_745, %dma_start3A_746] : memref<512x16xf32, #tpu.memory_space<vmem>> -> memref<128x16xf32, #tpu.memory_space<vmem>>
      %dma_start3A_748 = arith.constant 0 : i32
      %dma_start3A_749 = tpu.memref_slice %arg28[%dma_start3A_748] : memref<512xi32, #tpu.memory_space<vmem>> -> memref<128xi32, #tpu.memory_space<vmem>>
      %dma_start3A_750 = arith.constant 0 : i32
      %dma_start3A_751 = arith.constant 0 : i32
      %dma_start3A_752 = tpu.memref_slice %arg6[%dma_start3A_750, %dma_start3A_751] : memref<262144x16xf32, #tpu.memory_space<hbm>> -> memref<262144x16xf32, #tpu.memory_space<hbm>>
      tpu.enqueue_indirect_dma source(%dma_start3A_752 : memref<262144x16xf32, #tpu.memory_space<hbm>>) target(%dma_start3A_747 : memref<128x16xf32, #tpu.memory_space<vmem>>) offsets(%dma_start3A_749 : memref<128xi32, #tpu.memory_space<vmem>>) semaphore(%arg45 : memref<!tpu.dma_semaphore, #tpu.memory_space<semaphore_mem>>)
      %dma_start3A_753 = arith.constant 128 : i32
      %dma_start3A_754 = arith.constant 0 : i32
      %dma_start3A_755 = tpu.memref_slice %arg34[%dma_start3A_753, %dma_start3A_754] : memref<512x16xf32, #tpu.memory_space<vmem>> -> memref<128x16xf32, #tpu.memory_space<vmem>>
      %dma_start3A_756 = arith.constant 128 : i32
      %dma_start3A_757 = tpu.memref_slice %arg25[%dma_start3A_756] : memref<512xi32, #tpu.memory_space<vmem>> -> memref<128xi32, #tpu.memory_space<vmem>>
      %dma_start3A_758 = arith.constant 0 : i32
      %dma_start3A_759 = arith.constant 0 : i32
      %dma_start3A_760 = tpu.memref_slice %arg6[%dma_start3A_758, %dma_start3A_759] : memref<262144x16xf32, #tpu.memory_space<hbm>> -> memref<262144x16xf32, #tpu.memory_space<hbm>>
      tpu.enqueue_indirect_dma source(%dma_start3A_760 : memref<262144x16xf32, #tpu.memory_space<hbm>>) target(%dma_start3A_755 : memref<128x16xf32, #tpu.memory_space<vmem>>) offsets(%dma_start3A_757 : memref<128xi32, #tpu.memory_space<vmem>>) semaphore(%arg45 : memref<!tpu.dma_semaphore, #tpu.memory_space<semaphore_mem>>)
      %dma_start3A_761 = arith.constant 128 : i32
      %dma_start3A_762 = arith.constant 0 : i32
      %dma_start3A_763 = tpu.memref_slice %arg35[%dma_start3A_761, %dma_start3A_762] : memref<512x16xf32, #tpu.memory_space<vmem>> -> memref<128x16xf32, #tpu.memory_space<vmem>>
      %dma_start3A_764 = arith.constant 128 : i32
      %dma_start3A_765 = tpu.memref_slice %arg26[%dma_start3A_764] : memref<512xi32, #tpu.memory_space<vmem>> -> memref<128xi32, #tpu.memory_space<vmem>>
      %dma_start3A_766 = arith.constant 0 : i32
      %dma_start3A_767 = arith.constant 0 : i32
      %dma_start3A_768 = tpu.memref_slice %arg6[%dma_start3A_766, %dma_start3A_767] : memref<262144x16xf32, #tpu.memory_space<hbm>> -> memref<262144x16xf32, #tpu.memory_space<hbm>>
      tpu.enqueue_indirect_dma source(%dma_start3A_768 : memref<262144x16xf32, #tpu.memory_space<hbm>>) target(%dma_start3A_763 : memref<128x16xf32, #tpu.memory_space<vmem>>) offsets(%dma_start3A_765 : memref<128xi32, #tpu.memory_space<vmem>>) semaphore(%arg45 : memref<!tpu.dma_semaphore, #tpu.memory_space<semaphore_mem>>)
      %dma_start3A_769 = arith.constant 128 : i32
      %dma_start3A_770 = arith.constant 0 : i32
      %dma_start3A_771 = tpu.memref_slice %arg36[%dma_start3A_769, %dma_start3A_770] : memref<512x16xf32, #tpu.memory_space<vmem>> -> memref<128x16xf32, #tpu.memory_space<vmem>>
      %dma_start3A_772 = arith.constant 128 : i32
      %dma_start3A_773 = tpu.memref_slice %arg27[%dma_start3A_772] : memref<512xi32, #tpu.memory_space<vmem>> -> memref<128xi32, #tpu.memory_space<vmem>>
      %dma_start3A_774 = arith.constant 0 : i32
      %dma_start3A_775 = arith.constant 0 : i32
      %dma_start3A_776 = tpu.memref_slice %arg6[%dma_start3A_774, %dma_start3A_775] : memref<262144x16xf32, #tpu.memory_space<hbm>> -> memref<262144x16xf32, #tpu.memory_space<hbm>>
      tpu.enqueue_indirect_dma source(%dma_start3A_776 : memref<262144x16xf32, #tpu.memory_space<hbm>>) target(%dma_start3A_771 : memref<128x16xf32, #tpu.memory_space<vmem>>) offsets(%dma_start3A_773 : memref<128xi32, #tpu.memory_space<vmem>>) semaphore(%arg45 : memref<!tpu.dma_semaphore, #tpu.memory_space<semaphore_mem>>)
      %dma_start3A_777 = arith.constant 128 : i32
      %dma_start3A_778 = arith.constant 0 : i32
      %dma_start3A_779 = tpu.memref_slice %arg37[%dma_start3A_777, %dma_start3A_778] : memref<512x16xf32, #tpu.memory_space<vmem>> -> memref<128x16xf32, #tpu.memory_space<vmem>>
      %dma_start3A_780 = arith.constant 128 : i32
      %dma_start3A_781 = tpu.memref_slice %arg28[%dma_start3A_780] : memref<512xi32, #tpu.memory_space<vmem>> -> memref<128xi32, #tpu.memory_space<vmem>>
      %dma_start3A_782 = arith.constant 0 : i32
      %dma_start3A_783 = arith.constant 0 : i32
      %dma_start3A_784 = tpu.memref_slice %arg6[%dma_start3A_782, %dma_start3A_783] : memref<262144x16xf32, #tpu.memory_space<hbm>> -> memref<262144x16xf32, #tpu.memory_space<hbm>>
      tpu.enqueue_indirect_dma source(%dma_start3A_784 : memref<262144x16xf32, #tpu.memory_space<hbm>>) target(%dma_start3A_779 : memref<128x16xf32, #tpu.memory_space<vmem>>) offsets(%dma_start3A_781 : memref<128xi32, #tpu.memory_space<vmem>>) semaphore(%arg45 : memref<!tpu.dma_semaphore, #tpu.memory_space<semaphore_mem>>)
      %dma_start3A_785 = arith.constant 256 : i32
      %dma_start3A_786 = arith.constant 0 : i32
      %dma_start3A_787 = tpu.memref_slice %arg34[%dma_start3A_785, %dma_start3A_786] : memref<512x16xf32, #tpu.memory_space<vmem>> -> memref<128x16xf32, #tpu.memory_space<vmem>>
      %dma_start3A_788 = arith.constant 256 : i32
      %dma_start3A_789 = tpu.memref_slice %arg25[%dma_start3A_788] : memref<512xi32, #tpu.memory_space<vmem>> -> memref<128xi32, #tpu.memory_space<vmem>>
      %dma_start3A_790 = arith.constant 0 : i32
      %dma_start3A_791 = arith.constant 0 : i32
      %dma_start3A_792 = tpu.memref_slice %arg6[%dma_start3A_790, %dma_start3A_791] : memref<262144x16xf32, #tpu.memory_space<hbm>> -> memref<262144x16xf32, #tpu.memory_space<hbm>>
      tpu.enqueue_indirect_dma source(%dma_start3A_792 : memref<262144x16xf32, #tpu.memory_space<hbm>>) target(%dma_start3A_787 : memref<128x16xf32, #tpu.memory_space<vmem>>) offsets(%dma_start3A_789 : memref<128xi32, #tpu.memory_space<vmem>>) semaphore(%arg45 : memref<!tpu.dma_semaphore, #tpu.memory_space<semaphore_mem>>)
      %dma_start3A_793 = arith.constant 256 : i32
      %dma_start3A_794 = arith.constant 0 : i32
      %dma_start3A_795 = tpu.memref_slice %arg35[%dma_start3A_793, %dma_start3A_794] : memref<512x16xf32, #tpu.memory_space<vmem>> -> memref<128x16xf32, #tpu.memory_space<vmem>>
      %dma_start3A_796 = arith.constant 256 : i32
      %dma_start3A_797 = tpu.memref_slice %arg26[%dma_start3A_796] : memref<512xi32, #tpu.memory_space<vmem>> -> memref<128xi32, #tpu.memory_space<vmem>>
      %dma_start3A_798 = arith.constant 0 : i32
      %dma_start3A_799 = arith.constant 0 : i32
      %dma_start3A_800 = tpu.memref_slice %arg6[%dma_start3A_798, %dma_start3A_799] : memref<262144x16xf32, #tpu.memory_space<hbm>> -> memref<262144x16xf32, #tpu.memory_space<hbm>>
      tpu.enqueue_indirect_dma source(%dma_start3A_800 : memref<262144x16xf32, #tpu.memory_space<hbm>>) target(%dma_start3A_795 : memref<128x16xf32, #tpu.memory_space<vmem>>) offsets(%dma_start3A_797 : memref<128xi32, #tpu.memory_space<vmem>>) semaphore(%arg45 : memref<!tpu.dma_semaphore, #tpu.memory_space<semaphore_mem>>)
      %dma_start3A_801 = arith.constant 256 : i32
      %dma_start3A_802 = arith.constant 0 : i32
      %dma_start3A_803 = tpu.memref_slice %arg36[%dma_start3A_801, %dma_start3A_802] : memref<512x16xf32, #tpu.memory_space<vmem>> -> memref<128x16xf32, #tpu.memory_space<vmem>>
      %dma_start3A_804 = arith.constant 256 : i32
      %dma_start3A_805 = tpu.memref_slice %arg27[%dma_start3A_804] : memref<512xi32, #tpu.memory_space<vmem>> -> memref<128xi32, #tpu.memory_space<vmem>>
      %dma_start3A_806 = arith.constant 0 : i32
      %dma_start3A_807 = arith.constant 0 : i32
      %dma_start3A_808 = tpu.memref_slice %arg6[%dma_start3A_806, %dma_start3A_807] : memref<262144x16xf32, #tpu.memory_space<hbm>> -> memref<262144x16xf32, #tpu.memory_space<hbm>>
      tpu.enqueue_indirect_dma source(%dma_start3A_808 : memref<262144x16xf32, #tpu.memory_space<hbm>>) target(%dma_start3A_803 : memref<128x16xf32, #tpu.memory_space<vmem>>) offsets(%dma_start3A_805 : memref<128xi32, #tpu.memory_space<vmem>>) semaphore(%arg45 : memref<!tpu.dma_semaphore, #tpu.memory_space<semaphore_mem>>)
      %dma_start3A_809 = arith.constant 256 : i32
      %dma_start3A_810 = arith.constant 0 : i32
      %dma_start3A_811 = tpu.memref_slice %arg37[%dma_start3A_809, %dma_start3A_810] : memref<512x16xf32, #tpu.memory_space<vmem>> -> memref<128x16xf32, #tpu.memory_space<vmem>>
      %dma_start3A_812 = arith.constant 256 : i32
      %dma_start3A_813 = tpu.memref_slice %arg28[%dma_start3A_812] : memref<512xi32, #tpu.memory_space<vmem>> -> memref<128xi32, #tpu.memory_space<vmem>>
      %dma_start3A_814 = arith.constant 0 : i32
      %dma_start3A_815 = arith.constant 0 : i32
      %dma_start3A_816 = tpu.memref_slice %arg6[%dma_start3A_814, %dma_start3A_815] : memref<262144x16xf32, #tpu.memory_space<hbm>> -> memref<262144x16xf32, #tpu.memory_space<hbm>>
      tpu.enqueue_indirect_dma source(%dma_start3A_816 : memref<262144x16xf32, #tpu.memory_space<hbm>>) target(%dma_start3A_811 : memref<128x16xf32, #tpu.memory_space<vmem>>) offsets(%dma_start3A_813 : memref<128xi32, #tpu.memory_space<vmem>>) semaphore(%arg45 : memref<!tpu.dma_semaphore, #tpu.memory_space<semaphore_mem>>)
      %dma_start3A_817 = arith.constant 384 : i32
      %dma_start3A_818 = arith.constant 0 : i32
      %dma_start3A_819 = tpu.memref_slice %arg34[%dma_start3A_817, %dma_start3A_818] : memref<512x16xf32, #tpu.memory_space<vmem>> -> memref<128x16xf32, #tpu.memory_space<vmem>>
      %dma_start3A_820 = arith.constant 384 : i32
      %dma_start3A_821 = tpu.memref_slice %arg25[%dma_start3A_820] : memref<512xi32, #tpu.memory_space<vmem>> -> memref<128xi32, #tpu.memory_space<vmem>>
      %dma_start3A_822 = arith.constant 0 : i32
      %dma_start3A_823 = arith.constant 0 : i32
      %dma_start3A_824 = tpu.memref_slice %arg6[%dma_start3A_822, %dma_start3A_823] : memref<262144x16xf32, #tpu.memory_space<hbm>> -> memref<262144x16xf32, #tpu.memory_space<hbm>>
      tpu.enqueue_indirect_dma source(%dma_start3A_824 : memref<262144x16xf32, #tpu.memory_space<hbm>>) target(%dma_start3A_819 : memref<128x16xf32, #tpu.memory_space<vmem>>) offsets(%dma_start3A_821 : memref<128xi32, #tpu.memory_space<vmem>>) semaphore(%arg45 : memref<!tpu.dma_semaphore, #tpu.memory_space<semaphore_mem>>)
      %dma_start3A_825 = arith.constant 384 : i32
      %dma_start3A_826 = arith.constant 0 : i32
      %dma_start3A_827 = tpu.memref_slice %arg35[%dma_start3A_825, %dma_start3A_826] : memref<512x16xf32, #tpu.memory_space<vmem>> -> memref<128x16xf32, #tpu.memory_space<vmem>>
      %dma_start3A_828 = arith.constant 384 : i32
      %dma_start3A_829 = tpu.memref_slice %arg26[%dma_start3A_828] : memref<512xi32, #tpu.memory_space<vmem>> -> memref<128xi32, #tpu.memory_space<vmem>>
      %dma_start3A_830 = arith.constant 0 : i32
      %dma_start3A_831 = arith.constant 0 : i32
      %dma_start3A_832 = tpu.memref_slice %arg6[%dma_start3A_830, %dma_start3A_831] : memref<262144x16xf32, #tpu.memory_space<hbm>> -> memref<262144x16xf32, #tpu.memory_space<hbm>>
      tpu.enqueue_indirect_dma source(%dma_start3A_832 : memref<262144x16xf32, #tpu.memory_space<hbm>>) target(%dma_start3A_827 : memref<128x16xf32, #tpu.memory_space<vmem>>) offsets(%dma_start3A_829 : memref<128xi32, #tpu.memory_space<vmem>>) semaphore(%arg45 : memref<!tpu.dma_semaphore, #tpu.memory_space<semaphore_mem>>)
      %dma_start3A_833 = arith.constant 384 : i32
      %dma_start3A_834 = arith.constant 0 : i32
      %dma_start3A_835 = tpu.memref_slice %arg36[%dma_start3A_833, %dma_start3A_834] : memref<512x16xf32, #tpu.memory_space<vmem>> -> memref<128x16xf32, #tpu.memory_space<vmem>>
      %dma_start3A_836 = arith.constant 384 : i32
      %dma_start3A_837 = tpu.memref_slice %arg27[%dma_start3A_836] : memref<512xi32, #tpu.memory_space<vmem>> -> memref<128xi32, #tpu.memory_space<vmem>>
      %dma_start3A_838 = arith.constant 0 : i32
      %dma_start3A_839 = arith.constant 0 : i32
      %dma_start3A_840 = tpu.memref_slice %arg6[%dma_start3A_838, %dma_start3A_839] : memref<262144x16xf32, #tpu.memory_space<hbm>> -> memref<262144x16xf32, #tpu.memory_space<hbm>>
      tpu.enqueue_indirect_dma source(%dma_start3A_840 : memref<262144x16xf32, #tpu.memory_space<hbm>>) target(%dma_start3A_835 : memref<128x16xf32, #tpu.memory_space<vmem>>) offsets(%dma_start3A_837 : memref<128xi32, #tpu.memory_space<vmem>>) semaphore(%arg45 : memref<!tpu.dma_semaphore, #tpu.memory_space<semaphore_mem>>)
      %dma_start3A_841 = arith.constant 384 : i32
      %dma_start3A_842 = arith.constant 0 : i32
      %dma_start3A_843 = tpu.memref_slice %arg37[%dma_start3A_841, %dma_start3A_842] : memref<512x16xf32, #tpu.memory_space<vmem>> -> memref<128x16xf32, #tpu.memory_space<vmem>>
      %dma_start3A_844 = arith.constant 384 : i32
      %dma_start3A_845 = tpu.memref_slice %arg28[%dma_start3A_844] : memref<512xi32, #tpu.memory_space<vmem>> -> memref<128xi32, #tpu.memory_space<vmem>>
      %dma_start3A_846 = arith.constant 0 : i32
      %dma_start3A_847 = arith.constant 0 : i32
      %dma_start3A_848 = tpu.memref_slice %arg6[%dma_start3A_846, %dma_start3A_847] : memref<262144x16xf32, #tpu.memory_space<hbm>> -> memref<262144x16xf32, #tpu.memory_space<hbm>>
      tpu.enqueue_indirect_dma source(%dma_start3A_848 : memref<262144x16xf32, #tpu.memory_space<hbm>>) target(%dma_start3A_843 : memref<128x16xf32, #tpu.memory_space<vmem>>) offsets(%dma_start3A_845 : memref<128xi32, #tpu.memory_space<vmem>>) semaphore(%arg45 : memref<!tpu.dma_semaphore, #tpu.memory_space<semaphore_mem>>)
      %dma_wait3A_849 = arith.constant 0 : i32
      %dma_wait3A_850 = arith.constant 0 : i32
      %dma_wait3A_851 = tpu.memref_slice %arg5[%dma_wait3A_849, %dma_wait3A_850] : memref<262144x16xf32, #tpu.memory_space<hbm>> -> memref<512x16xf32, #tpu.memory_space<hbm>>
      %dma_wait3A_852 = arith.constant 0 : i32
      %dma_wait3A_853 = arith.constant 0 : i32
      %dma_wait3A_854 = tpu.memref_slice %arg5[%dma_wait3A_852, %dma_wait3A_853] : memref<262144x16xf32, #tpu.memory_space<hbm>> -> memref<512x16xf32, #tpu.memory_space<hbm>>
      tpu.wait_dma2 semaphore(%arg46 : memref<!tpu.dma_semaphore, #tpu.memory_space<semaphore_mem>>) src(%dma_wait3A_854 : memref<512x16xf32, #tpu.memory_space<hbm>>) dst(%arg38 : memref<512x16xf32, #tpu.memory_space<vmem>>)
      %dma_wait3A_855 = arith.constant 0 : i32
      %dma_wait3A_856 = arith.constant 0 : i32
      %dma_wait3A_857 = tpu.memref_slice %arg5[%dma_wait3A_855, %dma_wait3A_856] : memref<262144x16xf32, #tpu.memory_space<hbm>> -> memref<512x16xf32, #tpu.memory_space<hbm>>
      %dma_wait3A_858 = arith.constant 0 : i32
      %dma_wait3A_859 = arith.constant 0 : i32
      %dma_wait3A_860 = tpu.memref_slice %arg5[%dma_wait3A_858, %dma_wait3A_859] : memref<262144x16xf32, #tpu.memory_space<hbm>> -> memref<512x16xf32, #tpu.memory_space<hbm>>
      tpu.wait_dma2 semaphore(%arg46 : memref<!tpu.dma_semaphore, #tpu.memory_space<semaphore_mem>>) src(%dma_wait3A_860 : memref<512x16xf32, #tpu.memory_space<hbm>>) dst(%arg39 : memref<512x16xf32, #tpu.memory_space<vmem>>)
      %dma_wait3A_861 = arith.constant 0 : i32
      %dma_wait3A_862 = arith.constant 0 : i32
      %dma_wait3A_863 = tpu.memref_slice %arg5[%dma_wait3A_861, %dma_wait3A_862] : memref<262144x16xf32, #tpu.memory_space<hbm>> -> memref<512x16xf32, #tpu.memory_space<hbm>>
      %dma_wait3A_864 = arith.constant 0 : i32
      %dma_wait3A_865 = arith.constant 0 : i32
      %dma_wait3A_866 = tpu.memref_slice %arg5[%dma_wait3A_864, %dma_wait3A_865] : memref<262144x16xf32, #tpu.memory_space<hbm>> -> memref<512x16xf32, #tpu.memory_space<hbm>>
      tpu.wait_dma2 semaphore(%arg46 : memref<!tpu.dma_semaphore, #tpu.memory_space<semaphore_mem>>) src(%dma_wait3A_866 : memref<512x16xf32, #tpu.memory_space<hbm>>) dst(%arg40 : memref<512x16xf32, #tpu.memory_space<vmem>>)
      %dma_wait3A_867 = arith.constant 0 : i32
      %dma_wait3A_868 = arith.constant 0 : i32
      %dma_wait3A_869 = tpu.memref_slice %arg5[%dma_wait3A_867, %dma_wait3A_868] : memref<262144x16xf32, #tpu.memory_space<hbm>> -> memref<512x16xf32, #tpu.memory_space<hbm>>
      %dma_wait3A_870 = arith.constant 0 : i32
      %dma_wait3A_871 = arith.constant 0 : i32
      %dma_wait3A_872 = tpu.memref_slice %arg5[%dma_wait3A_870, %dma_wait3A_871] : memref<262144x16xf32, #tpu.memory_space<hbm>> -> memref<512x16xf32, #tpu.memory_space<hbm>>
      tpu.wait_dma2 semaphore(%arg46 : memref<!tpu.dma_semaphore, #tpu.memory_space<semaphore_mem>>) src(%dma_wait3A_872 : memref<512x16xf32, #tpu.memory_space<hbm>>) dst(%arg41 : memref<512x16xf32, #tpu.memory_space<vmem>>)
      %dma_wait3A_873 = arith.constant 0 : i32
      %dma_wait3A_874 = arith.constant 0 : i32
      %dma_wait3A_875 = tpu.memref_slice %arg8[%dma_wait3A_873, %dma_wait3A_874] : memref<1048576x48xf32, #tpu.memory_space<hbm>> -> memref<512x48xf32, #tpu.memory_space<hbm>>
      %dma_wait3A_876 = arith.constant 0 : i32
      %dma_wait3A_877 = arith.constant 0 : i32
      %dma_wait3A_878 = tpu.memref_slice %arg8[%dma_wait3A_876, %dma_wait3A_877] : memref<1048576x48xf32, #tpu.memory_space<hbm>> -> memref<512x48xf32, #tpu.memory_space<hbm>>
      tpu.wait_dma2 semaphore(%arg42 : memref<!tpu.dma_semaphore, #tpu.memory_space<semaphore_mem>>) src(%dma_wait3A_878 : memref<512x48xf32, #tpu.memory_space<hbm>>) dst(%arg33 : memref<512x48xf32, #tpu.memory_space<vmem>>)
      %mul3A_879 = arith.constant 2 : i32
      %mul3A_880 = arith.muli %mul3A_879, %scan3A_190 : i32
      %add3A_881 = arith.constant 1 : i32
      %add3A_882 = arith.addi %mul3A_880, %add3A_881 : i32
      %mul3A_883 = arith.constant 2 : i32
      %mul3A_884 = arith.muli %mul3A_883, %scan3A_190 : i32
      %add3A_885 = arith.constant 1 : i32
      %add3A_886 = arith.addi %mul3A_884, %add3A_885 : i32
      %mul3A_887 = arith.constant 2 : i32
      %mul3A_888 = arith.muli %mul3A_887, %scan3A_190 : i32
      %add3A_889 = arith.constant 2 : i32
      %add3A_890 = arith.addi %mul3A_888, %add3A_889 : i32
      %min3A_891 = arith.constant 63 : i32
      %min3A_892 = arith.minsi %add3A_890, %min3A_891 : i32
      %mul3A_893 = arith.constant 512 : i32
      %mul3A_894 = arith.muli %min3A_892, %mul3A_893 : i32
      %add3A_895 = arith.addi %mul3A_2, %mul3A_894 : i32
      %dma_start3A_896 = tpu.memref_slice %arg2[%add3A_895] : memref<1048576xf32, #tpu.memory_space<hbm>> -> memref<512xf32, #tpu.memory_space<hbm>>
      %dma_start3A_897 = tpu.memref_slice %arg2[%add3A_895] : memref<1048576xf32, #tpu.memory_space<hbm>> -> memref<512xf32, #tpu.memory_space<hbm>>
      tpu.enqueue_dma source(%dma_start3A_897 : memref<512xf32, #tpu.memory_space<hbm>>) target(%arg53 : memref<512xf32, #tpu.memory_space<vmem>>) target_semaphore(%arg43 : memref<!tpu.dma_semaphore, #tpu.memory_space<semaphore_mem>>)
      %dma_start3A_898 = tpu.memref_slice %arg3[%add3A_895] : memref<1048576xf32, #tpu.memory_space<hbm>> -> memref<512xf32, #tpu.memory_space<hbm>>
      %dma_start3A_899 = tpu.memref_slice %arg3[%add3A_895] : memref<1048576xf32, #tpu.memory_space<hbm>> -> memref<512xf32, #tpu.memory_space<hbm>>
      tpu.enqueue_dma source(%dma_start3A_899 : memref<512xf32, #tpu.memory_space<hbm>>) target(%arg54 : memref<512xf32, #tpu.memory_space<vmem>>) target_semaphore(%arg43 : memref<!tpu.dma_semaphore, #tpu.memory_space<semaphore_mem>>)
      %dma_start3A_900 = tpu.memref_slice %arg4[%add3A_895] : memref<1048576xf32, #tpu.memory_space<hbm>> -> memref<512xf32, #tpu.memory_space<hbm>>
      %dma_start3A_901 = tpu.memref_slice %arg4[%add3A_895] : memref<1048576xf32, #tpu.memory_space<hbm>> -> memref<512xf32, #tpu.memory_space<hbm>>
      tpu.enqueue_dma source(%dma_start3A_901 : memref<512xf32, #tpu.memory_space<hbm>>) target(%arg55 : memref<512xf32, #tpu.memory_space<vmem>>) target_semaphore(%arg43 : memref<!tpu.dma_semaphore, #tpu.memory_space<semaphore_mem>>)
      %dma_start3A_902 = arith.constant 0 : i32
      %dma_start3A_903 = arith.constant 0 : i32
      %dma_start3A_904 = tpu.memref_slice %arg38[%dma_start3A_902, %dma_start3A_903] : memref<512x16xf32, #tpu.memory_space<vmem>> -> memref<128x16xf32, #tpu.memory_space<vmem>>
      %dma_start3A_905 = arith.constant 0 : i32
      %dma_start3A_906 = tpu.memref_slice %arg29[%dma_start3A_905] : memref<512xi32, #tpu.memory_space<vmem>> -> memref<128xi32, #tpu.memory_space<vmem>>
      %dma_start3A_907 = arith.constant 0 : i32
      %dma_start3A_908 = arith.constant 0 : i32
      %dma_start3A_909 = tpu.memref_slice %arg7[%dma_start3A_907, %dma_start3A_908] : memref<262144x16xf32, #tpu.memory_space<hbm>> -> memref<262144x16xf32, #tpu.memory_space<hbm>>
      tpu.enqueue_indirect_dma source(%dma_start3A_909 : memref<262144x16xf32, #tpu.memory_space<hbm>>) target(%dma_start3A_904 : memref<128x16xf32, #tpu.memory_space<vmem>>) offsets(%dma_start3A_906 : memref<128xi32, #tpu.memory_space<vmem>>) semaphore(%arg46 : memref<!tpu.dma_semaphore, #tpu.memory_space<semaphore_mem>>)
      %dma_start3A_910 = arith.constant 0 : i32
      %dma_start3A_911 = arith.constant 0 : i32
      %dma_start3A_912 = tpu.memref_slice %arg39[%dma_start3A_910, %dma_start3A_911] : memref<512x16xf32, #tpu.memory_space<vmem>> -> memref<128x16xf32, #tpu.memory_space<vmem>>
      %dma_start3A_913 = arith.constant 0 : i32
      %dma_start3A_914 = tpu.memref_slice %arg30[%dma_start3A_913] : memref<512xi32, #tpu.memory_space<vmem>> -> memref<128xi32, #tpu.memory_space<vmem>>
      %dma_start3A_915 = arith.constant 0 : i32
      %dma_start3A_916 = arith.constant 0 : i32
      %dma_start3A_917 = tpu.memref_slice %arg7[%dma_start3A_915, %dma_start3A_916] : memref<262144x16xf32, #tpu.memory_space<hbm>> -> memref<262144x16xf32, #tpu.memory_space<hbm>>
      tpu.enqueue_indirect_dma source(%dma_start3A_917 : memref<262144x16xf32, #tpu.memory_space<hbm>>) target(%dma_start3A_912 : memref<128x16xf32, #tpu.memory_space<vmem>>) offsets(%dma_start3A_914 : memref<128xi32, #tpu.memory_space<vmem>>) semaphore(%arg46 : memref<!tpu.dma_semaphore, #tpu.memory_space<semaphore_mem>>)
      %dma_start3A_918 = arith.constant 0 : i32
      %dma_start3A_919 = arith.constant 0 : i32
      %dma_start3A_920 = tpu.memref_slice %arg40[%dma_start3A_918, %dma_start3A_919] : memref<512x16xf32, #tpu.memory_space<vmem>> -> memref<128x16xf32, #tpu.memory_space<vmem>>
      %dma_start3A_921 = arith.constant 0 : i32
      %dma_start3A_922 = tpu.memref_slice %arg31[%dma_start3A_921] : memref<512xi32, #tpu.memory_space<vmem>> -> memref<128xi32, #tpu.memory_space<vmem>>
      %dma_start3A_923 = arith.constant 0 : i32
      %dma_start3A_924 = arith.constant 0 : i32
      %dma_start3A_925 = tpu.memref_slice %arg7[%dma_start3A_923, %dma_start3A_924] : memref<262144x16xf32, #tpu.memory_space<hbm>> -> memref<262144x16xf32, #tpu.memory_space<hbm>>
      tpu.enqueue_indirect_dma source(%dma_start3A_925 : memref<262144x16xf32, #tpu.memory_space<hbm>>) target(%dma_start3A_920 : memref<128x16xf32, #tpu.memory_space<vmem>>) offsets(%dma_start3A_922 : memref<128xi32, #tpu.memory_space<vmem>>) semaphore(%arg46 : memref<!tpu.dma_semaphore, #tpu.memory_space<semaphore_mem>>)
      %dma_start3A_926 = arith.constant 0 : i32
      %dma_start3A_927 = arith.constant 0 : i32
      %dma_start3A_928 = tpu.memref_slice %arg41[%dma_start3A_926, %dma_start3A_927] : memref<512x16xf32, #tpu.memory_space<vmem>> -> memref<128x16xf32, #tpu.memory_space<vmem>>
      %dma_start3A_929 = arith.constant 0 : i32
      %dma_start3A_930 = tpu.memref_slice %arg32[%dma_start3A_929] : memref<512xi32, #tpu.memory_space<vmem>> -> memref<128xi32, #tpu.memory_space<vmem>>
      %dma_start3A_931 = arith.constant 0 : i32
      %dma_start3A_932 = arith.constant 0 : i32
      %dma_start3A_933 = tpu.memref_slice %arg7[%dma_start3A_931, %dma_start3A_932] : memref<262144x16xf32, #tpu.memory_space<hbm>> -> memref<262144x16xf32, #tpu.memory_space<hbm>>
      tpu.enqueue_indirect_dma source(%dma_start3A_933 : memref<262144x16xf32, #tpu.memory_space<hbm>>) target(%dma_start3A_928 : memref<128x16xf32, #tpu.memory_space<vmem>>) offsets(%dma_start3A_930 : memref<128xi32, #tpu.memory_space<vmem>>) semaphore(%arg46 : memref<!tpu.dma_semaphore, #tpu.memory_space<semaphore_mem>>)
      %dma_start3A_934 = arith.constant 128 : i32
      %dma_start3A_935 = arith.constant 0 : i32
      %dma_start3A_936 = tpu.memref_slice %arg38[%dma_start3A_934, %dma_start3A_935] : memref<512x16xf32, #tpu.memory_space<vmem>> -> memref<128x16xf32, #tpu.memory_space<vmem>>
      %dma_start3A_937 = arith.constant 128 : i32
      %dma_start3A_938 = tpu.memref_slice %arg29[%dma_start3A_937] : memref<512xi32, #tpu.memory_space<vmem>> -> memref<128xi32, #tpu.memory_space<vmem>>
      %dma_start3A_939 = arith.constant 0 : i32
      %dma_start3A_940 = arith.constant 0 : i32
      %dma_start3A_941 = tpu.memref_slice %arg7[%dma_start3A_939, %dma_start3A_940] : memref<262144x16xf32, #tpu.memory_space<hbm>> -> memref<262144x16xf32, #tpu.memory_space<hbm>>
      tpu.enqueue_indirect_dma source(%dma_start3A_941 : memref<262144x16xf32, #tpu.memory_space<hbm>>) target(%dma_start3A_936 : memref<128x16xf32, #tpu.memory_space<vmem>>) offsets(%dma_start3A_938 : memref<128xi32, #tpu.memory_space<vmem>>) semaphore(%arg46 : memref<!tpu.dma_semaphore, #tpu.memory_space<semaphore_mem>>)
      %dma_start3A_942 = arith.constant 128 : i32
      %dma_start3A_943 = arith.constant 0 : i32
      %dma_start3A_944 = tpu.memref_slice %arg39[%dma_start3A_942, %dma_start3A_943] : memref<512x16xf32, #tpu.memory_space<vmem>> -> memref<128x16xf32, #tpu.memory_space<vmem>>
      %dma_start3A_945 = arith.constant 128 : i32
      %dma_start3A_946 = tpu.memref_slice %arg30[%dma_start3A_945] : memref<512xi32, #tpu.memory_space<vmem>> -> memref<128xi32, #tpu.memory_space<vmem>>
      %dma_start3A_947 = arith.constant 0 : i32
      %dma_start3A_948 = arith.constant 0 : i32
      %dma_start3A_949 = tpu.memref_slice %arg7[%dma_start3A_947, %dma_start3A_948] : memref<262144x16xf32, #tpu.memory_space<hbm>> -> memref<262144x16xf32, #tpu.memory_space<hbm>>
      tpu.enqueue_indirect_dma source(%dma_start3A_949 : memref<262144x16xf32, #tpu.memory_space<hbm>>) target(%dma_start3A_944 : memref<128x16xf32, #tpu.memory_space<vmem>>) offsets(%dma_start3A_946 : memref<128xi32, #tpu.memory_space<vmem>>) semaphore(%arg46 : memref<!tpu.dma_semaphore, #tpu.memory_space<semaphore_mem>>)
      %dma_start3A_950 = arith.constant 128 : i32
      %dma_start3A_951 = arith.constant 0 : i32
      %dma_start3A_952 = tpu.memref_slice %arg40[%dma_start3A_950, %dma_start3A_951] : memref<512x16xf32, #tpu.memory_space<vmem>> -> memref<128x16xf32, #tpu.memory_space<vmem>>
      %dma_start3A_953 = arith.constant 128 : i32
      %dma_start3A_954 = tpu.memref_slice %arg31[%dma_start3A_953] : memref<512xi32, #tpu.memory_space<vmem>> -> memref<128xi32, #tpu.memory_space<vmem>>
      %dma_start3A_955 = arith.constant 0 : i32
      %dma_start3A_956 = arith.constant 0 : i32
      %dma_start3A_957 = tpu.memref_slice %arg7[%dma_start3A_955, %dma_start3A_956] : memref<262144x16xf32, #tpu.memory_space<hbm>> -> memref<262144x16xf32, #tpu.memory_space<hbm>>
      tpu.enqueue_indirect_dma source(%dma_start3A_957 : memref<262144x16xf32, #tpu.memory_space<hbm>>) target(%dma_start3A_952 : memref<128x16xf32, #tpu.memory_space<vmem>>) offsets(%dma_start3A_954 : memref<128xi32, #tpu.memory_space<vmem>>) semaphore(%arg46 : memref<!tpu.dma_semaphore, #tpu.memory_space<semaphore_mem>>)
      %dma_start3A_958 = arith.constant 128 : i32
      %dma_start3A_959 = arith.constant 0 : i32
      %dma_start3A_960 = tpu.memref_slice %arg41[%dma_start3A_958, %dma_start3A_959] : memref<512x16xf32, #tpu.memory_space<vmem>> -> memref<128x16xf32, #tpu.memory_space<vmem>>
      %dma_start3A_961 = arith.constant 128 : i32
      %dma_start3A_962 = tpu.memref_slice %arg32[%dma_start3A_961] : memref<512xi32, #tpu.memory_space<vmem>> -> memref<128xi32, #tpu.memory_space<vmem>>
      %dma_start3A_963 = arith.constant 0 : i32
      %dma_start3A_964 = arith.constant 0 : i32
      %dma_start3A_965 = tpu.memref_slice %arg7[%dma_start3A_963, %dma_start3A_964] : memref<262144x16xf32, #tpu.memory_space<hbm>> -> memref<262144x16xf32, #tpu.memory_space<hbm>>
      tpu.enqueue_indirect_dma source(%dma_start3A_965 : memref<262144x16xf32, #tpu.memory_space<hbm>>) target(%dma_start3A_960 : memref<128x16xf32, #tpu.memory_space<vmem>>) offsets(%dma_start3A_962 : memref<128xi32, #tpu.memory_space<vmem>>) semaphore(%arg46 : memref<!tpu.dma_semaphore, #tpu.memory_space<semaphore_mem>>)
      %dma_start3A_966 = arith.constant 256 : i32
      %dma_start3A_967 = arith.constant 0 : i32
      %dma_start3A_968 = tpu.memref_slice %arg38[%dma_start3A_966, %dma_start3A_967] : memref<512x16xf32, #tpu.memory_space<vmem>> -> memref<128x16xf32, #tpu.memory_space<vmem>>
      %dma_start3A_969 = arith.constant 256 : i32
      %dma_start3A_970 = tpu.memref_slice %arg29[%dma_start3A_969] : memref<512xi32, #tpu.memory_space<vmem>> -> memref<128xi32, #tpu.memory_space<vmem>>
      %dma_start3A_971 = arith.constant 0 : i32
      %dma_start3A_972 = arith.constant 0 : i32
      %dma_start3A_973 = tpu.memref_slice %arg7[%dma_start3A_971, %dma_start3A_972] : memref<262144x16xf32, #tpu.memory_space<hbm>> -> memref<262144x16xf32, #tpu.memory_space<hbm>>
      tpu.enqueue_indirect_dma source(%dma_start3A_973 : memref<262144x16xf32, #tpu.memory_space<hbm>>) target(%dma_start3A_968 : memref<128x16xf32, #tpu.memory_space<vmem>>) offsets(%dma_start3A_970 : memref<128xi32, #tpu.memory_space<vmem>>) semaphore(%arg46 : memref<!tpu.dma_semaphore, #tpu.memory_space<semaphore_mem>>)
      %dma_start3A_974 = arith.constant 256 : i32
      %dma_start3A_975 = arith.constant 0 : i32
      %dma_start3A_976 = tpu.memref_slice %arg39[%dma_start3A_974, %dma_start3A_975] : memref<512x16xf32, #tpu.memory_space<vmem>> -> memref<128x16xf32, #tpu.memory_space<vmem>>
      %dma_start3A_977 = arith.constant 256 : i32
      %dma_start3A_978 = tpu.memref_slice %arg30[%dma_start3A_977] : memref<512xi32, #tpu.memory_space<vmem>> -> memref<128xi32, #tpu.memory_space<vmem>>
      %dma_start3A_979 = arith.constant 0 : i32
      %dma_start3A_980 = arith.constant 0 : i32
      %dma_start3A_981 = tpu.memref_slice %arg7[%dma_start3A_979, %dma_start3A_980] : memref<262144x16xf32, #tpu.memory_space<hbm>> -> memref<262144x16xf32, #tpu.memory_space<hbm>>
      tpu.enqueue_indirect_dma source(%dma_start3A_981 : memref<262144x16xf32, #tpu.memory_space<hbm>>) target(%dma_start3A_976 : memref<128x16xf32, #tpu.memory_space<vmem>>) offsets(%dma_start3A_978 : memref<128xi32, #tpu.memory_space<vmem>>) semaphore(%arg46 : memref<!tpu.dma_semaphore, #tpu.memory_space<semaphore_mem>>)
      %dma_start3A_982 = arith.constant 256 : i32
      %dma_start3A_983 = arith.constant 0 : i32
      %dma_start3A_984 = tpu.memref_slice %arg40[%dma_start3A_982, %dma_start3A_983] : memref<512x16xf32, #tpu.memory_space<vmem>> -> memref<128x16xf32, #tpu.memory_space<vmem>>
      %dma_start3A_985 = arith.constant 256 : i32
      %dma_start3A_986 = tpu.memref_slice %arg31[%dma_start3A_985] : memref<512xi32, #tpu.memory_space<vmem>> -> memref<128xi32, #tpu.memory_space<vmem>>
      %dma_start3A_987 = arith.constant 0 : i32
      %dma_start3A_988 = arith.constant 0 : i32
      %dma_start3A_989 = tpu.memref_slice %arg7[%dma_start3A_987, %dma_start3A_988] : memref<262144x16xf32, #tpu.memory_space<hbm>> -> memref<262144x16xf32, #tpu.memory_space<hbm>>
      tpu.enqueue_indirect_dma source(%dma_start3A_989 : memref<262144x16xf32, #tpu.memory_space<hbm>>) target(%dma_start3A_984 : memref<128x16xf32, #tpu.memory_space<vmem>>) offsets(%dma_start3A_986 : memref<128xi32, #tpu.memory_space<vmem>>) semaphore(%arg46 : memref<!tpu.dma_semaphore, #tpu.memory_space<semaphore_mem>>)
      %dma_start3A_990 = arith.constant 256 : i32
      %dma_start3A_991 = arith.constant 0 : i32
      %dma_start3A_992 = tpu.memref_slice %arg41[%dma_start3A_990, %dma_start3A_991] : memref<512x16xf32, #tpu.memory_space<vmem>> -> memref<128x16xf32, #tpu.memory_space<vmem>>
      %dma_start3A_993 = arith.constant 256 : i32
      %dma_start3A_994 = tpu.memref_slice %arg32[%dma_start3A_993] : memref<512xi32, #tpu.memory_space<vmem>> -> memref<128xi32, #tpu.memory_space<vmem>>
      %dma_start3A_995 = arith.constant 0 : i32
      %dma_start3A_996 = arith.constant 0 : i32
      %dma_start3A_997 = tpu.memref_slice %arg7[%dma_start3A_995, %dma_start3A_996] : memref<262144x16xf32, #tpu.memory_space<hbm>> -> memref<262144x16xf32, #tpu.memory_space<hbm>>
      tpu.enqueue_indirect_dma source(%dma_start3A_997 : memref<262144x16xf32, #tpu.memory_space<hbm>>) target(%dma_start3A_992 : memref<128x16xf32, #tpu.memory_space<vmem>>) offsets(%dma_start3A_994 : memref<128xi32, #tpu.memory_space<vmem>>) semaphore(%arg46 : memref<!tpu.dma_semaphore, #tpu.memory_space<semaphore_mem>>)
      %dma_start3A_998 = arith.constant 384 : i32
      %dma_start3A_999 = arith.constant 0 : i32
      %dma_start3A_1000 = tpu.memref_slice %arg38[%dma_start3A_998, %dma_start3A_999] : memref<512x16xf32, #tpu.memory_space<vmem>> -> memref<128x16xf32, #tpu.memory_space<vmem>>
      %dma_start3A_1001 = arith.constant 384 : i32
      %dma_start3A_1002 = tpu.memref_slice %arg29[%dma_start3A_1001] : memref<512xi32, #tpu.memory_space<vmem>> -> memref<128xi32, #tpu.memory_space<vmem>>
      %dma_start3A_1003 = arith.constant 0 : i32
      %dma_start3A_1004 = arith.constant 0 : i32
      %dma_start3A_1005 = tpu.memref_slice %arg7[%dma_start3A_1003, %dma_start3A_1004] : memref<262144x16xf32, #tpu.memory_space<hbm>> -> memref<262144x16xf32, #tpu.memory_space<hbm>>
      tpu.enqueue_indirect_dma source(%dma_start3A_1005 : memref<262144x16xf32, #tpu.memory_space<hbm>>) target(%dma_start3A_1000 : memref<128x16xf32, #tpu.memory_space<vmem>>) offsets(%dma_start3A_1002 : memref<128xi32, #tpu.memory_space<vmem>>) semaphore(%arg46 : memref<!tpu.dma_semaphore, #tpu.memory_space<semaphore_mem>>)
      %dma_start3A_1006 = arith.constant 384 : i32
      %dma_start3A_1007 = arith.constant 0 : i32
      %dma_start3A_1008 = tpu.memref_slice %arg39[%dma_start3A_1006, %dma_start3A_1007] : memref<512x16xf32, #tpu.memory_space<vmem>> -> memref<128x16xf32, #tpu.memory_space<vmem>>
      %dma_start3A_1009 = arith.constant 384 : i32
      %dma_start3A_1010 = tpu.memref_slice %arg30[%dma_start3A_1009] : memref<512xi32, #tpu.memory_space<vmem>> -> memref<128xi32, #tpu.memory_space<vmem>>
      %dma_start3A_1011 = arith.constant 0 : i32
      %dma_start3A_1012 = arith.constant 0 : i32
      %dma_start3A_1013 = tpu.memref_slice %arg7[%dma_start3A_1011, %dma_start3A_1012] : memref<262144x16xf32, #tpu.memory_space<hbm>> -> memref<262144x16xf32, #tpu.memory_space<hbm>>
      tpu.enqueue_indirect_dma source(%dma_start3A_1013 : memref<262144x16xf32, #tpu.memory_space<hbm>>) target(%dma_start3A_1008 : memref<128x16xf32, #tpu.memory_space<vmem>>) offsets(%dma_start3A_1010 : memref<128xi32, #tpu.memory_space<vmem>>) semaphore(%arg46 : memref<!tpu.dma_semaphore, #tpu.memory_space<semaphore_mem>>)
      %dma_start3A_1014 = arith.constant 384 : i32
      %dma_start3A_1015 = arith.constant 0 : i32
      %dma_start3A_1016 = tpu.memref_slice %arg40[%dma_start3A_1014, %dma_start3A_1015] : memref<512x16xf32, #tpu.memory_space<vmem>> -> memref<128x16xf32, #tpu.memory_space<vmem>>
      %dma_start3A_1017 = arith.constant 384 : i32
      %dma_start3A_1018 = tpu.memref_slice %arg31[%dma_start3A_1017] : memref<512xi32, #tpu.memory_space<vmem>> -> memref<128xi32, #tpu.memory_space<vmem>>
      %dma_start3A_1019 = arith.constant 0 : i32
      %dma_start3A_1020 = arith.constant 0 : i32
      %dma_start3A_1021 = tpu.memref_slice %arg7[%dma_start3A_1019, %dma_start3A_1020] : memref<262144x16xf32, #tpu.memory_space<hbm>> -> memref<262144x16xf32, #tpu.memory_space<hbm>>
      tpu.enqueue_indirect_dma source(%dma_start3A_1021 : memref<262144x16xf32, #tpu.memory_space<hbm>>) target(%dma_start3A_1016 : memref<128x16xf32, #tpu.memory_space<vmem>>) offsets(%dma_start3A_1018 : memref<128xi32, #tpu.memory_space<vmem>>) semaphore(%arg46 : memref<!tpu.dma_semaphore, #tpu.memory_space<semaphore_mem>>)
      %dma_start3A_1022 = arith.constant 384 : i32
      %dma_start3A_1023 = arith.constant 0 : i32
      %dma_start3A_1024 = tpu.memref_slice %arg41[%dma_start3A_1022, %dma_start3A_1023] : memref<512x16xf32, #tpu.memory_space<vmem>> -> memref<128x16xf32, #tpu.memory_space<vmem>>
      %dma_start3A_1025 = arith.constant 384 : i32
      %dma_start3A_1026 = tpu.memref_slice %arg32[%dma_start3A_1025] : memref<512xi32, #tpu.memory_space<vmem>> -> memref<128xi32, #tpu.memory_space<vmem>>
      %dma_start3A_1027 = arith.constant 0 : i32
      %dma_start3A_1028 = arith.constant 0 : i32
      %dma_start3A_1029 = tpu.memref_slice %arg7[%dma_start3A_1027, %dma_start3A_1028] : memref<262144x16xf32, #tpu.memory_space<hbm>> -> memref<262144x16xf32, #tpu.memory_space<hbm>>
      tpu.enqueue_indirect_dma source(%dma_start3A_1029 : memref<262144x16xf32, #tpu.memory_space<hbm>>) target(%dma_start3A_1024 : memref<128x16xf32, #tpu.memory_space<vmem>>) offsets(%dma_start3A_1026 : memref<128xi32, #tpu.memory_space<vmem>>) semaphore(%arg46 : memref<!tpu.dma_semaphore, #tpu.memory_space<semaphore_mem>>)
      %dma_wait3A_1030 = arith.constant 0 : i32
      %dma_wait3A_1031 = arith.constant 0 : i32
      %dma_wait3A_1032 = tpu.memref_slice %arg5[%dma_wait3A_1030, %dma_wait3A_1031] : memref<262144x16xf32, #tpu.memory_space<hbm>> -> memref<512x16xf32, #tpu.memory_space<hbm>>
      %dma_wait3A_1033 = arith.constant 0 : i32
      %dma_wait3A_1034 = arith.constant 0 : i32
      %dma_wait3A_1035 = tpu.memref_slice %arg5[%dma_wait3A_1033, %dma_wait3A_1034] : memref<262144x16xf32, #tpu.memory_space<hbm>> -> memref<512x16xf32, #tpu.memory_space<hbm>>
      tpu.wait_dma2 semaphore(%arg45 : memref<!tpu.dma_semaphore, #tpu.memory_space<semaphore_mem>>) src(%dma_wait3A_1035 : memref<512x16xf32, #tpu.memory_space<hbm>>) dst(%arg34 : memref<512x16xf32, #tpu.memory_space<vmem>>)
      %dma_wait3A_1036 = arith.constant 0 : i32
      %dma_wait3A_1037 = arith.constant 0 : i32
      %dma_wait3A_1038 = tpu.memref_slice %arg5[%dma_wait3A_1036, %dma_wait3A_1037] : memref<262144x16xf32, #tpu.memory_space<hbm>> -> memref<512x16xf32, #tpu.memory_space<hbm>>
      %dma_wait3A_1039 = arith.constant 0 : i32
      %dma_wait3A_1040 = arith.constant 0 : i32
      %dma_wait3A_1041 = tpu.memref_slice %arg5[%dma_wait3A_1039, %dma_wait3A_1040] : memref<262144x16xf32, #tpu.memory_space<hbm>> -> memref<512x16xf32, #tpu.memory_space<hbm>>
      tpu.wait_dma2 semaphore(%arg45 : memref<!tpu.dma_semaphore, #tpu.memory_space<semaphore_mem>>) src(%dma_wait3A_1041 : memref<512x16xf32, #tpu.memory_space<hbm>>) dst(%arg35 : memref<512x16xf32, #tpu.memory_space<vmem>>)
      %dma_wait3A_1042 = arith.constant 0 : i32
      %dma_wait3A_1043 = arith.constant 0 : i32
      %dma_wait3A_1044 = tpu.memref_slice %arg5[%dma_wait3A_1042, %dma_wait3A_1043] : memref<262144x16xf32, #tpu.memory_space<hbm>> -> memref<512x16xf32, #tpu.memory_space<hbm>>
      %dma_wait3A_1045 = arith.constant 0 : i32
      %dma_wait3A_1046 = arith.constant 0 : i32
      %dma_wait3A_1047 = tpu.memref_slice %arg5[%dma_wait3A_1045, %dma_wait3A_1046] : memref<262144x16xf32, #tpu.memory_space<hbm>> -> memref<512x16xf32, #tpu.memory_space<hbm>>
      tpu.wait_dma2 semaphore(%arg45 : memref<!tpu.dma_semaphore, #tpu.memory_space<semaphore_mem>>) src(%dma_wait3A_1047 : memref<512x16xf32, #tpu.memory_space<hbm>>) dst(%arg36 : memref<512x16xf32, #tpu.memory_space<vmem>>)
      %dma_wait3A_1048 = arith.constant 0 : i32
      %dma_wait3A_1049 = arith.constant 0 : i32
      %dma_wait3A_1050 = tpu.memref_slice %arg5[%dma_wait3A_1048, %dma_wait3A_1049] : memref<262144x16xf32, #tpu.memory_space<hbm>> -> memref<512x16xf32, #tpu.memory_space<hbm>>
      %dma_wait3A_1051 = arith.constant 0 : i32
      %dma_wait3A_1052 = arith.constant 0 : i32
      %dma_wait3A_1053 = tpu.memref_slice %arg5[%dma_wait3A_1051, %dma_wait3A_1052] : memref<262144x16xf32, #tpu.memory_space<hbm>> -> memref<512x16xf32, #tpu.memory_space<hbm>>
      tpu.wait_dma2 semaphore(%arg45 : memref<!tpu.dma_semaphore, #tpu.memory_space<semaphore_mem>>) src(%dma_wait3A_1053 : memref<512x16xf32, #tpu.memory_space<hbm>>) dst(%arg37 : memref<512x16xf32, #tpu.memory_space<vmem>>)
      %mul3A_1054 = arith.constant 2 : i32
      %mul3A_1055 = arith.muli %mul3A_1054, %scan3A_190 : i32
      %add3A_1056 = arith.constant 1 : i32
      %add3A_1057 = arith.addi %mul3A_1055, %add3A_1056 : i32
      %mul3A_1058 = arith.constant 2 : i32
      %mul3A_1059 = arith.muli %mul3A_1058, %scan3A_190 : i32
      %add3A_1060 = arith.constant 2 : i32
      %add3A_1061 = arith.addi %mul3A_1059, %add3A_1060 : i32
      %dma_wait3A_1062 = arith.constant 0 : i32
      %dma_wait3A_1063 = tpu.memref_slice %arg2[%dma_wait3A_1062] : memref<1048576xf32, #tpu.memory_space<hbm>> -> memref<512xf32, #tpu.memory_space<hbm>>
      %dma_wait3A_1064 = arith.constant 0 : i32
      %dma_wait3A_1065 = tpu.memref_slice %arg2[%dma_wait3A_1064] : memref<1048576xf32, #tpu.memory_space<hbm>> -> memref<512xf32, #tpu.memory_space<hbm>>
      tpu.wait_dma2 semaphore(%arg43 : memref<!tpu.dma_semaphore, #tpu.memory_space<semaphore_mem>>) src(%dma_wait3A_1065 : memref<512xf32, #tpu.memory_space<hbm>>) dst(%arg53 : memref<512xf32, #tpu.memory_space<vmem>>)
      %dma_wait3A_1066 = arith.constant 0 : i32
      %dma_wait3A_1067 = tpu.memref_slice %arg2[%dma_wait3A_1066] : memref<1048576xf32, #tpu.memory_space<hbm>> -> memref<512xf32, #tpu.memory_space<hbm>>
      %dma_wait3A_1068 = arith.constant 0 : i32
      %dma_wait3A_1069 = tpu.memref_slice %arg2[%dma_wait3A_1068] : memref<1048576xf32, #tpu.memory_space<hbm>> -> memref<512xf32, #tpu.memory_space<hbm>>
      tpu.wait_dma2 semaphore(%arg43 : memref<!tpu.dma_semaphore, #tpu.memory_space<semaphore_mem>>) src(%dma_wait3A_1069 : memref<512xf32, #tpu.memory_space<hbm>>) dst(%arg54 : memref<512xf32, #tpu.memory_space<vmem>>)
      %dma_wait3A_1070 = arith.constant 0 : i32
      %dma_wait3A_1071 = tpu.memref_slice %arg2[%dma_wait3A_1070] : memref<1048576xf32, #tpu.memory_space<hbm>> -> memref<512xf32, #tpu.memory_space<hbm>>
      %dma_wait3A_1072 = arith.constant 0 : i32
      %dma_wait3A_1073 = tpu.memref_slice %arg2[%dma_wait3A_1072] : memref<1048576xf32, #tpu.memory_space<hbm>> -> memref<512xf32, #tpu.memory_space<hbm>>
      tpu.wait_dma2 semaphore(%arg43 : memref<!tpu.dma_semaphore, #tpu.memory_space<semaphore_mem>>) src(%dma_wait3A_1073 : memref<512xf32, #tpu.memory_space<hbm>>) dst(%arg55 : memref<512xf32, #tpu.memory_space<vmem>>)
      %parallel_loop3A_1074 = arith.constant 0 : i32
      %parallel_loop3A_1075 = arith.constant 32 : i32
      %parallel_loop3A_1076 = arith.constant 1 : i32
      scf.for %parallel_loop3A_1236 = %parallel_loop3A_1074 to %parallel_loop3A_1075 step %parallel_loop3A_1076  : i32 {
        %parallel_loop3A_1237 = arith.constant 16 : i32
        %parallel_loop3A_1238 = arith.muli %parallel_loop3A_1236, %parallel_loop3A_1237 : i32
        %parallel_loop3A_1239 = arith.index_cast %parallel_loop3A_1238 : i32 to index
        %parallel_loop3A_1240 = tpu.vector_load %arg53[%parallel_loop3A_1239] {strides = array<i32>} : memref<512xf32, #tpu.memory_space<vmem>>, vector<16xf32>,
        %parallel_loop3A_1241 = vector.shape_cast %parallel_loop3A_1240 : vector<16xf32> to vector<16xf32>
        %parallel_loop3A_1242 = arith.constant 5.120000e+02 : f32
        %parallel_loop3A_1243 = vector.broadcast %parallel_loop3A_1242 : f32 to vector<16xf32>
        %parallel_loop3A_1244 = arith.mulf %parallel_loop3A_1241, %parallel_loop3A_1243 : vector<16xf32>
        %parallel_loop3A_1245 = arith.fptosi %parallel_loop3A_1244 : vector<16xf32> to vector<16xi32>
        %parallel_loop3A_1246 = arith.constant 0 : i32
        %parallel_loop3A_1247 = vector.broadcast %parallel_loop3A_1246 : i32 to vector<16xi32>
        %parallel_loop3A_1248 = arith.maxsi %parallel_loop3A_1245, %parallel_loop3A_1247 : vector<16xi32>
        %parallel_loop3A_1249 = arith.constant 511 : i32
        %parallel_loop3A_1250 = vector.broadcast %parallel_loop3A_1249 : i32 to vector<16xi32>
        %parallel_loop3A_1251 = arith.minsi %parallel_loop3A_1248, %parallel_loop3A_1250 : vector<16xi32>
        %parallel_loop3A_1252 = arith.sitofp %parallel_loop3A_1251 : vector<16xi32> to vector<16xf32>
        %parallel_loop3A_1253 = arith.subf %parallel_loop3A_1244, %parallel_loop3A_1252 : vector<16xf32>
        %parallel_loop3A_1254 = arith.index_cast %parallel_loop3A_1238 : i32 to index
        %parallel_loop3A_1255 = tpu.vector_load %arg47[%parallel_loop3A_1254] {strides = array<i32>} : memref<512xf32, #tpu.memory_space<vmem>>, vector<16xf32>,
        %parallel_loop3A_1256 = vector.shape_cast %parallel_loop3A_1255 : vector<16xf32> to vector<16xf32>
        %parallel_loop3A_1257 = vector.shape_cast %parallel_loop3A_1253 : vector<16xf32> to vector<16xf32>
        tpu.vector_store %arg47[%parallel_loop3A_1254], %parallel_loop3A_1257 {strides = array<i32>} : memref<512xf32, #tpu.memory_space<vmem>>, vector<16xf32>,
        %parallel_loop3A_1258 = arith.index_cast %parallel_loop3A_1238 : i32 to index
        %parallel_loop3A_1259 = tpu.vector_load %arg54[%parallel_loop3A_1258] {strides = array<i32>} : memref<512xf32, #tpu.memory_space<vmem>>, vector<16xf32>,
        %parallel_loop3A_1260 = vector.shape_cast %parallel_loop3A_1259 : vector<16xf32> to vector<16xf32>
        %parallel_loop3A_1261 = arith.constant 5.120000e+02 : f32
        %parallel_loop3A_1262 = vector.broadcast %parallel_loop3A_1261 : f32 to vector<16xf32>
        %parallel_loop3A_1263 = arith.mulf %parallel_loop3A_1260, %parallel_loop3A_1262 : vector<16xf32>
        %parallel_loop3A_1264 = arith.fptosi %parallel_loop3A_1263 : vector<16xf32> to vector<16xi32>
        %parallel_loop3A_1265 = arith.constant 0 : i32
        %parallel_loop3A_1266 = vector.broadcast %parallel_loop3A_1265 : i32 to vector<16xi32>
        %parallel_loop3A_1267 = arith.maxsi %parallel_loop3A_1264, %parallel_loop3A_1266 : vector<16xi32>
        %parallel_loop3A_1268 = arith.constant 511 : i32
        %parallel_loop3A_1269 = vector.broadcast %parallel_loop3A_1268 : i32 to vector<16xi32>
        %parallel_loop3A_1270 = arith.minsi %parallel_loop3A_1267, %parallel_loop3A_1269 : vector<16xi32>
        %parallel_loop3A_1271 = arith.sitofp %parallel_loop3A_1270 : vector<16xi32> to vector<16xf32>
        %parallel_loop3A_1272 = arith.subf %parallel_loop3A_1263, %parallel_loop3A_1271 : vector<16xf32>
        %parallel_loop3A_1273 = arith.index_cast %parallel_loop3A_1238 : i32 to index
        %parallel_loop3A_1274 = tpu.vector_load %arg48[%parallel_loop3A_1273] {strides = array<i32>} : memref<512xf32, #tpu.memory_space<vmem>>, vector<16xf32>,
        %parallel_loop3A_1275 = vector.shape_cast %parallel_loop3A_1274 : vector<16xf32> to vector<16xf32>
        %parallel_loop3A_1276 = vector.shape_cast %parallel_loop3A_1272 : vector<16xf32> to vector<16xf32>
        tpu.vector_store %arg48[%parallel_loop3A_1273], %parallel_loop3A_1276 {strides = array<i32>} : memref<512xf32, #tpu.memory_space<vmem>>, vector<16xf32>,
        %parallel_loop3A_1277 = arith.index_cast %parallel_loop3A_1238 : i32 to index
        %parallel_loop3A_1278 = tpu.vector_load %arg55[%parallel_loop3A_1277] {strides = array<i32>} : memref<512xf32, #tpu.memory_space<vmem>>, vector<16xf32>,
        %parallel_loop3A_1279 = vector.shape_cast %parallel_loop3A_1278 : vector<16xf32> to vector<16xf32>
        %parallel_loop3A_1280 = arith.constant 5.120000e+02 : f32
        %parallel_loop3A_1281 = vector.broadcast %parallel_loop3A_1280 : f32 to vector<16xf32>
        %parallel_loop3A_1282 = arith.mulf %parallel_loop3A_1279, %parallel_loop3A_1281 : vector<16xf32>
        %parallel_loop3A_1283 = arith.fptosi %parallel_loop3A_1282 : vector<16xf32> to vector<16xi32>
        %parallel_loop3A_1284 = arith.constant 0 : i32
        %parallel_loop3A_1285 = vector.broadcast %parallel_loop3A_1284 : i32 to vector<16xi32>
        %parallel_loop3A_1286 = arith.maxsi %parallel_loop3A_1283, %parallel_loop3A_1285 : vector<16xi32>
        %parallel_loop3A_1287 = arith.constant 511 : i32
        %parallel_loop3A_1288 = vector.broadcast %parallel_loop3A_1287 : i32 to vector<16xi32>
        %parallel_loop3A_1289 = arith.minsi %parallel_loop3A_1286, %parallel_loop3A_1288 : vector<16xi32>
        %parallel_loop3A_1290 = arith.sitofp %parallel_loop3A_1289 : vector<16xi32> to vector<16xf32>
        %parallel_loop3A_1291 = arith.subf %parallel_loop3A_1282, %parallel_loop3A_1290 : vector<16xf32>
        %parallel_loop3A_1292 = arith.index_cast %parallel_loop3A_1238 : i32 to index
        %parallel_loop3A_1293 = tpu.vector_load %arg49[%parallel_loop3A_1292] {strides = array<i32>} : memref<512xf32, #tpu.memory_space<vmem>>, vector<16xf32>,
        %parallel_loop3A_1294 = vector.shape_cast %parallel_loop3A_1293 : vector<16xf32> to vector<16xf32>
        %parallel_loop3A_1295 = vector.shape_cast %parallel_loop3A_1291 : vector<16xf32> to vector<16xf32>
        tpu.vector_store %arg49[%parallel_loop3A_1292], %parallel_loop3A_1295 {strides = array<i32>} : memref<512xf32, #tpu.memory_space<vmem>>, vector<16xf32>,
        %parallel_loop3A_1296 = arith.constant -1640531535 : i32
        %parallel_loop3A_1297 = vector.broadcast %parallel_loop3A_1296 : i32 to vector<16xi32>
        %parallel_loop3A_1298 = arith.muli %parallel_loop3A_1270, %parallel_loop3A_1297 : vector<16xi32>
        %parallel_loop3A_1299 = arith.constant -1640531535 : i32
        %parallel_loop3A_1300 = vector.broadcast %parallel_loop3A_1299 : i32 to vector<16xi32>
        %parallel_loop3A_1301 = arith.addi %parallel_loop3A_1298, %parallel_loop3A_1300 : vector<16xi32>
        %parallel_loop3A_1302 = arith.xori %parallel_loop3A_1251, %parallel_loop3A_1298 : vector<16xi32>
        %parallel_loop3A_1303 = arith.constant 262143 : i32
        %parallel_loop3A_1304 = vector.broadcast %parallel_loop3A_1303 : i32 to vector<16xi32>
        %parallel_loop3A_1305 = arith.andi %parallel_loop3A_1302, %parallel_loop3A_1304 : vector<16xi32>
        %parallel_loop3A_1306 = arith.index_cast %parallel_loop3A_1238 : i32 to index
        %parallel_loop3A_1307 = tpu.vector_load %arg9[%parallel_loop3A_1306] {strides = array<i32>} : memref<512xi32, #tpu.memory_space<vmem>>, vector<16xi32>,
        %parallel_loop3A_1308 = vector.shape_cast %parallel_loop3A_1307 : vector<16xi32> to vector<16xi32>
        %parallel_loop3A_1309 = vector.shape_cast %parallel_loop3A_1305 : vector<16xi32> to vector<16xi32>
        tpu.vector_store %arg9[%parallel_loop3A_1306], %parallel_loop3A_1309 {strides = array<i32>} : memref<512xi32, #tpu.memory_space<vmem>>, vector<16xi32>,
        %parallel_loop3A_1310 = arith.xori %parallel_loop3A_1251, %parallel_loop3A_1301 : vector<16xi32>
        %parallel_loop3A_1311 = arith.constant 262143 : i32
        %parallel_loop3A_1312 = vector.broadcast %parallel_loop3A_1311 : i32 to vector<16xi32>
        %parallel_loop3A_1313 = arith.andi %parallel_loop3A_1310, %parallel_loop3A_1312 : vector<16xi32>
        %parallel_loop3A_1314 = arith.index_cast %parallel_loop3A_1238 : i32 to index
        %parallel_loop3A_1315 = tpu.vector_load %arg10[%parallel_loop3A_1314] {strides = array<i32>} : memref<512xi32, #tpu.memory_space<vmem>>, vector<16xi32>,
        %parallel_loop3A_1316 = vector.shape_cast %parallel_loop3A_1315 : vector<16xi32> to vector<16xi32>
        %parallel_loop3A_1317 = vector.shape_cast %parallel_loop3A_1313 : vector<16xi32> to vector<16xi32>
        tpu.vector_store %arg10[%parallel_loop3A_1314], %parallel_loop3A_1317 {strides = array<i32>} : memref<512xi32, #tpu.memory_space<vmem>>, vector<16xi32>,
        %parallel_loop3A_1318 = arith.constant 1 : i32
        %parallel_loop3A_1319 = vector.broadcast %parallel_loop3A_1318 : i32 to vector<16xi32>
        %parallel_loop3A_1320 = arith.addi %parallel_loop3A_1251, %parallel_loop3A_1319 : vector<16xi32>
        %parallel_loop3A_1321 = arith.xori %parallel_loop3A_1320, %parallel_loop3A_1298 : vector<16xi32>
        %parallel_loop3A_1322 = arith.constant 262143 : i32
        %parallel_loop3A_1323 = vector.broadcast %parallel_loop3A_1322 : i32 to vector<16xi32>
        %parallel_loop3A_1324 = arith.andi %parallel_loop3A_1321, %parallel_loop3A_1323 : vector<16xi32>
        %parallel_loop3A_1325 = arith.index_cast %parallel_loop3A_1238 : i32 to index
        %parallel_loop3A_1326 = tpu.vector_load %arg11[%parallel_loop3A_1325] {strides = array<i32>} : memref<512xi32, #tpu.memory_space<vmem>>, vector<16xi32>,
        %parallel_loop3A_1327 = vector.shape_cast %parallel_loop3A_1326 : vector<16xi32> to vector<16xi32>
        %parallel_loop3A_1328 = vector.shape_cast %parallel_loop3A_1324 : vector<16xi32> to vector<16xi32>
        tpu.vector_store %arg11[%parallel_loop3A_1325], %parallel_loop3A_1328 {strides = array<i32>} : memref<512xi32, #tpu.memory_space<vmem>>, vector<16xi32>,
        %parallel_loop3A_1329 = arith.xori %parallel_loop3A_1320, %parallel_loop3A_1301 : vector<16xi32>
        %parallel_loop3A_1330 = arith.constant 262143 : i32
        %parallel_loop3A_1331 = vector.broadcast %parallel_loop3A_1330 : i32 to vector<16xi32>
        %parallel_loop3A_1332 = arith.andi %parallel_loop3A_1329, %parallel_loop3A_1331 : vector<16xi32>
        %parallel_loop3A_1333 = arith.index_cast %parallel_loop3A_1238 : i32 to index
        %parallel_loop3A_1334 = tpu.vector_load %arg12[%parallel_loop3A_1333] {strides = array<i32>} : memref<512xi32, #tpu.memory_space<vmem>>, vector<16xi32>,
        %parallel_loop3A_1335 = vector.shape_cast %parallel_loop3A_1334 : vector<16xi32> to vector<16xi32>
        %parallel_loop3A_1336 = vector.shape_cast %parallel_loop3A_1332 : vector<16xi32> to vector<16xi32>
        tpu.vector_store %arg12[%parallel_loop3A_1333], %parallel_loop3A_1336 {strides = array<i32>} : memref<512xi32, #tpu.memory_space<vmem>>, vector<16xi32>,
        %parallel_loop3A_1337 = arith.constant -1640531535 : i32
        %parallel_loop3A_1338 = vector.broadcast %parallel_loop3A_1337 : i32 to vector<16xi32>
        %parallel_loop3A_1339 = arith.muli %parallel_loop3A_1289, %parallel_loop3A_1338 : vector<16xi32>
        %parallel_loop3A_1340 = arith.constant -1640531535 : i32
        %parallel_loop3A_1341 = vector.broadcast %parallel_loop3A_1340 : i32 to vector<16xi32>
        %parallel_loop3A_1342 = arith.addi %parallel_loop3A_1339, %parallel_loop3A_1341 : vector<16xi32>
        %parallel_loop3A_1343 = arith.xori %parallel_loop3A_1251, %parallel_loop3A_1339 : vector<16xi32>
        %parallel_loop3A_1344 = arith.constant 262143 : i32
        %parallel_loop3A_1345 = vector.broadcast %parallel_loop3A_1344 : i32 to vector<16xi32>
        %parallel_loop3A_1346 = arith.andi %parallel_loop3A_1343, %parallel_loop3A_1345 : vector<16xi32>
        %parallel_loop3A_1347 = arith.index_cast %parallel_loop3A_1238 : i32 to index
        %parallel_loop3A_1348 = tpu.vector_load %arg13[%parallel_loop3A_1347] {strides = array<i32>} : memref<512xi32, #tpu.memory_space<vmem>>, vector<16xi32>,
        %parallel_loop3A_1349 = vector.shape_cast %parallel_loop3A_1348 : vector<16xi32> to vector<16xi32>
        %parallel_loop3A_1350 = vector.shape_cast %parallel_loop3A_1346 : vector<16xi32> to vector<16xi32>
        tpu.vector_store %arg13[%parallel_loop3A_1347], %parallel_loop3A_1350 {strides = array<i32>} : memref<512xi32, #tpu.memory_space<vmem>>, vector<16xi32>,
        %parallel_loop3A_1351 = arith.xori %parallel_loop3A_1251, %parallel_loop3A_1342 : vector<16xi32>
        %parallel_loop3A_1352 = arith.constant 262143 : i32
        %parallel_loop3A_1353 = vector.broadcast %parallel_loop3A_1352 : i32 to vector<16xi32>
        %parallel_loop3A_1354 = arith.andi %parallel_loop3A_1351, %parallel_loop3A_1353 : vector<16xi32>
        %parallel_loop3A_1355 = arith.index_cast %parallel_loop3A_1238 : i32 to index
        %parallel_loop3A_1356 = tpu.vector_load %arg14[%parallel_loop3A_1355] {strides = array<i32>} : memref<512xi32, #tpu.memory_space<vmem>>, vector<16xi32>,
        %parallel_loop3A_1357 = vector.shape_cast %parallel_loop3A_1356 : vector<16xi32> to vector<16xi32>
        %parallel_loop3A_1358 = vector.shape_cast %parallel_loop3A_1354 : vector<16xi32> to vector<16xi32>
        tpu.vector_store %arg14[%parallel_loop3A_1355], %parallel_loop3A_1358 {strides = array<i32>} : memref<512xi32, #tpu.memory_space<vmem>>, vector<16xi32>,
        %parallel_loop3A_1359 = arith.constant 1 : i32
        %parallel_loop3A_1360 = vector.broadcast %parallel_loop3A_1359 : i32 to vector<16xi32>
        %parallel_loop3A_1361 = arith.addi %parallel_loop3A_1251, %parallel_loop3A_1360 : vector<16xi32>
        %parallel_loop3A_1362 = arith.xori %parallel_loop3A_1361, %parallel_loop3A_1339 : vector<16xi32>
        %parallel_loop3A_1363 = arith.constant 262143 : i32
        %parallel_loop3A_1364 = vector.broadcast %parallel_loop3A_1363 : i32 to vector<16xi32>
        %parallel_loop3A_1365 = arith.andi %parallel_loop3A_1362, %parallel_loop3A_1364 : vector<16xi32>
        %parallel_loop3A_1366 = arith.index_cast %parallel_loop3A_1238 : i32 to index
        %parallel_loop3A_1367 = tpu.vector_load %arg15[%parallel_loop3A_1366] {strides = array<i32>} : memref<512xi32, #tpu.memory_space<vmem>>, vector<16xi32>,
        %parallel_loop3A_1368 = vector.shape_cast %parallel_loop3A_1367 : vector<16xi32> to vector<16xi32>
        %parallel_loop3A_1369 = vector.shape_cast %parallel_loop3A_1365 : vector<16xi32> to vector<16xi32>
        tpu.vector_store %arg15[%parallel_loop3A_1366], %parallel_loop3A_1369 {strides = array<i32>} : memref<512xi32, #tpu.memory_space<vmem>>, vector<16xi32>,
        %parallel_loop3A_1370 = arith.xori %parallel_loop3A_1361, %parallel_loop3A_1342 : vector<16xi32>
        %parallel_loop3A_1371 = arith.constant 262143 : i32
        %parallel_loop3A_1372 = vector.broadcast %parallel_loop3A_1371 : i32 to vector<16xi32>
        %parallel_loop3A_1373 = arith.andi %parallel_loop3A_1370, %parallel_loop3A_1372 : vector<16xi32>
        %parallel_loop3A_1374 = arith.index_cast %parallel_loop3A_1238 : i32 to index
        %parallel_loop3A_1375 = tpu.vector_load %arg16[%parallel_loop3A_1374] {strides = array<i32>} : memref<512xi32, #tpu.memory_space<vmem>>, vector<16xi32>,
        %parallel_loop3A_1376 = vector.shape_cast %parallel_loop3A_1375 : vector<16xi32> to vector<16xi32>
        %parallel_loop3A_1377 = vector.shape_cast %parallel_loop3A_1373 : vector<16xi32> to vector<16xi32>
        tpu.vector_store %arg16[%parallel_loop3A_1374], %parallel_loop3A_1377 {strides = array<i32>} : memref<512xi32, #tpu.memory_space<vmem>>, vector<16xi32>,
        %parallel_loop3A_1378 = arith.constant -1640531535 : i32
        %parallel_loop3A_1379 = vector.broadcast %parallel_loop3A_1378 : i32 to vector<16xi32>
        %parallel_loop3A_1380 = arith.muli %parallel_loop3A_1289, %parallel_loop3A_1379 : vector<16xi32>
        %parallel_loop3A_1381 = arith.constant -1640531535 : i32
        %parallel_loop3A_1382 = vector.broadcast %parallel_loop3A_1381 : i32 to vector<16xi32>
        %parallel_loop3A_1383 = arith.addi %parallel_loop3A_1380, %parallel_loop3A_1382 : vector<16xi32>
        %parallel_loop3A_1384 = arith.xori %parallel_loop3A_1270, %parallel_loop3A_1380 : vector<16xi32>
        %parallel_loop3A_1385 = arith.constant 262143 : i32
        %parallel_loop3A_1386 = vector.broadcast %parallel_loop3A_1385 : i32 to vector<16xi32>
        %parallel_loop3A_1387 = arith.andi %parallel_loop3A_1384, %parallel_loop3A_1386 : vector<16xi32>
        %parallel_loop3A_1388 = arith.index_cast %parallel_loop3A_1238 : i32 to index
        %parallel_loop3A_1389 = tpu.vector_load %arg17[%parallel_loop3A_1388] {strides = array<i32>} : memref<512xi32, #tpu.memory_space<vmem>>, vector<16xi32>,
        %parallel_loop3A_1390 = vector.shape_cast %parallel_loop3A_1389 : vector<16xi32> to vector<16xi32>
        %parallel_loop3A_1391 = vector.shape_cast %parallel_loop3A_1387 : vector<16xi32> to vector<16xi32>
        tpu.vector_store %arg17[%parallel_loop3A_1388], %parallel_loop3A_1391 {strides = array<i32>} : memref<512xi32, #tpu.memory_space<vmem>>, vector<16xi32>,
        %parallel_loop3A_1392 = arith.xori %parallel_loop3A_1270, %parallel_loop3A_1383 : vector<16xi32>
        %parallel_loop3A_1393 = arith.constant 262143 : i32
        %parallel_loop3A_1394 = vector.broadcast %parallel_loop3A_1393 : i32 to vector<16xi32>
        %parallel_loop3A_1395 = arith.andi %parallel_loop3A_1392, %parallel_loop3A_1394 : vector<16xi32>
        %parallel_loop3A_1396 = arith.index_cast %parallel_loop3A_1238 : i32 to index
        %parallel_loop3A_1397 = tpu.vector_load %arg18[%parallel_loop3A_1396] {strides = array<i32>} : memref<512xi32, #tpu.memory_space<vmem>>, vector<16xi32>,
        %parallel_loop3A_1398 = vector.shape_cast %parallel_loop3A_1397 : vector<16xi32> to vector<16xi32>
        %parallel_loop3A_1399 = vector.shape_cast %parallel_loop3A_1395 : vector<16xi32> to vector<16xi32>
        tpu.vector_store %arg18[%parallel_loop3A_1396], %parallel_loop3A_1399 {strides = array<i32>} : memref<512xi32, #tpu.memory_space<vmem>>, vector<16xi32>,
        %parallel_loop3A_1400 = arith.constant 1 : i32
        %parallel_loop3A_1401 = vector.broadcast %parallel_loop3A_1400 : i32 to vector<16xi32>
        %parallel_loop3A_1402 = arith.addi %parallel_loop3A_1270, %parallel_loop3A_1401 : vector<16xi32>
        %parallel_loop3A_1403 = arith.xori %parallel_loop3A_1402, %parallel_loop3A_1380 : vector<16xi32>
        %parallel_loop3A_1404 = arith.constant 262143 : i32
        %parallel_loop3A_1405 = vector.broadcast %parallel_loop3A_1404 : i32 to vector<16xi32>
        %parallel_loop3A_1406 = arith.andi %parallel_loop3A_1403, %parallel_loop3A_1405 : vector<16xi32>
        %parallel_loop3A_1407 = arith.index_cast %parallel_loop3A_1238 : i32 to index
        %parallel_loop3A_1408 = tpu.vector_load %arg19[%parallel_loop3A_1407] {strides = array<i32>} : memref<512xi32, #tpu.memory_space<vmem>>, vector<16xi32>,
        %parallel_loop3A_1409 = vector.shape_cast %parallel_loop3A_1408 : vector<16xi32> to vector<16xi32>
        %parallel_loop3A_1410 = vector.shape_cast %parallel_loop3A_1406 : vector<16xi32> to vector<16xi32>
        tpu.vector_store %arg19[%parallel_loop3A_1407], %parallel_loop3A_1410 {strides = array<i32>} : memref<512xi32, #tpu.memory_space<vmem>>, vector<16xi32>,
        %parallel_loop3A_1411 = arith.xori %parallel_loop3A_1402, %parallel_loop3A_1383 : vector<16xi32>
        %parallel_loop3A_1412 = arith.constant 262143 : i32
        %parallel_loop3A_1413 = vector.broadcast %parallel_loop3A_1412 : i32 to vector<16xi32>
        %parallel_loop3A_1414 = arith.andi %parallel_loop3A_1411, %parallel_loop3A_1413 : vector<16xi32>
        %parallel_loop3A_1415 = arith.index_cast %parallel_loop3A_1238 : i32 to index
        %parallel_loop3A_1416 = tpu.vector_load %arg20[%parallel_loop3A_1415] {strides = array<i32>} : memref<512xi32, #tpu.memory_space<vmem>>, vector<16xi32>,
        %parallel_loop3A_1417 = vector.shape_cast %parallel_loop3A_1416 : vector<16xi32> to vector<16xi32>
        %parallel_loop3A_1418 = vector.shape_cast %parallel_loop3A_1414 : vector<16xi32> to vector<16xi32>
        tpu.vector_store %arg20[%parallel_loop3A_1415], %parallel_loop3A_1418 {strides = array<i32>} : memref<512xi32, #tpu.memory_space<vmem>>, vector<16xi32>,
      } {sc.loop_unroll_factor = 2 : i64, sc.parallel_access}
      %dma_start3A_1077 = arith.constant 0 : i32
      %dma_start3A_1078 = arith.constant 0 : i32
      %dma_start3A_1079 = tpu.memref_slice %arg34[%dma_start3A_1077, %dma_start3A_1078] : memref<512x16xf32, #tpu.memory_space<vmem>> -> memref<128x16xf32, #tpu.memory_space<vmem>>
      %dma_start3A_1080 = arith.constant 0 : i32
      %dma_start3A_1081 = tpu.memref_slice %arg9[%dma_start3A_1080] : memref<512xi32, #tpu.memory_space<vmem>> -> memref<128xi32, #tpu.memory_space<vmem>>
      %dma_start3A_1082 = arith.constant 0 : i32
      %dma_start3A_1083 = arith.constant 0 : i32
      %dma_start3A_1084 = tpu.memref_slice %arg5[%dma_start3A_1082, %dma_start3A_1083] : memref<262144x16xf32, #tpu.memory_space<hbm>> -> memref<262144x16xf32, #tpu.memory_space<hbm>>
      tpu.enqueue_indirect_dma source(%dma_start3A_1084 : memref<262144x16xf32, #tpu.memory_space<hbm>>) target(%dma_start3A_1079 : memref<128x16xf32, #tpu.memory_space<vmem>>) offsets(%dma_start3A_1081 : memref<128xi32, #tpu.memory_space<vmem>>) semaphore(%arg45 : memref<!tpu.dma_semaphore, #tpu.memory_space<semaphore_mem>>)
      %dma_start3A_1085 = arith.constant 0 : i32
      %dma_start3A_1086 = arith.constant 0 : i32
      %dma_start3A_1087 = tpu.memref_slice %arg35[%dma_start3A_1085, %dma_start3A_1086] : memref<512x16xf32, #tpu.memory_space<vmem>> -> memref<128x16xf32, #tpu.memory_space<vmem>>
      %dma_start3A_1088 = arith.constant 0 : i32
      %dma_start3A_1089 = tpu.memref_slice %arg10[%dma_start3A_1088] : memref<512xi32, #tpu.memory_space<vmem>> -> memref<128xi32, #tpu.memory_space<vmem>>
      %dma_start3A_1090 = arith.constant 0 : i32
      %dma_start3A_1091 = arith.constant 0 : i32
      %dma_start3A_1092 = tpu.memref_slice %arg5[%dma_start3A_1090, %dma_start3A_1091] : memref<262144x16xf32, #tpu.memory_space<hbm>> -> memref<262144x16xf32, #tpu.memory_space<hbm>>
      tpu.enqueue_indirect_dma source(%dma_start3A_1092 : memref<262144x16xf32, #tpu.memory_space<hbm>>) target(%dma_start3A_1087 : memref<128x16xf32, #tpu.memory_space<vmem>>) offsets(%dma_start3A_1089 : memref<128xi32, #tpu.memory_space<vmem>>) semaphore(%arg45 : memref<!tpu.dma_semaphore, #tpu.memory_space<semaphore_mem>>)
      %dma_start3A_1093 = arith.constant 0 : i32
      %dma_start3A_1094 = arith.constant 0 : i32
      %dma_start3A_1095 = tpu.memref_slice %arg36[%dma_start3A_1093, %dma_start3A_1094] : memref<512x16xf32, #tpu.memory_space<vmem>> -> memref<128x16xf32, #tpu.memory_space<vmem>>
      %dma_start3A_1096 = arith.constant 0 : i32
      %dma_start3A_1097 = tpu.memref_slice %arg11[%dma_start3A_1096] : memref<512xi32, #tpu.memory_space<vmem>> -> memref<128xi32, #tpu.memory_space<vmem>>
      %dma_start3A_1098 = arith.constant 0 : i32
      %dma_start3A_1099 = arith.constant 0 : i32
      %dma_start3A_1100 = tpu.memref_slice %arg5[%dma_start3A_1098, %dma_start3A_1099] : memref<262144x16xf32, #tpu.memory_space<hbm>> -> memref<262144x16xf32, #tpu.memory_space<hbm>>
      tpu.enqueue_indirect_dma source(%dma_start3A_1100 : memref<262144x16xf32, #tpu.memory_space<hbm>>) target(%dma_start3A_1095 : memref<128x16xf32, #tpu.memory_space<vmem>>) offsets(%dma_start3A_1097 : memref<128xi32, #tpu.memory_space<vmem>>) semaphore(%arg45 : memref<!tpu.dma_semaphore, #tpu.memory_space<semaphore_mem>>)
      %dma_start3A_1101 = arith.constant 0 : i32
      %dma_start3A_1102 = arith.constant 0 : i32
      %dma_start3A_1103 = tpu.memref_slice %arg37[%dma_start3A_1101, %dma_start3A_1102] : memref<512x16xf32, #tpu.memory_space<vmem>> -> memref<128x16xf32, #tpu.memory_space<vmem>>
      %dma_start3A_1104 = arith.constant 0 : i32
      %dma_start3A_1105 = tpu.memref_slice %arg12[%dma_start3A_1104] : memref<512xi32, #tpu.memory_space<vmem>> -> memref<128xi32, #tpu.memory_space<vmem>>
      %dma_start3A_1106 = arith.constant 0 : i32
      %dma_start3A_1107 = arith.constant 0 : i32
      %dma_start3A_1108 = tpu.memref_slice %arg5[%dma_start3A_1106, %dma_start3A_1107] : memref<262144x16xf32, #tpu.memory_space<hbm>> -> memref<262144x16xf32, #tpu.memory_space<hbm>>
      tpu.enqueue_indirect_dma source(%dma_start3A_1108 : memref<262144x16xf32, #tpu.memory_space<hbm>>) target(%dma_start3A_1103 : memref<128x16xf32, #tpu.memory_space<vmem>>) offsets(%dma_start3A_1105 : memref<128xi32, #tpu.memory_space<vmem>>) semaphore(%arg45 : memref<!tpu.dma_semaphore, #tpu.memory_space<semaphore_mem>>)
      %dma_start3A_1109 = arith.constant 128 : i32
      %dma_start3A_1110 = arith.constant 0 : i32
      %dma_start3A_1111 = tpu.memref_slice %arg34[%dma_start3A_1109, %dma_start3A_1110] : memref<512x16xf32, #tpu.memory_space<vmem>> -> memref<128x16xf32, #tpu.memory_space<vmem>>
      %dma_start3A_1112 = arith.constant 128 : i32
      %dma_start3A_1113 = tpu.memref_slice %arg9[%dma_start3A_1112] : memref<512xi32, #tpu.memory_space<vmem>> -> memref<128xi32, #tpu.memory_space<vmem>>
      %dma_start3A_1114 = arith.constant 0 : i32
      %dma_start3A_1115 = arith.constant 0 : i32
      %dma_start3A_1116 = tpu.memref_slice %arg5[%dma_start3A_1114, %dma_start3A_1115] : memref<262144x16xf32, #tpu.memory_space<hbm>> -> memref<262144x16xf32, #tpu.memory_space<hbm>>
      tpu.enqueue_indirect_dma source(%dma_start3A_1116 : memref<262144x16xf32, #tpu.memory_space<hbm>>) target(%dma_start3A_1111 : memref<128x16xf32, #tpu.memory_space<vmem>>) offsets(%dma_start3A_1113 : memref<128xi32, #tpu.memory_space<vmem>>) semaphore(%arg45 : memref<!tpu.dma_semaphore, #tpu.memory_space<semaphore_mem>>)
      %dma_start3A_1117 = arith.constant 128 : i32
      %dma_start3A_1118 = arith.constant 0 : i32
      %dma_start3A_1119 = tpu.memref_slice %arg35[%dma_start3A_1117, %dma_start3A_1118] : memref<512x16xf32, #tpu.memory_space<vmem>> -> memref<128x16xf32, #tpu.memory_space<vmem>>
      %dma_start3A_1120 = arith.constant 128 : i32
      %dma_start3A_1121 = tpu.memref_slice %arg10[%dma_start3A_1120] : memref<512xi32, #tpu.memory_space<vmem>> -> memref<128xi32, #tpu.memory_space<vmem>>
      %dma_start3A_1122 = arith.constant 0 : i32
      %dma_start3A_1123 = arith.constant 0 : i32
      %dma_start3A_1124 = tpu.memref_slice %arg5[%dma_start3A_1122, %dma_start3A_1123] : memref<262144x16xf32, #tpu.memory_space<hbm>> -> memref<262144x16xf32, #tpu.memory_space<hbm>>
      tpu.enqueue_indirect_dma source(%dma_start3A_1124 : memref<262144x16xf32, #tpu.memory_space<hbm>>) target(%dma_start3A_1119 : memref<128x16xf32, #tpu.memory_space<vmem>>) offsets(%dma_start3A_1121 : memref<128xi32, #tpu.memory_space<vmem>>) semaphore(%arg45 : memref<!tpu.dma_semaphore, #tpu.memory_space<semaphore_mem>>)
      %dma_start3A_1125 = arith.constant 128 : i32
      %dma_start3A_1126 = arith.constant 0 : i32
      %dma_start3A_1127 = tpu.memref_slice %arg36[%dma_start3A_1125, %dma_start3A_1126] : memref<512x16xf32, #tpu.memory_space<vmem>> -> memref<128x16xf32, #tpu.memory_space<vmem>>
      %dma_start3A_1128 = arith.constant 128 : i32
      %dma_start3A_1129 = tpu.memref_slice %arg11[%dma_start3A_1128] : memref<512xi32, #tpu.memory_space<vmem>> -> memref<128xi32, #tpu.memory_space<vmem>>
      %dma_start3A_1130 = arith.constant 0 : i32
      %dma_start3A_1131 = arith.constant 0 : i32
      %dma_start3A_1132 = tpu.memref_slice %arg5[%dma_start3A_1130, %dma_start3A_1131] : memref<262144x16xf32, #tpu.memory_space<hbm>> -> memref<262144x16xf32, #tpu.memory_space<hbm>>
      tpu.enqueue_indirect_dma source(%dma_start3A_1132 : memref<262144x16xf32, #tpu.memory_space<hbm>>) target(%dma_start3A_1127 : memref<128x16xf32, #tpu.memory_space<vmem>>) offsets(%dma_start3A_1129 : memref<128xi32, #tpu.memory_space<vmem>>) semaphore(%arg45 : memref<!tpu.dma_semaphore, #tpu.memory_space<semaphore_mem>>)
      %dma_start3A_1133 = arith.constant 128 : i32
      %dma_start3A_1134 = arith.constant 0 : i32
      %dma_start3A_1135 = tpu.memref_slice %arg37[%dma_start3A_1133, %dma_start3A_1134] : memref<512x16xf32, #tpu.memory_space<vmem>> -> memref<128x16xf32, #tpu.memory_space<vmem>>
      %dma_start3A_1136 = arith.constant 128 : i32
      %dma_start3A_1137 = tpu.memref_slice %arg12[%dma_start3A_1136] : memref<512xi32, #tpu.memory_space<vmem>> -> memref<128xi32, #tpu.memory_space<vmem>>
      %dma_start3A_1138 = arith.constant 0 : i32
      %dma_start3A_1139 = arith.constant 0 : i32
      %dma_start3A_1140 = tpu.memref_slice %arg5[%dma_start3A_1138, %dma_start3A_1139] : memref<262144x16xf32, #tpu.memory_space<hbm>> -> memref<262144x16xf32, #tpu.memory_space<hbm>>
      tpu.enqueue_indirect_dma source(%dma_start3A_1140 : memref<262144x16xf32, #tpu.memory_space<hbm>>) target(%dma_start3A_1135 : memref<128x16xf32, #tpu.memory_space<vmem>>) offsets(%dma_start3A_1137 : memref<128xi32, #tpu.memory_space<vmem>>) semaphore(%arg45 : memref<!tpu.dma_semaphore, #tpu.memory_space<semaphore_mem>>)
      %dma_start3A_1141 = arith.constant 256 : i32
      %dma_start3A_1142 = arith.constant 0 : i32
      %dma_start3A_1143 = tpu.memref_slice %arg34[%dma_start3A_1141, %dma_start3A_1142] : memref<512x16xf32, #tpu.memory_space<vmem>> -> memref<128x16xf32, #tpu.memory_space<vmem>>
      %dma_start3A_1144 = arith.constant 256 : i32
      %dma_start3A_1145 = tpu.memref_slice %arg9[%dma_start3A_1144] : memref<512xi32, #tpu.memory_space<vmem>> -> memref<128xi32, #tpu.memory_space<vmem>>
      %dma_start3A_1146 = arith.constant 0 : i32
      %dma_start3A_1147 = arith.constant 0 : i32
      %dma_start3A_1148 = tpu.memref_slice %arg5[%dma_start3A_1146, %dma_start3A_1147] : memref<262144x16xf32, #tpu.memory_space<hbm>> -> memref<262144x16xf32, #tpu.memory_space<hbm>>
      tpu.enqueue_indirect_dma source(%dma_start3A_1148 : memref<262144x16xf32, #tpu.memory_space<hbm>>) target(%dma_start3A_1143 : memref<128x16xf32, #tpu.memory_space<vmem>>) offsets(%dma_start3A_1145 : memref<128xi32, #tpu.memory_space<vmem>>) semaphore(%arg45 : memref<!tpu.dma_semaphore, #tpu.memory_space<semaphore_mem>>)
      %dma_start3A_1149 = arith.constant 256 : i32
      %dma_start3A_1150 = arith.constant 0 : i32
      %dma_start3A_1151 = tpu.memref_slice %arg35[%dma_start3A_1149, %dma_start3A_1150] : memref<512x16xf32, #tpu.memory_space<vmem>> -> memref<128x16xf32, #tpu.memory_space<vmem>>
      %dma_start3A_1152 = arith.constant 256 : i32
      %dma_start3A_1153 = tpu.memref_slice %arg10[%dma_start3A_1152] : memref<512xi32, #tpu.memory_space<vmem>> -> memref<128xi32, #tpu.memory_space<vmem>>
      %dma_start3A_1154 = arith.constant 0 : i32
      %dma_start3A_1155 = arith.constant 0 : i32
      %dma_start3A_1156 = tpu.memref_slice %arg5[%dma_start3A_1154, %dma_start3A_1155] : memref<262144x16xf32, #tpu.memory_space<hbm>> -> memref<262144x16xf32, #tpu.memory_space<hbm>>
      tpu.enqueue_indirect_dma source(%dma_start3A_1156 : memref<262144x16xf32, #tpu.memory_space<hbm>>) target(%dma_start3A_1151 : memref<128x16xf32, #tpu.memory_space<vmem>>) offsets(%dma_start3A_1153 : memref<128xi32, #tpu.memory_space<vmem>>) semaphore(%arg45 : memref<!tpu.dma_semaphore, #tpu.memory_space<semaphore_mem>>)
      %dma_start3A_1157 = arith.constant 256 : i32
      %dma_start3A_1158 = arith.constant 0 : i32
      %dma_start3A_1159 = tpu.memref_slice %arg36[%dma_start3A_1157, %dma_start3A_1158] : memref<512x16xf32, #tpu.memory_space<vmem>> -> memref<128x16xf32, #tpu.memory_space<vmem>>
      %dma_start3A_1160 = arith.constant 256 : i32
      %dma_start3A_1161 = tpu.memref_slice %arg11[%dma_start3A_1160] : memref<512xi32, #tpu.memory_space<vmem>> -> memref<128xi32, #tpu.memory_space<vmem>>
      %dma_start3A_1162 = arith.constant 0 : i32
      %dma_start3A_1163 = arith.constant 0 : i32
      %dma_start3A_1164 = tpu.memref_slice %arg5[%dma_start3A_1162, %dma_start3A_1163] : memref<262144x16xf32, #tpu.memory_space<hbm>> -> memref<262144x16xf32, #tpu.memory_space<hbm>>
      tpu.enqueue_indirect_dma source(%dma_start3A_1164 : memref<262144x16xf32, #tpu.memory_space<hbm>>) target(%dma_start3A_1159 : memref<128x16xf32, #tpu.memory_space<vmem>>) offsets(%dma_start3A_1161 : memref<128xi32, #tpu.memory_space<vmem>>) semaphore(%arg45 : memref<!tpu.dma_semaphore, #tpu.memory_space<semaphore_mem>>)
      %dma_start3A_1165 = arith.constant 256 : i32
      %dma_start3A_1166 = arith.constant 0 : i32
      %dma_start3A_1167 = tpu.memref_slice %arg37[%dma_start3A_1165, %dma_start3A_1166] : memref<512x16xf32, #tpu.memory_space<vmem>> -> memref<128x16xf32, #tpu.memory_space<vmem>>
      %dma_start3A_1168 = arith.constant 256 : i32
      %dma_start3A_1169 = tpu.memref_slice %arg12[%dma_start3A_1168] : memref<512xi32, #tpu.memory_space<vmem>> -> memref<128xi32, #tpu.memory_space<vmem>>
      %dma_start3A_1170 = arith.constant 0 : i32
      %dma_start3A_1171 = arith.constant 0 : i32
      %dma_start3A_1172 = tpu.memref_slice %arg5[%dma_start3A_1170, %dma_start3A_1171] : memref<262144x16xf32, #tpu.memory_space<hbm>> -> memref<262144x16xf32, #tpu.memory_space<hbm>>
      tpu.enqueue_indirect_dma source(%dma_start3A_1172 : memref<262144x16xf32, #tpu.memory_space<hbm>>) target(%dma_start3A_1167 : memref<128x16xf32, #tpu.memory_space<vmem>>) offsets(%dma_start3A_1169 : memref<128xi32, #tpu.memory_space<vmem>>) semaphore(%arg45 : memref<!tpu.dma_semaphore, #tpu.memory_space<semaphore_mem>>)
      %dma_start3A_1173 = arith.constant 384 : i32
      %dma_start3A_1174 = arith.constant 0 : i32
      %dma_start3A_1175 = tpu.memref_slice %arg34[%dma_start3A_1173, %dma_start3A_1174] : memref<512x16xf32, #tpu.memory_space<vmem>> -> memref<128x16xf32, #tpu.memory_space<vmem>>
      %dma_start3A_1176 = arith.constant 384 : i32
      %dma_start3A_1177 = tpu.memref_slice %arg9[%dma_start3A_1176] : memref<512xi32, #tpu.memory_space<vmem>> -> memref<128xi32, #tpu.memory_space<vmem>>
      %dma_start3A_1178 = arith.constant 0 : i32
      %dma_start3A_1179 = arith.constant 0 : i32
      %dma_start3A_1180 = tpu.memref_slice %arg5[%dma_start3A_1178, %dma_start3A_1179] : memref<262144x16xf32, #tpu.memory_space<hbm>> -> memref<262144x16xf32, #tpu.memory_space<hbm>>
      tpu.enqueue_indirect_dma source(%dma_start3A_1180 : memref<262144x16xf32, #tpu.memory_space<hbm>>) target(%dma_start3A_1175 : memref<128x16xf32, #tpu.memory_space<vmem>>) offsets(%dma_start3A_1177 : memref<128xi32, #tpu.memory_space<vmem>>) semaphore(%arg45 : memref<!tpu.dma_semaphore, #tpu.memory_space<semaphore_mem>>)
      %dma_start3A_1181 = arith.constant 384 : i32
      %dma_start3A_1182 = arith.constant 0 : i32
      %dma_start3A_1183 = tpu.memref_slice %arg35[%dma_start3A_1181, %dma_start3A_1182] : memref<512x16xf32, #tpu.memory_space<vmem>> -> memref<128x16xf32, #tpu.memory_space<vmem>>
      %dma_start3A_1184 = arith.constant 384 : i32
      %dma_start3A_1185 = tpu.memref_slice %arg10[%dma_start3A_1184] : memref<512xi32, #tpu.memory_space<vmem>> -> memref<128xi32, #tpu.memory_space<vmem>>
      %dma_start3A_1186 = arith.constant 0 : i32
      %dma_start3A_1187 = arith.constant 0 : i32
      %dma_start3A_1188 = tpu.memref_slice %arg5[%dma_start3A_1186, %dma_start3A_1187] : memref<262144x16xf32, #tpu.memory_space<hbm>> -> memref<262144x16xf32, #tpu.memory_space<hbm>>
      tpu.enqueue_indirect_dma source(%dma_start3A_1188 : memref<262144x16xf32, #tpu.memory_space<hbm>>) target(%dma_start3A_1183 : memref<128x16xf32, #tpu.memory_space<vmem>>) offsets(%dma_start3A_1185 : memref<128xi32, #tpu.memory_space<vmem>>) semaphore(%arg45 : memref<!tpu.dma_semaphore, #tpu.memory_space<semaphore_mem>>)
      %dma_start3A_1189 = arith.constant 384 : i32
      %dma_start3A_1190 = arith.constant 0 : i32
      %dma_start3A_1191 = tpu.memref_slice %arg36[%dma_start3A_1189, %dma_start3A_1190] : memref<512x16xf32, #tpu.memory_space<vmem>> -> memref<128x16xf32, #tpu.memory_space<vmem>>
      %dma_start3A_1192 = arith.constant 384 : i32
      %dma_start3A_1193 = tpu.memref_slice %arg11[%dma_start3A_1192] : memref<512xi32, #tpu.memory_space<vmem>> -> memref<128xi32, #tpu.memory_space<vmem>>
      %dma_start3A_1194 = arith.constant 0 : i32
      %dma_start3A_1195 = arith.constant 0 : i32
      %dma_start3A_1196 = tpu.memref_slice %arg5[%dma_start3A_1194, %dma_start3A_1195] : memref<262144x16xf32, #tpu.memory_space<hbm>> -> memref<262144x16xf32, #tpu.memory_space<hbm>>
      tpu.enqueue_indirect_dma source(%dma_start3A_1196 : memref<262144x16xf32, #tpu.memory_space<hbm>>) target(%dma_start3A_1191 : memref<128x16xf32, #tpu.memory_space<vmem>>) offsets(%dma_start3A_1193 : memref<128xi32, #tpu.memory_space<vmem>>) semaphore(%arg45 : memref<!tpu.dma_semaphore, #tpu.memory_space<semaphore_mem>>)
      %dma_start3A_1197 = arith.constant 384 : i32
      %dma_start3A_1198 = arith.constant 0 : i32
      %dma_start3A_1199 = tpu.memref_slice %arg37[%dma_start3A_1197, %dma_start3A_1198] : memref<512x16xf32, #tpu.memory_space<vmem>> -> memref<128x16xf32, #tpu.memory_space<vmem>>
      %dma_start3A_1200 = arith.constant 384 : i32
      %dma_start3A_1201 = tpu.memref_slice %arg12[%dma_start3A_1200] : memref<512xi32, #tpu.memory_space<vmem>> -> memref<128xi32, #tpu.memory_space<vmem>>
      %dma_start3A_1202 = arith.constant 0 : i32
      %dma_start3A_1203 = arith.constant 0 : i32
      %dma_start3A_1204 = tpu.memref_slice %arg5[%dma_start3A_1202, %dma_start3A_1203] : memref<262144x16xf32, #tpu.memory_space<hbm>> -> memref<262144x16xf32, #tpu.memory_space<hbm>>
      tpu.enqueue_indirect_dma source(%dma_start3A_1204 : memref<262144x16xf32, #tpu.memory_space<hbm>>) target(%dma_start3A_1199 : memref<128x16xf32, #tpu.memory_space<vmem>>) offsets(%dma_start3A_1201 : memref<128xi32, #tpu.memory_space<vmem>>) semaphore(%arg45 : memref<!tpu.dma_semaphore, #tpu.memory_space<semaphore_mem>>)
      %dma_wait3A_1205 = arith.constant 0 : i32
      %dma_wait3A_1206 = arith.constant 0 : i32
      %dma_wait3A_1207 = tpu.memref_slice %arg5[%dma_wait3A_1205, %dma_wait3A_1206] : memref<262144x16xf32, #tpu.memory_space<hbm>> -> memref<512x16xf32, #tpu.memory_space<hbm>>
      %dma_wait3A_1208 = arith.constant 0 : i32
      %dma_wait3A_1209 = arith.constant 0 : i32
      %dma_wait3A_1210 = tpu.memref_slice %arg5[%dma_wait3A_1208, %dma_wait3A_1209] : memref<262144x16xf32, #tpu.memory_space<hbm>> -> memref<512x16xf32, #tpu.memory_space<hbm>>
      tpu.wait_dma2 semaphore(%arg46 : memref<!tpu.dma_semaphore, #tpu.memory_space<semaphore_mem>>) src(%dma_wait3A_1210 : memref<512x16xf32, #tpu.memory_space<hbm>>) dst(%arg38 : memref<512x16xf32, #tpu.memory_space<vmem>>)
      %dma_wait3A_1211 = arith.constant 0 : i32
      %dma_wait3A_1212 = arith.constant 0 : i32
      %dma_wait3A_1213 = tpu.memref_slice %arg5[%dma_wait3A_1211, %dma_wait3A_1212] : memref<262144x16xf32, #tpu.memory_space<hbm>> -> memref<512x16xf32, #tpu.memory_space<hbm>>
      %dma_wait3A_1214 = arith.constant 0 : i32
      %dma_wait3A_1215 = arith.constant 0 : i32
      %dma_wait3A_1216 = tpu.memref_slice %arg5[%dma_wait3A_1214, %dma_wait3A_1215] : memref<262144x16xf32, #tpu.memory_space<hbm>> -> memref<512x16xf32, #tpu.memory_space<hbm>>
      tpu.wait_dma2 semaphore(%arg46 : memref<!tpu.dma_semaphore, #tpu.memory_space<semaphore_mem>>) src(%dma_wait3A_1216 : memref<512x16xf32, #tpu.memory_space<hbm>>) dst(%arg39 : memref<512x16xf32, #tpu.memory_space<vmem>>)
      %dma_wait3A_1217 = arith.constant 0 : i32
      %dma_wait3A_1218 = arith.constant 0 : i32
      %dma_wait3A_1219 = tpu.memref_slice %arg5[%dma_wait3A_1217, %dma_wait3A_1218] : memref<262144x16xf32, #tpu.memory_space<hbm>> -> memref<512x16xf32, #tpu.memory_space<hbm>>
      %dma_wait3A_1220 = arith.constant 0 : i32
      %dma_wait3A_1221 = arith.constant 0 : i32
      %dma_wait3A_1222 = tpu.memref_slice %arg5[%dma_wait3A_1220, %dma_wait3A_1221] : memref<262144x16xf32, #tpu.memory_space<hbm>> -> memref<512x16xf32, #tpu.memory_space<hbm>>
      tpu.wait_dma2 semaphore(%arg46 : memref<!tpu.dma_semaphore, #tpu.memory_space<semaphore_mem>>) src(%dma_wait3A_1222 : memref<512x16xf32, #tpu.memory_space<hbm>>) dst(%arg40 : memref<512x16xf32, #tpu.memory_space<vmem>>)
      %dma_wait3A_1223 = arith.constant 0 : i32
      %dma_wait3A_1224 = arith.constant 0 : i32
      %dma_wait3A_1225 = tpu.memref_slice %arg5[%dma_wait3A_1223, %dma_wait3A_1224] : memref<262144x16xf32, #tpu.memory_space<hbm>> -> memref<512x16xf32, #tpu.memory_space<hbm>>
      %dma_wait3A_1226 = arith.constant 0 : i32
      %dma_wait3A_1227 = arith.constant 0 : i32
      %dma_wait3A_1228 = tpu.memref_slice %arg5[%dma_wait3A_1226, %dma_wait3A_1227] : memref<262144x16xf32, #tpu.memory_space<hbm>> -> memref<512x16xf32, #tpu.memory_space<hbm>>
      tpu.wait_dma2 semaphore(%arg46 : memref<!tpu.dma_semaphore, #tpu.memory_space<semaphore_mem>>) src(%dma_wait3A_1228 : memref<512x16xf32, #tpu.memory_space<hbm>>) dst(%arg41 : memref<512x16xf32, #tpu.memory_space<vmem>>)
      %mul3A_1229 = arith.constant 512 : i32
      %mul3A_1230 = arith.muli %add3A_1057, %mul3A_1229 : i32
      %add3A_1231 = arith.addi %mul3A_2, %mul3A_1230 : i32
      %dma_start3A_1232 = arith.constant 0 : i32
      %dma_start3A_1233 = tpu.memref_slice %arg8[%add3A_1231, %dma_start3A_1232] : memref<1048576x48xf32, #tpu.memory_space<hbm>> -> memref<512x48xf32, #tpu.memory_space<hbm>>
      %dma_start3A_1234 = arith.constant 0 : i32
      %dma_start3A_1235 = tpu.memref_slice %arg8[%add3A_1231, %dma_start3A_1234] : memref<1048576x48xf32, #tpu.memory_space<hbm>> -> memref<512x48xf32, #tpu.memory_space<hbm>>
      tpu.enqueue_dma source(%arg33 : memref<512x48xf32, #tpu.memory_space<vmem>>) target(%dma_start3A_1235 : memref<512x48xf32, #tpu.memory_space<hbm>>) target_semaphore(%arg42 : memref<!tpu.dma_semaphore, #tpu.memory_space<semaphore_mem>>)
    }
    %scan3A_159 = arith.constant 32 : i32
    %dma_wait3A_160 = arith.constant 0 : i32
    %dma_wait3A_161 = arith.constant 0 : i32
    %dma_wait3A_162 = tpu.memref_slice %arg5[%dma_wait3A_160, %dma_wait3A_161] : memref<262144x16xf32, #tpu.memory_space<hbm>> -> memref<512x16xf32, #tpu.memory_space<hbm>>
    %dma_wait3A_163 = arith.constant 0 : i32
    %dma_wait3A_164 = arith.constant 0 : i32
    %dma_wait3A_165 = tpu.memref_slice %arg5[%dma_wait3A_163, %dma_wait3A_164] : memref<262144x16xf32, #tpu.memory_space<hbm>> -> memref<512x16xf32, #tpu.memory_space<hbm>>
    tpu.wait_dma2 semaphore(%arg45 : memref<!tpu.dma_semaphore, #tpu.memory_space<semaphore_mem>>) src(%dma_wait3A_165 : memref<512x16xf32, #tpu.memory_space<hbm>>) dst(%arg34 : memref<512x16xf32, #tpu.memory_space<vmem>>)
    %dma_wait3A_166 = arith.constant 0 : i32
    %dma_wait3A_167 = arith.constant 0 : i32
    %dma_wait3A_168 = tpu.memref_slice %arg5[%dma_wait3A_166, %dma_wait3A_167] : memref<262144x16xf32, #tpu.memory_space<hbm>> -> memref<512x16xf32, #tpu.memory_space<hbm>>
    %dma_wait3A_169 = arith.constant 0 : i32
    %dma_wait3A_170 = arith.constant 0 : i32
    %dma_wait3A_171 = tpu.memref_slice %arg5[%dma_wait3A_169, %dma_wait3A_170] : memref<262144x16xf32, #tpu.memory_space<hbm>> -> memref<512x16xf32, #tpu.memory_space<hbm>>
    tpu.wait_dma2 semaphore(%arg45 : memref<!tpu.dma_semaphore, #tpu.memory_space<semaphore_mem>>) src(%dma_wait3A_171 : memref<512x16xf32, #tpu.memory_space<hbm>>) dst(%arg35 : memref<512x16xf32, #tpu.memory_space<vmem>>)
    %dma_wait3A_172 = arith.constant 0 : i32
    %dma_wait3A_173 = arith.constant 0 : i32
    %dma_wait3A_174 = tpu.memref_slice %arg5[%dma_wait3A_172, %dma_wait3A_173] : memref<262144x16xf32, #tpu.memory_space<hbm>> -> memref<512x16xf32, #tpu.memory_space<hbm>>
    %dma_wait3A_175 = arith.constant 0 : i32
    %dma_wait3A_176 = arith.constant 0 : i32
    %dma_wait3A_177 = tpu.memref_slice %arg5[%dma_wait3A_175, %dma_wait3A_176] : memref<262144x16xf32, #tpu.memory_space<hbm>> -> memref<512x16xf32, #tpu.memory_space<hbm>>
    tpu.wait_dma2 semaphore(%arg45 : memref<!tpu.dma_semaphore, #tpu.memory_space<semaphore_mem>>) src(%dma_wait3A_177 : memref<512x16xf32, #tpu.memory_space<hbm>>) dst(%arg36 : memref<512x16xf32, #tpu.memory_space<vmem>>)
    %dma_wait3A_178 = arith.constant 0 : i32
    %dma_wait3A_179 = arith.constant 0 : i32
    %dma_wait3A_180 = tpu.memref_slice %arg5[%dma_wait3A_178, %dma_wait3A_179] : memref<262144x16xf32, #tpu.memory_space<hbm>> -> memref<512x16xf32, #tpu.memory_space<hbm>>
    %dma_wait3A_181 = arith.constant 0 : i32
    %dma_wait3A_182 = arith.constant 0 : i32
    %dma_wait3A_183 = tpu.memref_slice %arg5[%dma_wait3A_181, %dma_wait3A_182] : memref<262144x16xf32, #tpu.memory_space<hbm>> -> memref<512x16xf32, #tpu.memory_space<hbm>>
    tpu.wait_dma2 semaphore(%arg45 : memref<!tpu.dma_semaphore, #tpu.memory_space<semaphore_mem>>) src(%dma_wait3A_183 : memref<512x16xf32, #tpu.memory_space<hbm>>) dst(%arg37 : memref<512x16xf32, #tpu.memory_space<vmem>>)
    %dma_wait3A_184 = arith.constant 0 : i32
    %dma_wait3A_185 = arith.constant 0 : i32
    %dma_wait3A_186 = tpu.memref_slice %arg8[%dma_wait3A_184, %dma_wait3A_185] : memref<1048576x48xf32, #tpu.memory_space<hbm>> -> memref<512x48xf32, #tpu.memory_space<hbm>>
    %dma_wait3A_187 = arith.constant 0 : i32
    %dma_wait3A_188 = arith.constant 0 : i32
    %dma_wait3A_189 = tpu.memref_slice %arg8[%dma_wait3A_187, %dma_wait3A_188] : memref<1048576x48xf32, #tpu.memory_space<hbm>> -> memref<512x48xf32, #tpu.memory_space<hbm>>
    tpu.wait_dma2 semaphore(%arg42 : memref<!tpu.dma_semaphore, #tpu.memory_space<semaphore_mem>>) src(%dma_wait3A_189 : memref<512x48xf32, #tpu.memory_space<hbm>>) dst(%arg33 : memref<512x48xf32, #tpu.memory_space<vmem>>)
    return
  }
}

</mosaic_0001>

<sc_bundles>
// kernel: kernel.3.cloned.1.call-start
scs
__scs_entry_jumppad:
0x0: {  	(pc) =	sbr.rel $0x88, $3  }
0x1: {  	(tag) =	ssettag $0x0;
	lr =	simm.s32 $0x1  }
0x2: {  	[smem:$0x3F9D] =	sst lr;
	_ =	strace $0xD0000000  }
0x3: {  	_ = 	snop  }
0x4: {  	_ = 	snop  }
0x5: {  	_ = 	snop  }
0x6: {  	_ = 	snop  }
0x7: {  	_ = 	snop  }
__scs_overlays_trampoline_lowered:
0x8: {  	[smem:$0x3FAC] =	sst s0  }
0x9: {  	[smem:$0x3FAD] =	sst s1  }
0xa: {  	[smem:$0x3FAE] =	sst s2  }
0xb: {  	[smem:$0x3FAF] =	sst s3  }
0xc: {  	[smem:$0x3FB0] =	sst s4  }
0xd: {  	[smem:$0x3FB1] =	sst s5  }
0xe: {  	[smem:$0x3FB2] =	sst s6  }
0xf: {  	[smem:$0x3FB3] =	sst s7  }
0x10: {  	[smem:$0x3FB4] =	sst s8  }
0x11: {  	[smem:$0x3FB5] =	sst s9;
	s0 =	simm.s32 @!p0 $0x0  }
0x12: {  	s1 =	sld [smem:$0x3F9B];
	s0 =	simm.s32 @p0 $0x1  }
0x13: {  	[smem:$0x3FB6] =	sst s0;
	s0 =	simm.s32 @!p1 $0x0  }
0x14: {  	s2 =	sld [smem:$0x3F9A];
	s0 =	simm.s32 @p1 $0x1  }
0x15: {  	[smem:$0x3FB7] =	sst s0;
	s0 =	simm.s32 @!p2 $0x0  }
0x16: {  	s3 =	sld [smem:$0x3FDB];
	s0 =	simm.s32 @p2 $0x1  }
0x17: {  	s4 =	simm.s32 $0x1BF5;
	[smem:$0x3FB9] =	sst s0  }
0x18: {  	s0 =	sld [smem:$0x3F9C];
	_ =	swait.ge [sflag:s4], $0x0  }
0x19: {  	s7 =	sld [smem:$0x3F9D]  }
0x1a: {  	s8 =	sadd.s32 $0xFFFFE003, lr  }
0x1b: {  	s9 =	sadd.s32 $0xFFFFFEF7, lr;
	s5 =	simm.s32 $0xFFFFFFFF;
	p2 =	slt.u32 s8, $0xFFFFF086  }
0x1c: {  	p1 =	slt.u32 s9, $0xF7A;
	s5 =	simm.s32 @!p2 $0x0  }
0x1d: {  	s5 =	simm.s32 @p1 $0x1;
	p0 =	seq.s32 s7, s2  }
0x1e: {  	s7 =	smul.u32 @!p0 $0xF7A, s2;
	p2 =	seq.s32 @!p0 s5, $0x0  }
0x1f: {  	s9 =	smul.u32 $0xF7A, s1;
	s8 =	simm.s32 @!p0 $0x1BF5;
	p2 =	por !p2, p0  }
0x20: {  	[sflag:s8] =	ssyncset.s32 @!p0 $0xFFFFF086;
	s6 =	sadd.s32 @!p0 s3, s7;
	s7 =	simm.s32 @!p0 $0x108  }
0x21: {  	s3 =	sadd.s32 s3, s9;
	s6 =	sadd.s32 @!p0 $0x88, s6;
	s7 =	simm.s32 @p2 $0x1082  }
0x22: {  	[simem:s7], [sflag:s8] =	dma.local @!p0 [hbm:s6], $0xF7A  }
0x23: {  	s9 =	sor.u32 $0xD0000000, s2;
	s6 =	simm.s32 $0x108;
	_ =	swait.ge @!p0 [sflag:s8], $0x0  }
0x24: {  	s3 =	sadd.s32 $0x88, s3;
	s6 =	simm.s32 @!p1 $0x1082;
	[sflag:s4] =	ssyncset.s32 $0xFFFFF086  }
0x25: {  	[simem:s6], [sflag:s4] =	dma.local [hbm:s3], $0xF7A  }
0x26: {  	[smem:$0x3F9D] =	sst s1;
	(tag) =	ssettag s2;
	_ =	strace s9  }
0x27: {  	s1 =	sld [smem:$0x3FAD]  }
0x28: {  	s2 =	sld [smem:$0x3FAE]  }
0x29: {  	s4 =	sld [smem:$0x3FB0]  }
0x2a: {  	p0 =	seq.s32 s5, $0x0;
	s5 =	sld [smem:$0x3FB1]  }
0x2b: {  	s6 =	sld [smem:$0x3FB2]  }
0x2c: {  	s7 =	sld [smem:$0x3FB3]  }
0x2d: {  	s3 =	simm.s32 $0x108;
	s8 =	sld [smem:$0x3FB4]  }
0x2e: {  	s3 =	simm.s32 @!p0 $0x1082;
	s9 =	sld [smem:$0x3FB5]  }
0x2f: {  	lr =	sadd.s32 s0, s3;
	s0 =	sld [smem:$0x3FAC]  }
0x30: {  	s3 =	sld [smem:$0x3FAF]  }
0x31: {  	[smem:$0x3FB8] =	sst s10  }
0x32: {  	s10 =	sld [smem:$0x3FB6];
	_ =	sdelay $0x3  }
0x33: {  	p0 =	seq.s32 s10, $0x1;
	s10 =	sld [smem:$0x3FB8];
	_ =	sdelay $0x3  }
0x34: {  	[smem:$0x3FB8] =	sst s10  }
0x35: {  	s10 =	sld [smem:$0x3FB7];
	_ =	sdelay $0x3  }
0x36: {  	p1 =	seq.s32 s10, $0x1;
	s10 =	sld [smem:$0x3FB8];
	_ =	sdelay $0x3  }
0x37: {  	[smem:$0x3FB8] =	sst s10  }
0x38: {  	s10 =	sld [smem:$0x3FB9]  }
0x39: {  	_ = 	snop;
	(pc) =	sbr.ind lr, $3  }
0x3a: {  	_ = 	snop  }
0x3b: {  	_ = 	snop  }
0x3c: {  	p2 =	seq.s32 s10, $0x1;
	s10 =	sld [smem:$0x3FB8]  }
0x3d: {  	_ =	shalt  }
0x3e: {  	_ =	shalt  }
0x3f: {  	_ =	shalt  }
0x40: {  	_ =	shalt  }
0x41: {  	_ =	shalt  }
0x42: {  	_ =	shalt  }
0x43: {  	_ =	shalt  }
0x44: {  	_ =	shalt  }
0x45: {  	_ =	shalt  }
0x46: {  	_ =	shalt  }
0x47: {  	_ =	shalt  }
0x48: {  	_ =	shalt  }
0x49: {  	_ =	shalt  }
0x4a: {  	_ =	shalt  }
0x4b: {  	_ =	shalt  }
0x4c: {  	_ =	shalt  }
0x4d: {  	_ =	shalt  }
0x4e: {  	_ =	shalt  }
0x4f: {  	_ =	shalt  }
0x50: {  	_ =	shalt  }
0x51: {  	_ =	shalt  }
0x52: {  	_ =	shalt  }
0x53: {  	_ =	shalt  }
0x54: {  	_ =	shalt  }
0x55: {  	_ =	shalt  }
0x56: {  	_ =	shalt  }
0x57: {  	_ =	shalt  }
0x58: {  	_ =	shalt  }
0x59: {  	_ =	shalt  }
0x5a: {  	_ =	shalt  }
0x5b: {  	_ =	shalt  }
0x5c: {  	_ =	shalt  }
0x5d: {  	_ =	shalt  }
0x5e: {  	_ =	shalt  }
0x5f: {  	_ =	shalt  }
0x60: {  	_ =	shalt  }
0x61: {  	_ =	shalt  }
0x62: {  	_ =	shalt  }
0x63: {  	_ =	shalt  }
0x64: {  	_ =	shalt  }
0x65: {  	_ =	shalt  }
0x66: {  	_ =	shalt  }
0x67: {  	_ =	shalt  }
0x68: {  	_ =	shalt  }
0x69: {  	_ =	shalt  }
0x6a: {  	_ =	shalt  }
0x6b: {  	_ =	shalt  }
0x6c: {  	_ =	shalt  }
0x6d: {  	_ =	shalt  }
0x6e: {  	_ =	shalt  }
0x6f: {  	_ =	shalt  }
0x70: {  	_ =	shalt  }
0x71: {  	_ =	shalt  }
0x72: {  	_ =	shalt  }
0x73: {  	_ =	shalt  }
0x74: {  	_ =	shalt  }
0x75: {  	_ =	shalt  }
0x76: {  	_ =	shalt  }
0x77: {  	_ =	shalt  }
0x78: {  	_ =	shalt  }
0x79: {  	_ =	shalt  }
0x7a: {  	_ =	shalt  }
0x7b: {  	_ =	shalt  }
0x7c: {  	_ =	shalt  }
0x7d: {  	_ =	shalt  }
0x7e: {  	_ =	shalt  }
0x7f: {  	_ =	shalt  }
0x80: {  	_ =	shalt  }
0x81: {  	_ =	shalt  }
0x82: {  	_ =	shalt  }
0x83: {  	_ =	shalt  }
0x84: {  	_ =	shalt  }
0x85: {  	_ =	shalt  }
0x86: {  	_ =	shalt  }
0x87: {  	_ =	shalt  }
.Lfunc_end0:
.L_simem_size_0:
called_computation.1_lowered:
.L_overlay_start_0:
0x88: {  	s2 =	sld [smem:$0x3FD9]  }
0x89: {  	s3 =	sld [smem:$0x3FFE];
	_ =	sdelay $0x1  }
0x8a: {  	s1 =	srdreg.scid  }
0x8b: {  	s0 =	sand.u32 $0x1, s1  }
0x8c: {  	s17 =	sshll.u32 s0, $0xA;
	s2 =	sadd.s32 s3, s2  }
0x8d: {  	s2 =	sadd.s32 s2, s17  }
0x8e: {  	[smem:$0x3FC4] =	sst s2  }
0x8f: {  	_ = 	snop  }
0x90: {  	s2 =	sld [smem:$0x3FD0];
	(tm) =	ssettm $0x1  }
0x91: {  	s18 =	sld [smem:$0x3FFB];
	_ =	sdelay $0x3  }
0x92: {  	_ =	strace s18  }
0x93: {  	s3 =	sld [smem:$0x3FFC];
	_ =	sdelay $0x3  }
0x94: {  	_ =	strace s3  }
0x95: {  	s3 =	sld [smem:$0x3FFD];
	_ =	sdelay $0x3  }
0x96: {  	_ =	strace s3  }
0x97: {  	_ =	strace $0x8FFFFFFF  }
0x98: {  	s19 =	sld [smem:$0x3FDB];
	_ =	sdelay $0x1  }
0x99: {  	s4 =	simm.s32 $_scs_section_size  }
0x9a: {  	s5 =	simm.s32 $_size__tile_overlayer_lowered;
	s6 =	simm.s32 $_tile_overlayer_lowered  }
0x9b: {  	s22 =	simm.s32 $0x1BFF;
	s21 =	sshll.u32 s6, $0x1;
	s3 =	sadd.s32 s4, s19  }
0x9c: {  	s7 =	simm.s32 $0x0;
	s20 =	sshll.u32 s5, $0x1;
	s5 =	sadd.s32 s21, s3  }
0x9d: {  	[timem:s7], [sflag:s22] =	dma.local [hbm:s5], s20  }
0x9e: {  	_ =	swait.ge [sflag:s22], s20  }
0x9f: {  	s4 =	ssub.s32 $0x0, s20;
	[sflag:s22] =	ssyncset.done $0x0  }
0xa0: {  	[sflag:s22] =	ssyncadd.s32 s4;
	_ =	sdelay $0x1  }
0xa1: {  	s23 =	simm.s32 $0x1B8B  }
0xa2: {  	_ =	swait.ge [sflag:s23], $0x1  }
0xa3: {  	[sflag:s23] =	ssyncset.done $0x0  }
0xa4: {  	s25 =	simm.s32 $0x1B8E;
	s24 =	sld [smem:$0x3FFE];
	[sflag:s23] =	ssyncadd.s32 $0xFFFFFFFF  }
0xa5: {  	s26 =	simm.s32 $execute0_lowered;
	[smem:$0x3FD2] =	sst s25  }
0xa6: {  	s5 =	sshll.u32 s26, $0x1;
	_ =	strace $0x80000046;
	[dreg:$0x1] =	wrdreg $0xFFFFFFFF  }
0xa7: {  	s28 =	simm.s32 $_size_execute0_lowered;
	s3 =	sadd.s32 s3, s5;
	[dreg:$0x0] =	wrdreg $0x0  }
0xa8: {  	s5 =	sshll.u32 s28, $0x1;
	[dreg:$0x2] =	wrdreg s3  }
0xa9: {  	[dreg:$0x3] =	wrdreg s5  }
0xaa: {  	[dreg:$0x4] =	wrdreg $0xC0  }
0xab: {  	_ =	task [dreg:s7], $0x5FFFF  }
0xac: {  	[dreg:$0x1] =	wrdreg $0xFFFFFFFF  }
0xad: {  	[dreg:$0x0] =	wrdreg $0x60  }
0xae: {  	[dreg:$0x2] =	wrdreg s24  }
0xaf: {  	[dreg:$0x3] =	wrdreg s2  }
0xb0: {  	[dreg:$0x4] =	wrdreg $0x9  }
0xb1: {  	_ =	task.clear_ibuf [dreg:s7], $0x5FFFF;
	_ =	strace $0x90000046  }
0xb2: {  	s29 =	simm.s32 $0x9;
	_ =	strace $0x80000048  }
0xb3: {  	_ =	swait.ge [sflag:s29], $0x1  }
0xb4: {  	[sflag:s29] =	ssyncadd.s32 $0xFFFFFFFF  }
0xb5: {  	_ =	strace $0x90000048  }
0xb6: {  	_ =	sfence  }
0xb7: {  	s30 =	sld [smem:$0x0];
	_ =	sdelay $0x2  }
0xb8: {  	s31 =	sshll.u32 s1, $0xD;
	s1 =	sshrl.u32 s1, $0x2  }
0xb9: {  	s3 =	sand.u32 $0x4000, s31;
	s1 =	sadd.s32 s1, s30  }
0xba: {  	s0 =	sor.u32 s3, s0;
	s1 =	sshll.u32 s1, $0x11  }
0xbb: {  	s0 =	sor.u32 s1, s0  }
0xbc: {  	s0 =	sadd.s32 $0x8F2B, s0  }
0xbd: {  	[sflag:s0] =	ssyncadd.remote.s32 $0x1  }
0xbe: {  	_ =	sfence.sel $0xFFFF  }
0xbf: {  	[dreg:$0x0] =	wrdreg $0xFFFFFFFF;
	(pc) =	sbr.abs _section_cstart, $3  }
0xc0: {  	[dreg:$0x1] =	wrdreg $0xFFFFFFFF  }
0xc1: {  	_ =	task.clear_ibuf [dreg:s7], $0x2FFFF;
	_ =	strace $0x9FFFFFFF  }
0xc2: {  	(tm) =	ssettm $0x7FFFFFFF  }
0xc3: {  	_ =	shalt  }
tec
execute0_lowered:
.L_overlay_start_1:
0x0: {  	(tag) =	ssettag $0x1  }
0x1: {  	s0 =	rddreg [dreg:$0x0]  }
0x2: {  	s29 =	rddreg [dreg:$0x1];
	s1 =	simm.s32 $0x0  }
0x3: {  	s21 =	srdreg.scid;
	s5 =	stileid.u32;
	s19 =	simm.s32 $0x9000  }
0x4: {  	s28 =	simm.s32 $0xB000;
	s16 =	simm.s32 $0xD000;
	s17 =	simm.s32 $0x9800  }
0x5: {  	s4 =	simm.s32 $0xA000;
	s30 =	simm.s32 $0x16800;
	s20 =	simm.s32 $0x4  }
0x6: {  	[smem:$0x7FF] =	sst s1;
	s3 =	sadd.s32 $0x41C00, s0;
	s11 =	sadd.s32 $0x21C00, s0  }
0x7: {  	s12 =	sadd.s32 $0x1C00, s0;
	s7 =	sadd.s32 $0x61C00, s0;
	s8 =	sadd.s32 $0xE1C00, s0  }
0x8: {  	s1 =	sand.u32 $0x1, s21;
	s5 =	sshll.u32 s5, $0x10;
	s9 =	sadd.s32 $0x161C00, s0  }
0x9: {  	s21 =	simm.s32 $0x12800;
	_ =	strace $0x80000047;
	[dreg:$0xb] =	wrdreg s3  }
0xa: {  	s2 =	ssub.s32 $0x2, s1;
	s1 =	sshll.u32 s1, $0xF;
	[dreg:$0xc] =	wrdreg s11  }
0xb: {  	[dreg:$0xd] =	wrdreg s12;
	s22 =	sshrl.u32 s2, $0x1;
	s5 =	sor.u32 s1, s5  }
0xc: {  	s0 =	ssub.s32 s2, s22;
	s1 =	sshrl.u32 s5, $0x3;
	s23 =	smul.u32 $0x6, s5  }
0xd: {  	s26 =	sor.u32 $0x200, s5;
	[dreg:$0x3] =	wrdreg s5;
	s31 =	sor.u32 $0x400, s5  }
0xe: {  	s22 =	simm.s32 $0x80;
	s2 =	simm.s32 $0x0;
	[dreg:$0x8] =	wrdreg s26  }
0xf: {  	s10 =	sadd.s32 s3, s1;
	s24 =	sadd.s32 s11, s1;
	[dreg:$0x9] =	wrdreg s31  }
0x10: {  	s1 =	sadd.s32 s12, s1;
	s0 =	smax.u32 s0, $0x1;
	[dreg:$0x4] =	wrdreg s10  }
0x11: {  	s3 =	simm.s32 $0xD800;
	s11 =	simm.s32 $0x18800;
	[dreg:$0x5] =	wrdreg s24  }
0x12: {  	s26 =	simm.s32 $0x5;
	[dreg:$0x6] =	wrdreg s1;
	s25 =	sadd.s32 s29, s23  }
0x13: {  	[dreg:$0xa] =	wrdreg s0;
	s1 =	simm.s32 $0xF000;
	s24 =	simm.s32 $0x16000  }
0x14: {  	s23 =	simm.s32 $0x18000;
	[dreg:$0x7] =	wrdreg s25;
	s25 =	simm.s32 $0x14800  }
.LBB2_1:
0x15: {  	[dreg:$0xe] =	wrdreg s2  }
0x16: {  	s0 =	simm.s32 $0x0;
	s12 =	rddreg [dreg:$0x4];
	s10 =	simm.s32 $0x19C00  }
0x17: {  	[tilespmem:s10], [sflag:$0x2] =	stream.linear.gather [hbm4b:s12+s0], $0x200, $0x38;
	[tilespmem:$0x1A800] =	vst v63  }
0x18: {  	s13 =	rddreg [dreg:$0x5];
	s14 =	simm.s32 $0x19E00  }
0x19: {  	[tilespmem:s14], [sflag:$0x2] =	stream.linear.gather [hbm4b:s13+s0], $0x200, $0x38;
	[tilespmem:$0x1A800] =	vst v63  }
0x1a: {  	s15 =	rddreg [dreg:$0x6];
	s18 =	simm.s32 $0x1A000;
	s31 =	simm.s32 $0x2  }
0x1b: {  	[tilespmem:s18], [sflag:$0x2] =	stream.linear.gather [hbm4b:s15+s0], $0x200, $0x38;
	[tilespmem:$0x1A800] =	vst v63  }
0x1c: {  	_ =	swait.ge [sflag:s31], $0x200  }
0x1d: {  	[sflag:s31] =	ssyncset.done $0x0  }
0x1e: {  	[sflag:s31] =	ssyncadd.s32 $0xFFFFFE00  }
0x1f: {  	_ =	swait.ge [sflag:s31], $0x200  }
0x20: {  	[sflag:s31] =	ssyncset.done $0x0  }
0x21: {  	[sflag:s31] =	ssyncadd.s32 $0xFFFFFE00  }
0x22: {  	_ =	swait.ge [sflag:s31], $0x200  }
0x23: {  	[sflag:s31] =	ssyncset.done $0x0  }
0x24: {  	s0 =	simm.s32 $0x0;
	[sflag:s31] =	ssyncadd.s32 $0xFFFFFE00  }
0x25: {  	v0 =	vld [tilespmem:s0+$0x1A010]  }
0x26: {  	v1 =	vld [tilespmem:s0+$0x19E00]  }
0x27: {  	v2 =	vld [tilespmem:s0+$0x1A000]  }
0x28: {  	v3 =	vld [tilespmem:s0+$0x19E10]  }
0x29: {  	v4 =	vld [tilespmem:s0+$0x19C00]  }
0x2a: {  	v5 =	vld [tilespmem:s0+$0x19C10];
	_ =	sdelay $0x1  }
0x2b: {  	v9 =	vmul.f32 $5.120000000e+02, v0  }
0x2c: {  	v6 =	vmul.f32 $5.120000000e+02, v1;
	v2 =	vmul.f32 $5.120000000e+02, v2  }
0x2d: {  	v3 =	vmul.f32 $5.120000000e+02, v3;
	v10 =	vmul.f32 $5.120000000e+02, v4  }
0x2e: {  	v13 =	vmul.f32 $5.120000000e+02, v5;
	v0 =	vtrunc.f32 v9  }
0x2f: {  	v1 =	vtrunc.f32 v6;
	v4 =	vtrunc.f32 v3  }
0x30: {  	v5 =	vtrunc.f32 v2;
	v0 =	vcvt.f32.s32 v0  }
0x31: {  	v4 =	vcvt.f32.s32 v4;
	v7 =	vcvt.f32.s32 v1  }
0x32: {  	v8 =	vcvt.f32.s32 v5  }
0x33: {  	vm0 =	vgt.s32 v0, $0x0;
	vm12 =	vgt.s32 v4, $0x0;
	vm13 =	vgt.s32 v7, $0x0  }
0x34: {  	vm14 =	vgt.s32 v8, $0x0;
	v0 =	vnsel vm0, $0x0, v0;
	v1 =	vnsel vm12, $0x0, v4  }
0x35: {  	v7 =	vnsel vm13, $0x0, v7;
	v8 =	vnsel vm14, $0x0, v8;
	v11 =	vmin.u32 v0, $0x1FF  }
0x36: {  	v0 =	vtrunc.f32 v10;
	v7 =	vmin.u32 v7, $0x1FF;
	v14 =	vmin.u32 v8, $0x1FF  }
0x37: {  	v19 =	vmul.u32 $0x9E3779B1, v11;
	v12 =	vcvt.f32.s32 v0;
	v0 =	vtrunc.f32 v13  }
0x38: {  	v18 =	vmul.u32 $0x9E3779B1, v7;
	v22 =	vcvt.s32.f32 v7;
	v23 =	vcvt.s32.f32 v14  }
0x39: {  	v20 =	vmul.u32 $0x9E3779B1, v14;
	v26 =	vcvt.s32.f32 v11;
	v4 =	vcvt.f32.s32 v0  }
0x3a: {  	v0 =	vmin.u32 v1, $0x1FF;
	v1 =	vadd.s32 $0x379B1, v19;
	vm1 =	vgt.s32 v12, $0x0  }
0x3b: {  	v21 =	vmul.u32 $0x9E3779B1, v0;
	v16 =	vadd.s32 $0x379B1, v18;
	v14 =	vadd.s32 $0x379B1, v20  }
0x3c: {  	v25 =	vcvt.s32.f32 v0;
	v22 =	vsub.f32 v6, v22;
	v5 =	vand.u32 $0x3FFFF, v1  }
0x3d: {  	v1 =	vadd.s32 $0x1, v0;
	vm15 =	vgt.s32 v4, $0x0;
	v12 =	vnsel vm1, $0x0, v12  }
0x3e: {  	v17 =	vand.u32 $0x3FFFF, v16;
	v16 =	vand.u32 $0x3FFFF, v14;
	v15 =	vxor.u32 v1, v5  }
0x3f: {  	v4 =	vnsel vm15, $0x0, v4;
	v8 =	vmin.u32 v12, $0x1FF;
	v11 =	vadd.s32 $0x379B1, v21  }
0x40: {  	v3 =	vsub.f32 v3, v25;
	v4 =	vmin.u32 v4, $0x1FF;
	v12 =	vcvt.s32.f32 v8  }
0x41: {  	v14 =	vand.u32 $0x3FFFF, v11;
	[tilespmem:s0+$0x1610] =	vst v15;
	v11 =	vand.u32 $0x3FFFF, v20;
	v15 =	vadd.s32 $0x1, v8  }
0x42: {  	v24 =	vcvt.s32.f32 v4;
	v10 =	vsub.f32 v10, v12;
	v12 =	vand.u32 $0x3FFFF, v18  }
0x43: {  	[tilespmem:s0+$0x19200] =	vst v22;
	v18 =	vsub.f32 v2, v23;
	v2 =	vsub.f32 v9, v26;
	v9 =	vand.u32 $0x3FFFF, v19  }
0x44: {  	s10 =	simm.s32 $0x0;
	s13 =	simm.s32 $0x80;
	v6 =	vsub.f32 v13, v24;
	v13 =	vadd.s32 $0x1, v7;
	[tilespmem:s0+$0x19000] =	vst v10;
	v10 =	vand.u32 $0x3FFFF, v21  }
.LBB2_2:
0x45: {  	s15 =	sshra.s32 s13, $0x2;
	s10 =	sadd.s32 $0x2, s10;
	[tilespmem:s0+$0x19400] =	vst v18;
	v18 =	vxor.u32 v8, v17;
	v17 =	vxor.u32 v15, v17;
	v19 =	vadd.s32 $0x1, v4  }
0x46: {  	v21 =	vxor.u32 v15, v16;
	v22 =	vxor.u32 v7, v16;
	v20 =	vld [tilespmem:s15+$0x1A010];
	p0 =	slt.u32 s10, $0x1E;
	[tilespmem:s0+$0x200] =	vst v18;
	v18 =	vxor.u32 v8, v16  }
0x47: {  	v16 =	vxor.u32 v13, v16;
	v23 =	vld [tilespmem:s15+$0x19E00];
	[tilespmem:s0+$0x600] =	vst v17;
	v17 =	vxor.u32 v4, v14;
	v14 =	vxor.u32 v19, v14  }
0x48: {  	v25 =	vxor.u32 v19, v5;
	v24 =	vld [tilespmem:s15+$0x1A000];
	[tilespmem:s0+$0xA00] =	vst v18;
	v18 =	vxor.u32 v4, v5;
	v5 =	vxor.u32 v0, v5  }
0x49: {  	v27 =	vxor.u32 v8, v12;
	v12 =	vxor.u32 v15, v12;
	v8 =	vxor.u32 v8, v11;
	v26 =	vld [tilespmem:s15+$0x19E10];
	[tilespmem:s0+$0xE00] =	vst v21  }
0x4a: {  	v15 =	vxor.u32 v15, v11;
	v7 =	vxor.u32 v7, v11;
	v11 =	vxor.u32 v13, v11;
	v21 =	vld [tilespmem:s15+$0x19C00];
	[tilespmem:s0+$0x1200] =	vst v22  }
0x4b: {  	v13 =	vld [tilespmem:s15+$0x19C10];
	v20 =	vmul.f32 $5.120000000e+02, v20;
	[tilespmem:s0+$0x1600] =	vst v16;
	v16 =	vxor.u32 v4, v10;
	v10 =	vxor.u32 v19, v10  }
0x4c: {  	v19 =	vxor.u32 v19, v9;
	v22 =	vmul.f32 $5.120000000e+02, v23;
	[tilespmem:s0+$0x210] =	vst v17;
	v17 =	vxor.u32 v4, v9  }
0x4d: {  	v23 =	vmul.f32 $5.120000000e+02, v24;
	v4 =	vtrunc.f32 v20;
	[tilespmem:s0+$0x610] =	vst v14;
	v24 =	vxor.u32 v0, v9  }
0x4e: {  	v9 =	vxor.u32 v1, v9;
	v26 =	vmul.f32 $5.120000000e+02, v26;
	v0 =	vcvt.f32.s32 v4;
	[tilespmem:s0+$0xA10] =	vst v18  }
0x4f: {  	v1 =	vtrunc.f32 v22;
	v18 =	vmul.f32 $5.120000000e+02, v21;
	[tilespmem:s0+$0xE10] =	vst v25  }
0x50: {  	v13 =	vmul.f32 $5.120000000e+02, v13;
	v4 =	vtrunc.f32 v26;
	vm0 =	vgt.s32 v0, $0x0;
	[tilespmem:s0+$0x1210] =	vst v5  }
0x51: {  	v5 =	vtrunc.f32 v23;
	v4 =	vcvt.f32.s32 v4;
	v0 =	vnsel vm0, $0x0, v0;
	[tilespmem:s0+$0x0] =	vst v27  }
0x52: {  	v14 =	vcvt.f32.s32 v1;
	v21 =	vcvt.f32.s32 v5;
	v25 =	vmin.u32 v0, $0x1FF;
	[tilespmem:s0+$0x400] =	vst v12  }
0x53: {  	v0 =	vtrunc.f32 v18;
	vm0 =	vgt.s32 v4, $0x0;
	v27 =	vmul.u32 $0x9E3779B1, v25;
	[tilespmem:s0+$0x800] =	vst v8  }
0x54: {  	v8 =	vcvt.f32.s32 v0;
	v0 =	vtrunc.f32 v13;
	v1 =	vnsel vm0, $0x0, v4;
	[tilespmem:s0+$0xC00] =	vst v15  }
0x55: {  	v4 =	vcvt.f32.s32 v0;
	v0 =	vmin.u32 v1, $0x1FF;
	v1 =	vadd.s32 $0x379B1, v27;
	[tilespmem:s0+$0x1000] =	vst v7  }
0x56: {  	vm0 =	vgt.s32 v14, $0x0;
	v5 =	vand.u32 $0x3FFFF, v1;
	v1 =	vadd.s32 $0x1, v0;
	[tilespmem:s0+$0x1400] =	vst v11  }
0x57: {  	v7 =	vnsel vm0, $0x0, v14;
	vm0 =	vgt.s32 v21, $0x0;
	v11 =	vxor.u32 v1, v5;
	[tilespmem:s0+$0x19010] =	vst v6  }
0x58: {  	vm1 =	vgt.s32 v8, $0x0;
	v6 =	vnsel vm0, $0x0, v21;
	vm0 =	vgt.s32 v4, $0x0;
	[tilespmem:s15+$0x1610] =	vst v11  }
0x59: {  	v8 =	vnsel vm1, $0x0, v8;
	v7 =	vmin.u32 v7, $0x1FF;
	v6 =	vmin.u32 v6, $0x1FF;
	[tilespmem:s0+$0x19210] =	vst v3  }
0x5a: {  	v4 =	vnsel vm0, $0x0, v4;
	v3 =	vmul.u32 $0x9E3779B1, v7;
	v11 =	vmul.u32 $0x9E3779B1, v6;
	[tilespmem:s0+$0x19410] =	vst v2  }
0x5b: {  	v15 =	vmul.u32 $0x9E3779B1, v0;
	v8 =	vmin.u32 v8, $0x1FF;
	v4 =	vmin.u32 v4, $0x1FF;
	[tilespmem:s0+$0x10] =	vst v16  }
0x5c: {  	v12 =	vcvt.s32.f32 v7;
	v2 =	vcvt.s32.f32 v8;
	v14 =	vadd.s32 $0x379B1, v3;
	[tilespmem:s0+$0x410] =	vst v10  }
0x5d: {  	v6 =	vcvt.s32.f32 v6;
	v21 =	vcvt.s32.f32 v4;
	v10 =	vadd.s32 $0x379B1, v11;
	[tilespmem:s0+$0x810] =	vst v17  }
0x5e: {  	v25 =	vcvt.s32.f32 v25;
	v28 =	vcvt.s32.f32 v0;
	v29 =	vadd.s32 $0x379B1, v15;
	[tilespmem:s0+$0xC10] =	vst v19  }
.Ltmp0:
0x5f: {  	v17 =	vand.u32 $0x3FFFF, v14;
	v16 =	vand.u32 $0x3FFFF, v10;
	v14 =	vand.u32 $0x3FFFF, v29;
	[tilespmem:s0+$0x1010] =	vst v24;
	(pc) =	sbr.rel @p0 .LBB2_2-.Ltmp0, $4  }
0x60: {  	v2 =	vsub.f32 v18, v2;
	v19 =	vsub.f32 v22, v12;
	v12 =	vand.u32 $0x3FFFF, v3;
	[tilespmem:s0+$0x1410] =	vst v9;
	s0 =	smov.u32 s15  }
0x61: {  	v18 =	vsub.f32 v23, v6;
	v11 =	vand.u32 $0x3FFFF, v11;
	v6 =	vsub.f32 v13, v21  }
0x62: {  	v10 =	vand.u32 $0x3FFFF, v15;
	v3 =	vsub.f32 v26, v28;
	[tilespmem:s0+$0x19000] =	vst v2;
	v2 =	vsub.f32 v20, v25  }
0x63: {  	s13 =	sadd.s32 $0x80, s13;
	v13 =	vadd.s32 $0x1, v7;
	v15 =	vadd.s32 $0x1, v8;
	v9 =	vand.u32 $0x3FFFF, v27;
	[tilespmem:s0+$0x19200] =	vst v19  }
0x64: {  	[tilespmem:s0+$0x19400] =	vst v18  }
0x65: {  	[tilespmem:s0+$0x19010] =	vst v6  }
0x66: {  	[tilespmem:s0+$0x19210] =	vst v3  }
0x67: {  	v41 =	vxor.u32 v8, v17;
	[tilespmem:s0+$0x19410] =	vst v2  }
0x68: {  	v42 =	vxor.u32 v15, v17;
	[tilespmem:s0+$0x200] =	vst v41  }
0x69: {  	v43 =	vxor.u32 v8, v16;
	[tilespmem:s0+$0x600] =	vst v42  }
0x6a: {  	v44 =	vxor.u32 v15, v16;
	[tilespmem:s0+$0xA00] =	vst v43  }
0x6b: {  	v45 =	vxor.u32 v7, v16;
	[tilespmem:s0+$0xE00] =	vst v44  }
0x6c: {  	v46 =	vxor.u32 v13, v16;
	[tilespmem:s0+$0x1200] =	vst v45  }
0x6d: {  	v48 =	vxor.u32 v4, v14;
	[tilespmem:s0+$0x1600] =	vst v46  }
0x6e: {  	v50 =	vxor.u32 v4, v5;
	[tilespmem:s0+$0x210] =	vst v48  }
0x6f: {  	v52 =	vxor.u32 v0, v5;
	[tilespmem:s0+$0xA10] =	vst v50  }
0x70: {  	v53 =	vxor.u32 v8, v12;
	[tilespmem:s0+$0x1210] =	vst v52  }
0x71: {  	v54 =	vxor.u32 v15, v12;
	[tilespmem:s0+$0x0] =	vst v53  }
0x72: {  	v55 =	vxor.u32 v8, v11;
	[tilespmem:s0+$0x400] =	vst v54  }
0x73: {  	v56 =	vxor.u32 v15, v11;
	[tilespmem:s0+$0x800] =	vst v55  }
0x74: {  	v57 =	vxor.u32 v7, v11;
	[tilespmem:s0+$0xC00] =	vst v56  }
0x75: {  	v58 =	vxor.u32 v13, v11;
	[tilespmem:s0+$0x1000] =	vst v57  }
0x76: {  	v59 =	vxor.u32 v4, v10;
	[tilespmem:s0+$0x1400] =	vst v58  }
0x77: {  	v61 =	vxor.u32 v4, v9;
	[tilespmem:s0+$0x10] =	vst v59  }
0x78: {  	v63 =	vxor.u32 v0, v9;
	[tilespmem:s0+$0x810] =	vst v61  }
0x79: {  	v47 =	vadd.s32 $0x1, v4;
	v1 =	vxor.u32 v1, v9;
	[tilespmem:s0+$0x1010] =	vst v63  }
0x7a: {  	v49 =	vxor.u32 v47, v14;
	[tilespmem:s0+$0x1410] =	vst v1  }
0x7b: {  	v51 =	vxor.u32 v47, v5;
	[tilespmem:s0+$0x610] =	vst v49  }
0x7c: {  	v60 =	vxor.u32 v47, v10;
	[tilespmem:s0+$0xE10] =	vst v51  }
0x7d: {  	v62 =	vxor.u32 v47, v9;
	[tilespmem:s0+$0x410] =	vst v60  }
0x7e: {  	s13 =	simm.s32 $0x0;
	[tilespmem:s0+$0xC10] =	vst v62  }
0x7f: {  	[tilespmem:s19], [sflag:$0x4] =	stream.indirect.gather [hbm4b:s7+s22], $0x10, s13, s22, $0xb8;
	[tilespmem:$0x1A800] =	vst v63  }
0x80: {  	s2 =	simm.s32 $0x200  }
0x81: {  	[tilespmem:s28], [sflag:$0x4] =	stream.indirect.gather [hbm4b:s7+s22], $0x10, s2, s22, $0xb8;
	[tilespmem:$0x1A800] =	vst v63  }
0x82: {  	s15 =	simm.s32 $0x400  }
0x83: {  	[tilespmem:s16], [sflag:$0x4] =	stream.indirect.gather [hbm4b:s7+s22], $0x10, s15, s22, $0xb8;
	[tilespmem:$0x1A800] =	vst v63  }
0x84: {  	s16 =	simm.s32 $0x600  }
0x85: {  	[tilespmem:s1], [sflag:$0x4] =	stream.indirect.gather [hbm4b:s7+s22], $0x10, s16, s22, $0xb8;
	[tilespmem:$0x1A800] =	vst v63  }
0x86: {  	_ = 	snop  }
0x87: {  	[tilespmem:s17], [sflag:$0x4] =	stream.indirect.gather [hbm4b:s7+s22], $0x10, s22, s22, $0xb8;
	[tilespmem:$0x1A800] =	vst v63  }
0x88: {  	s18 =	simm.s32 $0xB800;
	s17 =	simm.s32 $0x280  }
0x89: {  	[tilespmem:s18], [sflag:$0x4] =	stream.indirect.gather [hbm4b:s7+s22], $0x10, s17, s22, $0xb8;
	[tilespmem:$0x1A800] =	vst v63  }
0x8a: {  	s28 =	simm.s32 $0x480  }
0x8b: {  	[tilespmem:s3], [sflag:$0x4] =	stream.indirect.gather [hbm4b:s7+s22], $0x10, s28, s22, $0xb8;
	[tilespmem:$0x1A800] =	vst v63  }
0x8c: {  	s31 =	simm.s32 $0xF800;
	s0 =	simm.s32 $0x680  }
0x8d: {  	[tilespmem:s31], [sflag:$0x4] =	stream.indirect.gather [hbm4b:s7+s22], $0x10, s0, s22, $0xb8;
	[tilespmem:$0x1A800] =	vst v63  }
0x8e: {  	s1 =	simm.s32 $0x100  }
0x8f: {  	[tilespmem:s4], [sflag:$0x4] =	stream.indirect.gather [hbm4b:s7+s22], $0x10, s1, s22, $0xb8;
	[tilespmem:$0x1A800] =	vst v63  }
0x90: {  	s5 =	simm.s32 $0xC000;
	s3 =	simm.s32 $0x300  }
0x91: {  	[tilespmem:s5], [sflag:$0x4] =	stream.indirect.gather [hbm4b:s7+s22], $0x10, s3, s22, $0xb8;
	[tilespmem:$0x1A800] =	vst v63  }
0x92: {  	s12 =	simm.s32 $0xE000;
	s4 =	simm.s32 $0x500  }
0x93: {  	[tilespmem:s12], [sflag:$0x4] =	stream.indirect.gather [hbm4b:s7+s22], $0x10, s4, s22, $0xb8;
	[tilespmem:$0x1A800] =	vst v63  }
0x94: {  	s6 =	simm.s32 $0x700;
	s14 =	simm.s32 $0x10000  }
0x95: {  	[tilespmem:s14], [sflag:$0x4] =	stream.indirect.gather [hbm4b:s7+s22], $0x10, s6, s22, $0xb8;
	[tilespmem:$0x1A800] =	vst v63  }
0x96: {  	s10 =	simm.s32 $0x180;
	s18 =	simm.s32 $0xA800  }
0x97: {  	[tilespmem:s18], [sflag:$0x4] =	stream.indirect.gather [hbm4b:s7+s22], $0x10, s10, s22, $0xb8;
	[tilespmem:$0x1A800] =	vst v63  }
0x98: {  	s15 =	simm.s32 $0x380;
	s3 =	simm.s32 $0xC800  }
0x99: {  	[tilespmem:s3], [sflag:$0x4] =	stream.indirect.gather [hbm4b:s7+s22], $0x10, s15, s22, $0xb8;
	[tilespmem:$0x1A800] =	vst v63  }
0x9a: {  	s16 =	simm.s32 $0x580;
	s6 =	simm.s32 $0xE800  }
0x9b: {  	[tilespmem:s6], [sflag:$0x4] =	stream.indirect.gather [hbm4b:s7+s22], $0x10, s16, s22, $0xb8;
	[tilespmem:$0x1A800] =	vst v63  }
0x9c: {  	s17 =	simm.s32 $0x780;
	s4 =	simm.s32 $0x10800  }
0x9d: {  	[tilespmem:s4], [sflag:$0x4] =	stream.indirect.gather [hbm4b:s7+s22], $0x10, s17, s22, $0xb8;
	[tilespmem:$0x1A800] =	vst v63  }
0x9e: {  	s28 =	rddreg [dreg:$0x7];
	s10 =	simm.s32 $0x3000  }
0x9f: {  	[hbm4b:s28+s13] =	stream.linear.scatter [tilespmem:s10], [sflag:$0x1], $0x6000, $0x38;
	[tilespmem:$0x1A800] =	vst v63  }
0xa0: {  	s10 =	simm.s32 $0x0  }
.LBB2_4:
0xa1: {  	s2 =	simm.s32 $0x800;
	s13 =	simm.s32 $0x11000  }
0xa2: {  	[tilespmem:s13], [sflag:$0x5] =	stream.indirect.gather [hbm4b:s8+s22], $0x10, s2, s22, $0xb8;
	[tilespmem:$0x1A800] =	vst v63  }
0xa3: {  	s15 =	simm.s32 $0xA00;
	s0 =	simm.s32 $0x13000  }
0xa4: {  	[tilespmem:s0], [sflag:$0x5] =	stream.indirect.gather [hbm4b:s8+s22], $0x10, s15, s22, $0xb8;
	[tilespmem:$0x1A800] =	vst v63  }
0xa5: {  	s16 =	simm.s32 $0xC00;
	s1 =	simm.s32 $0x15000  }
0xa6: {  	[tilespmem:s1], [sflag:$0x5] =	stream.indirect.gather [hbm4b:s8+s22], $0x10, s16, s22, $0xb8;
	[tilespmem:$0x1A800] =	vst v63  }
0xa7: {  	s13 =	simm.s32 $0xE00;
	s15 =	simm.s32 $0x17000  }
0xa8: {  	[tilespmem:s15], [sflag:$0x5] =	stream.indirect.gather [hbm4b:s8+s22], $0x10, s13, s22, $0xb8;
	[tilespmem:$0x1A800] =	vst v63  }
0xa9: {  	s16 =	simm.s32 $0x880;
	s1 =	simm.s32 $0x11800  }
0xaa: {  	[tilespmem:s1], [sflag:$0x5] =	stream.indirect.gather [hbm4b:s8+s22], $0x10, s16, s22, $0xb8;
	[tilespmem:$0x1A800] =	vst v63  }
0xab: {  	s13 =	simm.s32 $0xA80;
	s15 =	simm.s32 $0x13800  }
0xac: {  	[tilespmem:s15], [sflag:$0x5] =	stream.indirect.gather [hbm4b:s8+s22], $0x10, s13, s22, $0xb8;
	[tilespmem:$0x1A800] =	vst v63  }
0xad: {  	s16 =	simm.s32 $0xC80;
	s1 =	simm.s32 $0x15800  }
0xae: {  	[tilespmem:s1], [sflag:$0x5] =	stream.indirect.gather [hbm4b:s8+s22], $0x10, s16, s22, $0xb8;
	[tilespmem:$0x1A800] =	vst v63  }
0xaf: {  	s13 =	simm.s32 $0xE80;
	s15 =	simm.s32 $0x17800  }
0xb0: {  	[tilespmem:s15], [sflag:$0x5] =	stream.indirect.gather [hbm4b:s8+s22], $0x10, s13, s22, $0xb8;
	[tilespmem:$0x1A800] =	vst v63  }
0xb1: {  	s16 =	simm.s32 $0x900;
	s1 =	simm.s32 $0x12000  }
0xb2: {  	[tilespmem:s1], [sflag:$0x5] =	stream.indirect.gather [hbm4b:s8+s22], $0x10, s16, s22, $0xb8;
	[tilespmem:$0x1A800] =	vst v63  }
0xb3: {  	s2 =	simm.s32 $0xB00;
	s1 =	simm.s32 $0x14000  }
0xb4: {  	[tilespmem:s1], [sflag:$0x5] =	stream.indirect.gather [hbm4b:s8+s22], $0x10, s2, s22, $0xb8;
	[tilespmem:$0x1A800] =	vst v63  }
0xb5: {  	s13 =	simm.s32 $0xD00  }
0xb6: {  	[tilespmem:s24], [sflag:$0x5] =	stream.indirect.gather [hbm4b:s8+s22], $0x10, s13, s22, $0xb8;
	[tilespmem:$0x1A800] =	vst v63  }
0xb7: {  	s15 =	simm.s32 $0xF00  }
0xb8: {  	[tilespmem:s23], [sflag:$0x5] =	stream.indirect.gather [hbm4b:s8+s22], $0x10, s15, s22, $0xb8;
	[tilespmem:$0x1A800] =	vst v63  }
0xb9: {  	s16 =	simm.s32 $0x980  }
0xba: {  	[tilespmem:s21], [sflag:$0x5] =	stream.indirect.gather [hbm4b:s8+s22], $0x10, s16, s22, $0xb8;
	[tilespmem:$0x1A800] =	vst v63  }
0xbb: {  	s21 =	simm.s32 $0xB80  }
0xbc: {  	[tilespmem:s25], [sflag:$0x5] =	stream.indirect.gather [hbm4b:s8+s22], $0x10, s21, s22, $0xb8;
	[tilespmem:$0x1A800] =	vst v63  }
0xbd: {  	s23 =	simm.s32 $0xD80  }
0xbe: {  	[tilespmem:s30], [sflag:$0x5] =	stream.indirect.gather [hbm4b:s8+s22], $0x10, s23, s22, $0xb8;
	[tilespmem:$0x1A800] =	vst v63  }
0xbf: {  	s24 =	simm.s32 $0xF80  }
0xc0: {  	[tilespmem:s11], [sflag:$0x5] =	stream.indirect.gather [hbm4b:s8+s22], $0x10, s24, s22, $0xb8;
	[tilespmem:$0x1A800] =	vst v63  }
0xc1: {  	_ =	swait.ge [sflag:s20], $0x2000  }
0xc2: {  	[sflag:s20] =	ssyncset.done $0x0  }
0xc3: {  	[sflag:s20] =	ssyncadd.s32 $0xFFFFE000  }
0xc4: {  	_ =	swait.ge [sflag:s20], $0x2000  }
0xc5: {  	[sflag:s20] =	ssyncset.done $0x0  }
0xc6: {  	[sflag:s20] =	ssyncadd.s32 $0xFFFFE000  }
0xc7: {  	_ =	swait.ge [sflag:s20], $0x2000  }
0xc8: {  	[sflag:s20] =	ssyncset.done $0x0  }
0xc9: {  	[sflag:s20] =	ssyncadd.s32 $0xFFFFE000  }
0xca: {  	_ =	swait.ge [sflag:s20], $0x2000  }
0xcb: {  	[sflag:s20] =	ssyncset.done $0x0  }
0xcc: {  	s25 =	simm.s32 $0x1;
	[sflag:s20] =	ssyncadd.s32 $0xFFFFE000  }
0xcd: {  	_ =	swait.ge [sflag:s25], $0x6000  }
0xce: {  	s15 =	sshll.u32 s10, $0xA;
	s30 =	rddreg [dreg:$0x8]  }
0xcf: {  	s1 =	simm.s32 $0x1A200;
	s11 =	simm.s32 $0x0;
	s13 =	sadd.s32 s30, s15  }
0xd0: {  	[sflag:s25] =	ssyncset.done $0x0;
	s16 =	rddreg [dreg:$0xb];
	s2 =	sshrl.u32 s13, $0x3  }
0xd1: {  	s21 =	rddreg [dreg:$0xc];
	[sflag:s25] =	ssyncadd.s32 $0xFFFFA000;
	s16 =	sadd.s32 s16, s2  }
0xd2: {  	[tilespmem:s1], [sflag:$0x3] =	stream.linear.gather [hbm4b:s16+s11], $0x200, $0x38;
	[tilespmem:$0x1A800] =	vst v63  }
0xd3: {  	s23 =	simm.s32 $0x1A400;
	s24 =	rddreg [dreg:$0xd];
	s16 =	sadd.s32 s21, s2  }
0xd4: {  	[tilespmem:s23], [sflag:$0x3] =	stream.linear.gather [hbm4b:s16+s11], $0x200, $0x38;
	[tilespmem:$0x1A800] =	vst v63  }
0xd5: {  	s25 =	simm.s32 $0x1A600;
	s2 =	sadd.s32 s24, s2  }
0xd6: {  	[tilespmem:s25], [sflag:$0x3] =	stream.linear.gather [hbm4b:s2+s11], $0x200, $0x38;
	[tilespmem:$0x1A800] =	vst v63  }
0xd7: {  	s1 =	simm.s32 $0x1000  }
0xd8: {  	[tilespmem:s19], [sflag:$0x4] =	stream.indirect.gather [hbm4b:s9+s22], $0x10, s1, s22, $0xb8;
	[tilespmem:$0x1A800] =	vst v63  }
0xd9: {  	s30 =	simm.s32 $0xB000;
	s11 =	simm.s32 $0x1200  }
0xda: {  	[tilespmem:s30], [sflag:$0x4] =	stream.indirect.gather [hbm4b:s9+s22], $0x10, s11, s22, $0xb8;
	[tilespmem:$0x1A800] =	vst v63  }
0xdb: {  	s17 =	smov.u32 s29;
	s29 =	simm.s32 $0xD000;
	s19 =	simm.s32 $0x1400  }
0xdc: {  	[tilespmem:s29], [sflag:$0x4] =	stream.indirect.gather [hbm4b:s9+s22], $0x10, s19, s22, $0xb8;
	[tilespmem:$0x1A800] =	vst v63  }
0xdd: {  	s21 =	simm.s32 $0x1600;
	s16 =	simm.s32 $0xF000  }
0xde: {  	[tilespmem:s16], [sflag:$0x4] =	stream.indirect.gather [hbm4b:s9+s22], $0x10, s21, s22, $0xb8;
	[tilespmem:$0x1A800] =	vst v63  }
0xdf: {  	s28 =	simm.s32 $0x9800;
	s24 =	simm.s32 $0x1080  }
0xe0: {  	[tilespmem:s28], [sflag:$0x4] =	stream.indirect.gather [hbm4b:s9+s22], $0x10, s24, s22, $0xb8;
	[tilespmem:$0x1A800] =	vst v63  }
0xe1: {  	s25 =	simm.s32 $0xB800;
	s28 =	simm.s32 $0x1280  }
0xe2: {  	[tilespmem:s25], [sflag:$0x4] =	stream.indirect.gather [hbm4b:s9+s22], $0x10, s28, s22, $0xb8;
	[tilespmem:$0x1A800] =	vst v63  }
0xe3: {  	s23 =	simm.s32 $0xD800;
	s30 =	simm.s32 $0x1480  }
0xe4: {  	[tilespmem:s23], [sflag:$0x4] =	stream.indirect.gather [hbm4b:s9+s22], $0x10, s30, s22, $0xb8;
	[tilespmem:$0x1A800] =	vst v63  }
0xe5: {  	s11 =	simm.s32 $0x1680  }
0xe6: {  	[tilespmem:s31], [sflag:$0x4] =	stream.indirect.gather [hbm4b:s9+s22], $0x10, s11, s22, $0xb8;
	[tilespmem:$0x1A800] =	vst v63  }
0xe7: {  	s1 =	simm.s32 $0xA000;
	s16 =	simm.s32 $0x1100  }
0xe8: {  	[tilespmem:s1], [sflag:$0x4] =	stream.indirect.gather [hbm4b:s9+s22], $0x10, s16, s22, $0xb8;
	[tilespmem:$0x1A800] =	vst v63  }
0xe9: {  	s19 =	simm.s32 $0x1300  }
0xea: {  	[tilespmem:s5], [sflag:$0x4] =	stream.indirect.gather [hbm4b:s9+s22], $0x10, s19, s22, $0xb8;
	[tilespmem:$0x1A800] =	vst v63  }
0xeb: {  	s21 =	simm.s32 $0x1500  }
0xec: {  	[tilespmem:s12], [sflag:$0x4] =	stream.indirect.gather [hbm4b:s9+s22], $0x10, s21, s22, $0xb8;
	[tilespmem:$0x1A800] =	vst v63  }
0xed: {  	s23 =	simm.s32 $0x1700  }
0xee: {  	[tilespmem:s14], [sflag:$0x4] =	stream.indirect.gather [hbm4b:s9+s22], $0x10, s23, s22, $0xb8;
	[tilespmem:$0x1A800] =	vst v63  }
0xef: {  	s24 =	simm.s32 $0x1180  }
0xf0: {  	[tilespmem:s18], [sflag:$0x4] =	stream.indirect.gather [hbm4b:s9+s22], $0x10, s24, s22, $0xb8;
	[tilespmem:$0x1A800] =	vst v63  }
0xf1: {  	s25 =	simm.s32 $0x1380  }
0xf2: {  	[tilespmem:s3], [sflag:$0x4] =	stream.indirect.gather [hbm4b:s9+s22], $0x10, s25, s22, $0xb8;
	[tilespmem:$0x1A800] =	vst v63  }
0xf3: {  	s28 =	simm.s32 $0x1580  }
0xf4: {  	[tilespmem:s6], [sflag:$0x4] =	stream.indirect.gather [hbm4b:s9+s22], $0x10, s28, s22, $0xb8;
	[tilespmem:$0x1A800] =	vst v63  }
0xf5: {  	s30 =	simm.s32 $0x1780  }
0xf6: {  	[tilespmem:s4], [sflag:$0x4] =	stream.indirect.gather [hbm4b:s9+s22], $0x10, s30, s22, $0xb8;
	[tilespmem:$0x1A800] =	vst v63  }
0xf7: {  	_ =	swait.ge [sflag:s26], $0x2000  }
0xf8: {  	[sflag:s26] =	ssyncset.done $0x0  }
0xf9: {  	[sflag:s26] =	ssyncadd.s32 $0xFFFFE000  }
0xfa: {  	_ =	swait.ge [sflag:s26], $0x2000  }
0xfb: {  	[sflag:s26] =	ssyncset.done $0x0  }
0xfc: {  	[sflag:s26] =	ssyncadd.s32 $0xFFFFE000  }
0xfd: {  	_ =	swait.ge [sflag:s26], $0x2000  }
0xfe: {  	[sflag:s26] =	ssyncset.done $0x0  }
0xff: {  	[sflag:s26] =	ssyncadd.s32 $0xFFFFE000  }
0x100: {  	_ =	swait.ge [sflag:s26], $0x2000  }
0x101: {  	[sflag:s26] =	ssyncset.done $0x0  }
0x102: {  	s31 =	simm.s32 $0x3;
	[sflag:s26] =	ssyncadd.s32 $0xFFFFE000  }
0x103: {  	_ =	swait.ge [sflag:s31], $0x200  }
0x104: {  	[sflag:s31] =	ssyncset.done $0x0  }
0x105: {  	[sflag:s31] =	ssyncadd.s32 $0xFFFFFE00  }
0x106: {  	_ =	swait.ge [sflag:s31], $0x200  }
0x107: {  	[sflag:s31] =	ssyncset.done $0x0  }
0x108: {  	[sflag:s31] =	ssyncadd.s32 $0xFFFFFE00  }
0x109: {  	_ =	swait.ge [sflag:s31], $0x200  }
0x10a: {  	[sflag:s31] =	ssyncset.done $0x0  }
0x10b: {  	s19 =	simm.s32 $0x0;
	[sflag:s31] =	ssyncadd.s32 $0xFFFFFE00  }
0x10c: {  	v0 =	vld [tilespmem:s19+$0x1A610]  }
0x10d: {  	v1 =	vld [tilespmem:s19+$0x1A400]  }
0x10e: {  	v2 =	vld [tilespmem:s19+$0x1A600]  }
0x10f: {  	v3 =	vld [tilespmem:s19+$0x1A410]  }
0x110: {  	v4 =	vld [tilespmem:s19+$0x1A200]  }
0x111: {  	v5 =	vld [tilespmem:s19+$0x1A210];
	_ =	sdelay $0x1  }
0x112: {  	v9 =	vmul.f32 $5.120000000e+02, v0  }
0x113: {  	v6 =	vmul.f32 $5.120000000e+02, v1;
	v2 =	vmul.f32 $5.120000000e+02, v2  }
0x114: {  	v3 =	vmul.f32 $5.120000000e+02, v3;
	v10 =	vmul.f32 $5.120000000e+02, v4  }
0x115: {  	v13 =	vmul.f32 $5.120000000e+02, v5;
	v0 =	vtrunc.f32 v9  }
0x116: {  	v1 =	vtrunc.f32 v6;
	v4 =	vtrunc.f32 v3  }
0x117: {  	v5 =	vtrunc.f32 v2;
	v0 =	vcvt.f32.s32 v0  }
0x118: {  	v4 =	vcvt.f32.s32 v4;
	v7 =	vcvt.f32.s32 v1  }
0x119: {  	v8 =	vcvt.f32.s32 v5  }
0x11a: {  	vm0 =	vgt.s32 v0, $0x0;
	vm12 =	vgt.s32 v4, $0x0;
	vm13 =	vgt.s32 v7, $0x0  }
0x11b: {  	vm14 =	vgt.s32 v8, $0x0;
	v0 =	vnsel vm0, $0x0, v0;
	v1 =	vnsel vm12, $0x0, v4  }
0x11c: {  	v7 =	vnsel vm13, $0x0, v7;
	v8 =	vnsel vm14, $0x0, v8;
	v11 =	vmin.u32 v0, $0x1FF  }
0x11d: {  	v0 =	vtrunc.f32 v10;
	v7 =	vmin.u32 v7, $0x1FF;
	v14 =	vmin.u32 v8, $0x1FF  }
0x11e: {  	v19 =	vmul.u32 $0x9E3779B1, v11;
	v12 =	vcvt.f32.s32 v0;
	v0 =	vtrunc.f32 v13  }
0x11f: {  	v18 =	vmul.u32 $0x9E3779B1, v7;
	v22 =	vcvt.s32.f32 v7;
	v23 =	vcvt.s32.f32 v14  }
0x120: {  	v20 =	vmul.u32 $0x9E3779B1, v14;
	v26 =	vcvt.s32.f32 v11;
	v4 =	vcvt.f32.s32 v0  }
0x121: {  	v0 =	vmin.u32 v1, $0x1FF;
	v1 =	vadd.s32 $0x379B1, v19;
	vm1 =	vgt.s32 v12, $0x0  }
0x122: {  	v21 =	vmul.u32 $0x9E3779B1, v0;
	v16 =	vadd.s32 $0x379B1, v18;
	v14 =	vadd.s32 $0x379B1, v20  }
0x123: {  	v25 =	vcvt.s32.f32 v0;
	v22 =	vsub.f32 v6, v22;
	v5 =	vand.u32 $0x3FFFF, v1  }
0x124: {  	v1 =	vadd.s32 $0x1, v0;
	vm15 =	vgt.s32 v4, $0x0;
	v12 =	vnsel vm1, $0x0, v12  }
0x125: {  	v17 =	vand.u32 $0x3FFFF, v16;
	v16 =	vand.u32 $0x3FFFF, v14;
	v15 =	vxor.u32 v1, v5  }
0x126: {  	v4 =	vnsel vm15, $0x0, v4;
	v8 =	vmin.u32 v12, $0x1FF;
	v11 =	vadd.s32 $0x379B1, v21  }
0x127: {  	v3 =	vsub.f32 v3, v25;
	v4 =	vmin.u32 v4, $0x1FF;
	v12 =	vcvt.s32.f32 v8  }
0x128: {  	v14 =	vand.u32 $0x3FFFF, v11;
	[tilespmem:s19+$0x2E10] =	vst v15;
	v11 =	vand.u32 $0x3FFFF, v20;
	v15 =	vadd.s32 $0x1, v8  }
0x129: {  	v24 =	vcvt.s32.f32 v4;
	v10 =	vsub.f32 v10, v12;
	v12 =	vand.u32 $0x3FFFF, v18  }
0x12a: {  	[tilespmem:s19+$0x19800] =	vst v22;
	v18 =	vsub.f32 v2, v23;
	v2 =	vsub.f32 v9, v26;
	v9 =	vand.u32 $0x3FFFF, v19  }
0x12b: {  	s29 =	simm.s32 $0x80;
	s16 =	simm.s32 $0x0;
	s3 =	simm.s32 $0xC000;
	v6 =	vsub.f32 v13, v24;
	v13 =	vadd.s32 $0x1, v7;
	[tilespmem:s19+$0x19600] =	vst v10;
	v10 =	vand.u32 $0x3FFFF, v21  }
.LBB2_5:
0x12c: {  	s2 =	sshra.s32 s29, $0x2;
	s16 =	sadd.s32 $0x2, s16;
	[tilespmem:s19+$0x19A00] =	vst v18;
	v18 =	vxor.u32 v8, v17;
	v17 =	vxor.u32 v15, v17;
	v19 =	vadd.s32 $0x1, v4  }
0x12d: {  	v21 =	vxor.u32 v15, v16;
	v22 =	vxor.u32 v7, v16;
	v20 =	vld [tilespmem:s2+$0x1A610];
	p0 =	slt.u32 s16, $0x1E;
	[tilespmem:s19+$0x1A00] =	vst v18;
	v18 =	vxor.u32 v8, v16  }
0x12e: {  	v16 =	vxor.u32 v13, v16;
	v23 =	vld [tilespmem:s2+$0x1A400];
	[tilespmem:s19+$0x1E00] =	vst v17;
	v17 =	vxor.u32 v4, v14;
	v14 =	vxor.u32 v19, v14  }
0x12f: {  	v25 =	vxor.u32 v19, v5;
	v24 =	vld [tilespmem:s2+$0x1A600];
	[tilespmem:s19+$0x2200] =	vst v18;
	v18 =	vxor.u32 v4, v5;
	v5 =	vxor.u32 v0, v5  }
0x130: {  	v27 =	vxor.u32 v8, v12;
	v12 =	vxor.u32 v15, v12;
	v8 =	vxor.u32 v8, v11;
	v26 =	vld [tilespmem:s2+$0x1A410];
	[tilespmem:s19+$0x2600] =	vst v21  }
0x131: {  	v15 =	vxor.u32 v15, v11;
	v7 =	vxor.u32 v7, v11;
	v11 =	vxor.u32 v13, v11;
	v21 =	vld [tilespmem:s2+$0x1A200];
	[tilespmem:s19+$0x2A00] =	vst v22  }
0x132: {  	v13 =	vld [tilespmem:s2+$0x1A210];
	v20 =	vmul.f32 $5.120000000e+02, v20;
	[tilespmem:s19+$0x2E00] =	vst v16;
	v16 =	vxor.u32 v4, v10;
	v10 =	vxor.u32 v19, v10  }
0x133: {  	v19 =	vxor.u32 v19, v9;
	v22 =	vmul.f32 $5.120000000e+02, v23;
	[tilespmem:s19+$0x1A10] =	vst v17;
	v17 =	vxor.u32 v4, v9  }
0x134: {  	v23 =	vmul.f32 $5.120000000e+02, v24;
	v4 =	vtrunc.f32 v20;
	[tilespmem:s19+$0x1E10] =	vst v14;
	v24 =	vxor.u32 v0, v9  }
0x135: {  	v9 =	vxor.u32 v1, v9;
	v26 =	vmul.f32 $5.120000000e+02, v26;
	v0 =	vcvt.f32.s32 v4;
	[tilespmem:s19+$0x2210] =	vst v18  }
0x136: {  	v1 =	vtrunc.f32 v22;
	v18 =	vmul.f32 $5.120000000e+02, v21;
	[tilespmem:s19+$0x2610] =	vst v25  }
0x137: {  	v13 =	vmul.f32 $5.120000000e+02, v13;
	v4 =	vtrunc.f32 v26;
	vm0 =	vgt.s32 v0, $0x0;
	[tilespmem:s19+$0x2A10] =	vst v5  }
0x138: {  	v5 =	vtrunc.f32 v23;
	v4 =	vcvt.f32.s32 v4;
	v0 =	vnsel vm0, $0x0, v0;
	[tilespmem:s19+$0x1800] =	vst v27  }
0x139: {  	v14 =	vcvt.f32.s32 v1;
	v21 =	vcvt.f32.s32 v5;
	v25 =	vmin.u32 v0, $0x1FF;
	[tilespmem:s19+$0x1C00] =	vst v12  }
0x13a: {  	v0 =	vtrunc.f32 v18;
	vm0 =	vgt.s32 v4, $0x0;
	v27 =	vmul.u32 $0x9E3779B1, v25;
	[tilespmem:s19+$0x2000] =	vst v8  }
0x13b: {  	v8 =	vcvt.f32.s32 v0;
	v0 =	vtrunc.f32 v13;
	v1 =	vnsel vm0, $0x0, v4;
	[tilespmem:s19+$0x2400] =	vst v15  }
0x13c: {  	v4 =	vcvt.f32.s32 v0;
	v0 =	vmin.u32 v1, $0x1FF;
	v1 =	vadd.s32 $0x379B1, v27;
	[tilespmem:s19+$0x2800] =	vst v7  }
0x13d: {  	vm0 =	vgt.s32 v14, $0x0;
	v5 =	vand.u32 $0x3FFFF, v1;
	v1 =	vadd.s32 $0x1, v0;
	[tilespmem:s19+$0x2C00] =	vst v11  }
0x13e: {  	v7 =	vnsel vm0, $0x0, v14;
	vm0 =	vgt.s32 v21, $0x0;
	v11 =	vxor.u32 v1, v5;
	[tilespmem:s19+$0x19610] =	vst v6  }
0x13f: {  	vm1 =	vgt.s32 v8, $0x0;
	v6 =	vnsel vm0, $0x0, v21;
	vm0 =	vgt.s32 v4, $0x0;
	[tilespmem:s2+$0x2E10] =	vst v11  }
0x140: {  	v8 =	vnsel vm1, $0x0, v8;
	v7 =	vmin.u32 v7, $0x1FF;
	v6 =	vmin.u32 v6, $0x1FF;
	[tilespmem:s19+$0x19810] =	vst v3  }
0x141: {  	v4 =	vnsel vm0, $0x0, v4;
	v3 =	vmul.u32 $0x9E3779B1, v7;
	v11 =	vmul.u32 $0x9E3779B1, v6;
	[tilespmem:s19+$0x19A10] =	vst v2  }
0x142: {  	v15 =	vmul.u32 $0x9E3779B1, v0;
	v8 =	vmin.u32 v8, $0x1FF;
	v4 =	vmin.u32 v4, $0x1FF;
	[tilespmem:s19+$0x1810] =	vst v16  }
0x143: {  	v12 =	vcvt.s32.f32 v7;
	v2 =	vcvt.s32.f32 v8;
	v14 =	vadd.s32 $0x379B1, v3;
	[tilespmem:s19+$0x1C10] =	vst v10  }
0x144: {  	v6 =	vcvt.s32.f32 v6;
	v21 =	vcvt.s32.f32 v4;
	v10 =	vadd.s32 $0x379B1, v11;
	[tilespmem:s19+$0x2010] =	vst v17  }
0x145: {  	v25 =	vcvt.s32.f32 v25;
	v28 =	vcvt.s32.f32 v0;
	v29 =	vadd.s32 $0x379B1, v15;
	[tilespmem:s19+$0x2410] =	vst v19  }
.Ltmp1:
0x146: {  	v17 =	vand.u32 $0x3FFFF, v14;
	v16 =	vand.u32 $0x3FFFF, v10;
	v14 =	vand.u32 $0x3FFFF, v29;
	[tilespmem:s19+$0x2810] =	vst v24;
	(pc) =	sbr.rel @p0 .LBB2_5-.Ltmp1, $4  }
0x147: {  	v2 =	vsub.f32 v18, v2;
	v19 =	vsub.f32 v22, v12;
	v12 =	vand.u32 $0x3FFFF, v3;
	[tilespmem:s19+$0x2C10] =	vst v9;
	s19 =	smov.u32 s2  }
0x148: {  	v18 =	vsub.f32 v23, v6;
	v11 =	vand.u32 $0x3FFFF, v11;
	v6 =	vsub.f32 v13, v21  }
0x149: {  	v10 =	vand.u32 $0x3FFFF, v15;
	v3 =	vsub.f32 v26, v28;
	[tilespmem:s19+$0x19600] =	vst v2;
	v2 =	vsub.f32 v20, v25  }
0x14a: {  	s29 =	sadd.s32 $0x80, s29;
	v13 =	vadd.s32 $0x1, v7;
	v15 =	vadd.s32 $0x1, v8;
	v9 =	vand.u32 $0x3FFFF, v27;
	[tilespmem:s19+$0x19800] =	vst v19  }
0x14b: {  	[tilespmem:s19+$0x19A00] =	vst v18  }
0x14c: {  	[tilespmem:s19+$0x19610] =	vst v6  }
0x14d: {  	[tilespmem:s19+$0x19810] =	vst v3  }
0x14e: {  	v18 =	vxor.u32 v8, v17;
	[tilespmem:s19+$0x19A10] =	vst v2  }
0x14f: {  	v17 =	vxor.u32 v15, v17;
	[tilespmem:s19+$0x1A00] =	vst v18  }
0x150: {  	v3 =	vxor.u32 v4, v10;
	[tilespmem:s19+$0x1E00] =	vst v17  }
0x151: {  	v1 =	vxor.u32 v1, v9;
	[tilespmem:s19+$0x1810] =	vst v3  }
0x152: {  	v18 =	vxor.u32 v8, v16;
	[tilespmem:s19+$0x2C10] =	vst v1  }
0x153: {  	v17 =	vxor.u32 v15, v16;
	[tilespmem:s19+$0x2200] =	vst v18  }
0x154: {  	v3 =	vxor.u32 v4, v9;
	[tilespmem:s19+$0x2600] =	vst v17  }
0x155: {  	v18 =	vxor.u32 v7, v16;
	[tilespmem:s19+$0x2010] =	vst v3  }
0x156: {  	v16 =	vxor.u32 v13, v16;
	[tilespmem:s19+$0x2A00] =	vst v18  }
0x157: {  	v7 =	vxor.u32 v7, v11;
	[tilespmem:s19+$0x2E00] =	vst v16  }
0x158: {  	v17 =	vadd.s32 $0x1, v4;
	v18 =	vxor.u32 v4, v14;
	[tilespmem:s19+$0x2800] =	vst v7  }
0x159: {  	v14 =	vxor.u32 v17, v14;
	[tilespmem:s19+$0x1A10] =	vst v18  }
0x15a: {  	v16 =	vxor.u32 v4, v5;
	[tilespmem:s19+$0x1E10] =	vst v14  }
0x15b: {  	v2 =	vxor.u32 v17, v10;
	[tilespmem:s19+$0x2210] =	vst v16  }
0x15c: {  	v14 =	vxor.u32 v17, v5;
	[tilespmem:s19+$0x1C10] =	vst v2  }
0x15d: {  	v5 =	vxor.u32 v0, v5;
	[tilespmem:s19+$0x2610] =	vst v14  }
0x15e: {  	v2 =	vxor.u32 v17, v9;
	[tilespmem:s19+$0x2A10] =	vst v5  }
0x15f: {  	v0 =	vxor.u32 v0, v9;
	[tilespmem:s19+$0x2410] =	vst v2  }
0x160: {  	v14 =	vxor.u32 v8, v12;
	[tilespmem:s19+$0x2810] =	vst v0  }
0x161: {  	v5 =	vxor.u32 v15, v12;
	[tilespmem:s19+$0x1800] =	vst v14  }
0x162: {  	v8 =	vxor.u32 v8, v11;
	[tilespmem:s19+$0x1C00] =	vst v5  }
0x163: {  	v5 =	vxor.u32 v15, v11;
	[tilespmem:s19+$0x2000] =	vst v8  }
0x164: {  	[tilespmem:s19+$0x2400] =	vst v5;
	v5 =	vxor.u32 v13, v11  }
0x165: {  	s0 =	simm.s32 $0x1800;
	[tilespmem:s19+$0x2C00] =	vst v5;
	s19 =	simm.s32 $0x11000  }
0x166: {  	[tilespmem:s19], [sflag:$0x5] =	stream.indirect.gather [hbm4b:s7+s22], $0x10, s0, s22, $0xb8;
	[tilespmem:$0x1A800] =	vst v63  }
0x167: {  	s1 =	simm.s32 $0x1A00;
	s0 =	simm.s32 $0x13000  }
0x168: {  	[tilespmem:s0], [sflag:$0x5] =	stream.indirect.gather [hbm4b:s7+s22], $0x10, s1, s22, $0xb8;
	[tilespmem:$0x1A800] =	vst v63  }
0x169: {  	s11 =	simm.s32 $0x15000;
	s12 =	simm.s32 $0x1C00  }
0x16a: {  	[tilespmem:s11], [sflag:$0x5] =	stream.indirect.gather [hbm4b:s7+s22], $0x10, s12, s22, $0xb8;
	[tilespmem:$0x1A800] =	vst v63  }
0x16b: {  	s28 =	simm.s32 $0x17000;
	s14 =	simm.s32 $0x1E00  }
0x16c: {  	[tilespmem:s28], [sflag:$0x5] =	stream.indirect.gather [hbm4b:s7+s22], $0x10, s14, s22, $0xb8;
	[tilespmem:$0x1A800] =	vst v63  }
0x16d: {  	s24 =	simm.s32 $0x11800;
	s16 =	simm.s32 $0x1880  }
0x16e: {  	[tilespmem:s24], [sflag:$0x5] =	stream.indirect.gather [hbm4b:s7+s22], $0x10, s16, s22, $0xb8;
	[tilespmem:$0x1A800] =	vst v63  }
0x16f: {  	s23 =	simm.s32 $0x13800;
	s18 =	simm.s32 $0x1A80  }
0x170: {  	[tilespmem:s23], [sflag:$0x5] =	stream.indirect.gather [hbm4b:s7+s22], $0x10, s18, s22, $0xb8;
	[tilespmem:$0x1A800] =	vst v63  }
0x171: {  	s25 =	simm.s32 $0x15800;
	s21 =	simm.s32 $0x1C80  }
0x172: {  	[tilespmem:s25], [sflag:$0x5] =	stream.indirect.gather [hbm4b:s7+s22], $0x10, s21, s22, $0xb8;
	[tilespmem:$0x1A800] =	vst v63  }
0x173: {  	s30 =	simm.s32 $0x17800;
	s31 =	simm.s32 $0x1E80  }
0x174: {  	[tilespmem:s30], [sflag:$0x5] =	stream.indirect.gather [hbm4b:s7+s22], $0x10, s31, s22, $0xb8;
	[tilespmem:$0x1A800] =	vst v63  }
0x175: {  	s6 =	simm.s32 $0x12000;
	s2 =	simm.s32 $0x1900  }
0x176: {  	[tilespmem:s6], [sflag:$0x5] =	stream.indirect.gather [hbm4b:s7+s22], $0x10, s2, s22, $0xb8;
	[tilespmem:$0x1A800] =	vst v63  }
0x177: {  	s4 =	simm.s32 $0x1B00;
	s18 =	simm.s32 $0x14000  }
0x178: {  	[tilespmem:s18], [sflag:$0x5] =	stream.indirect.gather [hbm4b:s7+s22], $0x10, s4, s22, $0xb8;
	[tilespmem:$0x1A800] =	vst v63  }
0x179: {  	s5 =	simm.s32 $0x1D00;
	s14 =	simm.s32 $0x16000  }
0x17a: {  	[tilespmem:s14], [sflag:$0x5] =	stream.indirect.gather [hbm4b:s7+s22], $0x10, s5, s22, $0xb8;
	[tilespmem:$0x1A800] =	vst v63  }
0x17b: {  	s12 =	simm.s32 $0x1F00;
	s21 =	simm.s32 $0x18000  }
0x17c: {  	[tilespmem:s21], [sflag:$0x5] =	stream.indirect.gather [hbm4b:s7+s22], $0x10, s12, s22, $0xb8;
	[tilespmem:$0x1A800] =	vst v63  }
0x17d: {  	s16 =	simm.s32 $0x1980;
	s12 =	simm.s32 $0x12800  }
0x17e: {  	[tilespmem:s12], [sflag:$0x5] =	stream.indirect.gather [hbm4b:s7+s22], $0x10, s16, s22, $0xb8;
	[tilespmem:$0x1A800] =	vst v63  }
0x17f: {  	s31 =	simm.s32 $0x1B80;
	s5 =	simm.s32 $0x14800  }
0x180: {  	[tilespmem:s5], [sflag:$0x5] =	stream.indirect.gather [hbm4b:s7+s22], $0x10, s31, s22, $0xb8;
	[tilespmem:$0x1A800] =	vst v63  }
0x181: {  	s2 =	simm.s32 $0x1D80;
	s31 =	simm.s32 $0x16800  }
0x182: {  	[tilespmem:s31], [sflag:$0x5] =	stream.indirect.gather [hbm4b:s7+s22], $0x10, s2, s22, $0xb8;
	[tilespmem:$0x1A800] =	vst v63  }
0x183: {  	s1 =	simm.s32 $0x18800;
	s2 =	simm.s32 $0x1F80  }
0x184: {  	[tilespmem:s1], [sflag:$0x5] =	stream.indirect.gather [hbm4b:s7+s22], $0x10, s2, s22, $0xb8;
	[tilespmem:$0x1A800] =	vst v63  }
0x185: {  	_ =	swait.ge [sflag:s20], $0x2000  }
0x186: {  	[sflag:s20] =	ssyncset.done $0x0  }
0x187: {  	[sflag:s20] =	ssyncadd.s32 $0xFFFFE000  }
0x188: {  	_ =	swait.ge [sflag:s20], $0x2000  }
0x189: {  	[sflag:s20] =	ssyncset.done $0x0  }
0x18a: {  	[sflag:s20] =	ssyncadd.s32 $0xFFFFE000  }
0x18b: {  	_ =	swait.ge [sflag:s20], $0x2000  }
0x18c: {  	[sflag:s20] =	ssyncset.done $0x0;
	s4 =	rddreg [dreg:$0x3]  }
0x18d: {  	[sflag:s20] =	ssyncadd.s32 $0xFFFFE000;
	s2 =	sadd.s32 s4, s15  }
0x18e: {  	_ =	swait.ge [sflag:s20], $0x2000;
	s2 =	smul.u32 $0x6, s2  }
0x18f: {  	s15 =	simm.s32 $0x0;
	[sflag:s20] =	ssyncset.done $0x0  }
0x190: {  	s4 =	simm.s32 $0x3000;
	[sflag:s20] =	ssyncadd.s32 $0xFFFFE000;
	s2 =	sadd.s32 s17, s2  }
0x191: {  	[hbm4b:s2+s15] =	stream.linear.scatter [tilespmem:s4], [sflag:$0x1], $0x6000, $0x38;
	[tilespmem:$0x1A800] =	vst v63  }
0x192: {  	s29 =	smov.u32 s17;
	s16 =	simm.s32 $0x9000;
	s17 =	simm.s32 $0x2000  }
0x193: {  	[tilespmem:s16], [sflag:$0x4] =	stream.indirect.gather [hbm4b:s8+s22], $0x10, s17, s22, $0xb8;
	[tilespmem:$0x1A800] =	vst v63  }
0x194: {  	s16 =	simm.s32 $0xB000;
	s17 =	simm.s32 $0x2200  }
0x195: {  	[tilespmem:s16], [sflag:$0x4] =	stream.indirect.gather [hbm4b:s8+s22], $0x10, s17, s22, $0xb8;
	[tilespmem:$0x1A800] =	vst v63  }
0x196: {  	s16 =	simm.s32 $0xD000;
	s17 =	simm.s32 $0x2400  }
0x197: {  	[tilespmem:s16], [sflag:$0x4] =	stream.indirect.gather [hbm4b:s8+s22], $0x10, s17, s22, $0xb8;
	[tilespmem:$0x1A800] =	vst v63  }
0x198: {  	s16 =	simm.s32 $0xF000;
	s17 =	simm.s32 $0x2600  }
0x199: {  	[tilespmem:s16], [sflag:$0x4] =	stream.indirect.gather [hbm4b:s8+s22], $0x10, s17, s22, $0xb8;
	[tilespmem:$0x1A800] =	vst v63  }
0x19a: {  	s16 =	simm.s32 $0x9800;
	s17 =	simm.s32 $0x2080  }
0x19b: {  	[tilespmem:s16], [sflag:$0x4] =	stream.indirect.gather [hbm4b:s8+s22], $0x10, s17, s22, $0xb8;
	[tilespmem:$0x1A800] =	vst v63  }
0x19c: {  	s16 =	simm.s32 $0xB800;
	s17 =	simm.s32 $0x2280  }
0x19d: {  	[tilespmem:s16], [sflag:$0x4] =	stream.indirect.gather [hbm4b:s8+s22], $0x10, s17, s22, $0xb8;
	[tilespmem:$0x1A800] =	vst v63  }
0x19e: {  	s16 =	simm.s32 $0xD800;
	s17 =	simm.s32 $0x2480  }
0x19f: {  	[tilespmem:s16], [sflag:$0x4] =	stream.indirect.gather [hbm4b:s8+s22], $0x10, s17, s22, $0xb8;
	[tilespmem:$0x1A800] =	vst v63  }
0x1a0: {  	s16 =	simm.s32 $0xF800;
	s17 =	simm.s32 $0x2680  }
0x1a1: {  	[tilespmem:s16], [sflag:$0x4] =	stream.indirect.gather [hbm4b:s8+s22], $0x10, s17, s22, $0xb8;
	[tilespmem:$0x1A800] =	vst v63  }
0x1a2: {  	s4 =	simm.s32 $0xA000;
	s16 =	simm.s32 $0x2100  }
0x1a3: {  	[tilespmem:s4], [sflag:$0x4] =	stream.indirect.gather [hbm4b:s8+s22], $0x10, s16, s22, $0xb8;
	[tilespmem:$0x1A800] =	vst v63  }
0x1a4: {  	s17 =	simm.s32 $0x2300  }
0x1a5: {  	[tilespmem:s3], [sflag:$0x4] =	stream.indirect.gather [hbm4b:s8+s22], $0x10, s17, s22, $0xb8;
	[tilespmem:$0x1A800] =	vst v63  }
0x1a6: {  	s16 =	simm.s32 $0x2500;
	s17 =	simm.s32 $0xE000  }
0x1a7: {  	[tilespmem:s17], [sflag:$0x4] =	stream.indirect.gather [hbm4b:s8+s22], $0x10, s16, s22, $0xb8;
	[tilespmem:$0x1A800] =	vst v63  }
0x1a8: {  	s16 =	simm.s32 $0x2700;
	s17 =	simm.s32 $0x10000  }
0x1a9: {  	[tilespmem:s17], [sflag:$0x4] =	stream.indirect.gather [hbm4b:s8+s22], $0x10, s16, s22, $0xb8;
	[tilespmem:$0x1A800] =	vst v63  }
0x1aa: {  	s16 =	simm.s32 $0x2180;
	s17 =	simm.s32 $0xA800  }
0x1ab: {  	[tilespmem:s17], [sflag:$0x4] =	stream.indirect.gather [hbm4b:s8+s22], $0x10, s16, s22, $0xb8;
	[tilespmem:$0x1A800] =	vst v63  }
0x1ac: {  	s16 =	simm.s32 $0x2380;
	s17 =	simm.s32 $0xC800  }
0x1ad: {  	[tilespmem:s17], [sflag:$0x4] =	stream.indirect.gather [hbm4b:s8+s22], $0x10, s16, s22, $0xb8;
	[tilespmem:$0x1A800] =	vst v63  }
0x1ae: {  	s16 =	simm.s32 $0x2580;
	s17 =	simm.s32 $0xE800  }
0x1af: {  	[tilespmem:s17], [sflag:$0x4] =	stream.indirect.gather [hbm4b:s8+s22], $0x10, s16, s22, $0xb8;
	[tilespmem:$0x1A800] =	vst v63  }
0x1b0: {  	s16 =	simm.s32 $0x2780;
	s17 =	simm.s32 $0x10800  }
0x1b1: {  	[tilespmem:s17], [sflag:$0x4] =	stream.indirect.gather [hbm4b:s8+s22], $0x10, s16, s22, $0xb8;
	[tilespmem:$0x1A800] =	vst v63  }
0x1b2: {  	_ =	swait.ge [sflag:s26], $0x2000  }
0x1b3: {  	[sflag:s26] =	ssyncset.done $0x0  }
0x1b4: {  	[sflag:s26] =	ssyncadd.s32 $0xFFFFE000  }
0x1b5: {  	_ =	swait.ge [sflag:s26], $0x2000  }
0x1b6: {  	[sflag:s26] =	ssyncset.done $0x0  }
0x1b7: {  	[sflag:s26] =	ssyncadd.s32 $0xFFFFE000  }
0x1b8: {  	_ =	swait.ge [sflag:s26], $0x2000  }
0x1b9: {  	[sflag:s26] =	ssyncset.done $0x0  }
0x1ba: {  	[sflag:s26] =	ssyncadd.s32 $0xFFFFE000  }
0x1bb: {  	_ =	swait.ge [sflag:s26], $0x2000  }
0x1bc: {  	[sflag:s26] =	ssyncset.done $0x0  }
0x1bd: {  	s16 =	sshll.u32 s10, $0x1;
	s17 =	simm.s32 $0x1;
	[sflag:s26] =	ssyncadd.s32 $0xFFFFE000  }
0x1be: {  	s2 =	smin.u32 s16, $0x3D;
	_ =	swait.ge [sflag:s17], $0x6000  }
0x1bf: {  	s2 =	sshll.u32 s2, $0x9;
	s16 =	rddreg [dreg:$0x9]  }
0x1c0: {  	s3 =	simm.s32 $0x19C00;
	s2 =	sadd.s32 s2, s16  }
0x1c1: {  	[sflag:s17] =	ssyncset.done $0x0;
	s16 =	rddreg [dreg:$0xb];
	s2 =	sshrl.u32 s2, $0x3  }
0x1c2: {  	[sflag:s17] =	ssyncadd.s32 $0xFFFFA000;
	s17 =	sadd.s32 s16, s2;
	s16 =	rddreg [dreg:$0xc]  }
0x1c3: {  	[tilespmem:s3], [sflag:$0x2] =	stream.linear.gather [hbm4b:s17+s15], $0x200, $0x38;
	[tilespmem:$0x1A800] =	vst v63  }
0x1c4: {  	s17 =	sadd.s32 s16, s2;
	s3 =	simm.s32 $0x19E00;
	s16 =	rddreg [dreg:$0xd]  }
0x1c5: {  	[tilespmem:s3], [sflag:$0x2] =	stream.linear.gather [hbm4b:s17+s15], $0x200, $0x38;
	[tilespmem:$0x1A800] =	vst v63  }
0x1c6: {  	s2 =	sadd.s32 s16, s2;
	s17 =	simm.s32 $0x1A000  }
0x1c7: {  	[tilespmem:s17], [sflag:$0x2] =	stream.linear.gather [hbm4b:s2+s15], $0x200, $0x38;
	[tilespmem:$0x1A800] =	vst v63  }
0x1c8: {  	s3 =	simm.s32 $0x2800  }
0x1c9: {  	[tilespmem:s19], [sflag:$0x5] =	stream.indirect.gather [hbm4b:s9+s22], $0x10, s3, s22, $0xb8;
	[tilespmem:$0x1A800] =	vst v63  }
0x1ca: {  	s15 =	simm.s32 $0x2A00  }
0x1cb: {  	[tilespmem:s0], [sflag:$0x5] =	stream.indirect.gather [hbm4b:s9+s22], $0x10, s15, s22, $0xb8;
	[tilespmem:$0x1A800] =	vst v63  }
0x1cc: {  	s16 =	simm.s32 $0x2C00  }
0x1cd: {  	[tilespmem:s11], [sflag:$0x5] =	stream.indirect.gather [hbm4b:s9+s22], $0x10, s16, s22, $0xb8;
	[tilespmem:$0x1A800] =	vst v63  }
0x1ce: {  	s17 =	simm.s32 $0x2E00  }
0x1cf: {  	[tilespmem:s28], [sflag:$0x5] =	stream.indirect.gather [hbm4b:s9+s22], $0x10, s17, s22, $0xb8;
	[tilespmem:$0x1A800] =	vst v63  }
0x1d0: {  	s19 =	simm.s32 $0x2880  }
0x1d1: {  	[tilespmem:s24], [sflag:$0x5] =	stream.indirect.gather [hbm4b:s9+s22], $0x10, s19, s22, $0xb8;
	[tilespmem:$0x1A800] =	vst v63  }
0x1d2: {  	s24 =	simm.s32 $0x2A80  }
0x1d3: {  	[tilespmem:s23], [sflag:$0x5] =	stream.indirect.gather [hbm4b:s9+s22], $0x10, s24, s22, $0xb8;
	[tilespmem:$0x1A800] =	vst v63  }
0x1d4: {  	s28 =	simm.s32 $0x2C80  }
0x1d5: {  	[tilespmem:s25], [sflag:$0x5] =	stream.indirect.gather [hbm4b:s9+s22], $0x10, s28, s22, $0xb8;
	[tilespmem:$0x1A800] =	vst v63  }
0x1d6: {  	s2 =	simm.s32 $0x2E80  }
0x1d7: {  	[tilespmem:s30], [sflag:$0x5] =	stream.indirect.gather [hbm4b:s9+s22], $0x10, s2, s22, $0xb8;
	[tilespmem:$0x1A800] =	vst v63  }
0x1d8: {  	s3 =	simm.s32 $0x2900  }
0x1d9: {  	[tilespmem:s6], [sflag:$0x5] =	stream.indirect.gather [hbm4b:s9+s22], $0x10, s3, s22, $0xb8;
	[tilespmem:$0x1A800] =	vst v63  }
0x1da: {  	s11 =	simm.s32 $0x2B00  }
0x1db: {  	[tilespmem:s18], [sflag:$0x5] =	stream.indirect.gather [hbm4b:s9+s22], $0x10, s11, s22, $0xb8;
	[tilespmem:$0x1A800] =	vst v63  }
0x1dc: {  	s15 =	simm.s32 $0x2D00  }
0x1dd: {  	[tilespmem:s14], [sflag:$0x5] =	stream.indirect.gather [hbm4b:s9+s22], $0x10, s15, s22, $0xb8;
	[tilespmem:$0x1A800] =	vst v63  }
0x1de: {  	s16 =	simm.s32 $0x2F00  }
0x1df: {  	[tilespmem:s21], [sflag:$0x5] =	stream.indirect.gather [hbm4b:s9+s22], $0x10, s16, s22, $0xb8;
	[tilespmem:$0x1A800] =	vst v63  }
0x1e0: {  	s17 =	simm.s32 $0x2980  }
0x1e1: {  	[tilespmem:s12], [sflag:$0x5] =	stream.indirect.gather [hbm4b:s9+s22], $0x10, s17, s22, $0xb8;
	[tilespmem:$0x1A800] =	vst v63  }
0x1e2: {  	s18 =	simm.s32 $0x2B80  }
0x1e3: {  	[tilespmem:s5], [sflag:$0x5] =	stream.indirect.gather [hbm4b:s9+s22], $0x10, s18, s22, $0xb8;
	[tilespmem:$0x1A800] =	vst v63  }
0x1e4: {  	s19 =	simm.s32 $0x2D80  }
0x1e5: {  	[tilespmem:s31], [sflag:$0x5] =	stream.indirect.gather [hbm4b:s9+s22], $0x10, s19, s22, $0xb8;
	[tilespmem:$0x1A800] =	vst v63  }
0x1e6: {  	s28 =	simm.s32 $0x2F80  }
0x1e7: {  	[tilespmem:s1], [sflag:$0x5] =	stream.indirect.gather [hbm4b:s9+s22], $0x10, s28, s22, $0xb8;
	[tilespmem:$0x1A800] =	vst v63  }
0x1e8: {  	_ =	swait.ge [sflag:s20], $0x2000  }
0x1e9: {  	[sflag:s20] =	ssyncset.done $0x0  }
0x1ea: {  	[sflag:s20] =	ssyncadd.s32 $0xFFFFE000  }
0x1eb: {  	_ =	swait.ge [sflag:s20], $0x2000  }
0x1ec: {  	[sflag:s20] =	ssyncset.done $0x0  }
0x1ed: {  	[sflag:s20] =	ssyncadd.s32 $0xFFFFE000  }
0x1ee: {  	_ =	swait.ge [sflag:s20], $0x2000  }
0x1ef: {  	[sflag:s20] =	ssyncset.done $0x0  }
0x1f0: {  	[sflag:s20] =	ssyncadd.s32 $0xFFFFE000  }
0x1f1: {  	_ =	swait.ge [sflag:s20], $0x2000  }
0x1f2: {  	[sflag:s20] =	ssyncset.done $0x0  }
0x1f3: {  	s31 =	simm.s32 $0x2;
	[sflag:s20] =	ssyncadd.s32 $0xFFFFE000  }
0x1f4: {  	_ =	swait.ge [sflag:s31], $0x200  }
0x1f5: {  	[sflag:s31] =	ssyncset.done $0x0  }
0x1f6: {  	[sflag:s31] =	ssyncadd.s32 $0xFFFFFE00  }
0x1f7: {  	_ =	swait.ge [sflag:s31], $0x200  }
0x1f8: {  	[sflag:s31] =	ssyncset.done $0x0  }
0x1f9: {  	[sflag:s31] =	ssyncadd.s32 $0xFFFFFE00  }
0x1fa: {  	_ =	swait.ge [sflag:s31], $0x200  }
0x1fb: {  	[sflag:s31] =	ssyncset.done $0x0  }
0x1fc: {  	s15 =	simm.s32 $0x0;
	[sflag:s31] =	ssyncadd.s32 $0xFFFFFE00  }
0x1fd: {  	v0 =	vld [tilespmem:s15+$0x1A010]  }
0x1fe: {  	v1 =	vld [tilespmem:s15+$0x19E00]  }
0x1ff: {  	v2 =	vld [tilespmem:s15+$0x1A000]  }
0x200: {  	v3 =	vld [tilespmem:s15+$0x19E10]  }
0x201: {  	v4 =	vld [tilespmem:s15+$0x19C00]  }
0x202: {  	v5 =	vld [tilespmem:s15+$0x19C10];
	_ =	sdelay $0x1  }
0x203: {  	v9 =	vmul.f32 $5.120000000e+02, v0  }
0x204: {  	v6 =	vmul.f32 $5.120000000e+02, v1;
	v2 =	vmul.f32 $5.120000000e+02, v2  }
0x205: {  	v3 =	vmul.f32 $5.120000000e+02, v3;
	v10 =	vmul.f32 $5.120000000e+02, v4  }
0x206: {  	v13 =	vmul.f32 $5.120000000e+02, v5;
	v0 =	vtrunc.f32 v9  }
0x207: {  	v1 =	vtrunc.f32 v6;
	v4 =	vtrunc.f32 v3  }
0x208: {  	v5 =	vtrunc.f32 v2;
	v0 =	vcvt.f32.s32 v0  }
0x209: {  	v4 =	vcvt.f32.s32 v4;
	v7 =	vcvt.f32.s32 v1  }
0x20a: {  	v8 =	vcvt.f32.s32 v5  }
0x20b: {  	vm0 =	vgt.s32 v0, $0x0;
	vm12 =	vgt.s32 v4, $0x0;
	vm13 =	vgt.s32 v7, $0x0  }
0x20c: {  	vm14 =	vgt.s32 v8, $0x0;
	v0 =	vnsel vm0, $0x0, v0;
	v1 =	vnsel vm12, $0x0, v4  }
0x20d: {  	v7 =	vnsel vm13, $0x0, v7;
	v8 =	vnsel vm14, $0x0, v8;
	v11 =	vmin.u32 v0, $0x1FF  }
0x20e: {  	v0 =	vtrunc.f32 v10;
	v7 =	vmin.u32 v7, $0x1FF;
	v14 =	vmin.u32 v8, $0x1FF  }
0x20f: {  	v19 =	vmul.u32 $0x9E3779B1, v11;
	v12 =	vcvt.f32.s32 v0;
	v0 =	vtrunc.f32 v13  }
0x210: {  	v18 =	vmul.u32 $0x9E3779B1, v7;
	v22 =	vcvt.s32.f32 v7;
	v23 =	vcvt.s32.f32 v14  }
0x211: {  	v20 =	vmul.u32 $0x9E3779B1, v14;
	v26 =	vcvt.s32.f32 v11;
	v4 =	vcvt.f32.s32 v0  }
0x212: {  	v0 =	vmin.u32 v1, $0x1FF;
	v1 =	vadd.s32 $0x379B1, v19;
	vm1 =	vgt.s32 v12, $0x0  }
0x213: {  	v21 =	vmul.u32 $0x9E3779B1, v0;
	v16 =	vadd.s32 $0x379B1, v18;
	v14 =	vadd.s32 $0x379B1, v20  }
0x214: {  	v25 =	vcvt.s32.f32 v0;
	v22 =	vsub.f32 v6, v22;
	v5 =	vand.u32 $0x3FFFF, v1  }
0x215: {  	v1 =	vadd.s32 $0x1, v0;
	vm15 =	vgt.s32 v4, $0x0;
	v12 =	vnsel vm1, $0x0, v12  }
0x216: {  	v17 =	vand.u32 $0x3FFFF, v16;
	v16 =	vand.u32 $0x3FFFF, v14;
	v15 =	vxor.u32 v1, v5  }
0x217: {  	v4 =	vnsel vm15, $0x0, v4;
	v8 =	vmin.u32 v12, $0x1FF;
	v11 =	vadd.s32 $0x379B1, v21  }
0x218: {  	v3 =	vsub.f32 v3, v25;
	v4 =	vmin.u32 v4, $0x1FF;
	v12 =	vcvt.s32.f32 v8  }
0x219: {  	v14 =	vand.u32 $0x3FFFF, v11;
	[tilespmem:s15+$0x1610] =	vst v15;
	v11 =	vand.u32 $0x3FFFF, v20;
	v15 =	vadd.s32 $0x1, v8  }
0x21a: {  	s24 =	simm.s32 $0x16000;
	s23 =	simm.s32 $0x18000;
	v24 =	vcvt.s32.f32 v4;
	v10 =	vsub.f32 v10, v12;
	v12 =	vand.u32 $0x3FFFF, v18  }
0x21b: {  	s25 =	simm.s32 $0x14800;
	s30 =	simm.s32 $0x16800;
	s11 =	simm.s32 $0x18800;
	[tilespmem:s15+$0x19200] =	vst v22;
	v18 =	vsub.f32 v2, v23;
	v2 =	vsub.f32 v9, v26;
	v9 =	vand.u32 $0x3FFFF, v19  }
0x21c: {  	s21 =	simm.s32 $0x12800;
	s16 =	simm.s32 $0x0;
	s19 =	simm.s32 $0x80;
	v6 =	vsub.f32 v13, v24;
	v13 =	vadd.s32 $0x1, v7;
	[tilespmem:s15+$0x19000] =	vst v10;
	v10 =	vand.u32 $0x3FFFF, v21  }
.LBB2_7:
0x21d: {  	s2 =	sshra.s32 s19, $0x2;
	s16 =	sadd.s32 $0x2, s16;
	[tilespmem:s15+$0x19400] =	vst v18;
	v18 =	vxor.u32 v8, v17;
	v17 =	vxor.u32 v15, v17;
	v19 =	vadd.s32 $0x1, v4  }
0x21e: {  	v21 =	vxor.u32 v15, v16;
	v22 =	vxor.u32 v7, v16;
	v20 =	vld [tilespmem:s2+$0x1A010];
	p0 =	slt.u32 s16, $0x1E;
	[tilespmem:s15+$0x200] =	vst v18;
	v18 =	vxor.u32 v8, v16  }
0x21f: {  	v16 =	vxor.u32 v13, v16;
	v23 =	vld [tilespmem:s2+$0x19E00];
	[tilespmem:s15+$0x600] =	vst v17;
	v17 =	vxor.u32 v4, v14;
	v14 =	vxor.u32 v19, v14  }
0x220: {  	v25 =	vxor.u32 v19, v5;
	v24 =	vld [tilespmem:s2+$0x1A000];
	[tilespmem:s15+$0xA00] =	vst v18;
	v18 =	vxor.u32 v4, v5;
	v5 =	vxor.u32 v0, v5  }
0x221: {  	v27 =	vxor.u32 v8, v12;
	v12 =	vxor.u32 v15, v12;
	v8 =	vxor.u32 v8, v11;
	v26 =	vld [tilespmem:s2+$0x19E10];
	[tilespmem:s15+$0xE00] =	vst v21  }
0x222: {  	v15 =	vxor.u32 v15, v11;
	v7 =	vxor.u32 v7, v11;
	v11 =	vxor.u32 v13, v11;
	v21 =	vld [tilespmem:s2+$0x19C00];
	[tilespmem:s15+$0x1200] =	vst v22  }
0x223: {  	v13 =	vld [tilespmem:s2+$0x19C10];
	v20 =	vmul.f32 $5.120000000e+02, v20;
	[tilespmem:s15+$0x1600] =	vst v16;
	v16 =	vxor.u32 v4, v10;
	v10 =	vxor.u32 v19, v10  }
0x224: {  	v19 =	vxor.u32 v19, v9;
	v22 =	vmul.f32 $5.120000000e+02, v23;
	[tilespmem:s15+$0x210] =	vst v17;
	v17 =	vxor.u32 v4, v9  }
0x225: {  	v23 =	vmul.f32 $5.120000000e+02, v24;
	v4 =	vtrunc.f32 v20;
	[tilespmem:s15+$0x610] =	vst v14;
	v24 =	vxor.u32 v0, v9  }
0x226: {  	v9 =	vxor.u32 v1, v9;
	v26 =	vmul.f32 $5.120000000e+02, v26;
	v0 =	vcvt.f32.s32 v4;
	[tilespmem:s15+$0xA10] =	vst v18  }
0x227: {  	v1 =	vtrunc.f32 v22;
	v18 =	vmul.f32 $5.120000000e+02, v21;
	[tilespmem:s15+$0xE10] =	vst v25  }
0x228: {  	v13 =	vmul.f32 $5.120000000e+02, v13;
	v4 =	vtrunc.f32 v26;
	vm0 =	vgt.s32 v0, $0x0;
	[tilespmem:s15+$0x1210] =	vst v5  }
0x229: {  	v5 =	vtrunc.f32 v23;
	v4 =	vcvt.f32.s32 v4;
	v0 =	vnsel vm0, $0x0, v0;
	[tilespmem:s15+$0x0] =	vst v27  }
0x22a: {  	v14 =	vcvt.f32.s32 v1;
	v21 =	vcvt.f32.s32 v5;
	v25 =	vmin.u32 v0, $0x1FF;
	[tilespmem:s15+$0x400] =	vst v12  }
0x22b: {  	v0 =	vtrunc.f32 v18;
	vm0 =	vgt.s32 v4, $0x0;
	v27 =	vmul.u32 $0x9E3779B1, v25;
	[tilespmem:s15+$0x800] =	vst v8  }
0x22c: {  	v8 =	vcvt.f32.s32 v0;
	v0 =	vtrunc.f32 v13;
	v1 =	vnsel vm0, $0x0, v4;
	[tilespmem:s15+$0xC00] =	vst v15  }
0x22d: {  	v4 =	vcvt.f32.s32 v0;
	v0 =	vmin.u32 v1, $0x1FF;
	v1 =	vadd.s32 $0x379B1, v27;
	[tilespmem:s15+$0x1000] =	vst v7  }
0x22e: {  	vm0 =	vgt.s32 v14, $0x0;
	v5 =	vand.u32 $0x3FFFF, v1;
	v1 =	vadd.s32 $0x1, v0;
	[tilespmem:s15+$0x1400] =	vst v11  }
0x22f: {  	v7 =	vnsel vm0, $0x0, v14;
	vm0 =	vgt.s32 v21, $0x0;
	v11 =	vxor.u32 v1, v5;
	[tilespmem:s15+$0x19010] =	vst v6  }
0x230: {  	vm1 =	vgt.s32 v8, $0x0;
	v6 =	vnsel vm0, $0x0, v21;
	vm0 =	vgt.s32 v4, $0x0;
	[tilespmem:s2+$0x1610] =	vst v11  }
0x231: {  	v8 =	vnsel vm1, $0x0, v8;
	v7 =	vmin.u32 v7, $0x1FF;
	v6 =	vmin.u32 v6, $0x1FF;
	[tilespmem:s15+$0x19210] =	vst v3  }
0x232: {  	v4 =	vnsel vm0, $0x0, v4;
	v3 =	vmul.u32 $0x9E3779B1, v7;
	v11 =	vmul.u32 $0x9E3779B1, v6;
	[tilespmem:s15+$0x19410] =	vst v2  }
0x233: {  	v15 =	vmul.u32 $0x9E3779B1, v0;
	v8 =	vmin.u32 v8, $0x1FF;
	v4 =	vmin.u32 v4, $0x1FF;
	[tilespmem:s15+$0x10] =	vst v16  }
0x234: {  	v12 =	vcvt.s32.f32 v7;
	v2 =	vcvt.s32.f32 v8;
	v14 =	vadd.s32 $0x379B1, v3;
	[tilespmem:s15+$0x410] =	vst v10  }
0x235: {  	v6 =	vcvt.s32.f32 v6;
	v21 =	vcvt.s32.f32 v4;
	v10 =	vadd.s32 $0x379B1, v11;
	[tilespmem:s15+$0x810] =	vst v17  }
0x236: {  	v25 =	vcvt.s32.f32 v25;
	v28 =	vcvt.s32.f32 v0;
	v29 =	vadd.s32 $0x379B1, v15;
	[tilespmem:s15+$0xC10] =	vst v19  }
.Ltmp2:
0x237: {  	v17 =	vand.u32 $0x3FFFF, v14;
	v16 =	vand.u32 $0x3FFFF, v10;
	v14 =	vand.u32 $0x3FFFF, v29;
	[tilespmem:s15+$0x1010] =	vst v24;
	(pc) =	sbr.rel @p0 .LBB2_7-.Ltmp2, $4  }
0x238: {  	v2 =	vsub.f32 v18, v2;
	v19 =	vsub.f32 v22, v12;
	v12 =	vand.u32 $0x3FFFF, v3;
	[tilespmem:s15+$0x1410] =	vst v9;
	s15 =	smov.u32 s2  }
0x239: {  	v18 =	vsub.f32 v23, v6;
	v11 =	vand.u32 $0x3FFFF, v11;
	v6 =	vsub.f32 v13, v21  }
0x23a: {  	v10 =	vand.u32 $0x3FFFF, v15;
	v3 =	vsub.f32 v26, v28;
	[tilespmem:s15+$0x19000] =	vst v2;
	v2 =	vsub.f32 v20, v25  }
0x23b: {  	s19 =	sadd.s32 $0x80, s19;
	v13 =	vadd.s32 $0x1, v7;
	v15 =	vadd.s32 $0x1, v8;
	v9 =	vand.u32 $0x3FFFF, v27;
	[tilespmem:s15+$0x19200] =	vst v19  }
0x23c: {  	[tilespmem:s15+$0x19400] =	vst v18  }
0x23d: {  	[tilespmem:s15+$0x19010] =	vst v6  }
0x23e: {  	[tilespmem:s15+$0x19210] =	vst v3  }
0x23f: {  	v41 =	vxor.u32 v8, v17;
	[tilespmem:s15+$0x19410] =	vst v2  }
0x240: {  	v42 =	vxor.u32 v15, v17;
	[tilespmem:s15+$0x200] =	vst v41  }
0x241: {  	v43 =	vxor.u32 v8, v16;
	[tilespmem:s15+$0x600] =	vst v42  }
0x242: {  	v44 =	vxor.u32 v15, v16;
	[tilespmem:s15+$0xA00] =	vst v43  }
0x243: {  	v45 =	vxor.u32 v7, v16;
	[tilespmem:s15+$0xE00] =	vst v44  }
0x244: {  	v46 =	vxor.u32 v13, v16;
	[tilespmem:s15+$0x1200] =	vst v45  }
0x245: {  	v48 =	vxor.u32 v4, v14;
	[tilespmem:s15+$0x1600] =	vst v46  }
0x246: {  	v50 =	vxor.u32 v4, v5;
	[tilespmem:s15+$0x210] =	vst v48  }
0x247: {  	v52 =	vxor.u32 v0, v5;
	[tilespmem:s15+$0xA10] =	vst v50  }
0x248: {  	v53 =	vxor.u32 v8, v12;
	[tilespmem:s15+$0x1210] =	vst v52  }
0x249: {  	v54 =	vxor.u32 v15, v12;
	[tilespmem:s15+$0x0] =	vst v53  }
0x24a: {  	v55 =	vxor.u32 v8, v11;
	[tilespmem:s15+$0x400] =	vst v54  }
0x24b: {  	v56 =	vxor.u32 v15, v11;
	[tilespmem:s15+$0x800] =	vst v55  }
0x24c: {  	v57 =	vxor.u32 v7, v11;
	[tilespmem:s15+$0xC00] =	vst v56  }
0x24d: {  	v58 =	vxor.u32 v13, v11;
	[tilespmem:s15+$0x1000] =	vst v57  }
0x24e: {  	v59 =	vxor.u32 v4, v10;
	[tilespmem:s15+$0x1400] =	vst v58  }
0x24f: {  	v61 =	vxor.u32 v4, v9;
	[tilespmem:s15+$0x10] =	vst v59  }
0x250: {  	v63 =	vxor.u32 v0, v9;
	[tilespmem:s15+$0x810] =	vst v61  }
0x251: {  	v47 =	vadd.s32 $0x1, v4;
	v1 =	vxor.u32 v1, v9;
	[tilespmem:s15+$0x1010] =	vst v63  }
0x252: {  	v49 =	vxor.u32 v47, v14;
	[tilespmem:s15+$0x1410] =	vst v1  }
0x253: {  	v51 =	vxor.u32 v47, v5;
	[tilespmem:s15+$0x610] =	vst v49  }
0x254: {  	v60 =	vxor.u32 v47, v10;
	[tilespmem:s15+$0xE10] =	vst v51  }
0x255: {  	v62 =	vxor.u32 v47, v9;
	[tilespmem:s15+$0x410] =	vst v60  }
0x256: {  	s19 =	simm.s32 $0x9000;
	[tilespmem:s15+$0xC10] =	vst v62;
	s15 =	simm.s32 $0x0  }
0x257: {  	[tilespmem:s19], [sflag:$0x4] =	stream.indirect.gather [hbm4b:s7+s22], $0x10, s15, s22, $0xb8;
	[tilespmem:$0x1A800] =	vst v63  }
0x258: {  	s2 =	simm.s32 $0x200;
	s28 =	simm.s32 $0xB000  }
0x259: {  	[tilespmem:s28], [sflag:$0x4] =	stream.indirect.gather [hbm4b:s7+s22], $0x10, s2, s22, $0xb8;
	[tilespmem:$0x1A800] =	vst v63  }
0x25a: {  	s0 =	simm.s32 $0x400;
	s16 =	simm.s32 $0xD000  }
0x25b: {  	[tilespmem:s16], [sflag:$0x4] =	stream.indirect.gather [hbm4b:s7+s22], $0x10, s0, s22, $0xb8;
	[tilespmem:$0x1A800] =	vst v63  }
0x25c: {  	s1 =	simm.s32 $0x600;
	s0 =	simm.s32 $0xF000  }
0x25d: {  	[tilespmem:s0], [sflag:$0x4] =	stream.indirect.gather [hbm4b:s7+s22], $0x10, s1, s22, $0xb8;
	[tilespmem:$0x1A800] =	vst v63  }
0x25e: {  	s17 =	simm.s32 $0x9800  }
0x25f: {  	[tilespmem:s17], [sflag:$0x4] =	stream.indirect.gather [hbm4b:s7+s22], $0x10, s22, s22, $0xb8;
	[tilespmem:$0x1A800] =	vst v63  }
0x260: {  	s3 =	simm.s32 $0x280;
	s5 =	simm.s32 $0xB800  }
0x261: {  	[tilespmem:s5], [sflag:$0x4] =	stream.indirect.gather [hbm4b:s7+s22], $0x10, s3, s22, $0xb8;
	[tilespmem:$0x1A800] =	vst v63  }
0x262: {  	s6 =	simm.s32 $0x480;
	s12 =	simm.s32 $0xD800  }
0x263: {  	[tilespmem:s12], [sflag:$0x4] =	stream.indirect.gather [hbm4b:s7+s22], $0x10, s6, s22, $0xb8;
	[tilespmem:$0x1A800] =	vst v63  }
0x264: {  	s14 =	simm.s32 $0x680;
	s31 =	simm.s32 $0xF800  }
0x265: {  	[tilespmem:s31], [sflag:$0x4] =	stream.indirect.gather [hbm4b:s7+s22], $0x10, s14, s22, $0xb8;
	[tilespmem:$0x1A800] =	vst v63  }
0x266: {  	s18 =	simm.s32 $0x100  }
0x267: {  	[tilespmem:s4], [sflag:$0x4] =	stream.indirect.gather [hbm4b:s7+s22], $0x10, s18, s22, $0xb8;
	[tilespmem:$0x1A800] =	vst v63  }
0x268: {  	s0 =	simm.s32 $0x300;
	s5 =	simm.s32 $0xC000  }
0x269: {  	[tilespmem:s5], [sflag:$0x4] =	stream.indirect.gather [hbm4b:s7+s22], $0x10, s0, s22, $0xb8;
	[tilespmem:$0x1A800] =	vst v63  }
0x26a: {  	s1 =	simm.s32 $0x500;
	s12 =	simm.s32 $0xE000  }
0x26b: {  	[tilespmem:s12], [sflag:$0x4] =	stream.indirect.gather [hbm4b:s7+s22], $0x10, s1, s22, $0xb8;
	[tilespmem:$0x1A800] =	vst v63  }
0x26c: {  	s3 =	simm.s32 $0x700;
	s14 =	simm.s32 $0x10000  }
0x26d: {  	[tilespmem:s14], [sflag:$0x4] =	stream.indirect.gather [hbm4b:s7+s22], $0x10, s3, s22, $0xb8;
	[tilespmem:$0x1A800] =	vst v63  }
0x26e: {  	s4 =	simm.s32 $0x180;
	s18 =	simm.s32 $0xA800  }
0x26f: {  	[tilespmem:s18], [sflag:$0x4] =	stream.indirect.gather [hbm4b:s7+s22], $0x10, s4, s22, $0xb8;
	[tilespmem:$0x1A800] =	vst v63  }
0x270: {  	s6 =	simm.s32 $0x380;
	s3 =	simm.s32 $0xC800  }
0x271: {  	[tilespmem:s3], [sflag:$0x4] =	stream.indirect.gather [hbm4b:s7+s22], $0x10, s6, s22, $0xb8;
	[tilespmem:$0x1A800] =	vst v63  }
0x272: {  	s0 =	simm.s32 $0x580;
	s6 =	simm.s32 $0xE800  }
0x273: {  	[tilespmem:s6], [sflag:$0x4] =	stream.indirect.gather [hbm4b:s7+s22], $0x10, s0, s22, $0xb8;
	[tilespmem:$0x1A800] =	vst v63  }
0x274: {  	s1 =	simm.s32 $0x780;
	s4 =	simm.s32 $0x10800  }
0x275: {  	[tilespmem:s4], [sflag:$0x4] =	stream.indirect.gather [hbm4b:s7+s22], $0x10, s1, s22, $0xb8;
	[tilespmem:$0x1A800] =	vst v63  }
0x276: {  	_ =	swait.ge [sflag:s26], $0x2000  }
0x277: {  	[sflag:s26] =	ssyncset.done $0x0  }
0x278: {  	[sflag:s26] =	ssyncadd.s32 $0xFFFFE000  }
0x279: {  	_ =	swait.ge [sflag:s26], $0x2000  }
0x27a: {  	[sflag:s26] =	ssyncset.done $0x0  }
0x27b: {  	[sflag:s26] =	ssyncadd.s32 $0xFFFFE000  }
0x27c: {  	s10 =	sadd.s32 $0x1, s10;
	_ =	swait.ge [sflag:s26], $0x2000  }
0x27d: {  	p0 =	sne.s32 s10, $0x20;
	[sflag:s26] =	ssyncset.done $0x0  }
.Ltmp3:
0x27e: {  	[sflag:s26] =	ssyncadd.s32 $0xFFFFE000;
	(pc) =	sbr.rel @p0 .LBB2_4-.Ltmp3, $4  }
0x27f: {  	s0 =	smul.u32 $0x6, s13;
	_ =	swait.ge [sflag:s26], $0x2000  }
0x280: {  	[sflag:s26] =	ssyncset.done $0x0  }
0x281: {  	s2 =	sadd.s32 s29, s0;
	s1 =	simm.s32 $0x3000;
	[sflag:s26] =	ssyncadd.s32 $0xFFFFE000  }
0x282: {  	[hbm4b:s2+s15] =	stream.linear.scatter [tilespmem:s1], [sflag:$0x1], $0x6000, $0x38;
	[tilespmem:$0x1A800] =	vst v63  }
0x283: {  	_ =	swait.ge [sflag:s20], $0x2000  }
0x284: {  	[sflag:s20] =	ssyncset.done $0x0  }
0x285: {  	[sflag:s20] =	ssyncadd.s32 $0xFFFFE000  }
0x286: {  	_ =	swait.ge [sflag:s20], $0x2000  }
0x287: {  	[sflag:s20] =	ssyncset.done $0x0  }
0x288: {  	[sflag:s20] =	ssyncadd.s32 $0xFFFFE000  }
0x289: {  	_ =	swait.ge [sflag:s20], $0x2000  }
0x28a: {  	[sflag:s20] =	ssyncset.done $0x0  }
0x28b: {  	[sflag:s20] =	ssyncadd.s32 $0xFFFFE000  }
0x28c: {  	_ =	swait.ge [sflag:s20], $0x2000  }
0x28d: {  	[sflag:s20] =	ssyncset.done $0x0  }
0x28e: {  	s1 =	simm.s32 $0x1;
	[sflag:s20] =	ssyncadd.s32 $0xFFFFE000  }
0x28f: {  	_ =	swait.ge [sflag:s1], $0x6000  }
0x290: {  	s2 =	rddreg [dreg:$0xe]  }
0x291: {  	s0 =	rddreg [dreg:$0xa];
	s2 =	sadd.s32 $0x1, s2  }
0x292: {  	p0 =	sne.s32 s2, s0  }
.Ltmp4:
0x293: {  	_ = 	snop;
	(pc) =	sbr.rel @p0 .LBB2_1-.Ltmp4, $3  }
0x294: {  	_ =	sdelay $0x1  }
0x295: {  	s3 =	simm.s32 $0xD800;
	[sflag:s1] =	ssyncset.done $0x0  }
0x296: {  	s4 =	simm.s32 $0xA000;
	[sflag:s1] =	ssyncadd.s32 $0xFFFFA000;
	s1 =	simm.s32 $0xF000  }
0x297: {  	_ =	sfence.sel $0x180000  }
0x298: {  	[bflag:$0x0] =	sbarrier.arrive $0xFFFF  }
0x299: {  	_ =	strace $0x90000047  }
0x29a: {  	s0 =	stileid.u32;
	[bflag:$0x2] =	sbarrier.arrive $0xFFFF  }
0x29b: {  	p0 =	sne.s32 s0, $0x0;
	s0 =	rddreg [dreg:$0x2]  }
0x29c: {  	s0 =	sadd.s32 @!p0 $0x100000, s0  }
0x29d: {  	[sflag:s0] =	ssyncadd.tile.s32 @!p0 $0x1;
	_ =	shalt  }
.Lfunc_end2:
_tile_overlayer_lowered:
.L_overlay_start_2:
0x29e: {  	(tag) =	ssettag $0x2  }
0x29f: {  	s0 =	rddreg [dreg:$0x0];
	s2 =	stileid.u32  }
0x2a0: {  	s1 =	rddreg [dreg:$0x1];
	p0 =	sne.s32 s2, $0x0  }
0x2a1: {  	s3 =	rddreg [dreg:$0x2];
	[bflag:$0x3] =	sbarrier.arrive $0xFFFF;
	s2 =	simm.s32 @!p0 $0x1C06  }
0x2a2: {  	[timem:s3], [sflag:s2] =	dma.local @!p0 [hbm:s0], s1  }
0x2a3: {  	s0 =	simm.s32 @!p0 $0x6  }
0x2a4: {  	_ =	swait.ge @!p0 [sflag:s0], s1  }
0x2a5: {  	s1 =	ssub.s32 @!p0 $0x0, s1;
	[sflag:s0] =	ssyncset.done @!p0 $0x0  }
0x2a6: {  	[sflag:s0] =	ssyncadd.s32 @!p0 s1  }
0x2a7: {  	[bflag:$0x3] =	sbarrier.arrive $0xFFFF  }
0x2a8: {  	_ =	shalt  }

// kernel: sparse-core-data-format-call.cloned.1.call-start
scs
called_computation_lowered:
.L_overlay_start_0:
0x0: {  	s2 =	sld [smem:$0x3FD9]  }
0x1: {  	s3 =	sld [smem:$0x3FFE];
	_ =	sdelay $0x1  }
0x2: {  	s1 =	srdreg.scid  }
0x3: {  	s0 =	sand.u32 $0x1, s1  }
0x4: {  	s18 =	sshll.u32 s0, $0xA;
	s2 =	sadd.s32 s3, s2  }
0x5: {  	s2 =	sadd.s32 s2, s18  }
0x6: {  	[smem:$0x3FC4] =	sst s2  }
0x7: {  	_ = 	snop  }
0x8: {  	s2 =	sld [smem:$0x3FD0];
	(tm) =	ssettm $0x1  }
0x9: {  	s19 =	sld [smem:$0x3FFB];
	_ =	sdelay $0x3  }
0xa: {  	_ =	strace s19  }
0xb: {  	s3 =	sld [smem:$0x3FFC];
	_ =	sdelay $0x3  }
0xc: {  	_ =	strace s3  }
0xd: {  	s3 =	sld [smem:$0x3FFD];
	_ =	sdelay $0x3  }
0xe: {  	_ =	strace s3  }
0xf: {  	_ =	strace $0x8FFFFFFF  }
0x10: {  	s20 =	sld [smem:$0x3FDB];
	_ =	sdelay $0x1  }
0x11: {  	s4 =	simm.s32 $_scs_section_size  }
0x12: {  	s5 =	simm.s32 $_size__tile_overlayer_lowered;
	s6 =	simm.s32 $_tile_overlayer_lowered  }
0x13: {  	s23 =	simm.s32 $0x1BFF;
	s22 =	sshll.u32 s6, $0x1;
	s3 =	sadd.s32 s4, s20  }
0x14: {  	s7 =	simm.s32 $0x0;
	s21 =	sshll.u32 s5, $0x1;
	s5 =	sadd.s32 s22, s3  }
0x15: {  	[timem:s7], [sflag:s23] =	dma.local [hbm:s5], s21  }
0x16: {  	_ =	swait.ge [sflag:s23], s21  }
0x17: {  	s4 =	ssub.s32 $0x0, s21;
	[sflag:s23] =	ssyncset.done $0x0  }
0x18: {  	[sflag:s23] =	ssyncadd.s32 s4;
	_ =	sdelay $0x1  }
0x19: {  	s24 =	simm.s32 $0x1B8B  }
0x1a: {  	_ =	swait.ge [sflag:s24], $0x1  }
0x1b: {  	[sflag:s24] =	ssyncset.done $0x0  }
0x1c: {  	s26 =	simm.s32 $0x1B8E;
	s25 =	sld [smem:$0x3FFE];
	[sflag:s24] =	ssyncadd.s32 $0xFFFFFFFF  }
0x1d: {  	s27 =	simm.s32 $execute0_lowered;
	[smem:$0x3FD2] =	sst s26  }
0x1e: {  	s5 =	sshll.u32 s27, $0x1;
	_ =	strace $0x80000049;
	[dreg:$0x1] =	wrdreg $0xFFFFFFFF  }
0x1f: {  	s28 =	simm.s32 $_size_execute0_lowered;
	s3 =	sadd.s32 s3, s5;
	[dreg:$0x0] =	wrdreg $0x0  }
0x20: {  	s5 =	sshll.u32 s28, $0x1;
	[dreg:$0x2] =	wrdreg s3  }
0x21: {  	[dreg:$0x3] =	wrdreg s5  }
0x22: {  	[dreg:$0x4] =	wrdreg $0xC0  }
0x23: {  	_ =	task [dreg:s7], $0x5FFFF  }
0x24: {  	[dreg:$0x1] =	wrdreg $0xFFFFFFFF  }
0x25: {  	[dreg:$0x0] =	wrdreg $0x60  }
0x26: {  	[dreg:$0x2] =	wrdreg s25  }
0x27: {  	[dreg:$0x3] =	wrdreg s2  }
0x28: {  	[dreg:$0x4] =	wrdreg $0x9  }
0x29: {  	_ =	task.clear_ibuf [dreg:s7], $0x5FFFF;
	_ =	strace $0x90000049  }
0x2a: {  	s29 =	simm.s32 $0x9;
	_ =	strace $0x8000004B  }
0x2b: {  	_ =	swait.ge [sflag:s29], $0x1  }
0x2c: {  	[sflag:s29] =	ssyncadd.s32 $0xFFFFFFFF  }
0x2d: {  	_ =	strace $0x9000004B  }
0x2e: {  	_ =	sfence  }
0x2f: {  	s30 =	sld [smem:$0x0];
	_ =	sdelay $0x2  }
0x30: {  	s31 =	sshll.u32 s1, $0xD;
	s1 =	sshrl.u32 s1, $0x2  }
0x31: {  	s3 =	sand.u32 $0x4000, s31;
	s1 =	sadd.s32 s1, s30  }
0x32: {  	s0 =	sor.u32 s3, s0;
	s1 =	sshll.u32 s1, $0x11  }
0x33: {  	s0 =	sor.u32 s1, s0  }
0x34: {  	s0 =	sadd.s32 $0x8F2B, s0  }
0x35: {  	[sflag:s0] =	ssyncadd.remote.s32 $0x1  }
0x36: {  	_ =	sfence.sel $0xFFFF  }
0x37: {  	[dreg:$0x0] =	wrdreg $0xFFFFFFFF;
	(pc) =	sbr.abs _section_cstart, $3  }
0x38: {  	[dreg:$0x1] =	wrdreg $0xFFFFFFFF  }
0x39: {  	_ =	task.clear_ibuf [dreg:s7], $0x2FFFF;
	_ =	strace $0x9FFFFFFF  }
0x3a: {  	(tm) =	ssettm $0x7FFFFFFF  }
0x3b: {  	_ =	shalt  }
tec
execute0_lowered:
.L_overlay_start_1:
0x0: {  	(tag) =	ssettag $0x1  }
0x1: {  	s0 =	srdreg.scid  }
0x2: {  	s5 =	rddreg [dreg:$0x0];
	s1 =	sshll.u32 s0, $0x4  }
0x3: {  	s2 =	rddreg [dreg:$0x1];
	s0 =	stileid.u32;
	s1 =	sand.u32 $0x10, s1  }
0x4: {  	s4 =	simm.s32 $0x1;
	s8 =	simm.s32 $0x2;
	s1 =	sor.u32 s0, s1  }
0x5: {  	s12 =	simm.s32 $0x0;
	s9 =	simm.s32 $0x0;
	s3 =	sshll.u32 s1, $0x7  }
0x6: {  	s11 =	simm.s32 $0x0;
	s5 =	sadd.s32 $0x1C00, s5;
	s6 =	ssub.s32 $0x100000, s3  }
.Ltmp0:
0x7: {  	s1 =	rddreg [dreg:$0x2];
	s7 =	sand.u32 $0xF80, s6;
	(pc) =	sbr.rel .LBB1_1-.Ltmp0, $4  }
0x8: {  	_ =	strace $0x8000004A;
	p0 =	sne.s32 s7, $0x0;
	s7 =	simm.s32 $0x1  }
0x9: {  	[sflag:s4] =	ssyncpa.u1 $0x0;
	s6 =	sshrl.u32 s6, $0xC;
	s7 =	simm.s32 @!p0 $0x0  }
0xa: {  	s10 =	smov.u32 s3;
	[sflag:s8] =	ssyncpa.u1 $0x0;
	s6 =	sadd.s32 s7, s6  }
0xb: {  	s8 =	simm.s32 $0x800000;
	p0 =	por $0x0, $0x0;
	s7 =	sadd.s32 $0x1, s6  }
.LBB1_4:
0xc: {  	s15 =	sshll.u32 s9, $0x3  }
0xd: {  	p1 =	sgt.s32 s9, $0xFFF80;
	s18 =	smov.u32 s9;
	s16 =	sshrl.u32 s15, $0x14  }
0xe: {  	s19 =	sshra.s32 s9, $0x1F;
	s28 =	sand.u32 $0x78, s9;
	s17 =	smul.u32 $0xAAB, s16  }
0xf: {  	s29 =	sand.u32 $0x7, s9;
	s18 =	simm.s32 @!p1 $0xFFF80;
	s19 =	sand.u32 s19, s9  }
0x10: {  	s15 =	sand.u32 $0xFFC00, s15;
	s18 =	ssub.s32 s18, s19;
	s17 =	sshrl.u32 s17, $0x11  }
0x11: {  	s15 =	sor.u32 s28, s15;
	s20 =	ssub.s32 $0x100000, s18;
	s17 =	smul.u32 $0x30, s17  }
0x12: {  	s18 =	sadd.s32 $0xFFF00080, s18;
	s15 =	sshrl.u32 s15, $0x3;
	s20 =	smul.u32 $0xC0, s20  }
0x13: {  	[tilespmem:s14+$0x810 ss:$0x81] =	vst.msk $0xffff, v2;
	p1 =	sgt.s32 s18, $0x7F;
	s15 =	sadd.s32 s2, s15;
	s16 =	ssub.s32 s16, s17  }
0x14: {  	[tilespmem:s14+$0x1020 ss:$0x81] =	vst.msk $0xffff, v0;
	s18 =	sshll.u32 s29, $0x12;
	s17 =	sshrl.u32 s20, $0x2;
	s16 =	sshll.u32 s16, $0x11  }
0x15: {  	[tilespmem:s14+$0x0 ss:$0x81] =	vst.msk $0xffff, v1;
	s31 =	sor.u32 $0x400, s18;
	s17 =	simm.s32 @p1 $0x0;
	s30 =	sadd.s32 s16, s15  }
0x16: {  	[hbm4b:s30+s31] =	stream.strided.scatter [tilespmem:s13], [sflag:$0x2], s17, s8, s31, $0x20;
	[tilespmem:$0x8080] =	vst v63  }
.LBB1_5:
0x17: {  	p1 =	slt.u32 s11, $0x2  }
0x18: {  	p2 =	sgt.s32 @!p1 s12, $0xFFF80  }
0x19: {  	s13 =	smov.u32 s12;
	s14 =	sshra.s32 @!p1 s12, $0x1F;
	p2 =	por !p2, p1  }
0x1a: {  	s12 =	sand.u32 @!p1 s14, s12;
	s13 =	simm.s32 @p2 $0xFFF80  }
0x1b: {  	s12 =	ssub.s32 @!p1 s13, s12  }
0x1c: {  	s13 =	ssub.s32 @!p1 $0x100000, s12  }
0x1d: {  	s12 =	sadd.s32 @!p1 $0xFFF00080, s12;
	s13 =	smul.u32 @!p1 $0xC0, s13  }
0x1e: {  	p2 =	sgt.s32 @!p1 s12, $0x7F  }
0x1f: {  	s14 =	sadd.s32 $0x1000, s10;
	p2 =	por !p2, p1;
	s12 =	sshrl.u32 @!p1 s13, $0x2  }
0x20: {  	s12 =	simm.s32 @!p2 $0x0;
	p2 =	sgt.s32 s14, $0xFFFFF  }
0x21: {  	s14 =	smov.u32 @p2 s3;
	p2 =	sne.s32 s11, s7  }
.Ltmp1:
0x22: {  	_ = 	snop;
	(pc) =	sbr.rel @!p2 .LBB1_6-.Ltmp1, $4  }
0x23: {  	s13 =	simm.s32 @!p1 $0x2  }
0x24: {  	p0 =	por !p0, !p0;
	_ =	swait.ge @!p1 [sflag:s13], s12;
	s15 =	ssub.s32 @!p1 $0x0, s12  }
0x25: {  	s12 =	smov.u32 s9;
	s11 =	sadd.s32 $0x1, s11;
	[sflag:s13] =	ssyncset.done @!p1 $0x0  }
0x26: {  	s9 =	smov.u32 s10;
	s10 =	smov.u32 s14;
	[sflag:s13] =	ssyncadd.s32 @!p1 s15  }
.LBB1_1:
0x27: {  	p1 =	sge.u32 s11, s6  }
0x28: {  	s31 =	sadd.s32 $0xFFFFFFFF, s11;
	s13 =	sxor.u32 @!p1 $0xFFFFFFFF, s11;
	s14 =	sshll.u32 @!p1 s10, $0x4  }
0x29: {  	s15 =	simm.s32 @!p1 $0x40;
	s13 =	sshll.u32 @!p1 s13, $0xD;
	s14 =	sand.u32 @!p1 $0xFFFFF0, s14  }
0x2a: {  	s16 =	simm.s32 @!p1 $0x80;
	s13 =	sand.u32 @!p1 $0x2000, s13;
	s14 =	sadd.s32 @!p1 s5, s14  }
0x2b: {  	[tilespmem:s13], [sflag:$0x1] =	stream.strided.gather @!p1 [hbm4b:s14+s15], $0x2000, s16, s15, $0x38;
	[tilespmem:$0x8080] =	vst v63  }
0x2c: {  	p1 =	sge.u32 s31, s6  }
.Ltmp2:
0x2d: {  	_ = 	snop;
	(pc) =	sbr.rel @p1 .LBB1_5-.Ltmp2, $1  }
0x2e: {  	_ =	sdelay $0x3  }
0x2f: {  	s13 =	simm.s32 $0x1  }
0x30: {  	_ =	swait.ge [sflag:s4], $0x2000;
	s13 =	simm.s32 @!p0 $0x0  }
0x31: {  	[sflag:s4] =	ssyncset.done $0x0;
	s14 =	sshll.u32 s13, $0xD  }
0x32: {  	[sflag:s4] =	ssyncadd.s32 $0xFFFFE000;
	s17 =	sor.u32 $0x20, s14  }
0x33: {  	s13 =	smul.u32 $0x8100, s13;
	v3 =	vld [tilespmem:s17+$0x10]  }
0x34: {  	s30 =	sand.u32 $0x1, s11;
	v2 =	vld [tilespmem:s17+$0xFFFFFFF0]  }
0x35: {  	s14 =	smul.u32 $0x8100, s30;
	s13 =	sshrl.u32 s13, $0x2;
	v0 =	vld [tilespmem:s17+$0x0]  }
0x36: {  	v1 =	vld [tilespmem:s17+$0xFFFFFFE0];
	s15 =	sor.u32 $0x4000, s13  }
0x37: {  	s31 =	sshrl.u32 s14, $0x2;
	s14 =	sadd.s32 $0x0, s15  }
0x38: {  	s16 =	simm.s32 $0x4;
	s17 =	sadd.s32 $0x40, s17;
	s13 =	sor.u32 $0x4000, s31;
	[tilespmem:s14+$0x1830 ss:$0x81] =	vst.msk $0xffff, v3  }
.LBB1_3:
0x39: {  	v3 =	vld [tilespmem:s17+$0x10];
	p1 =	sne.s32 s16, $0x1FC;
	[tilespmem:s14+$0x810 ss:$0x81] =	vst.msk $0xffff, v2;
	s18 =	smov.u32 s16;
	s16 =	sadd.s32 $0x4, s16  }
.Ltmp3:
0x3a: {  	v2 =	vld [tilespmem:s17+$0xFFFFFFF0];
	[tilespmem:s14+$0x1020 ss:$0x81] =	vst.msk $0xffff, v0;
	(pc) =	sbr.rel @p1 .LBB1_3-.Ltmp3, $4  }
0x3b: {  	v0 =	vld [tilespmem:s17+$0x0];
	[tilespmem:s14+$0x0 ss:$0x81] =	vst.msk $0xffff, v1  }
0x3c: {  	s14 =	sshra.s32 s18, $0x2;
	v1 =	vld [tilespmem:s17+$0xFFFFFFE0]  }
0x3d: {  	s14 =	sadd.s32 s14, s15  }
0x3e: {  	s17 =	sadd.s32 $0x40, s17;
	[tilespmem:s14+$0x1830 ss:$0x81] =	vst.msk $0xffff, v3  }
.Ltmp4:
0x3f: {  	_ = 	snop;
	(pc) =	sbr.rel .LBB1_4-.Ltmp4, $1  }
0x40: {  	_ =	sdelay $0x3  }
.LBB1_6:
0x41: {  	_ =	sfence.sel $0x180000  }
0x42: {  	s2 =	simm.s32 $0x1;
	[bflag:$0x0] =	sbarrier.arrive $0xFFFF  }
0x43: {  	s31 =	simm.s32 $0x2;
	[sflag:s2] =	ssyncpa.u1 $0x1  }
0x44: {  	[sflag:s31] =	ssyncpa.u1 $0x1  }
0x45: {  	p0 =	sne.s32 s0, $0x0;
	_ =	strace $0x9000004A  }
0x46: {  	s0 =	sadd.s32 @!p0 $0x100000, s1;
	[bflag:$0x2] =	sbarrier.arrive $0xFFFF  }
0x47: {  	[sflag:s0] =	ssyncadd.tile.s32 @!p0 $0x1;
	_ =	shalt  }
.Lfunc_end1:
_tile_overlayer_lowered:
.L_overlay_start_2:
0x48: {  	(tag) =	ssettag $0x2  }
0x49: {  	s0 =	rddreg [dreg:$0x0];
	s2 =	stileid.u32  }
0x4a: {  	s1 =	rddreg [dreg:$0x1];
	p0 =	sne.s32 s2, $0x0  }
0x4b: {  	s3 =	rddreg [dreg:$0x2];
	[bflag:$0x3] =	sbarrier.arrive $0xFFFF;
	s2 =	simm.s32 @!p0 $0x1C01  }
0x4c: {  	[timem:s3], [sflag:s2] =	dma.local @!p0 [hbm:s0], s1  }
0x4d: {  	s0 =	simm.s32 @!p0 $0x1  }
0x4e: {  	_ =	swait.ge @!p0 [sflag:s0], s1  }
0x4f: {  	s1 =	ssub.s32 @!p0 $0x0, s1;
	[sflag:s0] =	ssyncset.done @!p0 $0x0  }
0x50: {  	[sflag:s0] =	ssyncadd.s32 @!p0 s1  }
0x51: {  	[bflag:$0x3] =	sbarrier.arrive $0xFFFF  }
0x52: {  	_ =	shalt  }

</sc_bundles>
